<compile_context>
chip_gen: v7x
topology: tpu7x:2x2x1
jax: 0.10.2.dev20260603
libtpu: 0.0.44.dev20260713+nightly
codegen_flags: <defaults>
</compile_context>

<pallas_src>
import functools

import jax
import jax.numpy as jnp
from jax import lax
from jax.experimental import pallas as pl
from jax.experimental.pallas import tpu as pltpu
from jax.experimental.pallas import tpu_sc as plsc

N = 10000
E = 160000
F_IN = 128
D_E = 16
H = 16
T = 10
G = 64
EPS = 1e-5

NC = 2
NS = 16
NW = NC * NS
BE = 128
NB = 40
E_PAD = NW * NB * BE
DCH = D_E + 1
UW = DCH * H
N_PAD = 10240
RPT = N_PAD // NS

BN = 400
NBLK = N // BN


def _bcast_lane(v, d):
    idx = jnp.full((H,), d, dtype=jnp.int32)
    return lax.gather(
        v, idx[:, None],
        dimension_numbers=lax.GatherDimensionNumbers(
            offset_dims=(), collapsed_slice_dims=(0,), start_index_map=(0,)),
        slice_sizes=(1,), mode=lax.GatherScatterMode.PROMISE_IN_BOUNDS)


def _edge_body(u_hbm, ea_hbm, src_hbm, dst_hbm, zeros_hbm, out_hbm,
               src_v0, src_v1, dst_v0, dst_v1, ea_v0, ea_v1, rows_v0, rows_v1,
               msg_v, agg_sh, sem0, sem1):
    cid = lax.axis_index("c")
    sid = lax.axis_index("s")
    wid = sid * NC + cid
    src_b = (src_v0, src_v1)
    dst_b = (dst_v0, dst_v1)
    ea_b = (ea_v0, ea_v1)
    rows_b = (rows_v0, rows_v1)
    sem_b = (sem0, sem1)

    pltpu.sync_copy(zeros_hbm.at[pl.ds(sid * RPT, RPT)],
                    agg_sh.at[pl.ds(sid * RPT, RPT)])
    plsc.subcore_barrier()

    def fetch(j, b):
        pltpu.sync_copy(src_hbm.at[wid, j], src_b[b])
        pltpu.async_copy(u_hbm.at[src_b[b]], rows_b[b], sem_b[b])
        pltpu.async_copy(dst_hbm.at[wid, j], dst_b[b], sem_b[b])
        pltpu.async_copy(ea_hbm.at[wid, j], ea_b[b], sem_b[b])

    def consume(j, b):
        pltpu.make_async_copy(u_hbm.at[src_b[b]], rows_b[b], sem_b[b]).wait()
        pltpu.make_async_copy(dst_hbm.at[wid, j], dst_b[b], sem_b[b]).wait()
        pltpu.make_async_copy(ea_hbm.at[wid, j], ea_b[b], sem_b[b]).wait()
        ea_v = ea_b[b]
        rows_v = rows_b[b]

        def edge_body(e, c):
            ea0 = ea_v[e, pl.ds(0, H)]
            ea1 = ea_v[e, pl.ds(H, H)]
            terms = [_bcast_lane(ea0, dd) * rows_v[e, pl.ds(dd * H, H)]
                     for dd in range(D_E)]
            terms.append(_bcast_lane(ea1, 0) * rows_v[e, pl.ds(D_E * H, H)])
            while len(terms) > 1:
                nxt = [terms[i] + terms[i + 1]
                       for i in range(0, len(terms) - 1, 2)]
                if len(terms) % 2:
                    nxt.append(terms[-1])
                terms = nxt
            msg_v[e, :] = terms[0]
            return c

        lax.fori_loop(0, BE, edge_body, 0, unroll=2)
        pltpu.sync_copy(msg_v, agg_sh.at[dst_b[b]], add=True)

    fetch(0, 0)

    def batch_pair(jj, carry):
        @pl.when(jj + 1 < NB)
        def _():
            fetch(jj + 1, 1)
        consume(jj, 0)

        @pl.when(jj + 2 < NB)
        def _():
            fetch(jj + 2, 0)

        @pl.when(jj + 1 < NB)
        def _():
            consume(jj + 1, 1)
        return carry

    lax.fori_loop(0, NB // 2, lambda i, c: batch_pair(2 * i, c), 0)
    plsc.subcore_barrier()
    pltpu.sync_copy(agg_sh.at[pl.ds(sid * RPT, RPT)],
                    out_hbm.at[cid, pl.ds(sid * RPT, RPT)])


@functools.lru_cache(maxsize=1)
def _make_edge_pass():
    return functools.partial(
        pl.kernel,
        out_type=jax.ShapeDtypeStruct((NC, N_PAD, H), jnp.float32),
        mesh=plsc.VectorSubcoreMesh(core_axis_name="c", subcore_axis_name="s",
                                    num_cores=NC),
        scratch_types=[
            pltpu.VMEM((BE,), jnp.int32),
            pltpu.VMEM((BE,), jnp.int32),
            pltpu.VMEM((BE,), jnp.int32),
            pltpu.VMEM((BE,), jnp.int32),
            pltpu.VMEM((BE, 2 * H), jnp.float32),
            pltpu.VMEM((BE, 2 * H), jnp.float32),
            pltpu.VMEM((BE, UW), jnp.float32),
            pltpu.VMEM((BE, UW), jnp.float32),
            pltpu.VMEM((BE, H), jnp.float32),
            pltpu.VMEM_SHARED((N_PAD, H), jnp.float32),
            pltpu.SemaphoreType.DMA,
            pltpu.SemaphoreType.DMA,
        ],
        compiler_params=pltpu.CompilerParams(use_tc_tiling_on_sc=False),
    )(_edge_body)


def _pre_body(x_ref, k_ref, wr_ref, b_ref, batch_ref, u_ref, xr_ref, cnt_ref):
    i = pl.program_id(0)
    xb = x_ref[...]
    u_ref[...] = jnp.dot(xb, k_ref[...], preferred_element_type=jnp.float32)
    xr_ref[...] = jnp.dot(xb, wr_ref[...],
                          preferred_element_type=jnp.float32) + b_ref[...]
    bt = batch_ref[0, 0, :]
    onehot = (bt[:, None] == lax.broadcasted_iota(jnp.int32, (1, G), 1)
              ).astype(jnp.float32)
    part = jnp.sum(onehot, axis=0, keepdims=True)

    @pl.when(i == 0)
    def _():
        cnt_ref[...] = jnp.zeros_like(cnt_ref)

    cnt_ref[...] += part


def _mid_body(agg_a_ref, agg_b_ref, xr_ref, batch_ref, cnt_ref, c_ref, bb_ref,
              k_ref, wr_ref, rb_ref, u_ref, xrn_ref):
    agg = agg_a_ref[0] + agg_b_ref[0] + xr_ref[...]
    cnt = cnt_ref[...]
    inv = jnp.where(cnt > 0.0, lax.rsqrt(jnp.maximum(cnt, 1.0)), 0.0)
    bt = batch_ref[0, 0, :]
    onehot = (bt[:, None] == lax.broadcasted_iota(jnp.int32, (1, G), 1)
              ).astype(jnp.float32)
    scale = jnp.sum(onehot * inv, axis=1, keepdims=True)
    h = jnp.maximum(agg * scale * c_ref[...] + bb_ref[...], 0.0)
    u_ref[...] = jnp.dot(h, k_ref[...], preferred_element_type=jnp.float32)
    xrn_ref[...] = jnp.dot(h, wr_ref[...],
                           preferred_element_type=jnp.float32) + rb_ref[...]


def _final_body(agg_a_ref, agg_b_ref, xr_ref, batch_ref, cnt_ref,
                mw1_ref, mb1_ref, mw2_ref, mb2_ref, out_ref, acc_ref):
    i = pl.program_id(0)
    h3 = agg_a_ref[0] + agg_b_ref[0] + xr_ref[...]
    bt = batch_ref[0, 0, :]
    onehot = (lax.broadcasted_iota(jnp.int32, (G, BN), 0) == bt[None, :]
              ).astype(jnp.float32)
    part = jnp.dot(onehot, h3, preferred_element_type=jnp.float32)

    @pl.when(i == 0)
    def _():
        acc_ref[...] = jnp.zeros_like(acc_ref)

    acc_ref[...] += part

    @pl.when(i == NBLK - 1)
    def _():
        pooled = acc_ref[...] / jnp.maximum(cnt_ref[...], 1.0)
        z = jnp.maximum(jnp.dot(pooled, mw1_ref[...],
                                preferred_element_type=jnp.float32)
                        + mb1_ref[...], 0.0)
        out_ref[...] = jnp.dot(z, mw2_ref[...],
                               preferred_element_type=jnp.float32) + mb2_ref[...]


def _full(shape):
    return pl.BlockSpec(shape, lambda i: tuple(0 for _ in shape))


def _pre_call(x, K, Wr, brow, batch3):
    return pl.pallas_call(
        _pre_body,
        grid=(NBLK,),
        in_specs=[
            pl.BlockSpec((BN, F_IN), lambda i: (i, 0)),
            _full((F_IN, UW)),
            _full((F_IN, H)),
            _full((1, H)),
            pl.BlockSpec((1, 1, BN), lambda i: (i, 0, 0)),
        ],
        out_specs=[
            pl.BlockSpec((BN, UW), lambda i: (i, 0)),
            pl.BlockSpec((BN, H), lambda i: (i, 0)),
            _full((1, G)),
        ],
        out_shape=[
            jax.ShapeDtypeStruct((N, UW), jnp.float32),
            jax.ShapeDtypeStruct((N, H), jnp.float32),
            jax.ShapeDtypeStruct((1, G), jnp.float32),
        ],
        compiler_params=pltpu.CompilerParams(
            dimension_semantics=("arbitrary",)),
    )(x, K, Wr, brow, batch3)


def _mid_call(aggs, xr, batch3, cnt, c, bb, K, Wr, rbrow):
    return pl.pallas_call(
        _mid_body,
        grid=(NBLK,),
        in_specs=[
            pl.BlockSpec((1, BN, H), lambda i: (0, i, 0)),
            pl.BlockSpec((1, BN, H), lambda i: (1, i, 0)),
            pl.BlockSpec((BN, H), lambda i: (i, 0)),
            pl.BlockSpec((1, 1, BN), lambda i: (i, 0, 0)),
            _full((1, G)),
            _full((1, H)),
            _full((1, H)),
            _full((H, UW)),
            _full((H, H)),
            _full((1, H)),
        ],
        out_specs=[
            pl.BlockSpec((BN, UW), lambda i: (i, 0)),
            pl.BlockSpec((BN, H), lambda i: (i, 0)),
        ],
        out_shape=[
            jax.ShapeDtypeStruct((N, UW), jnp.float32),
            jax.ShapeDtypeStruct((N, H), jnp.float32),
        ],
        compiler_params=pltpu.CompilerParams(
            dimension_semantics=("arbitrary",)),
    )(aggs, aggs, xr, batch3, cnt, c, bb, K, Wr, rbrow)


def _final_call(aggs, xr, batch3, cntcol, mw1, mb1row, mw2, mb2row):
    return pl.pallas_call(
        _final_body,
        grid=(NBLK,),
        in_specs=[
            pl.BlockSpec((1, BN, H), lambda i: (0, i, 0)),
            pl.BlockSpec((1, BN, H), lambda i: (1, i, 0)),
            pl.BlockSpec((BN, H), lambda i: (i, 0)),
            pl.BlockSpec((1, 1, BN), lambda i: (i, 0, 0)),
            _full((G, 1)),
            _full((H, H)),
            _full((1, H)),
            _full((H, T)),
            _full((1, T)),
        ],
        out_specs=pl.BlockSpec((G, T), lambda i: (0, 0)),
        out_shape=jax.ShapeDtypeStruct((G, T), jnp.float32),
        scratch_shapes=[pltpu.VMEM((G, H), jnp.float32)],
        compiler_params=pltpu.CompilerParams(
            dimension_semantics=("arbitrary",)),
    )(aggs, aggs, xr, batch3, cntcol, mw1, mb1row, mw2, mb2row)


def _mk_K(We, be, in_ch):
    Wer = We.reshape(D_E, in_ch, H).transpose(1, 0, 2).reshape(in_ch, D_E * H)
    return jnp.concatenate([Wer, be.reshape(in_ch, H)], axis=1)


def kernel(x, edge_index, edge_attr, batch, We1, be1, Wr1, b1, We2, be2, Wr2,
           b2, We3, be3, Wr3, b3, bn1_g, bn1_b, bn2_g, bn2_b, mw1, mb1, mw2,
           mb2):
    src = edge_index[0]
    dst = edge_index[1]

    K1 = _mk_K(We1, be1, F_IN)
    K2 = _mk_K(We2, be2, H)
    K3 = _mk_K(We3, be3, H)

    pad = E_PAD - E
    ea_aug = jnp.concatenate(
        [edge_attr, jnp.ones((E, 1), jnp.float32),
         jnp.zeros((E, 2 * H - DCH), jnp.float32)], axis=1)
    ea_p = jnp.pad(ea_aug, ((0, pad), (0, 0))).reshape(NW, NB, BE, 2 * H)
    src_p = jnp.pad(src, (0, pad)).reshape(NW, NB, BE)
    dst_p = jnp.pad(dst, (0, pad)).reshape(NW, NB, BE)
    zeros_n = jnp.zeros((N_PAD, H), jnp.float32)
    batch3 = batch.reshape(NBLK, 1, BN)

    bnc = 1.0 / (1.0 + EPS) ** 0.5
    c1 = (bn1_g * bnc).reshape(1, H)
    c2 = (bn2_g * bnc).reshape(1, H)

    U1, xr1, cnt = _pre_call(x, K1, Wr1, b1.reshape(1, H), batch3)
    aggs1 = _make_edge_pass()(U1, ea_p, src_p, dst_p, zeros_n)
    U2, xr2 = _mid_call(aggs1, xr1, batch3, cnt, c1, bn1_b.reshape(1, H),
                        K2, Wr2, b2.reshape(1, H))
    aggs2 = _make_edge_pass()(U2, ea_p, src_p, dst_p, zeros_n)
    U3, xr3 = _mid_call(aggs2, xr2, batch3, cnt, c2, bn2_b.reshape(1, H),
                        K3, Wr3, b3.reshape(1, H))
    aggs3 = _make_edge_pass()(U3, ea_p, src_p, dst_p, zeros_n)
    out = _final_call(aggs3, xr3, batch3, cnt.reshape(G, 1), mw1,
                      mb1.reshape(1, H), mw2, mb2.reshape(1, T))
    return out

# --- scband reference (transcript-rebuilt; emitter-appended) ---
"""Pipeline reference for scband-nnnet-59090160059187 (READ-ONLY COPY).

The authoritative reference and input builder live on the scoring server;
editing this copy changes nothing except your own understanding.
"""

import jax, jax.numpy as jnp
import numpy as np

N = 10000
E = 160000
F_IN = 128
D_E = 16
H = 16
T = 10
G = 64
EPS = 1e-5


def setup_inputs(seed: int = 0):
    key = jax.random.key(seed)
    ks = jax.random.split(key, 24)
    inp = {}
    inp['x'] = jax.random.normal(ks[0], (N, F_IN), dtype=jnp.float32)
    inp['edge_index'] = jax.random.randint(ks[1], (2, E), 0, N, dtype=jnp.int32)
    inp['edge_attr'] = jax.random.normal(ks[2], (E, D_E), dtype=jnp.float32)
    inp['batch'] = jnp.sort(jax.random.randint(ks[3], (N,), 0, G, dtype=jnp.int32))

    def p(k, shape, fan_in):
        s = 1.0 / np.sqrt(fan_in)
        return jax.random.uniform(k, shape, dtype=jnp.float32, minval=-s, maxval=s)

    inp['We1'] = p(ks[4], (D_E, F_IN * H), D_E)
    inp['be1'] = p(ks[5], (F_IN * H,), D_E)
    inp['Wr1'] = p(ks[6], (F_IN, H), F_IN)
    inp['b1'] = p(ks[7], (H,), F_IN)
    inp['We2'] = p(ks[8], (D_E, H * H), D_E)
    inp['be2'] = p(ks[9], (H * H,), D_E)
    inp['Wr2'] = p(ks[10], (H, H), H)
    inp['b2'] = p(ks[11], (H,), H)
    inp['We3'] = p(ks[12], (D_E, H * H), D_E)
    inp['be3'] = p(ks[13], (H * H,), D_E)
    inp['Wr3'] = p(ks[14], (H, H), H)
    inp['b3'] = p(ks[15], (H,), H)
    inp['bn1_g'] = jnp.ones((H,), dtype=jnp.float32)
    inp['bn1_b'] = jnp.zeros((H,), dtype=jnp.float32)
    inp['bn2_g'] = jnp.ones((H,), dtype=jnp.float32)
    inp['bn2_b'] = jnp.zeros((H,), dtype=jnp.float32)
    inp['mw1'] = p(ks[16], (H, H), H)
    inp['mb1'] = p(ks[17], (H,), H)
    inp['mw2'] = p(ks[18], (H, T), H)
    inp['mb2'] = p(ks[19], (T,), H)
    return inp


def _nnconv(x, src, dst, edge_attr, We, be, Wr, b, in_ch, out_ch):
    # edge nn: Linear(d_edge -> in*out), reshaped to per-edge weight matrices
    w = (edge_attr @ We + be).reshape(-1, in_ch, out_ch)
    msg = jnp.einsum('ei,eio->eo', x[src], w)
    agg = jax.ops.segment_sum(msg, dst, num_segments=N)  # aggr='add'
    return agg + x @ Wr + b  # root weight + bias


def _gsn(x, batch):
    deg = jnp.bincount(batch, length=G).astype(x.dtype)
    inv = jnp.where(deg > 0, jnp.power(jnp.maximum(deg, 1.0), -0.5), 0.0)
    return x * inv[batch][:, None]


def _bn(x, g, b):
    # eval-mode BatchNorm1d with default running stats (mean=0, var=1)
    return x / jnp.sqrt(1.0 + EPS) * g + b


def _forward(x, edge_index, edge_attr, batch, We1, be1, Wr1, b1, We2, be2, Wr2, b2, We3, be3, Wr3, b3, bn1_g, bn1_b, bn2_g, bn2_b, mw1, mb1, mw2, mb2):
    src = edge_index[0]
    dst = edge_index[1]
    h = _nnconv(x, src, dst, edge_attr, We1, be1, Wr1, b1, F_IN, H)
    h = _gsn(h, batch)
    h = _bn(h, bn1_g, bn1_b)
    h = jax.nn.relu(h)
    # dropout: eval mode -> identity
    h = _nnconv(h, src, dst, edge_attr, We2, be2, Wr2, b2, H, H)
    h = _gsn(h, batch)
    h = _bn(h, bn2_g, bn2_b)
    h = jax.nn.relu(h)
    h = _nnconv(h, src, dst, edge_attr, We3, be3, Wr3, b3, H, H)
    # scatter_mean over graphs
    sums = jax.ops.segment_sum(h, batch, num_segments=G)
    cnt = jax.ops.segment_sum(jnp.ones((N, 1), h.dtype), batch, num_segments=G)
    pooled = sums / jnp.maximum(cnt, 1.0)
    # MLP (dropout eval -> identity)
    z = jax.nn.relu(pooled @ mw1 + mb1)
    return z @ mw2 + mb2


def reference(x, edge_index, edge_attr, batch, We1, be1, Wr1, b1, We2, be2, Wr2, b2, We3, be3, Wr3, b3, bn1_g, bn1_b, bn2_g, bn2_b, mw1, mb1, mw2, mb2):
    return _forward(x, edge_index, edge_attr, batch, We1, be1, Wr1, b1, We2, be2, Wr2, b2, We3, be3, Wr3, b3, bn1_g, bn1_b, bn2_g, bn2_b, mw1, mb1, mw2, mb2)

if __name__ == "__main__":
    import jax
    _d = setup_inputs()
    print(jax.jit(kernel)(*tuple(_d.values())))

</pallas_src>

<mosaic_0001>
#map = affine_map<(d0, d1) -> (0, 0)>
#map1 = affine_map<(d0, d1) -> (0, 0, 0, 0)>
#map2 = affine_map<(d0, d1) -> (0, 0, 0)>
module attributes {stable_mosaic.version = 14 : i64} {
  func.func @_edge_body(%arg0: i32, %arg1: i32, %arg2: memref<10000x272xf32, #tpu.memory_space<hbm>>, %arg3: memref<32x40x128x32xf32, #tpu.memory_space<hbm>>, %arg4: memref<32x40x128xi32, #tpu.memory_space<hbm>>, %arg5: memref<32x40x128xi32, #tpu.memory_space<hbm>>, %arg6: memref<10240x16xf32, #tpu.memory_space<hbm>>, %arg7: memref<2x10240x16xf32, #tpu.memory_space<hbm>>, %arg8: memref<128xi32, #tpu.memory_space<vmem>>, %arg9: memref<128xi32, #tpu.memory_space<vmem>>, %arg10: memref<128xi32, #tpu.memory_space<vmem>>, %arg11: memref<128xi32, #tpu.memory_space<vmem>>, %arg12: memref<128x32xf32, #tpu.memory_space<vmem>>, %arg13: memref<128x32xf32, #tpu.memory_space<vmem>>, %arg14: memref<128x272xf32, #tpu.memory_space<vmem>>, %arg15: memref<128x272xf32, #tpu.memory_space<vmem>>, %arg16: memref<128x16xf32, #tpu.memory_space<vmem>>, %arg17: memref<10240x16xf32, #tpu.memory_space<vmem_shared>>, %arg18: memref<!tpu.dma_semaphore, #tpu.memory_space<semaphore_mem>>, %arg19: memref<!tpu.dma_semaphore, #tpu.memory_space<semaphore_mem>>) attributes {dimension_semantics = [#tpu.dimension_semantics<core_parallel>, #tpu.dimension_semantics<subcore_parallel>], iteration_bounds = array<i64: 2, 16>, scalar_prefetch = 0 : i64, scratch_operands = 12 : i64, tpu.core_type = #tpu.core_type<sc_vector_subcore>, window_params = [{transform_indices = #map}, {transform_indices = #map1}, {transform_indices = #map2}, {transform_indices = #map2}, {transform_indices = #map}, {transform_indices = #map2}]} {
    %mul3A = arith.constant 2 : i32
    %mul3A_0 = arith.muli %arg1, %mul3A : i32
    %add3A = arith.addi %mul3A_0, %arg0 : i32
    %mul3A_1 = arith.constant 640 : i32
    %mul3A_2 = arith.muli %arg1, %mul3A_1 : i32
    %mul3A_3 = arith.constant 640 : i32
    %mul3A_4 = arith.muli %arg1, %mul3A_3 : i32
    "tpu.region"() ({
      %run_scoped3A_33 = tpu.sem_alloc : memref<!tpu.dma_semaphore, #tpu.memory_space<semaphore_mem>>
      %dma_start3A_34 = arith.constant 0 : i32
      %dma_start3A_35 = tpu.memref_slice %arg17[%mul3A_4, %dma_start3A_34] : memref<10240x16xf32, #tpu.memory_space<vmem_shared>> -> memref<640x16xf32, #tpu.memory_space<vmem_shared>>
      %dma_start3A_36 = arith.constant 0 : i32
      %dma_start3A_37 = tpu.memref_slice %arg6[%mul3A_2, %dma_start3A_36] : memref<10240x16xf32, #tpu.memory_space<hbm>> -> memref<640x16xf32, #tpu.memory_space<hbm>>
      tpu.enqueue_dma source(%dma_start3A_37 : memref<640x16xf32, #tpu.memory_space<hbm>>) target(%dma_start3A_35 : memref<640x16xf32, #tpu.memory_space<vmem_shared>>) target_semaphore(%run_scoped3A_33 : memref<!tpu.dma_semaphore, #tpu.memory_space<semaphore_mem>>)
      %dma_wait3A = arith.constant 0 : i32
      %dma_wait3A_38 = tpu.memref_slice %arg17[%mul3A_4, %dma_wait3A] : memref<10240x16xf32, #tpu.memory_space<vmem_shared>> -> memref<640x16xf32, #tpu.memory_space<vmem_shared>>
      %dma_wait3A_39 = arith.constant 0 : i32
      %dma_wait3A_40 = tpu.memref_slice %arg6[%mul3A_2, %dma_wait3A_39] : memref<10240x16xf32, #tpu.memory_space<hbm>> -> memref<640x16xf32, #tpu.memory_space<hbm>>
      tpu.wait_dma2 semaphore(%run_scoped3A_33 : memref<!tpu.dma_semaphore, #tpu.memory_space<semaphore_mem>>) src(%dma_wait3A_40 : memref<640x16xf32, #tpu.memory_space<hbm>>) dst(%dma_wait3A_38 : memref<640x16xf32, #tpu.memory_space<vmem_shared>>)
      tpu.yield
    }) : () -> ()
    %barrier3A = arith.constant 0 : index
    tpu.barrier barrier_id(%barrier3A)
    %run_scoped3A = arith.constant 0 : i32
    "tpu.region"() ({
      %run_scoped3A_33 = tpu.sem_alloc : memref<!tpu.dma_semaphore, #tpu.memory_space<semaphore_mem>>
      %dma_start3A_34 = arith.constant 0 : i32
      %dma_start3A_35 = tpu.memref_slice %arg4[%add3A, %run_scoped3A, %dma_start3A_34] : memref<32x40x128xi32, #tpu.memory_space<hbm>> -> memref<1x1x128xi32, #tpu.memory_space<hbm>>
      %dma_start3A_36 = tpu.memref_squeeze %dma_start3A_35 : memref<1x1x128xi32, #tpu.memory_space<hbm>> -> memref<128xi32, #tpu.memory_space<hbm>>
      %dma_start3A_37 = arith.constant 0 : i32
      %dma_start3A_38 = tpu.memref_slice %arg4[%add3A, %run_scoped3A, %dma_start3A_37] : memref<32x40x128xi32, #tpu.memory_space<hbm>> -> memref<1x1x128xi32, #tpu.memory_space<hbm>>
      %dma_start3A_39 = tpu.memref_squeeze %dma_start3A_38 : memref<1x1x128xi32, #tpu.memory_space<hbm>> -> memref<128xi32, #tpu.memory_space<hbm>>
      tpu.enqueue_dma source(%dma_start3A_39 : memref<128xi32, #tpu.memory_space<hbm>>) target(%arg8 : memref<128xi32, #tpu.memory_space<vmem>>) target_semaphore(%run_scoped3A_33 : memref<!tpu.dma_semaphore, #tpu.memory_space<semaphore_mem>>)
      %dma_wait3A = arith.constant 0 : i32
      %dma_wait3A_40 = tpu.memref_slice %arg4[%add3A, %run_scoped3A, %dma_wait3A] : memref<32x40x128xi32, #tpu.memory_space<hbm>> -> memref<1x1x128xi32, #tpu.memory_space<hbm>>
      %dma_wait3A_41 = tpu.memref_squeeze %dma_wait3A_40 : memref<1x1x128xi32, #tpu.memory_space<hbm>> -> memref<128xi32, #tpu.memory_space<hbm>>
      %dma_wait3A_42 = arith.constant 0 : i32
      %dma_wait3A_43 = tpu.memref_slice %arg4[%add3A, %run_scoped3A, %dma_wait3A_42] : memref<32x40x128xi32, #tpu.memory_space<hbm>> -> memref<1x1x128xi32, #tpu.memory_space<hbm>>
      %dma_wait3A_44 = tpu.memref_squeeze %dma_wait3A_43 : memref<1x1x128xi32, #tpu.memory_space<hbm>> -> memref<128xi32, #tpu.memory_space<hbm>>
      tpu.wait_dma2 semaphore(%run_scoped3A_33 : memref<!tpu.dma_semaphore, #tpu.memory_space<semaphore_mem>>) src(%dma_wait3A_44 : memref<128xi32, #tpu.memory_space<hbm>>) dst(%arg8 : memref<128xi32, #tpu.memory_space<vmem>>)
      tpu.yield
    }) : () -> ()
    %dma_start3A = arith.constant 0 : i32
    %dma_start3A_5 = arith.constant 0 : i32
    %dma_start3A_6 = tpu.memref_slice %arg2[%dma_start3A, %dma_start3A_5] : memref<10000x272xf32, #tpu.memory_space<hbm>> -> memref<10000x272xf32, #tpu.memory_space<hbm>>
    tpu.enqueue_indirect_dma source(%dma_start3A_6 : memref<10000x272xf32, #tpu.memory_space<hbm>>) target(%arg14 : memref<128x272xf32, #tpu.memory_space<vmem>>) offsets(%arg8 : memref<128xi32, #tpu.memory_space<vmem>>) semaphore(%arg18 : memref<!tpu.dma_semaphore, #tpu.memory_space<semaphore_mem>>)
    %dma_start3A_7 = arith.constant 0 : i32
    %dma_start3A_8 = arith.constant 0 : i32
    %dma_start3A_9 = tpu.memref_slice %arg5[%add3A, %dma_start3A_7, %dma_start3A_8] : memref<32x40x128xi32, #tpu.memory_space<hbm>> -> memref<1x1x128xi32, #tpu.memory_space<hbm>>
    %dma_start3A_10 = tpu.memref_squeeze %dma_start3A_9 : memref<1x1x128xi32, #tpu.memory_space<hbm>> -> memref<128xi32, #tpu.memory_space<hbm>>
    %dma_start3A_11 = arith.constant 0 : i32
    %dma_start3A_12 = tpu.memref_slice %arg5[%add3A, %dma_start3A_7, %dma_start3A_11] : memref<32x40x128xi32, #tpu.memory_space<hbm>> -> memref<1x1x128xi32, #tpu.memory_space<hbm>>
    %dma_start3A_13 = tpu.memref_squeeze %dma_start3A_12 : memref<1x1x128xi32, #tpu.memory_space<hbm>> -> memref<128xi32, #tpu.memory_space<hbm>>
    tpu.enqueue_dma source(%dma_start3A_13 : memref<128xi32, #tpu.memory_space<hbm>>) target(%arg10 : memref<128xi32, #tpu.memory_space<vmem>>) target_semaphore(%arg18 : memref<!tpu.dma_semaphore, #tpu.memory_space<semaphore_mem>>)
    %dma_start3A_14 = arith.constant 0 : i32
    %dma_start3A_15 = arith.constant 0 : i32
    %dma_start3A_16 = arith.constant 0 : i32
    %dma_start3A_17 = tpu.memref_slice %arg3[%add3A, %dma_start3A_14, %dma_start3A_15, %dma_start3A_16] : memref<32x40x128x32xf32, #tpu.memory_space<hbm>> -> memref<1x1x128x32xf32, #tpu.memory_space<hbm>>
    %dma_start3A_18 = tpu.memref_squeeze %dma_start3A_17 : memref<1x1x128x32xf32, #tpu.memory_space<hbm>> -> memref<128x32xf32, #tpu.memory_space<hbm>>
    %dma_start3A_19 = arith.constant 0 : i32
    %dma_start3A_20 = arith.constant 0 : i32
    %dma_start3A_21 = tpu.memref_slice %arg3[%add3A, %dma_start3A_14, %dma_start3A_19, %dma_start3A_20] : memref<32x40x128x32xf32, #tpu.memory_space<hbm>> -> memref<1x1x128x32xf32, #tpu.memory_space<hbm>>
    %dma_start3A_22 = tpu.memref_squeeze %dma_start3A_21 : memref<1x1x128x32xf32, #tpu.memory_space<hbm>> -> memref<128x32xf32, #tpu.memory_space<hbm>>
    tpu.enqueue_dma source(%dma_start3A_22 : memref<128x32xf32, #tpu.memory_space<hbm>>) target(%arg12 : memref<128x32xf32, #tpu.memory_space<vmem>>) target_semaphore(%arg18 : memref<!tpu.dma_semaphore, #tpu.memory_space<semaphore_mem>>)
    %scan3A = arith.constant 0 : i32
    %scan3A_23 = arith.constant 0 : i32
    %scan3A_24 = arith.constant 20 : i32
    %scan3A_25 = arith.addi %scan3A_23, %scan3A_24 : i32
    %scan3A_26 = arith.constant 1 : i32
    scf.for %scan3A_33 = %scan3A_23 to %scan3A_25 step %scan3A_26  : i32 {
      %mul3A_34 = arith.constant 2 : i32
      %mul3A_35 = arith.muli %mul3A_34, %scan3A_33 : i32
      %add3A_36 = arith.constant 1 : i32
      %add3A_37 = arith.addi %mul3A_35, %add3A_36 : i32
      %lt3A = arith.constant 40 : i32
      %lt3A_38 = arith.cmpi slt, %add3A_37, %lt3A : i32
      %convert_element_type3A = arith.extui %lt3A_38 : i1 to i32
      %cond3A = arith.constant 0 : i32
      %cond3A_39 = arith.cmpi ne, %convert_element_type3A, %cond3A : i32
      scf.if %cond3A_39 {
        %add3A_76 = arith.constant 1 : i32
        %add3A_77 = arith.addi %mul3A_35, %add3A_76 : i32
        "tpu.region"() ({
          %run_scoped3A_95 = tpu.sem_alloc : memref<!tpu.dma_semaphore, #tpu.memory_space<semaphore_mem>>
          %dma_start3A_96 = arith.constant 0 : i32
          %dma_start3A_97 = tpu.memref_slice %arg4[%add3A, %add3A_77, %dma_start3A_96] : memref<32x40x128xi32, #tpu.memory_space<hbm>> -> memref<1x1x128xi32, #tpu.memory_space<hbm>>
          %dma_start3A_98 = tpu.memref_squeeze %dma_start3A_97 : memref<1x1x128xi32, #tpu.memory_space<hbm>> -> memref<128xi32, #tpu.memory_space<hbm>>
          %dma_start3A_99 = arith.constant 0 : i32
          %dma_start3A_100 = tpu.memref_slice %arg4[%add3A, %add3A_77, %dma_start3A_99] : memref<32x40x128xi32, #tpu.memory_space<hbm>> -> memref<1x1x128xi32, #tpu.memory_space<hbm>>
          %dma_start3A_101 = tpu.memref_squeeze %dma_start3A_100 : memref<1x1x128xi32, #tpu.memory_space<hbm>> -> memref<128xi32, #tpu.memory_space<hbm>>
          tpu.enqueue_dma source(%dma_start3A_101 : memref<128xi32, #tpu.memory_space<hbm>>) target(%arg9 : memref<128xi32, #tpu.memory_space<vmem>>) target_semaphore(%run_scoped3A_95 : memref<!tpu.dma_semaphore, #tpu.memory_space<semaphore_mem>>)
          %dma_wait3A_102 = arith.constant 0 : i32
          %dma_wait3A_103 = tpu.memref_slice %arg4[%add3A, %add3A_77, %dma_wait3A_102] : memref<32x40x128xi32, #tpu.memory_space<hbm>> -> memref<1x1x128xi32, #tpu.memory_space<hbm>>
          %dma_wait3A_104 = tpu.memref_squeeze %dma_wait3A_103 : memref<1x1x128xi32, #tpu.memory_space<hbm>> -> memref<128xi32, #tpu.memory_space<hbm>>
          %dma_wait3A_105 = arith.constant 0 : i32
          %dma_wait3A_106 = tpu.memref_slice %arg4[%add3A, %add3A_77, %dma_wait3A_105] : memref<32x40x128xi32, #tpu.memory_space<hbm>> -> memref<1x1x128xi32, #tpu.memory_space<hbm>>
          %dma_wait3A_107 = tpu.memref_squeeze %dma_wait3A_106 : memref<1x1x128xi32, #tpu.memory_space<hbm>> -> memref<128xi32, #tpu.memory_space<hbm>>
          tpu.wait_dma2 semaphore(%run_scoped3A_95 : memref<!tpu.dma_semaphore, #tpu.memory_space<semaphore_mem>>) src(%dma_wait3A_107 : memref<128xi32, #tpu.memory_space<hbm>>) dst(%arg9 : memref<128xi32, #tpu.memory_space<vmem>>)
          tpu.yield
        }) : () -> ()
        %dma_start3A_78 = arith.constant 0 : i32
        %dma_start3A_79 = arith.constant 0 : i32
        %dma_start3A_80 = tpu.memref_slice %arg2[%dma_start3A_78, %dma_start3A_79] : memref<10000x272xf32, #tpu.memory_space<hbm>> -> memref<10000x272xf32, #tpu.memory_space<hbm>>
        tpu.enqueue_indirect_dma source(%dma_start3A_80 : memref<10000x272xf32, #tpu.memory_space<hbm>>) target(%arg15 : memref<128x272xf32, #tpu.memory_space<vmem>>) offsets(%arg9 : memref<128xi32, #tpu.memory_space<vmem>>) semaphore(%arg19 : memref<!tpu.dma_semaphore, #tpu.memory_space<semaphore_mem>>)
        %dma_start3A_81 = arith.constant 0 : i32
        %dma_start3A_82 = tpu.memref_slice %arg5[%add3A, %add3A_77, %dma_start3A_81] : memref<32x40x128xi32, #tpu.memory_space<hbm>> -> memref<1x1x128xi32, #tpu.memory_space<hbm>>
        %dma_start3A_83 = tpu.memref_squeeze %dma_start3A_82 : memref<1x1x128xi32, #tpu.memory_space<hbm>> -> memref<128xi32, #tpu.memory_space<hbm>>
        %dma_start3A_84 = arith.constant 0 : i32
        %dma_start3A_85 = tpu.memref_slice %arg5[%add3A, %add3A_77, %dma_start3A_84] : memref<32x40x128xi32, #tpu.memory_space<hbm>> -> memref<1x1x128xi32, #tpu.memory_space<hbm>>
        %dma_start3A_86 = tpu.memref_squeeze %dma_start3A_85 : memref<1x1x128xi32, #tpu.memory_space<hbm>> -> memref<128xi32, #tpu.memory_space<hbm>>
        tpu.enqueue_dma source(%dma_start3A_86 : memref<128xi32, #tpu.memory_space<hbm>>) target(%arg11 : memref<128xi32, #tpu.memory_space<vmem>>) target_semaphore(%arg19 : memref<!tpu.dma_semaphore, #tpu.memory_space<semaphore_mem>>)
        %dma_start3A_87 = arith.constant 0 : i32
        %dma_start3A_88 = arith.constant 0 : i32
        %dma_start3A_89 = tpu.memref_slice %arg3[%add3A, %add3A_77, %dma_start3A_87, %dma_start3A_88] : memref<32x40x128x32xf32, #tpu.memory_space<hbm>> -> memref<1x1x128x32xf32, #tpu.memory_space<hbm>>
        %dma_start3A_90 = tpu.memref_squeeze %dma_start3A_89 : memref<1x1x128x32xf32, #tpu.memory_space<hbm>> -> memref<128x32xf32, #tpu.memory_space<hbm>>
        %dma_start3A_91 = arith.constant 0 : i32
        %dma_start3A_92 = arith.constant 0 : i32
        %dma_start3A_93 = tpu.memref_slice %arg3[%add3A, %add3A_77, %dma_start3A_91, %dma_start3A_92] : memref<32x40x128x32xf32, #tpu.memory_space<hbm>> -> memref<1x1x128x32xf32, #tpu.memory_space<hbm>>
        %dma_start3A_94 = tpu.memref_squeeze %dma_start3A_93 : memref<1x1x128x32xf32, #tpu.memory_space<hbm>> -> memref<128x32xf32, #tpu.memory_space<hbm>>
        tpu.enqueue_dma source(%dma_start3A_94 : memref<128x32xf32, #tpu.memory_space<hbm>>) target(%arg13 : memref<128x32xf32, #tpu.memory_space<vmem>>) target_semaphore(%arg19 : memref<!tpu.dma_semaphore, #tpu.memory_space<semaphore_mem>>)
      } else {
      }
      %dma_wait3A = arith.constant 0 : i32
      %dma_wait3A_40 = arith.constant 0 : i32
      %dma_wait3A_41 = tpu.memref_slice %arg2[%dma_wait3A, %dma_wait3A_40] : memref<10000x272xf32, #tpu.memory_space<hbm>> -> memref<10000x272xf32, #tpu.memory_space<hbm>>
      tpu.wait_indirect_dma semaphore(%arg18 : memref<!tpu.dma_semaphore, #tpu.memory_space<semaphore_mem>>) src(%dma_wait3A_41 : memref<10000x272xf32, #tpu.memory_space<hbm>>) dst(%arg14 : memref<128x272xf32, #tpu.memory_space<vmem>>)
      %dma_wait3A_42 = arith.constant 0 : i32
      %dma_wait3A_43 = tpu.memref_slice %arg5[%add3A, %mul3A_35, %dma_wait3A_42] : memref<32x40x128xi32, #tpu.memory_space<hbm>> -> memref<1x1x128xi32, #tpu.memory_space<hbm>>
      %dma_wait3A_44 = tpu.memref_squeeze %dma_wait3A_43 : memref<1x1x128xi32, #tpu.memory_space<hbm>> -> memref<128xi32, #tpu.memory_space<hbm>>
      %dma_wait3A_45 = arith.constant 0 : i32
      %dma_wait3A_46 = tpu.memref_slice %arg5[%add3A, %mul3A_35, %dma_wait3A_45] : memref<32x40x128xi32, #tpu.memory_space<hbm>> -> memref<1x1x128xi32, #tpu.memory_space<hbm>>
      %dma_wait3A_47 = tpu.memref_squeeze %dma_wait3A_46 : memref<1x1x128xi32, #tpu.memory_space<hbm>> -> memref<128xi32, #tpu.memory_space<hbm>>
      tpu.wait_dma2 semaphore(%arg18 : memref<!tpu.dma_semaphore, #tpu.memory_space<semaphore_mem>>) src(%dma_wait3A_47 : memref<128xi32, #tpu.memory_space<hbm>>) dst(%arg10 : memref<128xi32, #tpu.memory_space<vmem>>)
      %dma_wait3A_48 = arith.constant 0 : i32
      %dma_wait3A_49 = arith.constant 0 : i32
      %dma_wait3A_50 = tpu.memref_slice %arg3[%add3A, %mul3A_35, %dma_wait3A_48, %dma_wait3A_49] : memref<32x40x128x32xf32, #tpu.memory_space<hbm>> -> memref<1x1x128x32xf32, #tpu.memory_space<hbm>>
      %dma_wait3A_51 = tpu.memref_squeeze %dma_wait3A_50 : memref<1x1x128x32xf32, #tpu.memory_space<hbm>> -> memref<128x32xf32, #tpu.memory_space<hbm>>
      %dma_wait3A_52 = arith.constant 0 : i32
      %dma_wait3A_53 = arith.constant 0 : i32
      %dma_wait3A_54 = tpu.memref_slice %arg3[%add3A, %mul3A_35, %dma_wait3A_52, %dma_wait3A_53] : memref<32x40x128x32xf32, #tpu.memory_space<hbm>> -> memref<1x1x128x32xf32, #tpu.memory_space<hbm>>
      %dma_wait3A_55 = tpu.memref_squeeze %dma_wait3A_54 : memref<1x1x128x32xf32, #tpu.memory_space<hbm>> -> memref<128x32xf32, #tpu.memory_space<hbm>>
      tpu.wait_dma2 semaphore(%arg18 : memref<!tpu.dma_semaphore, #tpu.memory_space<semaphore_mem>>) src(%dma_wait3A_55 : memref<128x32xf32, #tpu.memory_space<hbm>>) dst(%arg12 : memref<128x32xf32, #tpu.memory_space<vmem>>)
      %scan3A_56 = arith.constant 0 : i32
      %scan3A_57 = arith.constant 0 : i32
      %scan3A_58 = arith.constant 128 : i32
      %scan3A_59 = arith.addi %scan3A_57, %scan3A_58 : i32
      %scan3A_60 = arith.constant 2 : i32
      scf.for %scan3A_76 = %scan3A_57 to %scan3A_59 step %scan3A_60  : i32 {
        %get3A = arith.index_cast %scan3A_76 : i32 to index
        %get3A_77 = arith.constant 0 : index
        %get3A_78 = tpu.vector_load %arg12[%get3A, %get3A_77] {strides = array<i32>} : memref<128x32xf32, #tpu.memory_space<vmem>>, vector<1x16xf32>,
        %get3A_79 = vector.shape_cast %get3A_78 : vector<1x16xf32> to vector<16xf32>
        %get3A_80 = arith.index_cast %scan3A_76 : i32 to index
        %get3A_81 = arith.constant 16 : index
        %get3A_82 = tpu.vector_load %arg12[%get3A_80, %get3A_81] {strides = array<i32>} : memref<128x32xf32, #tpu.memory_space<vmem>>, vector<1x16xf32>,
        %get3A_83 = vector.shape_cast %get3A_82 : vector<1x16xf32> to vector<16xf32>
        %broadcast_in_dim3A = arith.constant 0 : i32
        %broadcast_in_dim3A_84 = vector.broadcast %broadcast_in_dim3A : i32 to vector<16xi32>
        %broadcast_in_dim3A_85 = vector.shape_cast %broadcast_in_dim3A_84 : vector<16xi32> to vector<16x1xi32>
        %gather3A = vector.shape_cast %broadcast_in_dim3A_85 : vector<16x1xi32> to vector<16xi32>
        %gather3A_86 = tpu.dynamic_gather %get3A_79[%gather3A] in [0] : vector<16xf32>, vector<16xi32> -> vector<16xf32>
        %get3A_87 = arith.index_cast %scan3A_76 : i32 to index
        %get3A_88 = arith.constant 0 : index
        %get3A_89 = tpu.vector_load %arg14[%get3A_87, %get3A_88] {strides = array<i32>} : memref<128x272xf32, #tpu.memory_space<vmem>>, vector<1x16xf32>,
        %get3A_90 = vector.shape_cast %get3A_89 : vector<1x16xf32> to vector<16xf32>
        %mul3A_91 = arith.mulf %gather3A_86, %get3A_90 : vector<16xf32>
        %broadcast_in_dim3A_92 = arith.constant 1 : i32
        %broadcast_in_dim3A_93 = vector.broadcast %broadcast_in_dim3A_92 : i32 to vector<16xi32>
        %broadcast_in_dim3A_94 = vector.shape_cast %broadcast_in_dim3A_93 : vector<16xi32> to vector<16x1xi32>
        %gather3A_95 = vector.shape_cast %broadcast_in_dim3A_94 : vector<16x1xi32> to vector<16xi32>
        %gather3A_96 = tpu.dynamic_gather %get3A_79[%gather3A_95] in [0] : vector<16xf32>, vector<16xi32> -> vector<16xf32>
        %get3A_97 = arith.index_cast %scan3A_76 : i32 to index
        %get3A_98 = arith.constant 16 : index
        %get3A_99 = tpu.vector_load %arg14[%get3A_97, %get3A_98] {strides = array<i32>} : memref<128x272xf32, #tpu.memory_space<vmem>>, vector<1x16xf32>,
        %get3A_100 = vector.shape_cast %get3A_99 : vector<1x16xf32> to vector<16xf32>
        %mul3A_101 = arith.mulf %gather3A_96, %get3A_100 : vector<16xf32>
        %broadcast_in_dim3A_102 = arith.constant 2 : i32
        %broadcast_in_dim3A_103 = vector.broadcast %broadcast_in_dim3A_102 : i32 to vector<16xi32>
        %broadcast_in_dim3A_104 = vector.shape_cast %broadcast_in_dim3A_103 : vector<16xi32> to vector<16x1xi32>
        %gather3A_105 = vector.shape_cast %broadcast_in_dim3A_104 : vector<16x1xi32> to vector<16xi32>
        %gather3A_106 = tpu.dynamic_gather %get3A_79[%gather3A_105] in [0] : vector<16xf32>, vector<16xi32> -> vector<16xf32>
        %get3A_107 = arith.index_cast %scan3A_76 : i32 to index
        %get3A_108 = arith.constant 32 : index
        %get3A_109 = tpu.vector_load %arg14[%get3A_107, %get3A_108] {strides = array<i32>} : memref<128x272xf32, #tpu.memory_space<vmem>>, vector<1x16xf32>,
        %get3A_110 = vector.shape_cast %get3A_109 : vector<1x16xf32> to vector<16xf32>
        %mul3A_111 = arith.mulf %gather3A_106, %get3A_110 : vector<16xf32>
        %broadcast_in_dim3A_112 = arith.constant 3 : i32
        %broadcast_in_dim3A_113 = vector.broadcast %broadcast_in_dim3A_112 : i32 to vector<16xi32>
        %broadcast_in_dim3A_114 = vector.shape_cast %broadcast_in_dim3A_113 : vector<16xi32> to vector<16x1xi32>
        %gather3A_115 = vector.shape_cast %broadcast_in_dim3A_114 : vector<16x1xi32> to vector<16xi32>
        %gather3A_116 = tpu.dynamic_gather %get3A_79[%gather3A_115] in [0] : vector<16xf32>, vector<16xi32> -> vector<16xf32>
        %get3A_117 = arith.index_cast %scan3A_76 : i32 to index
        %get3A_118 = arith.constant 48 : index
        %get3A_119 = tpu.vector_load %arg14[%get3A_117, %get3A_118] {strides = array<i32>} : memref<128x272xf32, #tpu.memory_space<vmem>>, vector<1x16xf32>,
        %get3A_120 = vector.shape_cast %get3A_119 : vector<1x16xf32> to vector<16xf32>
        %mul3A_121 = arith.mulf %gather3A_116, %get3A_120 : vector<16xf32>
        %broadcast_in_dim3A_122 = arith.constant 4 : i32
        %broadcast_in_dim3A_123 = vector.broadcast %broadcast_in_dim3A_122 : i32 to vector<16xi32>
        %broadcast_in_dim3A_124 = vector.shape_cast %broadcast_in_dim3A_123 : vector<16xi32> to vector<16x1xi32>
        %gather3A_125 = vector.shape_cast %broadcast_in_dim3A_124 : vector<16x1xi32> to vector<16xi32>
        %gather3A_126 = tpu.dynamic_gather %get3A_79[%gather3A_125] in [0] : vector<16xf32>, vector<16xi32> -> vector<16xf32>
        %get3A_127 = arith.index_cast %scan3A_76 : i32 to index
        %get3A_128 = arith.constant 64 : index
        %get3A_129 = tpu.vector_load %arg14[%get3A_127, %get3A_128] {strides = array<i32>} : memref<128x272xf32, #tpu.memory_space<vmem>>, vector<1x16xf32>,
        %get3A_130 = vector.shape_cast %get3A_129 : vector<1x16xf32> to vector<16xf32>
        %mul3A_131 = arith.mulf %gather3A_126, %get3A_130 : vector<16xf32>
        %broadcast_in_dim3A_132 = arith.constant 5 : i32
        %broadcast_in_dim3A_133 = vector.broadcast %broadcast_in_dim3A_132 : i32 to vector<16xi32>
        %broadcast_in_dim3A_134 = vector.shape_cast %broadcast_in_dim3A_133 : vector<16xi32> to vector<16x1xi32>
        %gather3A_135 = vector.shape_cast %broadcast_in_dim3A_134 : vector<16x1xi32> to vector<16xi32>
        %gather3A_136 = tpu.dynamic_gather %get3A_79[%gather3A_135] in [0] : vector<16xf32>, vector<16xi32> -> vector<16xf32>
        %get3A_137 = arith.index_cast %scan3A_76 : i32 to index
        %get3A_138 = arith.constant 80 : index
        %get3A_139 = tpu.vector_load %arg14[%get3A_137, %get3A_138] {strides = array<i32>} : memref<128x272xf32, #tpu.memory_space<vmem>>, vector<1x16xf32>,
        %get3A_140 = vector.shape_cast %get3A_139 : vector<1x16xf32> to vector<16xf32>
        %mul3A_141 = arith.mulf %gather3A_136, %get3A_140 : vector<16xf32>
        %broadcast_in_dim3A_142 = arith.constant 6 : i32
        %broadcast_in_dim3A_143 = vector.broadcast %broadcast_in_dim3A_142 : i32 to vector<16xi32>
        %broadcast_in_dim3A_144 = vector.shape_cast %broadcast_in_dim3A_143 : vector<16xi32> to vector<16x1xi32>
        %gather3A_145 = vector.shape_cast %broadcast_in_dim3A_144 : vector<16x1xi32> to vector<16xi32>
        %gather3A_146 = tpu.dynamic_gather %get3A_79[%gather3A_145] in [0] : vector<16xf32>, vector<16xi32> -> vector<16xf32>
        %get3A_147 = arith.index_cast %scan3A_76 : i32 to index
        %get3A_148 = arith.constant 96 : index
        %get3A_149 = tpu.vector_load %arg14[%get3A_147, %get3A_148] {strides = array<i32>} : memref<128x272xf32, #tpu.memory_space<vmem>>, vector<1x16xf32>,
        %get3A_150 = vector.shape_cast %get3A_149 : vector<1x16xf32> to vector<16xf32>
        %mul3A_151 = arith.mulf %gather3A_146, %get3A_150 : vector<16xf32>
        %broadcast_in_dim3A_152 = arith.constant 7 : i32
        %broadcast_in_dim3A_153 = vector.broadcast %broadcast_in_dim3A_152 : i32 to vector<16xi32>
        %broadcast_in_dim3A_154 = vector.shape_cast %broadcast_in_dim3A_153 : vector<16xi32> to vector<16x1xi32>
        %gather3A_155 = vector.shape_cast %broadcast_in_dim3A_154 : vector<16x1xi32> to vector<16xi32>
        %gather3A_156 = tpu.dynamic_gather %get3A_79[%gather3A_155] in [0] : vector<16xf32>, vector<16xi32> -> vector<16xf32>
        %get3A_157 = arith.index_cast %scan3A_76 : i32 to index
        %get3A_158 = arith.constant 112 : index
        %get3A_159 = tpu.vector_load %arg14[%get3A_157, %get3A_158] {strides = array<i32>} : memref<128x272xf32, #tpu.memory_space<vmem>>, vector<1x16xf32>,
        %get3A_160 = vector.shape_cast %get3A_159 : vector<1x16xf32> to vector<16xf32>
        %mul3A_161 = arith.mulf %gather3A_156, %get3A_160 : vector<16xf32>
        %broadcast_in_dim3A_162 = arith.constant 8 : i32
        %broadcast_in_dim3A_163 = vector.broadcast %broadcast_in_dim3A_162 : i32 to vector<16xi32>
        %broadcast_in_dim3A_164 = vector.shape_cast %broadcast_in_dim3A_163 : vector<16xi32> to vector<16x1xi32>
        %gather3A_165 = vector.shape_cast %broadcast_in_dim3A_164 : vector<16x1xi32> to vector<16xi32>
        %gather3A_166 = tpu.dynamic_gather %get3A_79[%gather3A_165] in [0] : vector<16xf32>, vector<16xi32> -> vector<16xf32>
        %get3A_167 = arith.index_cast %scan3A_76 : i32 to index
        %get3A_168 = arith.constant 128 : index
        %get3A_169 = tpu.vector_load %arg14[%get3A_167, %get3A_168] {strides = array<i32>} : memref<128x272xf32, #tpu.memory_space<vmem>>, vector<1x16xf32>,
        %get3A_170 = vector.shape_cast %get3A_169 : vector<1x16xf32> to vector<16xf32>
        %mul3A_171 = arith.mulf %gather3A_166, %get3A_170 : vector<16xf32>
        %broadcast_in_dim3A_172 = arith.constant 9 : i32
        %broadcast_in_dim3A_173 = vector.broadcast %broadcast_in_dim3A_172 : i32 to vector<16xi32>
        %broadcast_in_dim3A_174 = vector.shape_cast %broadcast_in_dim3A_173 : vector<16xi32> to vector<16x1xi32>
        %gather3A_175 = vector.shape_cast %broadcast_in_dim3A_174 : vector<16x1xi32> to vector<16xi32>
        %gather3A_176 = tpu.dynamic_gather %get3A_79[%gather3A_175] in [0] : vector<16xf32>, vector<16xi32> -> vector<16xf32>
        %get3A_177 = arith.index_cast %scan3A_76 : i32 to index
        %get3A_178 = arith.constant 144 : index
        %get3A_179 = tpu.vector_load %arg14[%get3A_177, %get3A_178] {strides = array<i32>} : memref<128x272xf32, #tpu.memory_space<vmem>>, vector<1x16xf32>,
        %get3A_180 = vector.shape_cast %get3A_179 : vector<1x16xf32> to vector<16xf32>
        %mul3A_181 = arith.mulf %gather3A_176, %get3A_180 : vector<16xf32>
        %broadcast_in_dim3A_182 = arith.constant 10 : i32
        %broadcast_in_dim3A_183 = vector.broadcast %broadcast_in_dim3A_182 : i32 to vector<16xi32>
        %broadcast_in_dim3A_184 = vector.shape_cast %broadcast_in_dim3A_183 : vector<16xi32> to vector<16x1xi32>
        %gather3A_185 = vector.shape_cast %broadcast_in_dim3A_184 : vector<16x1xi32> to vector<16xi32>
        %gather3A_186 = tpu.dynamic_gather %get3A_79[%gather3A_185] in [0] : vector<16xf32>, vector<16xi32> -> vector<16xf32>
        %get3A_187 = arith.index_cast %scan3A_76 : i32 to index
        %get3A_188 = arith.constant 160 : index
        %get3A_189 = tpu.vector_load %arg14[%get3A_187, %get3A_188] {strides = array<i32>} : memref<128x272xf32, #tpu.memory_space<vmem>>, vector<1x16xf32>,
        %get3A_190 = vector.shape_cast %get3A_189 : vector<1x16xf32> to vector<16xf32>
        %mul3A_191 = arith.mulf %gather3A_186, %get3A_190 : vector<16xf32>
        %broadcast_in_dim3A_192 = arith.constant 11 : i32
        %broadcast_in_dim3A_193 = vector.broadcast %broadcast_in_dim3A_192 : i32 to vector<16xi32>
        %broadcast_in_dim3A_194 = vector.shape_cast %broadcast_in_dim3A_193 : vector<16xi32> to vector<16x1xi32>
        %gather3A_195 = vector.shape_cast %broadcast_in_dim3A_194 : vector<16x1xi32> to vector<16xi32>
        %gather3A_196 = tpu.dynamic_gather %get3A_79[%gather3A_195] in [0] : vector<16xf32>, vector<16xi32> -> vector<16xf32>
        %get3A_197 = arith.index_cast %scan3A_76 : i32 to index
        %get3A_198 = arith.constant 176 : index
        %get3A_199 = tpu.vector_load %arg14[%get3A_197, %get3A_198] {strides = array<i32>} : memref<128x272xf32, #tpu.memory_space<vmem>>, vector<1x16xf32>,
        %get3A_200 = vector.shape_cast %get3A_199 : vector<1x16xf32> to vector<16xf32>
        %mul3A_201 = arith.mulf %gather3A_196, %get3A_200 : vector<16xf32>
        %broadcast_in_dim3A_202 = arith.constant 12 : i32
        %broadcast_in_dim3A_203 = vector.broadcast %broadcast_in_dim3A_202 : i32 to vector<16xi32>
        %broadcast_in_dim3A_204 = vector.shape_cast %broadcast_in_dim3A_203 : vector<16xi32> to vector<16x1xi32>
        %gather3A_205 = vector.shape_cast %broadcast_in_dim3A_204 : vector<16x1xi32> to vector<16xi32>
        %gather3A_206 = tpu.dynamic_gather %get3A_79[%gather3A_205] in [0] : vector<16xf32>, vector<16xi32> -> vector<16xf32>
        %get3A_207 = arith.index_cast %scan3A_76 : i32 to index
        %get3A_208 = arith.constant 192 : index
        %get3A_209 = tpu.vector_load %arg14[%get3A_207, %get3A_208] {strides = array<i32>} : memref<128x272xf32, #tpu.memory_space<vmem>>, vector<1x16xf32>,
        %get3A_210 = vector.shape_cast %get3A_209 : vector<1x16xf32> to vector<16xf32>
        %mul3A_211 = arith.mulf %gather3A_206, %get3A_210 : vector<16xf32>
        %broadcast_in_dim3A_212 = arith.constant 13 : i32
        %broadcast_in_dim3A_213 = vector.broadcast %broadcast_in_dim3A_212 : i32 to vector<16xi32>
        %broadcast_in_dim3A_214 = vector.shape_cast %broadcast_in_dim3A_213 : vector<16xi32> to vector<16x1xi32>
        %gather3A_215 = vector.shape_cast %broadcast_in_dim3A_214 : vector<16x1xi32> to vector<16xi32>
        %gather3A_216 = tpu.dynamic_gather %get3A_79[%gather3A_215] in [0] : vector<16xf32>, vector<16xi32> -> vector<16xf32>
        %get3A_217 = arith.index_cast %scan3A_76 : i32 to index
        %get3A_218 = arith.constant 208 : index
        %get3A_219 = tpu.vector_load %arg14[%get3A_217, %get3A_218] {strides = array<i32>} : memref<128x272xf32, #tpu.memory_space<vmem>>, vector<1x16xf32>,
        %get3A_220 = vector.shape_cast %get3A_219 : vector<1x16xf32> to vector<16xf32>
        %mul3A_221 = arith.mulf %gather3A_216, %get3A_220 : vector<16xf32>
        %broadcast_in_dim3A_222 = arith.constant 14 : i32
        %broadcast_in_dim3A_223 = vector.broadcast %broadcast_in_dim3A_222 : i32 to vector<16xi32>
        %broadcast_in_dim3A_224 = vector.shape_cast %broadcast_in_dim3A_223 : vector<16xi32> to vector<16x1xi32>
        %gather3A_225 = vector.shape_cast %broadcast_in_dim3A_224 : vector<16x1xi32> to vector<16xi32>
        %gather3A_226 = tpu.dynamic_gather %get3A_79[%gather3A_225] in [0] : vector<16xf32>, vector<16xi32> -> vector<16xf32>
        %get3A_227 = arith.index_cast %scan3A_76 : i32 to index
        %get3A_228 = arith.constant 224 : index
        %get3A_229 = tpu.vector_load %arg14[%get3A_227, %get3A_228] {strides = array<i32>} : memref<128x272xf32, #tpu.memory_space<vmem>>, vector<1x16xf32>,
        %get3A_230 = vector.shape_cast %get3A_229 : vector<1x16xf32> to vector<16xf32>
        %mul3A_231 = arith.mulf %gather3A_226, %get3A_230 : vector<16xf32>
        %broadcast_in_dim3A_232 = arith.constant 15 : i32
        %broadcast_in_dim3A_233 = vector.broadcast %broadcast_in_dim3A_232 : i32 to vector<16xi32>
        %broadcast_in_dim3A_234 = vector.shape_cast %broadcast_in_dim3A_233 : vector<16xi32> to vector<16x1xi32>
        %gather3A_235 = vector.shape_cast %broadcast_in_dim3A_234 : vector<16x1xi32> to vector<16xi32>
        %gather3A_236 = tpu.dynamic_gather %get3A_79[%gather3A_235] in [0] : vector<16xf32>, vector<16xi32> -> vector<16xf32>
        %get3A_237 = arith.index_cast %scan3A_76 : i32 to index
        %get3A_238 = arith.constant 240 : index
        %get3A_239 = tpu.vector_load %arg14[%get3A_237, %get3A_238] {strides = array<i32>} : memref<128x272xf32, #tpu.memory_space<vmem>>, vector<1x16xf32>,
        %get3A_240 = vector.shape_cast %get3A_239 : vector<1x16xf32> to vector<16xf32>
        %mul3A_241 = arith.mulf %gather3A_236, %get3A_240 : vector<16xf32>
        %broadcast_in_dim3A_242 = arith.constant 0 : i32
        %broadcast_in_dim3A_243 = vector.broadcast %broadcast_in_dim3A_242 : i32 to vector<16xi32>
        %broadcast_in_dim3A_244 = vector.shape_cast %broadcast_in_dim3A_243 : vector<16xi32> to vector<16x1xi32>
        %gather3A_245 = vector.shape_cast %broadcast_in_dim3A_244 : vector<16x1xi32> to vector<16xi32>
        %gather3A_246 = tpu.dynamic_gather %get3A_83[%gather3A_245] in [0] : vector<16xf32>, vector<16xi32> -> vector<16xf32>
        %get3A_247 = arith.index_cast %scan3A_76 : i32 to index
        %get3A_248 = arith.constant 256 : index
        %get3A_249 = tpu.vector_load %arg14[%get3A_247, %get3A_248] {strides = array<i32>} : memref<128x272xf32, #tpu.memory_space<vmem>>, vector<1x16xf32>,
        %get3A_250 = vector.shape_cast %get3A_249 : vector<1x16xf32> to vector<16xf32>
        %mul3A_251 = arith.mulf %gather3A_246, %get3A_250 : vector<16xf32>
        %add3A_252 = arith.addf %mul3A_91, %mul3A_101 : vector<16xf32>
        %add3A_253 = arith.addf %mul3A_111, %mul3A_121 : vector<16xf32>
        %add3A_254 = arith.addf %mul3A_131, %mul3A_141 : vector<16xf32>
        %add3A_255 = arith.addf %mul3A_151, %mul3A_161 : vector<16xf32>
        %add3A_256 = arith.addf %mul3A_171, %mul3A_181 : vector<16xf32>
        %add3A_257 = arith.addf %mul3A_191, %mul3A_201 : vector<16xf32>
        %add3A_258 = arith.addf %mul3A_211, %mul3A_221 : vector<16xf32>
        %add3A_259 = arith.addf %mul3A_231, %mul3A_241 : vector<16xf32>
        %add3A_260 = arith.addf %add3A_252, %add3A_253 : vector<16xf32>
        %add3A_261 = arith.addf %add3A_254, %add3A_255 : vector<16xf32>
        %add3A_262 = arith.addf %add3A_256, %add3A_257 : vector<16xf32>
        %add3A_263 = arith.addf %add3A_258, %add3A_259 : vector<16xf32>
        %add3A_264 = arith.addf %add3A_260, %add3A_261 : vector<16xf32>
        %add3A_265 = arith.addf %add3A_262, %add3A_263 : vector<16xf32>
        %add3A_266 = arith.addf %add3A_264, %add3A_265 : vector<16xf32>
        %add3A_267 = arith.addf %add3A_266, %mul3A_251 : vector<16xf32>
        %swap3A = arith.index_cast %scan3A_76 : i32 to index
        %swap3A_268 = arith.constant 0 : index
        %swap3A_269 = tpu.vector_load %arg16[%swap3A, %swap3A_268] {strides = array<i32>} : memref<128x16xf32, #tpu.memory_space<vmem>>, vector<1x16xf32>,
        %swap3A_270 = vector.shape_cast %swap3A_269 : vector<1x16xf32> to vector<16xf32>
        %swap3A_271 = vector.shape_cast %add3A_267 : vector<16xf32> to vector<1x16xf32>
        tpu.vector_store %arg16[%swap3A, %swap3A_268], %swap3A_271 {strides = array<i32>} : memref<128x16xf32, #tpu.memory_space<vmem>>, vector<1x16xf32>,
        %scan3A_272 = arith.constant 1 : i32
        %scan3A_273 = arith.addi %scan3A_76, %scan3A_272 : i32
        %get3A_274 = arith.index_cast %scan3A_273 : i32 to index
        %get3A_275 = arith.constant 0 : index
        %get3A_276 = tpu.vector_load %arg12[%get3A_274, %get3A_275] {strides = array<i32>} : memref<128x32xf32, #tpu.memory_space<vmem>>, vector<1x16xf32>,
        %get3A_277 = vector.shape_cast %get3A_276 : vector<1x16xf32> to vector<16xf32>
        %get3A_278 = arith.index_cast %scan3A_273 : i32 to index
        %get3A_279 = arith.constant 16 : index
        %get3A_280 = tpu.vector_load %arg12[%get3A_278, %get3A_279] {strides = array<i32>} : memref<128x32xf32, #tpu.memory_space<vmem>>, vector<1x16xf32>,
        %get3A_281 = vector.shape_cast %get3A_280 : vector<1x16xf32> to vector<16xf32>
        %broadcast_in_dim3A_282 = arith.constant 0 : i32
        %broadcast_in_dim3A_283 = vector.broadcast %broadcast_in_dim3A_282 : i32 to vector<16xi32>
        %broadcast_in_dim3A_284 = vector.shape_cast %broadcast_in_dim3A_283 : vector<16xi32> to vector<16x1xi32>
        %gather3A_285 = vector.shape_cast %broadcast_in_dim3A_284 : vector<16x1xi32> to vector<16xi32>
        %gather3A_286 = tpu.dynamic_gather %get3A_277[%gather3A_285] in [0] : vector<16xf32>, vector<16xi32> -> vector<16xf32>
        %get3A_287 = arith.index_cast %scan3A_273 : i32 to index
        %get3A_288 = arith.constant 0 : index
        %get3A_289 = tpu.vector_load %arg14[%get3A_287, %get3A_288] {strides = array<i32>} : memref<128x272xf32, #tpu.memory_space<vmem>>, vector<1x16xf32>,
        %get3A_290 = vector.shape_cast %get3A_289 : vector<1x16xf32> to vector<16xf32>
        %mul3A_291 = arith.mulf %gather3A_286, %get3A_290 : vector<16xf32>
        %broadcast_in_dim3A_292 = arith.constant 1 : i32
        %broadcast_in_dim3A_293 = vector.broadcast %broadcast_in_dim3A_292 : i32 to vector<16xi32>
        %broadcast_in_dim3A_294 = vector.shape_cast %broadcast_in_dim3A_293 : vector<16xi32> to vector<16x1xi32>
        %gather3A_295 = vector.shape_cast %broadcast_in_dim3A_294 : vector<16x1xi32> to vector<16xi32>
        %gather3A_296 = tpu.dynamic_gather %get3A_277[%gather3A_295] in [0] : vector<16xf32>, vector<16xi32> -> vector<16xf32>
        %get3A_297 = arith.index_cast %scan3A_273 : i32 to index
        %get3A_298 = arith.constant 16 : index
        %get3A_299 = tpu.vector_load %arg14[%get3A_297, %get3A_298] {strides = array<i32>} : memref<128x272xf32, #tpu.memory_space<vmem>>, vector<1x16xf32>,
        %get3A_300 = vector.shape_cast %get3A_299 : vector<1x16xf32> to vector<16xf32>
        %mul3A_301 = arith.mulf %gather3A_296, %get3A_300 : vector<16xf32>
        %broadcast_in_dim3A_302 = arith.constant 2 : i32
        %broadcast_in_dim3A_303 = vector.broadcast %broadcast_in_dim3A_302 : i32 to vector<16xi32>
        %broadcast_in_dim3A_304 = vector.shape_cast %broadcast_in_dim3A_303 : vector<16xi32> to vector<16x1xi32>
        %gather3A_305 = vector.shape_cast %broadcast_in_dim3A_304 : vector<16x1xi32> to vector<16xi32>
        %gather3A_306 = tpu.dynamic_gather %get3A_277[%gather3A_305] in [0] : vector<16xf32>, vector<16xi32> -> vector<16xf32>
        %get3A_307 = arith.index_cast %scan3A_273 : i32 to index
        %get3A_308 = arith.constant 32 : index
        %get3A_309 = tpu.vector_load %arg14[%get3A_307, %get3A_308] {strides = array<i32>} : memref<128x272xf32, #tpu.memory_space<vmem>>, vector<1x16xf32>,
        %get3A_310 = vector.shape_cast %get3A_309 : vector<1x16xf32> to vector<16xf32>
        %mul3A_311 = arith.mulf %gather3A_306, %get3A_310 : vector<16xf32>
        %broadcast_in_dim3A_312 = arith.constant 3 : i32
        %broadcast_in_dim3A_313 = vector.broadcast %broadcast_in_dim3A_312 : i32 to vector<16xi32>
        %broadcast_in_dim3A_314 = vector.shape_cast %broadcast_in_dim3A_313 : vector<16xi32> to vector<16x1xi32>
        %gather3A_315 = vector.shape_cast %broadcast_in_dim3A_314 : vector<16x1xi32> to vector<16xi32>
        %gather3A_316 = tpu.dynamic_gather %get3A_277[%gather3A_315] in [0] : vector<16xf32>, vector<16xi32> -> vector<16xf32>
        %get3A_317 = arith.index_cast %scan3A_273 : i32 to index
        %get3A_318 = arith.constant 48 : index
        %get3A_319 = tpu.vector_load %arg14[%get3A_317, %get3A_318] {strides = array<i32>} : memref<128x272xf32, #tpu.memory_space<vmem>>, vector<1x16xf32>,
        %get3A_320 = vector.shape_cast %get3A_319 : vector<1x16xf32> to vector<16xf32>
        %mul3A_321 = arith.mulf %gather3A_316, %get3A_320 : vector<16xf32>
        %broadcast_in_dim3A_322 = arith.constant 4 : i32
        %broadcast_in_dim3A_323 = vector.broadcast %broadcast_in_dim3A_322 : i32 to vector<16xi32>
        %broadcast_in_dim3A_324 = vector.shape_cast %broadcast_in_dim3A_323 : vector<16xi32> to vector<16x1xi32>
        %gather3A_325 = vector.shape_cast %broadcast_in_dim3A_324 : vector<16x1xi32> to vector<16xi32>
        %gather3A_326 = tpu.dynamic_gather %get3A_277[%gather3A_325] in [0] : vector<16xf32>, vector<16xi32> -> vector<16xf32>
        %get3A_327 = arith.index_cast %scan3A_273 : i32 to index
        %get3A_328 = arith.constant 64 : index
        %get3A_329 = tpu.vector_load %arg14[%get3A_327, %get3A_328] {strides = array<i32>} : memref<128x272xf32, #tpu.memory_space<vmem>>, vector<1x16xf32>,
        %get3A_330 = vector.shape_cast %get3A_329 : vector<1x16xf32> to vector<16xf32>
        %mul3A_331 = arith.mulf %gather3A_326, %get3A_330 : vector<16xf32>
        %broadcast_in_dim3A_332 = arith.constant 5 : i32
        %broadcast_in_dim3A_333 = vector.broadcast %broadcast_in_dim3A_332 : i32 to vector<16xi32>
        %broadcast_in_dim3A_334 = vector.shape_cast %broadcast_in_dim3A_333 : vector<16xi32> to vector<16x1xi32>
        %gather3A_335 = vector.shape_cast %broadcast_in_dim3A_334 : vector<16x1xi32> to vector<16xi32>
        %gather3A_336 = tpu.dynamic_gather %get3A_277[%gather3A_335] in [0] : vector<16xf32>, vector<16xi32> -> vector<16xf32>
        %get3A_337 = arith.index_cast %scan3A_273 : i32 to index
        %get3A_338 = arith.constant 80 : index
        %get3A_339 = tpu.vector_load %arg14[%get3A_337, %get3A_338] {strides = array<i32>} : memref<128x272xf32, #tpu.memory_space<vmem>>, vector<1x16xf32>,
        %get3A_340 = vector.shape_cast %get3A_339 : vector<1x16xf32> to vector<16xf32>
        %mul3A_341 = arith.mulf %gather3A_336, %get3A_340 : vector<16xf32>
        %broadcast_in_dim3A_342 = arith.constant 6 : i32
        %broadcast_in_dim3A_343 = vector.broadcast %broadcast_in_dim3A_342 : i32 to vector<16xi32>
        %broadcast_in_dim3A_344 = vector.shape_cast %broadcast_in_dim3A_343 : vector<16xi32> to vector<16x1xi32>
        %gather3A_345 = vector.shape_cast %broadcast_in_dim3A_344 : vector<16x1xi32> to vector<16xi32>
        %gather3A_346 = tpu.dynamic_gather %get3A_277[%gather3A_345] in [0] : vector<16xf32>, vector<16xi32> -> vector<16xf32>
        %get3A_347 = arith.index_cast %scan3A_273 : i32 to index
        %get3A_348 = arith.constant 96 : index
        %get3A_349 = tpu.vector_load %arg14[%get3A_347, %get3A_348] {strides = array<i32>} : memref<128x272xf32, #tpu.memory_space<vmem>>, vector<1x16xf32>,
        %get3A_350 = vector.shape_cast %get3A_349 : vector<1x16xf32> to vector<16xf32>
        %mul3A_351 = arith.mulf %gather3A_346, %get3A_350 : vector<16xf32>
        %broadcast_in_dim3A_352 = arith.constant 7 : i32
        %broadcast_in_dim3A_353 = vector.broadcast %broadcast_in_dim3A_352 : i32 to vector<16xi32>
        %broadcast_in_dim3A_354 = vector.shape_cast %broadcast_in_dim3A_353 : vector<16xi32> to vector<16x1xi32>
        %gather3A_355 = vector.shape_cast %broadcast_in_dim3A_354 : vector<16x1xi32> to vector<16xi32>
        %gather3A_356 = tpu.dynamic_gather %get3A_277[%gather3A_355] in [0] : vector<16xf32>, vector<16xi32> -> vector<16xf32>
        %get3A_357 = arith.index_cast %scan3A_273 : i32 to index
        %get3A_358 = arith.constant 112 : index
        %get3A_359 = tpu.vector_load %arg14[%get3A_357, %get3A_358] {strides = array<i32>} : memref<128x272xf32, #tpu.memory_space<vmem>>, vector<1x16xf32>,
        %get3A_360 = vector.shape_cast %get3A_359 : vector<1x16xf32> to vector<16xf32>
        %mul3A_361 = arith.mulf %gather3A_356, %get3A_360 : vector<16xf32>
        %broadcast_in_dim3A_362 = arith.constant 8 : i32
        %broadcast_in_dim3A_363 = vector.broadcast %broadcast_in_dim3A_362 : i32 to vector<16xi32>
        %broadcast_in_dim3A_364 = vector.shape_cast %broadcast_in_dim3A_363 : vector<16xi32> to vector<16x1xi32>
        %gather3A_365 = vector.shape_cast %broadcast_in_dim3A_364 : vector<16x1xi32> to vector<16xi32>
        %gather3A_366 = tpu.dynamic_gather %get3A_277[%gather3A_365] in [0] : vector<16xf32>, vector<16xi32> -> vector<16xf32>
        %get3A_367 = arith.index_cast %scan3A_273 : i32 to index
        %get3A_368 = arith.constant 128 : index
        %get3A_369 = tpu.vector_load %arg14[%get3A_367, %get3A_368] {strides = array<i32>} : memref<128x272xf32, #tpu.memory_space<vmem>>, vector<1x16xf32>,
        %get3A_370 = vector.shape_cast %get3A_369 : vector<1x16xf32> to vector<16xf32>
        %mul3A_371 = arith.mulf %gather3A_366, %get3A_370 : vector<16xf32>
        %broadcast_in_dim3A_372 = arith.constant 9 : i32
        %broadcast_in_dim3A_373 = vector.broadcast %broadcast_in_dim3A_372 : i32 to vector<16xi32>
        %broadcast_in_dim3A_374 = vector.shape_cast %broadcast_in_dim3A_373 : vector<16xi32> to vector<16x1xi32>
        %gather3A_375 = vector.shape_cast %broadcast_in_dim3A_374 : vector<16x1xi32> to vector<16xi32>
        %gather3A_376 = tpu.dynamic_gather %get3A_277[%gather3A_375] in [0] : vector<16xf32>, vector<16xi32> -> vector<16xf32>
        %get3A_377 = arith.index_cast %scan3A_273 : i32 to index
        %get3A_378 = arith.constant 144 : index
        %get3A_379 = tpu.vector_load %arg14[%get3A_377, %get3A_378] {strides = array<i32>} : memref<128x272xf32, #tpu.memory_space<vmem>>, vector<1x16xf32>,
        %get3A_380 = vector.shape_cast %get3A_379 : vector<1x16xf32> to vector<16xf32>
        %mul3A_381 = arith.mulf %gather3A_376, %get3A_380 : vector<16xf32>
        %broadcast_in_dim3A_382 = arith.constant 10 : i32
        %broadcast_in_dim3A_383 = vector.broadcast %broadcast_in_dim3A_382 : i32 to vector<16xi32>
        %broadcast_in_dim3A_384 = vector.shape_cast %broadcast_in_dim3A_383 : vector<16xi32> to vector<16x1xi32>
        %gather3A_385 = vector.shape_cast %broadcast_in_dim3A_384 : vector<16x1xi32> to vector<16xi32>
        %gather3A_386 = tpu.dynamic_gather %get3A_277[%gather3A_385] in [0] : vector<16xf32>, vector<16xi32> -> vector<16xf32>
        %get3A_387 = arith.index_cast %scan3A_273 : i32 to index
        %get3A_388 = arith.constant 160 : index
        %get3A_389 = tpu.vector_load %arg14[%get3A_387, %get3A_388] {strides = array<i32>} : memref<128x272xf32, #tpu.memory_space<vmem>>, vector<1x16xf32>,
        %get3A_390 = vector.shape_cast %get3A_389 : vector<1x16xf32> to vector<16xf32>
        %mul3A_391 = arith.mulf %gather3A_386, %get3A_390 : vector<16xf32>
        %broadcast_in_dim3A_392 = arith.constant 11 : i32
        %broadcast_in_dim3A_393 = vector.broadcast %broadcast_in_dim3A_392 : i32 to vector<16xi32>
        %broadcast_in_dim3A_394 = vector.shape_cast %broadcast_in_dim3A_393 : vector<16xi32> to vector<16x1xi32>
        %gather3A_395 = vector.shape_cast %broadcast_in_dim3A_394 : vector<16x1xi32> to vector<16xi32>
        %gather3A_396 = tpu.dynamic_gather %get3A_277[%gather3A_395] in [0] : vector<16xf32>, vector<16xi32> -> vector<16xf32>
        %get3A_397 = arith.index_cast %scan3A_273 : i32 to index
        %get3A_398 = arith.constant 176 : index
        %get3A_399 = tpu.vector_load %arg14[%get3A_397, %get3A_398] {strides = array<i32>} : memref<128x272xf32, #tpu.memory_space<vmem>>, vector<1x16xf32>,
        %get3A_400 = vector.shape_cast %get3A_399 : vector<1x16xf32> to vector<16xf32>
        %mul3A_401 = arith.mulf %gather3A_396, %get3A_400 : vector<16xf32>
        %broadcast_in_dim3A_402 = arith.constant 12 : i32
        %broadcast_in_dim3A_403 = vector.broadcast %broadcast_in_dim3A_402 : i32 to vector<16xi32>
        %broadcast_in_dim3A_404 = vector.shape_cast %broadcast_in_dim3A_403 : vector<16xi32> to vector<16x1xi32>
        %gather3A_405 = vector.shape_cast %broadcast_in_dim3A_404 : vector<16x1xi32> to vector<16xi32>
        %gather3A_406 = tpu.dynamic_gather %get3A_277[%gather3A_405] in [0] : vector<16xf32>, vector<16xi32> -> vector<16xf32>
        %get3A_407 = arith.index_cast %scan3A_273 : i32 to index
        %get3A_408 = arith.constant 192 : index
        %get3A_409 = tpu.vector_load %arg14[%get3A_407, %get3A_408] {strides = array<i32>} : memref<128x272xf32, #tpu.memory_space<vmem>>, vector<1x16xf32>,
        %get3A_410 = vector.shape_cast %get3A_409 : vector<1x16xf32> to vector<16xf32>
        %mul3A_411 = arith.mulf %gather3A_406, %get3A_410 : vector<16xf32>
        %broadcast_in_dim3A_412 = arith.constant 13 : i32
        %broadcast_in_dim3A_413 = vector.broadcast %broadcast_in_dim3A_412 : i32 to vector<16xi32>
        %broadcast_in_dim3A_414 = vector.shape_cast %broadcast_in_dim3A_413 : vector<16xi32> to vector<16x1xi32>
        %gather3A_415 = vector.shape_cast %broadcast_in_dim3A_414 : vector<16x1xi32> to vector<16xi32>
        %gather3A_416 = tpu.dynamic_gather %get3A_277[%gather3A_415] in [0] : vector<16xf32>, vector<16xi32> -> vector<16xf32>
        %get3A_417 = arith.index_cast %scan3A_273 : i32 to index
        %get3A_418 = arith.constant 208 : index
        %get3A_419 = tpu.vector_load %arg14[%get3A_417, %get3A_418] {strides = array<i32>} : memref<128x272xf32, #tpu.memory_space<vmem>>, vector<1x16xf32>,
        %get3A_420 = vector.shape_cast %get3A_419 : vector<1x16xf32> to vector<16xf32>
        %mul3A_421 = arith.mulf %gather3A_416, %get3A_420 : vector<16xf32>
        %broadcast_in_dim3A_422 = arith.constant 14 : i32
        %broadcast_in_dim3A_423 = vector.broadcast %broadcast_in_dim3A_422 : i32 to vector<16xi32>
        %broadcast_in_dim3A_424 = vector.shape_cast %broadcast_in_dim3A_423 : vector<16xi32> to vector<16x1xi32>
        %gather3A_425 = vector.shape_cast %broadcast_in_dim3A_424 : vector<16x1xi32> to vector<16xi32>
        %gather3A_426 = tpu.dynamic_gather %get3A_277[%gather3A_425] in [0] : vector<16xf32>, vector<16xi32> -> vector<16xf32>
        %get3A_427 = arith.index_cast %scan3A_273 : i32 to index
        %get3A_428 = arith.constant 224 : index
        %get3A_429 = tpu.vector_load %arg14[%get3A_427, %get3A_428] {strides = array<i32>} : memref<128x272xf32, #tpu.memory_space<vmem>>, vector<1x16xf32>,
        %get3A_430 = vector.shape_cast %get3A_429 : vector<1x16xf32> to vector<16xf32>
        %mul3A_431 = arith.mulf %gather3A_426, %get3A_430 : vector<16xf32>
        %broadcast_in_dim3A_432 = arith.constant 15 : i32
        %broadcast_in_dim3A_433 = vector.broadcast %broadcast_in_dim3A_432 : i32 to vector<16xi32>
        %broadcast_in_dim3A_434 = vector.shape_cast %broadcast_in_dim3A_433 : vector<16xi32> to vector<16x1xi32>
        %gather3A_435 = vector.shape_cast %broadcast_in_dim3A_434 : vector<16x1xi32> to vector<16xi32>
        %gather3A_436 = tpu.dynamic_gather %get3A_277[%gather3A_435] in [0] : vector<16xf32>, vector<16xi32> -> vector<16xf32>
        %get3A_437 = arith.index_cast %scan3A_273 : i32 to index
        %get3A_438 = arith.constant 240 : index
        %get3A_439 = tpu.vector_load %arg14[%get3A_437, %get3A_438] {strides = array<i32>} : memref<128x272xf32, #tpu.memory_space<vmem>>, vector<1x16xf32>,
        %get3A_440 = vector.shape_cast %get3A_439 : vector<1x16xf32> to vector<16xf32>
        %mul3A_441 = arith.mulf %gather3A_436, %get3A_440 : vector<16xf32>
        %broadcast_in_dim3A_442 = arith.constant 0 : i32
        %broadcast_in_dim3A_443 = vector.broadcast %broadcast_in_dim3A_442 : i32 to vector<16xi32>
        %broadcast_in_dim3A_444 = vector.shape_cast %broadcast_in_dim3A_443 : vector<16xi32> to vector<16x1xi32>
        %gather3A_445 = vector.shape_cast %broadcast_in_dim3A_444 : vector<16x1xi32> to vector<16xi32>
        %gather3A_446 = tpu.dynamic_gather %get3A_281[%gather3A_445] in [0] : vector<16xf32>, vector<16xi32> -> vector<16xf32>
        %get3A_447 = arith.index_cast %scan3A_273 : i32 to index
        %get3A_448 = arith.constant 256 : index
        %get3A_449 = tpu.vector_load %arg14[%get3A_447, %get3A_448] {strides = array<i32>} : memref<128x272xf32, #tpu.memory_space<vmem>>, vector<1x16xf32>,
        %get3A_450 = vector.shape_cast %get3A_449 : vector<1x16xf32> to vector<16xf32>
        %mul3A_451 = arith.mulf %gather3A_446, %get3A_450 : vector<16xf32>
        %add3A_452 = arith.addf %mul3A_291, %mul3A_301 : vector<16xf32>
        %add3A_453 = arith.addf %mul3A_311, %mul3A_321 : vector<16xf32>
        %add3A_454 = arith.addf %mul3A_331, %mul3A_341 : vector<16xf32>
        %add3A_455 = arith.addf %mul3A_351, %mul3A_361 : vector<16xf32>
        %add3A_456 = arith.addf %mul3A_371, %mul3A_381 : vector<16xf32>
        %add3A_457 = arith.addf %mul3A_391, %mul3A_401 : vector<16xf32>
        %add3A_458 = arith.addf %mul3A_411, %mul3A_421 : vector<16xf32>
        %add3A_459 = arith.addf %mul3A_431, %mul3A_441 : vector<16xf32>
        %add3A_460 = arith.addf %add3A_452, %add3A_453 : vector<16xf32>
        %add3A_461 = arith.addf %add3A_454, %add3A_455 : vector<16xf32>
        %add3A_462 = arith.addf %add3A_456, %add3A_457 : vector<16xf32>
        %add3A_463 = arith.addf %add3A_458, %add3A_459 : vector<16xf32>
        %add3A_464 = arith.addf %add3A_460, %add3A_461 : vector<16xf32>
        %add3A_465 = arith.addf %add3A_462, %add3A_463 : vector<16xf32>
        %add3A_466 = arith.addf %add3A_464, %add3A_465 : vector<16xf32>
        %add3A_467 = arith.addf %add3A_466, %mul3A_451 : vector<16xf32>
        %swap3A_468 = arith.index_cast %scan3A_273 : i32 to index
        %swap3A_469 = arith.constant 0 : index
        %swap3A_470 = tpu.vector_load %arg16[%swap3A_468, %swap3A_469] {strides = array<i32>} : memref<128x16xf32, #tpu.memory_space<vmem>>, vector<1x16xf32>,
        %swap3A_471 = vector.shape_cast %swap3A_470 : vector<1x16xf32> to vector<16xf32>
        %swap3A_472 = vector.shape_cast %add3A_467 : vector<16xf32> to vector<1x16xf32>
        tpu.vector_store %arg16[%swap3A_468, %swap3A_469], %swap3A_472 {strides = array<i32>} : memref<128x16xf32, #tpu.memory_space<vmem>>, vector<1x16xf32>,
      }
      %scan3A_61 = arith.constant 128 : i32
      "tpu.region"() ({
        %run_scoped3A_76 = tpu.sem_alloc : memref<!tpu.dma_semaphore, #tpu.memory_space<semaphore_mem>>
        %dma_start3A_77 = arith.constant 0 : i32
        %dma_start3A_78 = arith.constant 0 : i32
        %dma_start3A_79 = tpu.memref_slice %arg17[%dma_start3A_77, %dma_start3A_78] : memref<10240x16xf32, #tpu.memory_space<vmem_shared>> -> memref<10240x16xf32, #tpu.memory_space<vmem_shared>>
        tpu.enqueue_indirect_dma source(%arg16 : memref<128x16xf32, #tpu.memory_space<vmem>>) target(%dma_start3A_79 : memref<10240x16xf32, #tpu.memory_space<vmem_shared>>) offsets(%arg10 : memref<128xi32, #tpu.memory_space<vmem>>) semaphore(%run_scoped3A_76 : memref<!tpu.dma_semaphore, #tpu.memory_space<semaphore_mem>>) {add = true}
        %dma_wait3A_80 = arith.constant 0 : i32
        %dma_wait3A_81 = arith.constant 0 : i32
        %dma_wait3A_82 = tpu.memref_slice %arg17[%dma_wait3A_80, %dma_wait3A_81] : memref<10240x16xf32, #tpu.memory_space<vmem_shared>> -> memref<10240x16xf32, #tpu.memory_space<vmem_shared>>
        tpu.wait_indirect_dma semaphore(%run_scoped3A_76 : memref<!tpu.dma_semaphore, #tpu.memory_space<semaphore_mem>>) src(%arg16 : memref<128x16xf32, #tpu.memory_space<vmem>>) dst(%dma_wait3A_82 : memref<10240x16xf32, #tpu.memory_space<vmem_shared>>)
        tpu.yield
      }) : () -> ()
      %add3A_62 = arith.constant 2 : i32
      %add3A_63 = arith.addi %mul3A_35, %add3A_62 : i32
      %lt3A_64 = arith.constant 40 : i32
      %lt3A_65 = arith.cmpi slt, %add3A_63, %lt3A_64 : i32
      %convert_element_type3A_66 = arith.extui %lt3A_65 : i1 to i32
      %cond3A_67 = arith.constant 0 : i32
      %cond3A_68 = arith.cmpi ne, %convert_element_type3A_66, %cond3A_67 : i32
      scf.if %cond3A_68 {
        %add3A_76 = arith.constant 2 : i32
        %add3A_77 = arith.addi %mul3A_35, %add3A_76 : i32
        "tpu.region"() ({
          %run_scoped3A_95 = tpu.sem_alloc : memref<!tpu.dma_semaphore, #tpu.memory_space<semaphore_mem>>
          %dma_start3A_96 = arith.constant 0 : i32
          %dma_start3A_97 = tpu.memref_slice %arg4[%add3A, %add3A_77, %dma_start3A_96] : memref<32x40x128xi32, #tpu.memory_space<hbm>> -> memref<1x1x128xi32, #tpu.memory_space<hbm>>
          %dma_start3A_98 = tpu.memref_squeeze %dma_start3A_97 : memref<1x1x128xi32, #tpu.memory_space<hbm>> -> memref<128xi32, #tpu.memory_space<hbm>>
          %dma_start3A_99 = arith.constant 0 : i32
          %dma_start3A_100 = tpu.memref_slice %arg4[%add3A, %add3A_77, %dma_start3A_99] : memref<32x40x128xi32, #tpu.memory_space<hbm>> -> memref<1x1x128xi32, #tpu.memory_space<hbm>>
          %dma_start3A_101 = tpu.memref_squeeze %dma_start3A_100 : memref<1x1x128xi32, #tpu.memory_space<hbm>> -> memref<128xi32, #tpu.memory_space<hbm>>
          tpu.enqueue_dma source(%dma_start3A_101 : memref<128xi32, #tpu.memory_space<hbm>>) target(%arg8 : memref<128xi32, #tpu.memory_space<vmem>>) target_semaphore(%run_scoped3A_95 : memref<!tpu.dma_semaphore, #tpu.memory_space<semaphore_mem>>)
          %dma_wait3A_102 = arith.constant 0 : i32
          %dma_wait3A_103 = tpu.memref_slice %arg4[%add3A, %add3A_77, %dma_wait3A_102] : memref<32x40x128xi32, #tpu.memory_space<hbm>> -> memref<1x1x128xi32, #tpu.memory_space<hbm>>
          %dma_wait3A_104 = tpu.memref_squeeze %dma_wait3A_103 : memref<1x1x128xi32, #tpu.memory_space<hbm>> -> memref<128xi32, #tpu.memory_space<hbm>>
          %dma_wait3A_105 = arith.constant 0 : i32
          %dma_wait3A_106 = tpu.memref_slice %arg4[%add3A, %add3A_77, %dma_wait3A_105] : memref<32x40x128xi32, #tpu.memory_space<hbm>> -> memref<1x1x128xi32, #tpu.memory_space<hbm>>
          %dma_wait3A_107 = tpu.memref_squeeze %dma_wait3A_106 : memref<1x1x128xi32, #tpu.memory_space<hbm>> -> memref<128xi32, #tpu.memory_space<hbm>>
          tpu.wait_dma2 semaphore(%run_scoped3A_95 : memref<!tpu.dma_semaphore, #tpu.memory_space<semaphore_mem>>) src(%dma_wait3A_107 : memref<128xi32, #tpu.memory_space<hbm>>) dst(%arg8 : memref<128xi32, #tpu.memory_space<vmem>>)
          tpu.yield
        }) : () -> ()
        %dma_start3A_78 = arith.constant 0 : i32
        %dma_start3A_79 = arith.constant 0 : i32
        %dma_start3A_80 = tpu.memref_slice %arg2[%dma_start3A_78, %dma_start3A_79] : memref<10000x272xf32, #tpu.memory_space<hbm>> -> memref<10000x272xf32, #tpu.memory_space<hbm>>
        tpu.enqueue_indirect_dma source(%dma_start3A_80 : memref<10000x272xf32, #tpu.memory_space<hbm>>) target(%arg14 : memref<128x272xf32, #tpu.memory_space<vmem>>) offsets(%arg8 : memref<128xi32, #tpu.memory_space<vmem>>) semaphore(%arg18 : memref<!tpu.dma_semaphore, #tpu.memory_space<semaphore_mem>>)
        %dma_start3A_81 = arith.constant 0 : i32
        %dma_start3A_82 = tpu.memref_slice %arg5[%add3A, %add3A_77, %dma_start3A_81] : memref<32x40x128xi32, #tpu.memory_space<hbm>> -> memref<1x1x128xi32, #tpu.memory_space<hbm>>
        %dma_start3A_83 = tpu.memref_squeeze %dma_start3A_82 : memref<1x1x128xi32, #tpu.memory_space<hbm>> -> memref<128xi32, #tpu.memory_space<hbm>>
        %dma_start3A_84 = arith.constant 0 : i32
        %dma_start3A_85 = tpu.memref_slice %arg5[%add3A, %add3A_77, %dma_start3A_84] : memref<32x40x128xi32, #tpu.memory_space<hbm>> -> memref<1x1x128xi32, #tpu.memory_space<hbm>>
        %dma_start3A_86 = tpu.memref_squeeze %dma_start3A_85 : memref<1x1x128xi32, #tpu.memory_space<hbm>> -> memref<128xi32, #tpu.memory_space<hbm>>
        tpu.enqueue_dma source(%dma_start3A_86 : memref<128xi32, #tpu.memory_space<hbm>>) target(%arg10 : memref<128xi32, #tpu.memory_space<vmem>>) target_semaphore(%arg18 : memref<!tpu.dma_semaphore, #tpu.memory_space<semaphore_mem>>)
        %dma_start3A_87 = arith.constant 0 : i32
        %dma_start3A_88 = arith.constant 0 : i32
        %dma_start3A_89 = tpu.memref_slice %arg3[%add3A, %add3A_77, %dma_start3A_87, %dma_start3A_88] : memref<32x40x128x32xf32, #tpu.memory_space<hbm>> -> memref<1x1x128x32xf32, #tpu.memory_space<hbm>>
        %dma_start3A_90 = tpu.memref_squeeze %dma_start3A_89 : memref<1x1x128x32xf32, #tpu.memory_space<hbm>> -> memref<128x32xf32, #tpu.memory_space<hbm>>
        %dma_start3A_91 = arith.constant 0 : i32
        %dma_start3A_92 = arith.constant 0 : i32
        %dma_start3A_93 = tpu.memref_slice %arg3[%add3A, %add3A_77, %dma_start3A_91, %dma_start3A_92] : memref<32x40x128x32xf32, #tpu.memory_space<hbm>> -> memref<1x1x128x32xf32, #tpu.memory_space<hbm>>
        %dma_start3A_94 = tpu.memref_squeeze %dma_start3A_93 : memref<1x1x128x32xf32, #tpu.memory_space<hbm>> -> memref<128x32xf32, #tpu.memory_space<hbm>>
        tpu.enqueue_dma source(%dma_start3A_94 : memref<128x32xf32, #tpu.memory_space<hbm>>) target(%arg12 : memref<128x32xf32, #tpu.memory_space<vmem>>) target_semaphore(%arg18 : memref<!tpu.dma_semaphore, #tpu.memory_space<semaphore_mem>>)
      } else {
      }
      %add3A_69 = arith.constant 1 : i32
      %add3A_70 = arith.addi %mul3A_35, %add3A_69 : i32
      %lt3A_71 = arith.constant 40 : i32
      %lt3A_72 = arith.cmpi slt, %add3A_70, %lt3A_71 : i32
      %convert_element_type3A_73 = arith.extui %lt3A_72 : i1 to i32
      %cond3A_74 = arith.constant 0 : i32
      %cond3A_75 = arith.cmpi ne, %convert_element_type3A_73, %cond3A_74 : i32
      scf.if %cond3A_75 {
        %add3A_76 = arith.constant 1 : i32
        %add3A_77 = arith.addi %mul3A_35, %add3A_76 : i32
        %dma_wait3A_78 = arith.constant 0 : i32
        %dma_wait3A_79 = arith.constant 0 : i32
        %dma_wait3A_80 = tpu.memref_slice %arg2[%dma_wait3A_78, %dma_wait3A_79] : memref<10000x272xf32, #tpu.memory_space<hbm>> -> memref<10000x272xf32, #tpu.memory_space<hbm>>
        tpu.wait_indirect_dma semaphore(%arg19 : memref<!tpu.dma_semaphore, #tpu.memory_space<semaphore_mem>>) src(%dma_wait3A_80 : memref<10000x272xf32, #tpu.memory_space<hbm>>) dst(%arg15 : memref<128x272xf32, #tpu.memory_space<vmem>>)
        %dma_wait3A_81 = arith.constant 0 : i32
        %dma_wait3A_82 = tpu.memref_slice %arg5[%add3A, %add3A_77, %dma_wait3A_81] : memref<32x40x128xi32, #tpu.memory_space<hbm>> -> memref<1x1x128xi32, #tpu.memory_space<hbm>>
        %dma_wait3A_83 = tpu.memref_squeeze %dma_wait3A_82 : memref<1x1x128xi32, #tpu.memory_space<hbm>> -> memref<128xi32, #tpu.memory_space<hbm>>
        %dma_wait3A_84 = arith.constant 0 : i32
        %dma_wait3A_85 = tpu.memref_slice %arg5[%add3A, %add3A_77, %dma_wait3A_84] : memref<32x40x128xi32, #tpu.memory_space<hbm>> -> memref<1x1x128xi32, #tpu.memory_space<hbm>>
        %dma_wait3A_86 = tpu.memref_squeeze %dma_wait3A_85 : memref<1x1x128xi32, #tpu.memory_space<hbm>> -> memref<128xi32, #tpu.memory_space<hbm>>
        tpu.wait_dma2 semaphore(%arg19 : memref<!tpu.dma_semaphore, #tpu.memory_space<semaphore_mem>>) src(%dma_wait3A_86 : memref<128xi32, #tpu.memory_space<hbm>>) dst(%arg11 : memref<128xi32, #tpu.memory_space<vmem>>)
        %dma_wait3A_87 = arith.constant 0 : i32
        %dma_wait3A_88 = arith.constant 0 : i32
        %dma_wait3A_89 = tpu.memref_slice %arg3[%add3A, %add3A_77, %dma_wait3A_87, %dma_wait3A_88] : memref<32x40x128x32xf32, #tpu.memory_space<hbm>> -> memref<1x1x128x32xf32, #tpu.memory_space<hbm>>
        %dma_wait3A_90 = tpu.memref_squeeze %dma_wait3A_89 : memref<1x1x128x32xf32, #tpu.memory_space<hbm>> -> memref<128x32xf32, #tpu.memory_space<hbm>>
        %dma_wait3A_91 = arith.constant 0 : i32
        %dma_wait3A_92 = arith.constant 0 : i32
        %dma_wait3A_93 = tpu.memref_slice %arg3[%add3A, %add3A_77, %dma_wait3A_91, %dma_wait3A_92] : memref<32x40x128x32xf32, #tpu.memory_space<hbm>> -> memref<1x1x128x32xf32, #tpu.memory_space<hbm>>
        %dma_wait3A_94 = tpu.memref_squeeze %dma_wait3A_93 : memref<1x1x128x32xf32, #tpu.memory_space<hbm>> -> memref<128x32xf32, #tpu.memory_space<hbm>>
        tpu.wait_dma2 semaphore(%arg19 : memref<!tpu.dma_semaphore, #tpu.memory_space<semaphore_mem>>) src(%dma_wait3A_94 : memref<128x32xf32, #tpu.memory_space<hbm>>) dst(%arg13 : memref<128x32xf32, #tpu.memory_space<vmem>>)
        %scan3A_95 = arith.constant 0 : i32
        %scan3A_96 = arith.constant 0 : i32
        %scan3A_97 = arith.constant 128 : i32
        %scan3A_98 = arith.addi %scan3A_96, %scan3A_97 : i32
        %scan3A_99 = arith.constant 2 : i32
        scf.for %scan3A_101 = %scan3A_96 to %scan3A_98 step %scan3A_99  : i32 {
          %get3A = arith.index_cast %scan3A_101 : i32 to index
          %get3A_102 = arith.constant 0 : index
          %get3A_103 = tpu.vector_load %arg13[%get3A, %get3A_102] {strides = array<i32>} : memref<128x32xf32, #tpu.memory_space<vmem>>, vector<1x16xf32>,
          %get3A_104 = vector.shape_cast %get3A_103 : vector<1x16xf32> to vector<16xf32>
          %get3A_105 = arith.index_cast %scan3A_101 : i32 to index
          %get3A_106 = arith.constant 16 : index
          %get3A_107 = tpu.vector_load %arg13[%get3A_105, %get3A_106] {strides = array<i32>} : memref<128x32xf32, #tpu.memory_space<vmem>>, vector<1x16xf32>,
          %get3A_108 = vector.shape_cast %get3A_107 : vector<1x16xf32> to vector<16xf32>
          %broadcast_in_dim3A = arith.constant 0 : i32
          %broadcast_in_dim3A_109 = vector.broadcast %broadcast_in_dim3A : i32 to vector<16xi32>
          %broadcast_in_dim3A_110 = vector.shape_cast %broadcast_in_dim3A_109 : vector<16xi32> to vector<16x1xi32>
          %gather3A = vector.shape_cast %broadcast_in_dim3A_110 : vector<16x1xi32> to vector<16xi32>
          %gather3A_111 = tpu.dynamic_gather %get3A_104[%gather3A] in [0] : vector<16xf32>, vector<16xi32> -> vector<16xf32>
          %get3A_112 = arith.index_cast %scan3A_101 : i32 to index
          %get3A_113 = arith.constant 0 : index
          %get3A_114 = tpu.vector_load %arg15[%get3A_112, %get3A_113] {strides = array<i32>} : memref<128x272xf32, #tpu.memory_space<vmem>>, vector<1x16xf32>,
          %get3A_115 = vector.shape_cast %get3A_114 : vector<1x16xf32> to vector<16xf32>
          %mul3A_116 = arith.mulf %gather3A_111, %get3A_115 : vector<16xf32>
          %broadcast_in_dim3A_117 = arith.constant 1 : i32
          %broadcast_in_dim3A_118 = vector.broadcast %broadcast_in_dim3A_117 : i32 to vector<16xi32>
          %broadcast_in_dim3A_119 = vector.shape_cast %broadcast_in_dim3A_118 : vector<16xi32> to vector<16x1xi32>
          %gather3A_120 = vector.shape_cast %broadcast_in_dim3A_119 : vector<16x1xi32> to vector<16xi32>
          %gather3A_121 = tpu.dynamic_gather %get3A_104[%gather3A_120] in [0] : vector<16xf32>, vector<16xi32> -> vector<16xf32>
          %get3A_122 = arith.index_cast %scan3A_101 : i32 to index
          %get3A_123 = arith.constant 16 : index
          %get3A_124 = tpu.vector_load %arg15[%get3A_122, %get3A_123] {strides = array<i32>} : memref<128x272xf32, #tpu.memory_space<vmem>>, vector<1x16xf32>,
          %get3A_125 = vector.shape_cast %get3A_124 : vector<1x16xf32> to vector<16xf32>
          %mul3A_126 = arith.mulf %gather3A_121, %get3A_125 : vector<16xf32>
          %broadcast_in_dim3A_127 = arith.constant 2 : i32
          %broadcast_in_dim3A_128 = vector.broadcast %broadcast_in_dim3A_127 : i32 to vector<16xi32>
          %broadcast_in_dim3A_129 = vector.shape_cast %broadcast_in_dim3A_128 : vector<16xi32> to vector<16x1xi32>
          %gather3A_130 = vector.shape_cast %broadcast_in_dim3A_129 : vector<16x1xi32> to vector<16xi32>
          %gather3A_131 = tpu.dynamic_gather %get3A_104[%gather3A_130] in [0] : vector<16xf32>, vector<16xi32> -> vector<16xf32>
          %get3A_132 = arith.index_cast %scan3A_101 : i32 to index
          %get3A_133 = arith.constant 32 : index
          %get3A_134 = tpu.vector_load %arg15[%get3A_132, %get3A_133] {strides = array<i32>} : memref<128x272xf32, #tpu.memory_space<vmem>>, vector<1x16xf32>,
          %get3A_135 = vector.shape_cast %get3A_134 : vector<1x16xf32> to vector<16xf32>
          %mul3A_136 = arith.mulf %gather3A_131, %get3A_135 : vector<16xf32>
          %broadcast_in_dim3A_137 = arith.constant 3 : i32
          %broadcast_in_dim3A_138 = vector.broadcast %broadcast_in_dim3A_137 : i32 to vector<16xi32>
          %broadcast_in_dim3A_139 = vector.shape_cast %broadcast_in_dim3A_138 : vector<16xi32> to vector<16x1xi32>
          %gather3A_140 = vector.shape_cast %broadcast_in_dim3A_139 : vector<16x1xi32> to vector<16xi32>
          %gather3A_141 = tpu.dynamic_gather %get3A_104[%gather3A_140] in [0] : vector<16xf32>, vector<16xi32> -> vector<16xf32>
          %get3A_142 = arith.index_cast %scan3A_101 : i32 to index
          %get3A_143 = arith.constant 48 : index
          %get3A_144 = tpu.vector_load %arg15[%get3A_142, %get3A_143] {strides = array<i32>} : memref<128x272xf32, #tpu.memory_space<vmem>>, vector<1x16xf32>,
          %get3A_145 = vector.shape_cast %get3A_144 : vector<1x16xf32> to vector<16xf32>
          %mul3A_146 = arith.mulf %gather3A_141, %get3A_145 : vector<16xf32>
          %broadcast_in_dim3A_147 = arith.constant 4 : i32
          %broadcast_in_dim3A_148 = vector.broadcast %broadcast_in_dim3A_147 : i32 to vector<16xi32>
          %broadcast_in_dim3A_149 = vector.shape_cast %broadcast_in_dim3A_148 : vector<16xi32> to vector<16x1xi32>
          %gather3A_150 = vector.shape_cast %broadcast_in_dim3A_149 : vector<16x1xi32> to vector<16xi32>
          %gather3A_151 = tpu.dynamic_gather %get3A_104[%gather3A_150] in [0] : vector<16xf32>, vector<16xi32> -> vector<16xf32>
          %get3A_152 = arith.index_cast %scan3A_101 : i32 to index
          %get3A_153 = arith.constant 64 : index
          %get3A_154 = tpu.vector_load %arg15[%get3A_152, %get3A_153] {strides = array<i32>} : memref<128x272xf32, #tpu.memory_space<vmem>>, vector<1x16xf32>,
          %get3A_155 = vector.shape_cast %get3A_154 : vector<1x16xf32> to vector<16xf32>
          %mul3A_156 = arith.mulf %gather3A_151, %get3A_155 : vector<16xf32>
          %broadcast_in_dim3A_157 = arith.constant 5 : i32
          %broadcast_in_dim3A_158 = vector.broadcast %broadcast_in_dim3A_157 : i32 to vector<16xi32>
          %broadcast_in_dim3A_159 = vector.shape_cast %broadcast_in_dim3A_158 : vector<16xi32> to vector<16x1xi32>
          %gather3A_160 = vector.shape_cast %broadcast_in_dim3A_159 : vector<16x1xi32> to vector<16xi32>
          %gather3A_161 = tpu.dynamic_gather %get3A_104[%gather3A_160] in [0] : vector<16xf32>, vector<16xi32> -> vector<16xf32>
          %get3A_162 = arith.index_cast %scan3A_101 : i32 to index
          %get3A_163 = arith.constant 80 : index
          %get3A_164 = tpu.vector_load %arg15[%get3A_162, %get3A_163] {strides = array<i32>} : memref<128x272xf32, #tpu.memory_space<vmem>>, vector<1x16xf32>,
          %get3A_165 = vector.shape_cast %get3A_164 : vector<1x16xf32> to vector<16xf32>
          %mul3A_166 = arith.mulf %gather3A_161, %get3A_165 : vector<16xf32>
          %broadcast_in_dim3A_167 = arith.constant 6 : i32
          %broadcast_in_dim3A_168 = vector.broadcast %broadcast_in_dim3A_167 : i32 to vector<16xi32>
          %broadcast_in_dim3A_169 = vector.shape_cast %broadcast_in_dim3A_168 : vector<16xi32> to vector<16x1xi32>
          %gather3A_170 = vector.shape_cast %broadcast_in_dim3A_169 : vector<16x1xi32> to vector<16xi32>
          %gather3A_171 = tpu.dynamic_gather %get3A_104[%gather3A_170] in [0] : vector<16xf32>, vector<16xi32> -> vector<16xf32>
          %get3A_172 = arith.index_cast %scan3A_101 : i32 to index
          %get3A_173 = arith.constant 96 : index
          %get3A_174 = tpu.vector_load %arg15[%get3A_172, %get3A_173] {strides = array<i32>} : memref<128x272xf32, #tpu.memory_space<vmem>>, vector<1x16xf32>,
          %get3A_175 = vector.shape_cast %get3A_174 : vector<1x16xf32> to vector<16xf32>
          %mul3A_176 = arith.mulf %gather3A_171, %get3A_175 : vector<16xf32>
          %broadcast_in_dim3A_177 = arith.constant 7 : i32
          %broadcast_in_dim3A_178 = vector.broadcast %broadcast_in_dim3A_177 : i32 to vector<16xi32>
          %broadcast_in_dim3A_179 = vector.shape_cast %broadcast_in_dim3A_178 : vector<16xi32> to vector<16x1xi32>
          %gather3A_180 = vector.shape_cast %broadcast_in_dim3A_179 : vector<16x1xi32> to vector<16xi32>
          %gather3A_181 = tpu.dynamic_gather %get3A_104[%gather3A_180] in [0] : vector<16xf32>, vector<16xi32> -> vector<16xf32>
          %get3A_182 = arith.index_cast %scan3A_101 : i32 to index
          %get3A_183 = arith.constant 112 : index
          %get3A_184 = tpu.vector_load %arg15[%get3A_182, %get3A_183] {strides = array<i32>} : memref<128x272xf32, #tpu.memory_space<vmem>>, vector<1x16xf32>,
          %get3A_185 = vector.shape_cast %get3A_184 : vector<1x16xf32> to vector<16xf32>
          %mul3A_186 = arith.mulf %gather3A_181, %get3A_185 : vector<16xf32>
          %broadcast_in_dim3A_187 = arith.constant 8 : i32
          %broadcast_in_dim3A_188 = vector.broadcast %broadcast_in_dim3A_187 : i32 to vector<16xi32>
          %broadcast_in_dim3A_189 = vector.shape_cast %broadcast_in_dim3A_188 : vector<16xi32> to vector<16x1xi32>
          %gather3A_190 = vector.shape_cast %broadcast_in_dim3A_189 : vector<16x1xi32> to vector<16xi32>
          %gather3A_191 = tpu.dynamic_gather %get3A_104[%gather3A_190] in [0] : vector<16xf32>, vector<16xi32> -> vector<16xf32>
          %get3A_192 = arith.index_cast %scan3A_101 : i32 to index
          %get3A_193 = arith.constant 128 : index
          %get3A_194 = tpu.vector_load %arg15[%get3A_192, %get3A_193] {strides = array<i32>} : memref<128x272xf32, #tpu.memory_space<vmem>>, vector<1x16xf32>,
          %get3A_195 = vector.shape_cast %get3A_194 : vector<1x16xf32> to vector<16xf32>
          %mul3A_196 = arith.mulf %gather3A_191, %get3A_195 : vector<16xf32>
          %broadcast_in_dim3A_197 = arith.constant 9 : i32
          %broadcast_in_dim3A_198 = vector.broadcast %broadcast_in_dim3A_197 : i32 to vector<16xi32>
          %broadcast_in_dim3A_199 = vector.shape_cast %broadcast_in_dim3A_198 : vector<16xi32> to vector<16x1xi32>
          %gather3A_200 = vector.shape_cast %broadcast_in_dim3A_199 : vector<16x1xi32> to vector<16xi32>
          %gather3A_201 = tpu.dynamic_gather %get3A_104[%gather3A_200] in [0] : vector<16xf32>, vector<16xi32> -> vector<16xf32>
          %get3A_202 = arith.index_cast %scan3A_101 : i32 to index
          %get3A_203 = arith.constant 144 : index
          %get3A_204 = tpu.vector_load %arg15[%get3A_202, %get3A_203] {strides = array<i32>} : memref<128x272xf32, #tpu.memory_space<vmem>>, vector<1x16xf32>,
          %get3A_205 = vector.shape_cast %get3A_204 : vector<1x16xf32> to vector<16xf32>
          %mul3A_206 = arith.mulf %gather3A_201, %get3A_205 : vector<16xf32>
          %broadcast_in_dim3A_207 = arith.constant 10 : i32
          %broadcast_in_dim3A_208 = vector.broadcast %broadcast_in_dim3A_207 : i32 to vector<16xi32>
          %broadcast_in_dim3A_209 = vector.shape_cast %broadcast_in_dim3A_208 : vector<16xi32> to vector<16x1xi32>
          %gather3A_210 = vector.shape_cast %broadcast_in_dim3A_209 : vector<16x1xi32> to vector<16xi32>
          %gather3A_211 = tpu.dynamic_gather %get3A_104[%gather3A_210] in [0] : vector<16xf32>, vector<16xi32> -> vector<16xf32>
          %get3A_212 = arith.index_cast %scan3A_101 : i32 to index
          %get3A_213 = arith.constant 160 : index
          %get3A_214 = tpu.vector_load %arg15[%get3A_212, %get3A_213] {strides = array<i32>} : memref<128x272xf32, #tpu.memory_space<vmem>>, vector<1x16xf32>,
          %get3A_215 = vector.shape_cast %get3A_214 : vector<1x16xf32> to vector<16xf32>
          %mul3A_216 = arith.mulf %gather3A_211, %get3A_215 : vector<16xf32>
          %broadcast_in_dim3A_217 = arith.constant 11 : i32
          %broadcast_in_dim3A_218 = vector.broadcast %broadcast_in_dim3A_217 : i32 to vector<16xi32>
          %broadcast_in_dim3A_219 = vector.shape_cast %broadcast_in_dim3A_218 : vector<16xi32> to vector<16x1xi32>
          %gather3A_220 = vector.shape_cast %broadcast_in_dim3A_219 : vector<16x1xi32> to vector<16xi32>
          %gather3A_221 = tpu.dynamic_gather %get3A_104[%gather3A_220] in [0] : vector<16xf32>, vector<16xi32> -> vector<16xf32>
          %get3A_222 = arith.index_cast %scan3A_101 : i32 to index
          %get3A_223 = arith.constant 176 : index
          %get3A_224 = tpu.vector_load %arg15[%get3A_222, %get3A_223] {strides = array<i32>} : memref<128x272xf32, #tpu.memory_space<vmem>>, vector<1x16xf32>,
          %get3A_225 = vector.shape_cast %get3A_224 : vector<1x16xf32> to vector<16xf32>
          %mul3A_226 = arith.mulf %gather3A_221, %get3A_225 : vector<16xf32>
          %broadcast_in_dim3A_227 = arith.constant 12 : i32
          %broadcast_in_dim3A_228 = vector.broadcast %broadcast_in_dim3A_227 : i32 to vector<16xi32>
          %broadcast_in_dim3A_229 = vector.shape_cast %broadcast_in_dim3A_228 : vector<16xi32> to vector<16x1xi32>
          %gather3A_230 = vector.shape_cast %broadcast_in_dim3A_229 : vector<16x1xi32> to vector<16xi32>
          %gather3A_231 = tpu.dynamic_gather %get3A_104[%gather3A_230] in [0] : vector<16xf32>, vector<16xi32> -> vector<16xf32>
          %get3A_232 = arith.index_cast %scan3A_101 : i32 to index
          %get3A_233 = arith.constant 192 : index
          %get3A_234 = tpu.vector_load %arg15[%get3A_232, %get3A_233] {strides = array<i32>} : memref<128x272xf32, #tpu.memory_space<vmem>>, vector<1x16xf32>,
          %get3A_235 = vector.shape_cast %get3A_234 : vector<1x16xf32> to vector<16xf32>
          %mul3A_236 = arith.mulf %gather3A_231, %get3A_235 : vector<16xf32>
          %broadcast_in_dim3A_237 = arith.constant 13 : i32
          %broadcast_in_dim3A_238 = vector.broadcast %broadcast_in_dim3A_237 : i32 to vector<16xi32>
          %broadcast_in_dim3A_239 = vector.shape_cast %broadcast_in_dim3A_238 : vector<16xi32> to vector<16x1xi32>
          %gather3A_240 = vector.shape_cast %broadcast_in_dim3A_239 : vector<16x1xi32> to vector<16xi32>
          %gather3A_241 = tpu.dynamic_gather %get3A_104[%gather3A_240] in [0] : vector<16xf32>, vector<16xi32> -> vector<16xf32>
          %get3A_242 = arith.index_cast %scan3A_101 : i32 to index
          %get3A_243 = arith.constant 208 : index
          %get3A_244 = tpu.vector_load %arg15[%get3A_242, %get3A_243] {strides = array<i32>} : memref<128x272xf32, #tpu.memory_space<vmem>>, vector<1x16xf32>,
          %get3A_245 = vector.shape_cast %get3A_244 : vector<1x16xf32> to vector<16xf32>
          %mul3A_246 = arith.mulf %gather3A_241, %get3A_245 : vector<16xf32>
          %broadcast_in_dim3A_247 = arith.constant 14 : i32
          %broadcast_in_dim3A_248 = vector.broadcast %broadcast_in_dim3A_247 : i32 to vector<16xi32>
          %broadcast_in_dim3A_249 = vector.shape_cast %broadcast_in_dim3A_248 : vector<16xi32> to vector<16x1xi32>
          %gather3A_250 = vector.shape_cast %broadcast_in_dim3A_249 : vector<16x1xi32> to vector<16xi32>
          %gather3A_251 = tpu.dynamic_gather %get3A_104[%gather3A_250] in [0] : vector<16xf32>, vector<16xi32> -> vector<16xf32>
          %get3A_252 = arith.index_cast %scan3A_101 : i32 to index
          %get3A_253 = arith.constant 224 : index
          %get3A_254 = tpu.vector_load %arg15[%get3A_252, %get3A_253] {strides = array<i32>} : memref<128x272xf32, #tpu.memory_space<vmem>>, vector<1x16xf32>,
          %get3A_255 = vector.shape_cast %get3A_254 : vector<1x16xf32> to vector<16xf32>
          %mul3A_256 = arith.mulf %gather3A_251, %get3A_255 : vector<16xf32>
          %broadcast_in_dim3A_257 = arith.constant 15 : i32
          %broadcast_in_dim3A_258 = vector.broadcast %broadcast_in_dim3A_257 : i32 to vector<16xi32>
          %broadcast_in_dim3A_259 = vector.shape_cast %broadcast_in_dim3A_258 : vector<16xi32> to vector<16x1xi32>
          %gather3A_260 = vector.shape_cast %broadcast_in_dim3A_259 : vector<16x1xi32> to vector<16xi32>
          %gather3A_261 = tpu.dynamic_gather %get3A_104[%gather3A_260] in [0] : vector<16xf32>, vector<16xi32> -> vector<16xf32>
          %get3A_262 = arith.index_cast %scan3A_101 : i32 to index
          %get3A_263 = arith.constant 240 : index
          %get3A_264 = tpu.vector_load %arg15[%get3A_262, %get3A_263] {strides = array<i32>} : memref<128x272xf32, #tpu.memory_space<vmem>>, vector<1x16xf32>,
          %get3A_265 = vector.shape_cast %get3A_264 : vector<1x16xf32> to vector<16xf32>
          %mul3A_266 = arith.mulf %gather3A_261, %get3A_265 : vector<16xf32>
          %broadcast_in_dim3A_267 = arith.constant 0 : i32
          %broadcast_in_dim3A_268 = vector.broadcast %broadcast_in_dim3A_267 : i32 to vector<16xi32>
          %broadcast_in_dim3A_269 = vector.shape_cast %broadcast_in_dim3A_268 : vector<16xi32> to vector<16x1xi32>
          %gather3A_270 = vector.shape_cast %broadcast_in_dim3A_269 : vector<16x1xi32> to vector<16xi32>
          %gather3A_271 = tpu.dynamic_gather %get3A_108[%gather3A_270] in [0] : vector<16xf32>, vector<16xi32> -> vector<16xf32>
          %get3A_272 = arith.index_cast %scan3A_101 : i32 to index
          %get3A_273 = arith.constant 256 : index
          %get3A_274 = tpu.vector_load %arg15[%get3A_272, %get3A_273] {strides = array<i32>} : memref<128x272xf32, #tpu.memory_space<vmem>>, vector<1x16xf32>,
          %get3A_275 = vector.shape_cast %get3A_274 : vector<1x16xf32> to vector<16xf32>
          %mul3A_276 = arith.mulf %gather3A_271, %get3A_275 : vector<16xf32>
          %add3A_277 = arith.addf %mul3A_116, %mul3A_126 : vector<16xf32>
          %add3A_278 = arith.addf %mul3A_136, %mul3A_146 : vector<16xf32>
          %add3A_279 = arith.addf %mul3A_156, %mul3A_166 : vector<16xf32>
          %add3A_280 = arith.addf %mul3A_176, %mul3A_186 : vector<16xf32>
          %add3A_281 = arith.addf %mul3A_196, %mul3A_206 : vector<16xf32>
          %add3A_282 = arith.addf %mul3A_216, %mul3A_226 : vector<16xf32>
          %add3A_283 = arith.addf %mul3A_236, %mul3A_246 : vector<16xf32>
          %add3A_284 = arith.addf %mul3A_256, %mul3A_266 : vector<16xf32>
          %add3A_285 = arith.addf %add3A_277, %add3A_278 : vector<16xf32>
          %add3A_286 = arith.addf %add3A_279, %add3A_280 : vector<16xf32>
          %add3A_287 = arith.addf %add3A_281, %add3A_282 : vector<16xf32>
          %add3A_288 = arith.addf %add3A_283, %add3A_284 : vector<16xf32>
          %add3A_289 = arith.addf %add3A_285, %add3A_286 : vector<16xf32>
          %add3A_290 = arith.addf %add3A_287, %add3A_288 : vector<16xf32>
          %add3A_291 = arith.addf %add3A_289, %add3A_290 : vector<16xf32>
          %add3A_292 = arith.addf %add3A_291, %mul3A_276 : vector<16xf32>
          %swap3A = arith.index_cast %scan3A_101 : i32 to index
          %swap3A_293 = arith.constant 0 : index
          %swap3A_294 = tpu.vector_load %arg16[%swap3A, %swap3A_293] {strides = array<i32>} : memref<128x16xf32, #tpu.memory_space<vmem>>, vector<1x16xf32>,
          %swap3A_295 = vector.shape_cast %swap3A_294 : vector<1x16xf32> to vector<16xf32>
          %swap3A_296 = vector.shape_cast %add3A_292 : vector<16xf32> to vector<1x16xf32>
          tpu.vector_store %arg16[%swap3A, %swap3A_293], %swap3A_296 {strides = array<i32>} : memref<128x16xf32, #tpu.memory_space<vmem>>, vector<1x16xf32>,
          %scan3A_297 = arith.constant 1 : i32
          %scan3A_298 = arith.addi %scan3A_101, %scan3A_297 : i32
          %get3A_299 = arith.index_cast %scan3A_298 : i32 to index
          %get3A_300 = arith.constant 0 : index
          %get3A_301 = tpu.vector_load %arg13[%get3A_299, %get3A_300] {strides = array<i32>} : memref<128x32xf32, #tpu.memory_space<vmem>>, vector<1x16xf32>,
          %get3A_302 = vector.shape_cast %get3A_301 : vector<1x16xf32> to vector<16xf32>
          %get3A_303 = arith.index_cast %scan3A_298 : i32 to index
          %get3A_304 = arith.constant 16 : index
          %get3A_305 = tpu.vector_load %arg13[%get3A_303, %get3A_304] {strides = array<i32>} : memref<128x32xf32, #tpu.memory_space<vmem>>, vector<1x16xf32>,
          %get3A_306 = vector.shape_cast %get3A_305 : vector<1x16xf32> to vector<16xf32>
          %broadcast_in_dim3A_307 = arith.constant 0 : i32
          %broadcast_in_dim3A_308 = vector.broadcast %broadcast_in_dim3A_307 : i32 to vector<16xi32>
          %broadcast_in_dim3A_309 = vector.shape_cast %broadcast_in_dim3A_308 : vector<16xi32> to vector<16x1xi32>
          %gather3A_310 = vector.shape_cast %broadcast_in_dim3A_309 : vector<16x1xi32> to vector<16xi32>
          %gather3A_311 = tpu.dynamic_gather %get3A_302[%gather3A_310] in [0] : vector<16xf32>, vector<16xi32> -> vector<16xf32>
          %get3A_312 = arith.index_cast %scan3A_298 : i32 to index
          %get3A_313 = arith.constant 0 : index
          %get3A_314 = tpu.vector_load %arg15[%get3A_312, %get3A_313] {strides = array<i32>} : memref<128x272xf32, #tpu.memory_space<vmem>>, vector<1x16xf32>,
          %get3A_315 = vector.shape_cast %get3A_314 : vector<1x16xf32> to vector<16xf32>
          %mul3A_316 = arith.mulf %gather3A_311, %get3A_315 : vector<16xf32>
          %broadcast_in_dim3A_317 = arith.constant 1 : i32
          %broadcast_in_dim3A_318 = vector.broadcast %broadcast_in_dim3A_317 : i32 to vector<16xi32>
          %broadcast_in_dim3A_319 = vector.shape_cast %broadcast_in_dim3A_318 : vector<16xi32> to vector<16x1xi32>
          %gather3A_320 = vector.shape_cast %broadcast_in_dim3A_319 : vector<16x1xi32> to vector<16xi32>
          %gather3A_321 = tpu.dynamic_gather %get3A_302[%gather3A_320] in [0] : vector<16xf32>, vector<16xi32> -> vector<16xf32>
          %get3A_322 = arith.index_cast %scan3A_298 : i32 to index
          %get3A_323 = arith.constant 16 : index
          %get3A_324 = tpu.vector_load %arg15[%get3A_322, %get3A_323] {strides = array<i32>} : memref<128x272xf32, #tpu.memory_space<vmem>>, vector<1x16xf32>,
          %get3A_325 = vector.shape_cast %get3A_324 : vector<1x16xf32> to vector<16xf32>
          %mul3A_326 = arith.mulf %gather3A_321, %get3A_325 : vector<16xf32>
          %broadcast_in_dim3A_327 = arith.constant 2 : i32
          %broadcast_in_dim3A_328 = vector.broadcast %broadcast_in_dim3A_327 : i32 to vector<16xi32>
          %broadcast_in_dim3A_329 = vector.shape_cast %broadcast_in_dim3A_328 : vector<16xi32> to vector<16x1xi32>
          %gather3A_330 = vector.shape_cast %broadcast_in_dim3A_329 : vector<16x1xi32> to vector<16xi32>
          %gather3A_331 = tpu.dynamic_gather %get3A_302[%gather3A_330] in [0] : vector<16xf32>, vector<16xi32> -> vector<16xf32>
          %get3A_332 = arith.index_cast %scan3A_298 : i32 to index
          %get3A_333 = arith.constant 32 : index
          %get3A_334 = tpu.vector_load %arg15[%get3A_332, %get3A_333] {strides = array<i32>} : memref<128x272xf32, #tpu.memory_space<vmem>>, vector<1x16xf32>,
          %get3A_335 = vector.shape_cast %get3A_334 : vector<1x16xf32> to vector<16xf32>
          %mul3A_336 = arith.mulf %gather3A_331, %get3A_335 : vector<16xf32>
          %broadcast_in_dim3A_337 = arith.constant 3 : i32
          %broadcast_in_dim3A_338 = vector.broadcast %broadcast_in_dim3A_337 : i32 to vector<16xi32>
          %broadcast_in_dim3A_339 = vector.shape_cast %broadcast_in_dim3A_338 : vector<16xi32> to vector<16x1xi32>
          %gather3A_340 = vector.shape_cast %broadcast_in_dim3A_339 : vector<16x1xi32> to vector<16xi32>
          %gather3A_341 = tpu.dynamic_gather %get3A_302[%gather3A_340] in [0] : vector<16xf32>, vector<16xi32> -> vector<16xf32>
          %get3A_342 = arith.index_cast %scan3A_298 : i32 to index
          %get3A_343 = arith.constant 48 : index
          %get3A_344 = tpu.vector_load %arg15[%get3A_342, %get3A_343] {strides = array<i32>} : memref<128x272xf32, #tpu.memory_space<vmem>>, vector<1x16xf32>,
          %get3A_345 = vector.shape_cast %get3A_344 : vector<1x16xf32> to vector<16xf32>
          %mul3A_346 = arith.mulf %gather3A_341, %get3A_345 : vector<16xf32>
          %broadcast_in_dim3A_347 = arith.constant 4 : i32
          %broadcast_in_dim3A_348 = vector.broadcast %broadcast_in_dim3A_347 : i32 to vector<16xi32>
          %broadcast_in_dim3A_349 = vector.shape_cast %broadcast_in_dim3A_348 : vector<16xi32> to vector<16x1xi32>
          %gather3A_350 = vector.shape_cast %broadcast_in_dim3A_349 : vector<16x1xi32> to vector<16xi32>
          %gather3A_351 = tpu.dynamic_gather %get3A_302[%gather3A_350] in [0] : vector<16xf32>, vector<16xi32> -> vector<16xf32>
          %get3A_352 = arith.index_cast %scan3A_298 : i32 to index
          %get3A_353 = arith.constant 64 : index
          %get3A_354 = tpu.vector_load %arg15[%get3A_352, %get3A_353] {strides = array<i32>} : memref<128x272xf32, #tpu.memory_space<vmem>>, vector<1x16xf32>,
          %get3A_355 = vector.shape_cast %get3A_354 : vector<1x16xf32> to vector<16xf32>
          %mul3A_356 = arith.mulf %gather3A_351, %get3A_355 : vector<16xf32>
          %broadcast_in_dim3A_357 = arith.constant 5 : i32
          %broadcast_in_dim3A_358 = vector.broadcast %broadcast_in_dim3A_357 : i32 to vector<16xi32>
          %broadcast_in_dim3A_359 = vector.shape_cast %broadcast_in_dim3A_358 : vector<16xi32> to vector<16x1xi32>
          %gather3A_360 = vector.shape_cast %broadcast_in_dim3A_359 : vector<16x1xi32> to vector<16xi32>
          %gather3A_361 = tpu.dynamic_gather %get3A_302[%gather3A_360] in [0] : vector<16xf32>, vector<16xi32> -> vector<16xf32>
          %get3A_362 = arith.index_cast %scan3A_298 : i32 to index
          %get3A_363 = arith.constant 80 : index
          %get3A_364 = tpu.vector_load %arg15[%get3A_362, %get3A_363] {strides = array<i32>} : memref<128x272xf32, #tpu.memory_space<vmem>>, vector<1x16xf32>,
          %get3A_365 = vector.shape_cast %get3A_364 : vector<1x16xf32> to vector<16xf32>
          %mul3A_366 = arith.mulf %gather3A_361, %get3A_365 : vector<16xf32>
          %broadcast_in_dim3A_367 = arith.constant 6 : i32
          %broadcast_in_dim3A_368 = vector.broadcast %broadcast_in_dim3A_367 : i32 to vector<16xi32>
          %broadcast_in_dim3A_369 = vector.shape_cast %broadcast_in_dim3A_368 : vector<16xi32> to vector<16x1xi32>
          %gather3A_370 = vector.shape_cast %broadcast_in_dim3A_369 : vector<16x1xi32> to vector<16xi32>
          %gather3A_371 = tpu.dynamic_gather %get3A_302[%gather3A_370] in [0] : vector<16xf32>, vector<16xi32> -> vector<16xf32>
          %get3A_372 = arith.index_cast %scan3A_298 : i32 to index
          %get3A_373 = arith.constant 96 : index
          %get3A_374 = tpu.vector_load %arg15[%get3A_372, %get3A_373] {strides = array<i32>} : memref<128x272xf32, #tpu.memory_space<vmem>>, vector<1x16xf32>,
          %get3A_375 = vector.shape_cast %get3A_374 : vector<1x16xf32> to vector<16xf32>
          %mul3A_376 = arith.mulf %gather3A_371, %get3A_375 : vector<16xf32>
          %broadcast_in_dim3A_377 = arith.constant 7 : i32
          %broadcast_in_dim3A_378 = vector.broadcast %broadcast_in_dim3A_377 : i32 to vector<16xi32>
          %broadcast_in_dim3A_379 = vector.shape_cast %broadcast_in_dim3A_378 : vector<16xi32> to vector<16x1xi32>
          %gather3A_380 = vector.shape_cast %broadcast_in_dim3A_379 : vector<16x1xi32> to vector<16xi32>
          %gather3A_381 = tpu.dynamic_gather %get3A_302[%gather3A_380] in [0] : vector<16xf32>, vector<16xi32> -> vector<16xf32>
          %get3A_382 = arith.index_cast %scan3A_298 : i32 to index
          %get3A_383 = arith.constant 112 : index
          %get3A_384 = tpu.vector_load %arg15[%get3A_382, %get3A_383] {strides = array<i32>} : memref<128x272xf32, #tpu.memory_space<vmem>>, vector<1x16xf32>,
          %get3A_385 = vector.shape_cast %get3A_384 : vector<1x16xf32> to vector<16xf32>
          %mul3A_386 = arith.mulf %gather3A_381, %get3A_385 : vector<16xf32>
          %broadcast_in_dim3A_387 = arith.constant 8 : i32
          %broadcast_in_dim3A_388 = vector.broadcast %broadcast_in_dim3A_387 : i32 to vector<16xi32>
          %broadcast_in_dim3A_389 = vector.shape_cast %broadcast_in_dim3A_388 : vector<16xi32> to vector<16x1xi32>
          %gather3A_390 = vector.shape_cast %broadcast_in_dim3A_389 : vector<16x1xi32> to vector<16xi32>
          %gather3A_391 = tpu.dynamic_gather %get3A_302[%gather3A_390] in [0] : vector<16xf32>, vector<16xi32> -> vector<16xf32>
          %get3A_392 = arith.index_cast %scan3A_298 : i32 to index
          %get3A_393 = arith.constant 128 : index
          %get3A_394 = tpu.vector_load %arg15[%get3A_392, %get3A_393] {strides = array<i32>} : memref<128x272xf32, #tpu.memory_space<vmem>>, vector<1x16xf32>,
          %get3A_395 = vector.shape_cast %get3A_394 : vector<1x16xf32> to vector<16xf32>
          %mul3A_396 = arith.mulf %gather3A_391, %get3A_395 : vector<16xf32>
          %broadcast_in_dim3A_397 = arith.constant 9 : i32
          %broadcast_in_dim3A_398 = vector.broadcast %broadcast_in_dim3A_397 : i32 to vector<16xi32>
          %broadcast_in_dim3A_399 = vector.shape_cast %broadcast_in_dim3A_398 : vector<16xi32> to vector<16x1xi32>
          %gather3A_400 = vector.shape_cast %broadcast_in_dim3A_399 : vector<16x1xi32> to vector<16xi32>
          %gather3A_401 = tpu.dynamic_gather %get3A_302[%gather3A_400] in [0] : vector<16xf32>, vector<16xi32> -> vector<16xf32>
          %get3A_402 = arith.index_cast %scan3A_298 : i32 to index
          %get3A_403 = arith.constant 144 : index
          %get3A_404 = tpu.vector_load %arg15[%get3A_402, %get3A_403] {strides = array<i32>} : memref<128x272xf32, #tpu.memory_space<vmem>>, vector<1x16xf32>,
          %get3A_405 = vector.shape_cast %get3A_404 : vector<1x16xf32> to vector<16xf32>
          %mul3A_406 = arith.mulf %gather3A_401, %get3A_405 : vector<16xf32>
          %broadcast_in_dim3A_407 = arith.constant 10 : i32
          %broadcast_in_dim3A_408 = vector.broadcast %broadcast_in_dim3A_407 : i32 to vector<16xi32>
          %broadcast_in_dim3A_409 = vector.shape_cast %broadcast_in_dim3A_408 : vector<16xi32> to vector<16x1xi32>
          %gather3A_410 = vector.shape_cast %broadcast_in_dim3A_409 : vector<16x1xi32> to vector<16xi32>
          %gather3A_411 = tpu.dynamic_gather %get3A_302[%gather3A_410] in [0] : vector<16xf32>, vector<16xi32> -> vector<16xf32>
          %get3A_412 = arith.index_cast %scan3A_298 : i32 to index
          %get3A_413 = arith.constant 160 : index
          %get3A_414 = tpu.vector_load %arg15[%get3A_412, %get3A_413] {strides = array<i32>} : memref<128x272xf32, #tpu.memory_space<vmem>>, vector<1x16xf32>,
          %get3A_415 = vector.shape_cast %get3A_414 : vector<1x16xf32> to vector<16xf32>
          %mul3A_416 = arith.mulf %gather3A_411, %get3A_415 : vector<16xf32>
          %broadcast_in_dim3A_417 = arith.constant 11 : i32
          %broadcast_in_dim3A_418 = vector.broadcast %broadcast_in_dim3A_417 : i32 to vector<16xi32>
          %broadcast_in_dim3A_419 = vector.shape_cast %broadcast_in_dim3A_418 : vector<16xi32> to vector<16x1xi32>
          %gather3A_420 = vector.shape_cast %broadcast_in_dim3A_419 : vector<16x1xi32> to vector<16xi32>
          %gather3A_421 = tpu.dynamic_gather %get3A_302[%gather3A_420] in [0] : vector<16xf32>, vector<16xi32> -> vector<16xf32>
          %get3A_422 = arith.index_cast %scan3A_298 : i32 to index
          %get3A_423 = arith.constant 176 : index
          %get3A_424 = tpu.vector_load %arg15[%get3A_422, %get3A_423] {strides = array<i32>} : memref<128x272xf32, #tpu.memory_space<vmem>>, vector<1x16xf32>,
          %get3A_425 = vector.shape_cast %get3A_424 : vector<1x16xf32> to vector<16xf32>
          %mul3A_426 = arith.mulf %gather3A_421, %get3A_425 : vector<16xf32>
          %broadcast_in_dim3A_427 = arith.constant 12 : i32
          %broadcast_in_dim3A_428 = vector.broadcast %broadcast_in_dim3A_427 : i32 to vector<16xi32>
          %broadcast_in_dim3A_429 = vector.shape_cast %broadcast_in_dim3A_428 : vector<16xi32> to vector<16x1xi32>
          %gather3A_430 = vector.shape_cast %broadcast_in_dim3A_429 : vector<16x1xi32> to vector<16xi32>
          %gather3A_431 = tpu.dynamic_gather %get3A_302[%gather3A_430] in [0] : vector<16xf32>, vector<16xi32> -> vector<16xf32>
          %get3A_432 = arith.index_cast %scan3A_298 : i32 to index
          %get3A_433 = arith.constant 192 : index
          %get3A_434 = tpu.vector_load %arg15[%get3A_432, %get3A_433] {strides = array<i32>} : memref<128x272xf32, #tpu.memory_space<vmem>>, vector<1x16xf32>,
          %get3A_435 = vector.shape_cast %get3A_434 : vector<1x16xf32> to vector<16xf32>
          %mul3A_436 = arith.mulf %gather3A_431, %get3A_435 : vector<16xf32>
          %broadcast_in_dim3A_437 = arith.constant 13 : i32
          %broadcast_in_dim3A_438 = vector.broadcast %broadcast_in_dim3A_437 : i32 to vector<16xi32>
          %broadcast_in_dim3A_439 = vector.shape_cast %broadcast_in_dim3A_438 : vector<16xi32> to vector<16x1xi32>
          %gather3A_440 = vector.shape_cast %broadcast_in_dim3A_439 : vector<16x1xi32> to vector<16xi32>
          %gather3A_441 = tpu.dynamic_gather %get3A_302[%gather3A_440] in [0] : vector<16xf32>, vector<16xi32> -> vector<16xf32>
          %get3A_442 = arith.index_cast %scan3A_298 : i32 to index
          %get3A_443 = arith.constant 208 : index
          %get3A_444 = tpu.vector_load %arg15[%get3A_442, %get3A_443] {strides = array<i32>} : memref<128x272xf32, #tpu.memory_space<vmem>>, vector<1x16xf32>,
          %get3A_445 = vector.shape_cast %get3A_444 : vector<1x16xf32> to vector<16xf32>
          %mul3A_446 = arith.mulf %gather3A_441, %get3A_445 : vector<16xf32>
          %broadcast_in_dim3A_447 = arith.constant 14 : i32
          %broadcast_in_dim3A_448 = vector.broadcast %broadcast_in_dim3A_447 : i32 to vector<16xi32>
          %broadcast_in_dim3A_449 = vector.shape_cast %broadcast_in_dim3A_448 : vector<16xi32> to vector<16x1xi32>
          %gather3A_450 = vector.shape_cast %broadcast_in_dim3A_449 : vector<16x1xi32> to vector<16xi32>
          %gather3A_451 = tpu.dynamic_gather %get3A_302[%gather3A_450] in [0] : vector<16xf32>, vector<16xi32> -> vector<16xf32>
          %get3A_452 = arith.index_cast %scan3A_298 : i32 to index
          %get3A_453 = arith.constant 224 : index
          %get3A_454 = tpu.vector_load %arg15[%get3A_452, %get3A_453] {strides = array<i32>} : memref<128x272xf32, #tpu.memory_space<vmem>>, vector<1x16xf32>,
          %get3A_455 = vector.shape_cast %get3A_454 : vector<1x16xf32> to vector<16xf32>
          %mul3A_456 = arith.mulf %gather3A_451, %get3A_455 : vector<16xf32>
          %broadcast_in_dim3A_457 = arith.constant 15 : i32
          %broadcast_in_dim3A_458 = vector.broadcast %broadcast_in_dim3A_457 : i32 to vector<16xi32>
          %broadcast_in_dim3A_459 = vector.shape_cast %broadcast_in_dim3A_458 : vector<16xi32> to vector<16x1xi32>
          %gather3A_460 = vector.shape_cast %broadcast_in_dim3A_459 : vector<16x1xi32> to vector<16xi32>
          %gather3A_461 = tpu.dynamic_gather %get3A_302[%gather3A_460] in [0] : vector<16xf32>, vector<16xi32> -> vector<16xf32>
          %get3A_462 = arith.index_cast %scan3A_298 : i32 to index
          %get3A_463 = arith.constant 240 : index
          %get3A_464 = tpu.vector_load %arg15[%get3A_462, %get3A_463] {strides = array<i32>} : memref<128x272xf32, #tpu.memory_space<vmem>>, vector<1x16xf32>,
          %get3A_465 = vector.shape_cast %get3A_464 : vector<1x16xf32> to vector<16xf32>
          %mul3A_466 = arith.mulf %gather3A_461, %get3A_465 : vector<16xf32>
          %broadcast_in_dim3A_467 = arith.constant 0 : i32
          %broadcast_in_dim3A_468 = vector.broadcast %broadcast_in_dim3A_467 : i32 to vector<16xi32>
          %broadcast_in_dim3A_469 = vector.shape_cast %broadcast_in_dim3A_468 : vector<16xi32> to vector<16x1xi32>
          %gather3A_470 = vector.shape_cast %broadcast_in_dim3A_469 : vector<16x1xi32> to vector<16xi32>
          %gather3A_471 = tpu.dynamic_gather %get3A_306[%gather3A_470] in [0] : vector<16xf32>, vector<16xi32> -> vector<16xf32>
          %get3A_472 = arith.index_cast %scan3A_298 : i32 to index
          %get3A_473 = arith.constant 256 : index
          %get3A_474 = tpu.vector_load %arg15[%get3A_472, %get3A_473] {strides = array<i32>} : memref<128x272xf32, #tpu.memory_space<vmem>>, vector<1x16xf32>,
          %get3A_475 = vector.shape_cast %get3A_474 : vector<1x16xf32> to vector<16xf32>
          %mul3A_476 = arith.mulf %gather3A_471, %get3A_475 : vector<16xf32>
          %add3A_477 = arith.addf %mul3A_316, %mul3A_326 : vector<16xf32>
          %add3A_478 = arith.addf %mul3A_336, %mul3A_346 : vector<16xf32>
          %add3A_479 = arith.addf %mul3A_356, %mul3A_366 : vector<16xf32>
          %add3A_480 = arith.addf %mul3A_376, %mul3A_386 : vector<16xf32>
          %add3A_481 = arith.addf %mul3A_396, %mul3A_406 : vector<16xf32>
          %add3A_482 = arith.addf %mul3A_416, %mul3A_426 : vector<16xf32>
          %add3A_483 = arith.addf %mul3A_436, %mul3A_446 : vector<16xf32>
          %add3A_484 = arith.addf %mul3A_456, %mul3A_466 : vector<16xf32>
          %add3A_485 = arith.addf %add3A_477, %add3A_478 : vector<16xf32>
          %add3A_486 = arith.addf %add3A_479, %add3A_480 : vector<16xf32>
          %add3A_487 = arith.addf %add3A_481, %add3A_482 : vector<16xf32>
          %add3A_488 = arith.addf %add3A_483, %add3A_484 : vector<16xf32>
          %add3A_489 = arith.addf %add3A_485, %add3A_486 : vector<16xf32>
          %add3A_490 = arith.addf %add3A_487, %add3A_488 : vector<16xf32>
          %add3A_491 = arith.addf %add3A_489, %add3A_490 : vector<16xf32>
          %add3A_492 = arith.addf %add3A_491, %mul3A_476 : vector<16xf32>
          %swap3A_493 = arith.index_cast %scan3A_298 : i32 to index
          %swap3A_494 = arith.constant 0 : index
          %swap3A_495 = tpu.vector_load %arg16[%swap3A_493, %swap3A_494] {strides = array<i32>} : memref<128x16xf32, #tpu.memory_space<vmem>>, vector<1x16xf32>,
          %swap3A_496 = vector.shape_cast %swap3A_495 : vector<1x16xf32> to vector<16xf32>
          %swap3A_497 = vector.shape_cast %add3A_492 : vector<16xf32> to vector<1x16xf32>
          tpu.vector_store %arg16[%swap3A_493, %swap3A_494], %swap3A_497 {strides = array<i32>} : memref<128x16xf32, #tpu.memory_space<vmem>>, vector<1x16xf32>,
        }
        %scan3A_100 = arith.constant 128 : i32
        "tpu.region"() ({
          %run_scoped3A_101 = tpu.sem_alloc : memref<!tpu.dma_semaphore, #tpu.memory_space<semaphore_mem>>
          %dma_start3A_102 = arith.constant 0 : i32
          %dma_start3A_103 = arith.constant 0 : i32
          %dma_start3A_104 = tpu.memref_slice %arg17[%dma_start3A_102, %dma_start3A_103] : memref<10240x16xf32, #tpu.memory_space<vmem_shared>> -> memref<10240x16xf32, #tpu.memory_space<vmem_shared>>
          tpu.enqueue_indirect_dma source(%arg16 : memref<128x16xf32, #tpu.memory_space<vmem>>) target(%dma_start3A_104 : memref<10240x16xf32, #tpu.memory_space<vmem_shared>>) offsets(%arg11 : memref<128xi32, #tpu.memory_space<vmem>>) semaphore(%run_scoped3A_101 : memref<!tpu.dma_semaphore, #tpu.memory_space<semaphore_mem>>) {add = true}
          %dma_wait3A_105 = arith.constant 0 : i32
          %dma_wait3A_106 = arith.constant 0 : i32
          %dma_wait3A_107 = tpu.memref_slice %arg17[%dma_wait3A_105, %dma_wait3A_106] : memref<10240x16xf32, #tpu.memory_space<vmem_shared>> -> memref<10240x16xf32, #tpu.memory_space<vmem_shared>>
          tpu.wait_indirect_dma semaphore(%run_scoped3A_101 : memref<!tpu.dma_semaphore, #tpu.memory_space<semaphore_mem>>) src(%arg16 : memref<128x16xf32, #tpu.memory_space<vmem>>) dst(%dma_wait3A_107 : memref<10240x16xf32, #tpu.memory_space<vmem_shared>>)
          tpu.yield
        }) : () -> ()
      } else {
      }
    }
    %scan3A_27 = arith.constant 20 : i32
    %barrier3A_28 = arith.constant 0 : index
    tpu.barrier barrier_id(%barrier3A_28)
    %mul3A_29 = arith.constant 640 : i32
    %mul3A_30 = arith.muli %arg1, %mul3A_29 : i32
    %mul3A_31 = arith.constant 640 : i32
    %mul3A_32 = arith.muli %arg1, %mul3A_31 : i32
    "tpu.region"() ({
      %run_scoped3A_33 = tpu.sem_alloc : memref<!tpu.dma_semaphore, #tpu.memory_space<semaphore_mem>>
      %dma_start3A_34 = arith.constant 0 : i32
      %dma_start3A_35 = tpu.memref_slice %arg7[%arg0, %mul3A_32, %dma_start3A_34] : memref<2x10240x16xf32, #tpu.memory_space<hbm>> -> memref<1x640x16xf32, #tpu.memory_space<hbm>>
      %dma_start3A_36 = tpu.memref_squeeze %dma_start3A_35 : memref<1x640x16xf32, #tpu.memory_space<hbm>> -> memref<640x16xf32, #tpu.memory_space<hbm>>
      %dma_start3A_37 = arith.constant 0 : i32
      %dma_start3A_38 = tpu.memref_slice %arg17[%mul3A_30, %dma_start3A_37] : memref<10240x16xf32, #tpu.memory_space<vmem_shared>> -> memref<640x16xf32, #tpu.memory_space<vmem_shared>>
      tpu.enqueue_dma source(%dma_start3A_38 : memref<640x16xf32, #tpu.memory_space<vmem_shared>>) target(%dma_start3A_36 : memref<640x16xf32, #tpu.memory_space<hbm>>) target_semaphore(%run_scoped3A_33 : memref<!tpu.dma_semaphore, #tpu.memory_space<semaphore_mem>>)
      %dma_wait3A = arith.constant 0 : i32
      %dma_wait3A_39 = tpu.memref_slice %arg7[%arg0, %mul3A_32, %dma_wait3A] : memref<2x10240x16xf32, #tpu.memory_space<hbm>> -> memref<1x640x16xf32, #tpu.memory_space<hbm>>
      %dma_wait3A_40 = tpu.memref_squeeze %dma_wait3A_39 : memref<1x640x16xf32, #tpu.memory_space<hbm>> -> memref<640x16xf32, #tpu.memory_space<hbm>>
      %dma_wait3A_41 = arith.constant 0 : i32
      %dma_wait3A_42 = tpu.memref_slice %arg17[%mul3A_30, %dma_wait3A_41] : memref<10240x16xf32, #tpu.memory_space<vmem_shared>> -> memref<640x16xf32, #tpu.memory_space<vmem_shared>>
      tpu.wait_dma2 semaphore(%run_scoped3A_33 : memref<!tpu.dma_semaphore, #tpu.memory_space<semaphore_mem>>) src(%dma_wait3A_42 : memref<640x16xf32, #tpu.memory_space<vmem_shared>>) dst(%dma_wait3A_40 : memref<640x16xf32, #tpu.memory_space<hbm>>)
      tpu.yield
    }) : () -> ()
    return
  }
}

#map = affine_map<(d0, d1) -> (0, 0)>
#map1 = affine_map<(d0, d1) -> (0, 0, 0, 0)>
#map2 = affine_map<(d0, d1) -> (0, 0, 0)>
module attributes {stable_mosaic.version = 14 : i64} {
  func.func @_edge_body(%arg0: i32, %arg1: i32, %arg2: memref<10000x272xf32, #tpu.memory_space<hbm>>, %arg3: memref<32x40x128x32xf32, #tpu.memory_space<hbm>>, %arg4: memref<32x40x128xi32, #tpu.memory_space<hbm>>, %arg5: memref<32x40x128xi32, #tpu.memory_space<hbm>>, %arg6: memref<10240x16xf32, #tpu.memory_space<hbm>>, %arg7: memref<2x10240x16xf32, #tpu.memory_space<hbm>>, %arg8: memref<128xi32, #tpu.memory_space<vmem>>, %arg9: memref<128xi32, #tpu.memory_space<vmem>>, %arg10: memref<128xi32, #tpu.memory_space<vmem>>, %arg11: memref<128xi32, #tpu.memory_space<vmem>>, %arg12: memref<128x32xf32, #tpu.memory_space<vmem>>, %arg13: memref<128x32xf32, #tpu.memory_space<vmem>>, %arg14: memref<128x272xf32, #tpu.memory_space<vmem>>, %arg15: memref<128x272xf32, #tpu.memory_space<vmem>>, %arg16: memref<128x16xf32, #tpu.memory_space<vmem>>, %arg17: memref<10240x16xf32, #tpu.memory_space<vmem_shared>>, %arg18: memref<!tpu.dma_semaphore, #tpu.memory_space<semaphore_mem>>, %arg19: memref<!tpu.dma_semaphore, #tpu.memory_space<semaphore_mem>>) attributes {dimension_semantics = [#tpu.dimension_semantics<core_parallel>, #tpu.dimension_semantics<subcore_parallel>], iteration_bounds = array<i64: 2, 16>, scalar_prefetch = 0 : i64, scratch_operands = 12 : i64, tpu.core_type = #tpu.core_type<sc_vector_subcore>, window_params = [{transform_indices = #map}, {transform_indices = #map1}, {transform_indices = #map2}, {transform_indices = #map2}, {transform_indices = #map}, {transform_indices = #map2}]} {
    %mul3A = arith.constant 2 : i32
    %mul3A_0 = arith.muli %arg1, %mul3A : i32
    %add3A = arith.addi %mul3A_0, %arg0 : i32
    %mul3A_1 = arith.constant 640 : i32
    %mul3A_2 = arith.muli %arg1, %mul3A_1 : i32
    %mul3A_3 = arith.constant 640 : i32
    %mul3A_4 = arith.muli %arg1, %mul3A_3 : i32
    "tpu.region"() ({
      %run_scoped3A_33 = tpu.sem_alloc : memref<!tpu.dma_semaphore, #tpu.memory_space<semaphore_mem>>
      %dma_start3A_34 = arith.constant 0 : i32
      %dma_start3A_35 = tpu.memref_slice %arg17[%mul3A_4, %dma_start3A_34] : memref<10240x16xf32, #tpu.memory_space<vmem_shared>> -> memref<640x16xf32, #tpu.memory_space<vmem_shared>>
      %dma_start3A_36 = arith.constant 0 : i32
      %dma_start3A_37 = tpu.memref_slice %arg6[%mul3A_2, %dma_start3A_36] : memref<10240x16xf32, #tpu.memory_space<hbm>> -> memref<640x16xf32, #tpu.memory_space<hbm>>
      tpu.enqueue_dma source(%dma_start3A_37 : memref<640x16xf32, #tpu.memory_space<hbm>>) target(%dma_start3A_35 : memref<640x16xf32, #tpu.memory_space<vmem_shared>>) target_semaphore(%run_scoped3A_33 : memref<!tpu.dma_semaphore, #tpu.memory_space<semaphore_mem>>)
      %dma_wait3A = arith.constant 0 : i32
      %dma_wait3A_38 = tpu.memref_slice %arg17[%mul3A_4, %dma_wait3A] : memref<10240x16xf32, #tpu.memory_space<vmem_shared>> -> memref<640x16xf32, #tpu.memory_space<vmem_shared>>
      %dma_wait3A_39 = arith.constant 0 : i32
      %dma_wait3A_40 = tpu.memref_slice %arg6[%mul3A_2, %dma_wait3A_39] : memref<10240x16xf32, #tpu.memory_space<hbm>> -> memref<640x16xf32, #tpu.memory_space<hbm>>
      tpu.wait_dma2 semaphore(%run_scoped3A_33 : memref<!tpu.dma_semaphore, #tpu.memory_space<semaphore_mem>>) src(%dma_wait3A_40 : memref<640x16xf32, #tpu.memory_space<hbm>>) dst(%dma_wait3A_38 : memref<640x16xf32, #tpu.memory_space<vmem_shared>>)
      tpu.yield
    }) : () -> ()
    %barrier3A = arith.constant 0 : index
    tpu.barrier barrier_id(%barrier3A)
    %run_scoped3A = arith.constant 0 : i32
    "tpu.region"() ({
      %run_scoped3A_33 = tpu.sem_alloc : memref<!tpu.dma_semaphore, #tpu.memory_space<semaphore_mem>>
      %dma_start3A_34 = arith.constant 0 : i32
      %dma_start3A_35 = tpu.memref_slice %arg4[%add3A, %run_scoped3A, %dma_start3A_34] : memref<32x40x128xi32, #tpu.memory_space<hbm>> -> memref<1x1x128xi32, #tpu.memory_space<hbm>>
      %dma_start3A_36 = tpu.memref_squeeze %dma_start3A_35 : memref<1x1x128xi32, #tpu.memory_space<hbm>> -> memref<128xi32, #tpu.memory_space<hbm>>
      %dma_start3A_37 = arith.constant 0 : i32
      %dma_start3A_38 = tpu.memref_slice %arg4[%add3A, %run_scoped3A, %dma_start3A_37] : memref<32x40x128xi32, #tpu.memory_space<hbm>> -> memref<1x1x128xi32, #tpu.memory_space<hbm>>
      %dma_start3A_39 = tpu.memref_squeeze %dma_start3A_38 : memref<1x1x128xi32, #tpu.memory_space<hbm>> -> memref<128xi32, #tpu.memory_space<hbm>>
      tpu.enqueue_dma source(%dma_start3A_39 : memref<128xi32, #tpu.memory_space<hbm>>) target(%arg8 : memref<128xi32, #tpu.memory_space<vmem>>) target_semaphore(%run_scoped3A_33 : memref<!tpu.dma_semaphore, #tpu.memory_space<semaphore_mem>>)
      %dma_wait3A = arith.constant 0 : i32
      %dma_wait3A_40 = tpu.memref_slice %arg4[%add3A, %run_scoped3A, %dma_wait3A] : memref<32x40x128xi32, #tpu.memory_space<hbm>> -> memref<1x1x128xi32, #tpu.memory_space<hbm>>
      %dma_wait3A_41 = tpu.memref_squeeze %dma_wait3A_40 : memref<1x1x128xi32, #tpu.memory_space<hbm>> -> memref<128xi32, #tpu.memory_space<hbm>>
      %dma_wait3A_42 = arith.constant 0 : i32
      %dma_wait3A_43 = tpu.memref_slice %arg4[%add3A, %run_scoped3A, %dma_wait3A_42] : memref<32x40x128xi32, #tpu.memory_space<hbm>> -> memref<1x1x128xi32, #tpu.memory_space<hbm>>
      %dma_wait3A_44 = tpu.memref_squeeze %dma_wait3A_43 : memref<1x1x128xi32, #tpu.memory_space<hbm>> -> memref<128xi32, #tpu.memory_space<hbm>>
      tpu.wait_dma2 semaphore(%run_scoped3A_33 : memref<!tpu.dma_semaphore, #tpu.memory_space<semaphore_mem>>) src(%dma_wait3A_44 : memref<128xi32, #tpu.memory_space<hbm>>) dst(%arg8 : memref<128xi32, #tpu.memory_space<vmem>>)
      tpu.yield
    }) : () -> ()
    %dma_start3A = arith.constant 0 : i32
    %dma_start3A_5 = arith.constant 0 : i32
    %dma_start3A_6 = tpu.memref_slice %arg2[%dma_start3A, %dma_start3A_5] : memref<10000x272xf32, #tpu.memory_space<hbm>> -> memref<10000x272xf32, #tpu.memory_space<hbm>>
    tpu.enqueue_indirect_dma source(%dma_start3A_6 : memref<10000x272xf32, #tpu.memory_space<hbm>>) target(%arg14 : memref<128x272xf32, #tpu.memory_space<vmem>>) offsets(%arg8 : memref<128xi32, #tpu.memory_space<vmem>>) semaphore(%arg18 : memref<!tpu.dma_semaphore, #tpu.memory_space<semaphore_mem>>)
    %dma_start3A_7 = arith.constant 0 : i32
    %dma_start3A_8 = arith.constant 0 : i32
    %dma_start3A_9 = tpu.memref_slice %arg5[%add3A, %dma_start3A_7, %dma_start3A_8] : memref<32x40x128xi32, #tpu.memory_space<hbm>> -> memref<1x1x128xi32, #tpu.memory_space<hbm>>
    %dma_start3A_10 = tpu.memref_squeeze %dma_start3A_9 : memref<1x1x128xi32, #tpu.memory_space<hbm>> -> memref<128xi32, #tpu.memory_space<hbm>>
    %dma_start3A_11 = arith.constant 0 : i32
    %dma_start3A_12 = tpu.memref_slice %arg5[%add3A, %dma_start3A_7, %dma_start3A_11] : memref<32x40x128xi32, #tpu.memory_space<hbm>> -> memref<1x1x128xi32, #tpu.memory_space<hbm>>
    %dma_start3A_13 = tpu.memref_squeeze %dma_start3A_12 : memref<1x1x128xi32, #tpu.memory_space<hbm>> -> memref<128xi32, #tpu.memory_space<hbm>>
    tpu.enqueue_dma source(%dma_start3A_13 : memref<128xi32, #tpu.memory_space<hbm>>) target(%arg10 : memref<128xi32, #tpu.memory_space<vmem>>) target_semaphore(%arg18 : memref<!tpu.dma_semaphore, #tpu.memory_space<semaphore_mem>>)
    %dma_start3A_14 = arith.constant 0 : i32
    %dma_start3A_15 = arith.constant 0 : i32
    %dma_start3A_16 = arith.constant 0 : i32
    %dma_start3A_17 = tpu.memref_slice %arg3[%add3A, %dma_start3A_14, %dma_start3A_15, %dma_start3A_16] : memref<32x40x128x32xf32, #tpu.memory_space<hbm>> -> memref<1x1x128x32xf32, #tpu.memory_space<hbm>>
    %dma_start3A_18 = tpu.memref_squeeze %dma_start3A_17 : memref<1x1x128x32xf32, #tpu.memory_space<hbm>> -> memref<128x32xf32, #tpu.memory_space<hbm>>
    %dma_start3A_19 = arith.constant 0 : i32
    %dma_start3A_20 = arith.constant 0 : i32
    %dma_start3A_21 = tpu.memref_slice %arg3[%add3A, %dma_start3A_14, %dma_start3A_19, %dma_start3A_20] : memref<32x40x128x32xf32, #tpu.memory_space<hbm>> -> memref<1x1x128x32xf32, #tpu.memory_space<hbm>>
    %dma_start3A_22 = tpu.memref_squeeze %dma_start3A_21 : memref<1x1x128x32xf32, #tpu.memory_space<hbm>> -> memref<128x32xf32, #tpu.memory_space<hbm>>
    tpu.enqueue_dma source(%dma_start3A_22 : memref<128x32xf32, #tpu.memory_space<hbm>>) target(%arg12 : memref<128x32xf32, #tpu.memory_space<vmem>>) target_semaphore(%arg18 : memref<!tpu.dma_semaphore, #tpu.memory_space<semaphore_mem>>)
    %scan3A = arith.constant 0 : i32
    %scan3A_23 = arith.constant 0 : i32
    %scan3A_24 = arith.constant 20 : i32
    %scan3A_25 = arith.addi %scan3A_23, %scan3A_24 : i32
    %scan3A_26 = arith.constant 1 : i32
    scf.for %scan3A_33 = %scan3A_23 to %scan3A_25 step %scan3A_26  : i32 {
      %mul3A_34 = arith.constant 2 : i32
      %mul3A_35 = arith.muli %mul3A_34, %scan3A_33 : i32
      %add3A_36 = arith.constant 1 : i32
      %add3A_37 = arith.addi %mul3A_35, %add3A_36 : i32
      %lt3A = arith.constant 40 : i32
      %lt3A_38 = arith.cmpi slt, %add3A_37, %lt3A : i32
      %convert_element_type3A = arith.extui %lt3A_38 : i1 to i32
      %cond3A = arith.constant 0 : i32
      %cond3A_39 = arith.cmpi ne, %convert_element_type3A, %cond3A : i32
      scf.if %cond3A_39 {
        %add3A_76 = arith.constant 1 : i32
        %add3A_77 = arith.addi %mul3A_35, %add3A_76 : i32
        "tpu.region"() ({
          %run_scoped3A_95 = tpu.sem_alloc : memref<!tpu.dma_semaphore, #tpu.memory_space<semaphore_mem>>
          %dma_start3A_96 = arith.constant 0 : i32
          %dma_start3A_97 = tpu.memref_slice %arg4[%add3A, %add3A_77, %dma_start3A_96] : memref<32x40x128xi32, #tpu.memory_space<hbm>> -> memref<1x1x128xi32, #tpu.memory_space<hbm>>
          %dma_start3A_98 = tpu.memref_squeeze %dma_start3A_97 : memref<1x1x128xi32, #tpu.memory_space<hbm>> -> memref<128xi32, #tpu.memory_space<hbm>>
          %dma_start3A_99 = arith.constant 0 : i32
          %dma_start3A_100 = tpu.memref_slice %arg4[%add3A, %add3A_77, %dma_start3A_99] : memref<32x40x128xi32, #tpu.memory_space<hbm>> -> memref<1x1x128xi32, #tpu.memory_space<hbm>>
          %dma_start3A_101 = tpu.memref_squeeze %dma_start3A_100 : memref<1x1x128xi32, #tpu.memory_space<hbm>> -> memref<128xi32, #tpu.memory_space<hbm>>
          tpu.enqueue_dma source(%dma_start3A_101 : memref<128xi32, #tpu.memory_space<hbm>>) target(%arg9 : memref<128xi32, #tpu.memory_space<vmem>>) target_semaphore(%run_scoped3A_95 : memref<!tpu.dma_semaphore, #tpu.memory_space<semaphore_mem>>)
          %dma_wait3A_102 = arith.constant 0 : i32
          %dma_wait3A_103 = tpu.memref_slice %arg4[%add3A, %add3A_77, %dma_wait3A_102] : memref<32x40x128xi32, #tpu.memory_space<hbm>> -> memref<1x1x128xi32, #tpu.memory_space<hbm>>
          %dma_wait3A_104 = tpu.memref_squeeze %dma_wait3A_103 : memref<1x1x128xi32, #tpu.memory_space<hbm>> -> memref<128xi32, #tpu.memory_space<hbm>>
          %dma_wait3A_105 = arith.constant 0 : i32
          %dma_wait3A_106 = tpu.memref_slice %arg4[%add3A, %add3A_77, %dma_wait3A_105] : memref<32x40x128xi32, #tpu.memory_space<hbm>> -> memref<1x1x128xi32, #tpu.memory_space<hbm>>
          %dma_wait3A_107 = tpu.memref_squeeze %dma_wait3A_106 : memref<1x1x128xi32, #tpu.memory_space<hbm>> -> memref<128xi32, #tpu.memory_space<hbm>>
          tpu.wait_dma2 semaphore(%run_scoped3A_95 : memref<!tpu.dma_semaphore, #tpu.memory_space<semaphore_mem>>) src(%dma_wait3A_107 : memref<128xi32, #tpu.memory_space<hbm>>) dst(%arg9 : memref<128xi32, #tpu.memory_space<vmem>>)
          tpu.yield
        }) : () -> ()
        %dma_start3A_78 = arith.constant 0 : i32
        %dma_start3A_79 = arith.constant 0 : i32
        %dma_start3A_80 = tpu.memref_slice %arg2[%dma_start3A_78, %dma_start3A_79] : memref<10000x272xf32, #tpu.memory_space<hbm>> -> memref<10000x272xf32, #tpu.memory_space<hbm>>
        tpu.enqueue_indirect_dma source(%dma_start3A_80 : memref<10000x272xf32, #tpu.memory_space<hbm>>) target(%arg15 : memref<128x272xf32, #tpu.memory_space<vmem>>) offsets(%arg9 : memref<128xi32, #tpu.memory_space<vmem>>) semaphore(%arg19 : memref<!tpu.dma_semaphore, #tpu.memory_space<semaphore_mem>>)
        %dma_start3A_81 = arith.constant 0 : i32
        %dma_start3A_82 = tpu.memref_slice %arg5[%add3A, %add3A_77, %dma_start3A_81] : memref<32x40x128xi32, #tpu.memory_space<hbm>> -> memref<1x1x128xi32, #tpu.memory_space<hbm>>
        %dma_start3A_83 = tpu.memref_squeeze %dma_start3A_82 : memref<1x1x128xi32, #tpu.memory_space<hbm>> -> memref<128xi32, #tpu.memory_space<hbm>>
        %dma_start3A_84 = arith.constant 0 : i32
        %dma_start3A_85 = tpu.memref_slice %arg5[%add3A, %add3A_77, %dma_start3A_84] : memref<32x40x128xi32, #tpu.memory_space<hbm>> -> memref<1x1x128xi32, #tpu.memory_space<hbm>>
        %dma_start3A_86 = tpu.memref_squeeze %dma_start3A_85 : memref<1x1x128xi32, #tpu.memory_space<hbm>> -> memref<128xi32, #tpu.memory_space<hbm>>
        tpu.enqueue_dma source(%dma_start3A_86 : memref<128xi32, #tpu.memory_space<hbm>>) target(%arg11 : memref<128xi32, #tpu.memory_space<vmem>>) target_semaphore(%arg19 : memref<!tpu.dma_semaphore, #tpu.memory_space<semaphore_mem>>)
        %dma_start3A_87 = arith.constant 0 : i32
        %dma_start3A_88 = arith.constant 0 : i32
        %dma_start3A_89 = tpu.memref_slice %arg3[%add3A, %add3A_77, %dma_start3A_87, %dma_start3A_88] : memref<32x40x128x32xf32, #tpu.memory_space<hbm>> -> memref<1x1x128x32xf32, #tpu.memory_space<hbm>>
        %dma_start3A_90 = tpu.memref_squeeze %dma_start3A_89 : memref<1x1x128x32xf32, #tpu.memory_space<hbm>> -> memref<128x32xf32, #tpu.memory_space<hbm>>
        %dma_start3A_91 = arith.constant 0 : i32
        %dma_start3A_92 = arith.constant 0 : i32
        %dma_start3A_93 = tpu.memref_slice %arg3[%add3A, %add3A_77, %dma_start3A_91, %dma_start3A_92] : memref<32x40x128x32xf32, #tpu.memory_space<hbm>> -> memref<1x1x128x32xf32, #tpu.memory_space<hbm>>
        %dma_start3A_94 = tpu.memref_squeeze %dma_start3A_93 : memref<1x1x128x32xf32, #tpu.memory_space<hbm>> -> memref<128x32xf32, #tpu.memory_space<hbm>>
        tpu.enqueue_dma source(%dma_start3A_94 : memref<128x32xf32, #tpu.memory_space<hbm>>) target(%arg13 : memref<128x32xf32, #tpu.memory_space<vmem>>) target_semaphore(%arg19 : memref<!tpu.dma_semaphore, #tpu.memory_space<semaphore_mem>>)
      } else {
      }
      %dma_wait3A = arith.constant 0 : i32
      %dma_wait3A_40 = arith.constant 0 : i32
      %dma_wait3A_41 = tpu.memref_slice %arg2[%dma_wait3A, %dma_wait3A_40] : memref<10000x272xf32, #tpu.memory_space<hbm>> -> memref<10000x272xf32, #tpu.memory_space<hbm>>
      tpu.wait_indirect_dma semaphore(%arg18 : memref<!tpu.dma_semaphore, #tpu.memory_space<semaphore_mem>>) src(%dma_wait3A_41 : memref<10000x272xf32, #tpu.memory_space<hbm>>) dst(%arg14 : memref<128x272xf32, #tpu.memory_space<vmem>>)
      %dma_wait3A_42 = arith.constant 0 : i32
      %dma_wait3A_43 = tpu.memref_slice %arg5[%add3A, %mul3A_35, %dma_wait3A_42] : memref<32x40x128xi32, #tpu.memory_space<hbm>> -> memref<1x1x128xi32, #tpu.memory_space<hbm>>
      %dma_wait3A_44 = tpu.memref_squeeze %dma_wait3A_43 : memref<1x1x128xi32, #tpu.memory_space<hbm>> -> memref<128xi32, #tpu.memory_space<hbm>>
      %dma_wait3A_45 = arith.constant 0 : i32
      %dma_wait3A_46 = tpu.memref_slice %arg5[%add3A, %mul3A_35, %dma_wait3A_45] : memref<32x40x128xi32, #tpu.memory_space<hbm>> -> memref<1x1x128xi32, #tpu.memory_space<hbm>>
      %dma_wait3A_47 = tpu.memref_squeeze %dma_wait3A_46 : memref<1x1x128xi32, #tpu.memory_space<hbm>> -> memref<128xi32, #tpu.memory_space<hbm>>
      tpu.wait_dma2 semaphore(%arg18 : memref<!tpu.dma_semaphore, #tpu.memory_space<semaphore_mem>>) src(%dma_wait3A_47 : memref<128xi32, #tpu.memory_space<hbm>>) dst(%arg10 : memref<128xi32, #tpu.memory_space<vmem>>)
      %dma_wait3A_48 = arith.constant 0 : i32
      %dma_wait3A_49 = arith.constant 0 : i32
      %dma_wait3A_50 = tpu.memref_slice %arg3[%add3A, %mul3A_35, %dma_wait3A_48, %dma_wait3A_49] : memref<32x40x128x32xf32, #tpu.memory_space<hbm>> -> memref<1x1x128x32xf32, #tpu.memory_space<hbm>>
      %dma_wait3A_51 = tpu.memref_squeeze %dma_wait3A_50 : memref<1x1x128x32xf32, #tpu.memory_space<hbm>> -> memref<128x32xf32, #tpu.memory_space<hbm>>
      %dma_wait3A_52 = arith.constant 0 : i32
      %dma_wait3A_53 = arith.constant 0 : i32
      %dma_wait3A_54 = tpu.memref_slice %arg3[%add3A, %mul3A_35, %dma_wait3A_52, %dma_wait3A_53] : memref<32x40x128x32xf32, #tpu.memory_space<hbm>> -> memref<1x1x128x32xf32, #tpu.memory_space<hbm>>
      %dma_wait3A_55 = tpu.memref_squeeze %dma_wait3A_54 : memref<1x1x128x32xf32, #tpu.memory_space<hbm>> -> memref<128x32xf32, #tpu.memory_space<hbm>>
      tpu.wait_dma2 semaphore(%arg18 : memref<!tpu.dma_semaphore, #tpu.memory_space<semaphore_mem>>) src(%dma_wait3A_55 : memref<128x32xf32, #tpu.memory_space<hbm>>) dst(%arg12 : memref<128x32xf32, #tpu.memory_space<vmem>>)
      %scan3A_56 = arith.constant 0 : i32
      %scan3A_57 = arith.constant 0 : i32
      %scan3A_58 = arith.constant 128 : i32
      %scan3A_59 = arith.addi %scan3A_57, %scan3A_58 : i32
      %scan3A_60 = arith.constant 2 : i32
      scf.for %scan3A_76 = %scan3A_57 to %scan3A_59 step %scan3A_60  : i32 {
        %get3A = arith.index_cast %scan3A_76 : i32 to index
        %get3A_77 = arith.constant 0 : index
        %get3A_78 = tpu.vector_load %arg12[%get3A, %get3A_77] {strides = array<i32>} : memref<128x32xf32, #tpu.memory_space<vmem>>, vector<1x16xf32>,
        %get3A_79 = vector.shape_cast %get3A_78 : vector<1x16xf32> to vector<16xf32>
        %get3A_80 = arith.index_cast %scan3A_76 : i32 to index
        %get3A_81 = arith.constant 16 : index
        %get3A_82 = tpu.vector_load %arg12[%get3A_80, %get3A_81] {strides = array<i32>} : memref<128x32xf32, #tpu.memory_space<vmem>>, vector<1x16xf32>,
        %get3A_83 = vector.shape_cast %get3A_82 : vector<1x16xf32> to vector<16xf32>
        %broadcast_in_dim3A = arith.constant 0 : i32
        %broadcast_in_dim3A_84 = vector.broadcast %broadcast_in_dim3A : i32 to vector<16xi32>
        %broadcast_in_dim3A_85 = vector.shape_cast %broadcast_in_dim3A_84 : vector<16xi32> to vector<16x1xi32>
        %gather3A = vector.shape_cast %broadcast_in_dim3A_85 : vector<16x1xi32> to vector<16xi32>
        %gather3A_86 = tpu.dynamic_gather %get3A_79[%gather3A] in [0] : vector<16xf32>, vector<16xi32> -> vector<16xf32>
        %get3A_87 = arith.index_cast %scan3A_76 : i32 to index
        %get3A_88 = arith.constant 0 : index
        %get3A_89 = tpu.vector_load %arg14[%get3A_87, %get3A_88] {strides = array<i32>} : memref<128x272xf32, #tpu.memory_space<vmem>>, vector<1x16xf32>,
        %get3A_90 = vector.shape_cast %get3A_89 : vector<1x16xf32> to vector<16xf32>
        %mul3A_91 = arith.mulf %gather3A_86, %get3A_90 : vector<16xf32>
        %broadcast_in_dim3A_92 = arith.constant 1 : i32
        %broadcast_in_dim3A_93 = vector.broadcast %broadcast_in_dim3A_92 : i32 to vector<16xi32>
        %broadcast_in_dim3A_94 = vector.shape_cast %broadcast_in_dim3A_93 : vector<16xi32> to vector<16x1xi32>
        %gather3A_95 = vector.shape_cast %broadcast_in_dim3A_94 : vector<16x1xi32> to vector<16xi32>
        %gather3A_96 = tpu.dynamic_gather %get3A_79[%gather3A_95] in [0] : vector<16xf32>, vector<16xi32> -> vector<16xf32>
        %get3A_97 = arith.index_cast %scan3A_76 : i32 to index
        %get3A_98 = arith.constant 16 : index
        %get3A_99 = tpu.vector_load %arg14[%get3A_97, %get3A_98] {strides = array<i32>} : memref<128x272xf32, #tpu.memory_space<vmem>>, vector<1x16xf32>,
        %get3A_100 = vector.shape_cast %get3A_99 : vector<1x16xf32> to vector<16xf32>
        %mul3A_101 = arith.mulf %gather3A_96, %get3A_100 : vector<16xf32>
        %broadcast_in_dim3A_102 = arith.constant 2 : i32
        %broadcast_in_dim3A_103 = vector.broadcast %broadcast_in_dim3A_102 : i32 to vector<16xi32>
        %broadcast_in_dim3A_104 = vector.shape_cast %broadcast_in_dim3A_103 : vector<16xi32> to vector<16x1xi32>
        %gather3A_105 = vector.shape_cast %broadcast_in_dim3A_104 : vector<16x1xi32> to vector<16xi32>
        %gather3A_106 = tpu.dynamic_gather %get3A_79[%gather3A_105] in [0] : vector<16xf32>, vector<16xi32> -> vector<16xf32>
        %get3A_107 = arith.index_cast %scan3A_76 : i32 to index
        %get3A_108 = arith.constant 32 : index
        %get3A_109 = tpu.vector_load %arg14[%get3A_107, %get3A_108] {strides = array<i32>} : memref<128x272xf32, #tpu.memory_space<vmem>>, vector<1x16xf32>,
        %get3A_110 = vector.shape_cast %get3A_109 : vector<1x16xf32> to vector<16xf32>
        %mul3A_111 = arith.mulf %gather3A_106, %get3A_110 : vector<16xf32>
        %broadcast_in_dim3A_112 = arith.constant 3 : i32
        %broadcast_in_dim3A_113 = vector.broadcast %broadcast_in_dim3A_112 : i32 to vector<16xi32>
        %broadcast_in_dim3A_114 = vector.shape_cast %broadcast_in_dim3A_113 : vector<16xi32> to vector<16x1xi32>
        %gather3A_115 = vector.shape_cast %broadcast_in_dim3A_114 : vector<16x1xi32> to vector<16xi32>
        %gather3A_116 = tpu.dynamic_gather %get3A_79[%gather3A_115] in [0] : vector<16xf32>, vector<16xi32> -> vector<16xf32>
        %get3A_117 = arith.index_cast %scan3A_76 : i32 to index
        %get3A_118 = arith.constant 48 : index
        %get3A_119 = tpu.vector_load %arg14[%get3A_117, %get3A_118] {strides = array<i32>} : memref<128x272xf32, #tpu.memory_space<vmem>>, vector<1x16xf32>,
        %get3A_120 = vector.shape_cast %get3A_119 : vector<1x16xf32> to vector<16xf32>
        %mul3A_121 = arith.mulf %gather3A_116, %get3A_120 : vector<16xf32>
        %broadcast_in_dim3A_122 = arith.constant 4 : i32
        %broadcast_in_dim3A_123 = vector.broadcast %broadcast_in_dim3A_122 : i32 to vector<16xi32>
        %broadcast_in_dim3A_124 = vector.shape_cast %broadcast_in_dim3A_123 : vector<16xi32> to vector<16x1xi32>
        %gather3A_125 = vector.shape_cast %broadcast_in_dim3A_124 : vector<16x1xi32> to vector<16xi32>
        %gather3A_126 = tpu.dynamic_gather %get3A_79[%gather3A_125] in [0] : vector<16xf32>, vector<16xi32> -> vector<16xf32>
        %get3A_127 = arith.index_cast %scan3A_76 : i32 to index
        %get3A_128 = arith.constant 64 : index
        %get3A_129 = tpu.vector_load %arg14[%get3A_127, %get3A_128] {strides = array<i32>} : memref<128x272xf32, #tpu.memory_space<vmem>>, vector<1x16xf32>,
        %get3A_130 = vector.shape_cast %get3A_129 : vector<1x16xf32> to vector<16xf32>
        %mul3A_131 = arith.mulf %gather3A_126, %get3A_130 : vector<16xf32>
        %broadcast_in_dim3A_132 = arith.constant 5 : i32
        %broadcast_in_dim3A_133 = vector.broadcast %broadcast_in_dim3A_132 : i32 to vector<16xi32>
        %broadcast_in_dim3A_134 = vector.shape_cast %broadcast_in_dim3A_133 : vector<16xi32> to vector<16x1xi32>
        %gather3A_135 = vector.shape_cast %broadcast_in_dim3A_134 : vector<16x1xi32> to vector<16xi32>
        %gather3A_136 = tpu.dynamic_gather %get3A_79[%gather3A_135] in [0] : vector<16xf32>, vector<16xi32> -> vector<16xf32>
        %get3A_137 = arith.index_cast %scan3A_76 : i32 to index
        %get3A_138 = arith.constant 80 : index
        %get3A_139 = tpu.vector_load %arg14[%get3A_137, %get3A_138] {strides = array<i32>} : memref<128x272xf32, #tpu.memory_space<vmem>>, vector<1x16xf32>,
        %get3A_140 = vector.shape_cast %get3A_139 : vector<1x16xf32> to vector<16xf32>
        %mul3A_141 = arith.mulf %gather3A_136, %get3A_140 : vector<16xf32>
        %broadcast_in_dim3A_142 = arith.constant 6 : i32
        %broadcast_in_dim3A_143 = vector.broadcast %broadcast_in_dim3A_142 : i32 to vector<16xi32>
        %broadcast_in_dim3A_144 = vector.shape_cast %broadcast_in_dim3A_143 : vector<16xi32> to vector<16x1xi32>
        %gather3A_145 = vector.shape_cast %broadcast_in_dim3A_144 : vector<16x1xi32> to vector<16xi32>
        %gather3A_146 = tpu.dynamic_gather %get3A_79[%gather3A_145] in [0] : vector<16xf32>, vector<16xi32> -> vector<16xf32>
        %get3A_147 = arith.index_cast %scan3A_76 : i32 to index
        %get3A_148 = arith.constant 96 : index
        %get3A_149 = tpu.vector_load %arg14[%get3A_147, %get3A_148] {strides = array<i32>} : memref<128x272xf32, #tpu.memory_space<vmem>>, vector<1x16xf32>,
        %get3A_150 = vector.shape_cast %get3A_149 : vector<1x16xf32> to vector<16xf32>
        %mul3A_151 = arith.mulf %gather3A_146, %get3A_150 : vector<16xf32>
        %broadcast_in_dim3A_152 = arith.constant 7 : i32
        %broadcast_in_dim3A_153 = vector.broadcast %broadcast_in_dim3A_152 : i32 to vector<16xi32>
        %broadcast_in_dim3A_154 = vector.shape_cast %broadcast_in_dim3A_153 : vector<16xi32> to vector<16x1xi32>
        %gather3A_155 = vector.shape_cast %broadcast_in_dim3A_154 : vector<16x1xi32> to vector<16xi32>
        %gather3A_156 = tpu.dynamic_gather %get3A_79[%gather3A_155] in [0] : vector<16xf32>, vector<16xi32> -> vector<16xf32>
        %get3A_157 = arith.index_cast %scan3A_76 : i32 to index
        %get3A_158 = arith.constant 112 : index
        %get3A_159 = tpu.vector_load %arg14[%get3A_157, %get3A_158] {strides = array<i32>} : memref<128x272xf32, #tpu.memory_space<vmem>>, vector<1x16xf32>,
        %get3A_160 = vector.shape_cast %get3A_159 : vector<1x16xf32> to vector<16xf32>
        %mul3A_161 = arith.mulf %gather3A_156, %get3A_160 : vector<16xf32>
        %broadcast_in_dim3A_162 = arith.constant 8 : i32
        %broadcast_in_dim3A_163 = vector.broadcast %broadcast_in_dim3A_162 : i32 to vector<16xi32>
        %broadcast_in_dim3A_164 = vector.shape_cast %broadcast_in_dim3A_163 : vector<16xi32> to vector<16x1xi32>
        %gather3A_165 = vector.shape_cast %broadcast_in_dim3A_164 : vector<16x1xi32> to vector<16xi32>
        %gather3A_166 = tpu.dynamic_gather %get3A_79[%gather3A_165] in [0] : vector<16xf32>, vector<16xi32> -> vector<16xf32>
        %get3A_167 = arith.index_cast %scan3A_76 : i32 to index
        %get3A_168 = arith.constant 128 : index
        %get3A_169 = tpu.vector_load %arg14[%get3A_167, %get3A_168] {strides = array<i32>} : memref<128x272xf32, #tpu.memory_space<vmem>>, vector<1x16xf32>,
        %get3A_170 = vector.shape_cast %get3A_169 : vector<1x16xf32> to vector<16xf32>
        %mul3A_171 = arith.mulf %gather3A_166, %get3A_170 : vector<16xf32>
        %broadcast_in_dim3A_172 = arith.constant 9 : i32
        %broadcast_in_dim3A_173 = vector.broadcast %broadcast_in_dim3A_172 : i32 to vector<16xi32>
        %broadcast_in_dim3A_174 = vector.shape_cast %broadcast_in_dim3A_173 : vector<16xi32> to vector<16x1xi32>
        %gather3A_175 = vector.shape_cast %broadcast_in_dim3A_174 : vector<16x1xi32> to vector<16xi32>
        %gather3A_176 = tpu.dynamic_gather %get3A_79[%gather3A_175] in [0] : vector<16xf32>, vector<16xi32> -> vector<16xf32>
        %get3A_177 = arith.index_cast %scan3A_76 : i32 to index
        %get3A_178 = arith.constant 144 : index
        %get3A_179 = tpu.vector_load %arg14[%get3A_177, %get3A_178] {strides = array<i32>} : memref<128x272xf32, #tpu.memory_space<vmem>>, vector<1x16xf32>,
        %get3A_180 = vector.shape_cast %get3A_179 : vector<1x16xf32> to vector<16xf32>
        %mul3A_181 = arith.mulf %gather3A_176, %get3A_180 : vector<16xf32>
        %broadcast_in_dim3A_182 = arith.constant 10 : i32
        %broadcast_in_dim3A_183 = vector.broadcast %broadcast_in_dim3A_182 : i32 to vector<16xi32>
        %broadcast_in_dim3A_184 = vector.shape_cast %broadcast_in_dim3A_183 : vector<16xi32> to vector<16x1xi32>
        %gather3A_185 = vector.shape_cast %broadcast_in_dim3A_184 : vector<16x1xi32> to vector<16xi32>
        %gather3A_186 = tpu.dynamic_gather %get3A_79[%gather3A_185] in [0] : vector<16xf32>, vector<16xi32> -> vector<16xf32>
        %get3A_187 = arith.index_cast %scan3A_76 : i32 to index
        %get3A_188 = arith.constant 160 : index
        %get3A_189 = tpu.vector_load %arg14[%get3A_187, %get3A_188] {strides = array<i32>} : memref<128x272xf32, #tpu.memory_space<vmem>>, vector<1x16xf32>,
        %get3A_190 = vector.shape_cast %get3A_189 : vector<1x16xf32> to vector<16xf32>
        %mul3A_191 = arith.mulf %gather3A_186, %get3A_190 : vector<16xf32>
        %broadcast_in_dim3A_192 = arith.constant 11 : i32
        %broadcast_in_dim3A_193 = vector.broadcast %broadcast_in_dim3A_192 : i32 to vector<16xi32>
        %broadcast_in_dim3A_194 = vector.shape_cast %broadcast_in_dim3A_193 : vector<16xi32> to vector<16x1xi32>
        %gather3A_195 = vector.shape_cast %broadcast_in_dim3A_194 : vector<16x1xi32> to vector<16xi32>
        %gather3A_196 = tpu.dynamic_gather %get3A_79[%gather3A_195] in [0] : vector<16xf32>, vector<16xi32> -> vector<16xf32>
        %get3A_197 = arith.index_cast %scan3A_76 : i32 to index
        %get3A_198 = arith.constant 176 : index
        %get3A_199 = tpu.vector_load %arg14[%get3A_197, %get3A_198] {strides = array<i32>} : memref<128x272xf32, #tpu.memory_space<vmem>>, vector<1x16xf32>,
        %get3A_200 = vector.shape_cast %get3A_199 : vector<1x16xf32> to vector<16xf32>
        %mul3A_201 = arith.mulf %gather3A_196, %get3A_200 : vector<16xf32>
        %broadcast_in_dim3A_202 = arith.constant 12 : i32
        %broadcast_in_dim3A_203 = vector.broadcast %broadcast_in_dim3A_202 : i32 to vector<16xi32>
        %broadcast_in_dim3A_204 = vector.shape_cast %broadcast_in_dim3A_203 : vector<16xi32> to vector<16x1xi32>
        %gather3A_205 = vector.shape_cast %broadcast_in_dim3A_204 : vector<16x1xi32> to vector<16xi32>
        %gather3A_206 = tpu.dynamic_gather %get3A_79[%gather3A_205] in [0] : vector<16xf32>, vector<16xi32> -> vector<16xf32>
        %get3A_207 = arith.index_cast %scan3A_76 : i32 to index
        %get3A_208 = arith.constant 192 : index
        %get3A_209 = tpu.vector_load %arg14[%get3A_207, %get3A_208] {strides = array<i32>} : memref<128x272xf32, #tpu.memory_space<vmem>>, vector<1x16xf32>,
        %get3A_210 = vector.shape_cast %get3A_209 : vector<1x16xf32> to vector<16xf32>
        %mul3A_211 = arith.mulf %gather3A_206, %get3A_210 : vector<16xf32>
        %broadcast_in_dim3A_212 = arith.constant 13 : i32
        %broadcast_in_dim3A_213 = vector.broadcast %broadcast_in_dim3A_212 : i32 to vector<16xi32>
        %broadcast_in_dim3A_214 = vector.shape_cast %broadcast_in_dim3A_213 : vector<16xi32> to vector<16x1xi32>
        %gather3A_215 = vector.shape_cast %broadcast_in_dim3A_214 : vector<16x1xi32> to vector<16xi32>
        %gather3A_216 = tpu.dynamic_gather %get3A_79[%gather3A_215] in [0] : vector<16xf32>, vector<16xi32> -> vector<16xf32>
        %get3A_217 = arith.index_cast %scan3A_76 : i32 to index
        %get3A_218 = arith.constant 208 : index
        %get3A_219 = tpu.vector_load %arg14[%get3A_217, %get3A_218] {strides = array<i32>} : memref<128x272xf32, #tpu.memory_space<vmem>>, vector<1x16xf32>,
        %get3A_220 = vector.shape_cast %get3A_219 : vector<1x16xf32> to vector<16xf32>
        %mul3A_221 = arith.mulf %gather3A_216, %get3A_220 : vector<16xf32>
        %broadcast_in_dim3A_222 = arith.constant 14 : i32
        %broadcast_in_dim3A_223 = vector.broadcast %broadcast_in_dim3A_222 : i32 to vector<16xi32>
        %broadcast_in_dim3A_224 = vector.shape_cast %broadcast_in_dim3A_223 : vector<16xi32> to vector<16x1xi32>
        %gather3A_225 = vector.shape_cast %broadcast_in_dim3A_224 : vector<16x1xi32> to vector<16xi32>
        %gather3A_226 = tpu.dynamic_gather %get3A_79[%gather3A_225] in [0] : vector<16xf32>, vector<16xi32> -> vector<16xf32>
        %get3A_227 = arith.index_cast %scan3A_76 : i32 to index
        %get3A_228 = arith.constant 224 : index
        %get3A_229 = tpu.vector_load %arg14[%get3A_227, %get3A_228] {strides = array<i32>} : memref<128x272xf32, #tpu.memory_space<vmem>>, vector<1x16xf32>,
        %get3A_230 = vector.shape_cast %get3A_229 : vector<1x16xf32> to vector<16xf32>
        %mul3A_231 = arith.mulf %gather3A_226, %get3A_230 : vector<16xf32>
        %broadcast_in_dim3A_232 = arith.constant 15 : i32
        %broadcast_in_dim3A_233 = vector.broadcast %broadcast_in_dim3A_232 : i32 to vector<16xi32>
        %broadcast_in_dim3A_234 = vector.shape_cast %broadcast_in_dim3A_233 : vector<16xi32> to vector<16x1xi32>
        %gather3A_235 = vector.shape_cast %broadcast_in_dim3A_234 : vector<16x1xi32> to vector<16xi32>
        %gather3A_236 = tpu.dynamic_gather %get3A_79[%gather3A_235] in [0] : vector<16xf32>, vector<16xi32> -> vector<16xf32>
        %get3A_237 = arith.index_cast %scan3A_76 : i32 to index
        %get3A_238 = arith.constant 240 : index
        %get3A_239 = tpu.vector_load %arg14[%get3A_237, %get3A_238] {strides = array<i32>} : memref<128x272xf32, #tpu.memory_space<vmem>>, vector<1x16xf32>,
        %get3A_240 = vector.shape_cast %get3A_239 : vector<1x16xf32> to vector<16xf32>
        %mul3A_241 = arith.mulf %gather3A_236, %get3A_240 : vector<16xf32>
        %broadcast_in_dim3A_242 = arith.constant 0 : i32
        %broadcast_in_dim3A_243 = vector.broadcast %broadcast_in_dim3A_242 : i32 to vector<16xi32>
        %broadcast_in_dim3A_244 = vector.shape_cast %broadcast_in_dim3A_243 : vector<16xi32> to vector<16x1xi32>
        %gather3A_245 = vector.shape_cast %broadcast_in_dim3A_244 : vector<16x1xi32> to vector<16xi32>
        %gather3A_246 = tpu.dynamic_gather %get3A_83[%gather3A_245] in [0] : vector<16xf32>, vector<16xi32> -> vector<16xf32>
        %get3A_247 = arith.index_cast %scan3A_76 : i32 to index
        %get3A_248 = arith.constant 256 : index
        %get3A_249 = tpu.vector_load %arg14[%get3A_247, %get3A_248] {strides = array<i32>} : memref<128x272xf32, #tpu.memory_space<vmem>>, vector<1x16xf32>,
        %get3A_250 = vector.shape_cast %get3A_249 : vector<1x16xf32> to vector<16xf32>
        %mul3A_251 = arith.mulf %gather3A_246, %get3A_250 : vector<16xf32>
        %add3A_252 = arith.addf %mul3A_91, %mul3A_101 : vector<16xf32>
        %add3A_253 = arith.addf %mul3A_111, %mul3A_121 : vector<16xf32>
        %add3A_254 = arith.addf %mul3A_131, %mul3A_141 : vector<16xf32>
        %add3A_255 = arith.addf %mul3A_151, %mul3A_161 : vector<16xf32>
        %add3A_256 = arith.addf %mul3A_171, %mul3A_181 : vector<16xf32>
        %add3A_257 = arith.addf %mul3A_191, %mul3A_201 : vector<16xf32>
        %add3A_258 = arith.addf %mul3A_211, %mul3A_221 : vector<16xf32>
        %add3A_259 = arith.addf %mul3A_231, %mul3A_241 : vector<16xf32>
        %add3A_260 = arith.addf %add3A_252, %add3A_253 : vector<16xf32>
        %add3A_261 = arith.addf %add3A_254, %add3A_255 : vector<16xf32>
        %add3A_262 = arith.addf %add3A_256, %add3A_257 : vector<16xf32>
        %add3A_263 = arith.addf %add3A_258, %add3A_259 : vector<16xf32>
        %add3A_264 = arith.addf %add3A_260, %add3A_261 : vector<16xf32>
        %add3A_265 = arith.addf %add3A_262, %add3A_263 : vector<16xf32>
        %add3A_266 = arith.addf %add3A_264, %add3A_265 : vector<16xf32>
        %add3A_267 = arith.addf %add3A_266, %mul3A_251 : vector<16xf32>
        %swap3A = arith.index_cast %scan3A_76 : i32 to index
        %swap3A_268 = arith.constant 0 : index
        %swap3A_269 = tpu.vector_load %arg16[%swap3A, %swap3A_268] {strides = array<i32>} : memref<128x16xf32, #tpu.memory_space<vmem>>, vector<1x16xf32>,
        %swap3A_270 = vector.shape_cast %swap3A_269 : vector<1x16xf32> to vector<16xf32>
        %swap3A_271 = vector.shape_cast %add3A_267 : vector<16xf32> to vector<1x16xf32>
        tpu.vector_store %arg16[%swap3A, %swap3A_268], %swap3A_271 {strides = array<i32>} : memref<128x16xf32, #tpu.memory_space<vmem>>, vector<1x16xf32>,
        %scan3A_272 = arith.constant 1 : i32
        %scan3A_273 = arith.addi %scan3A_76, %scan3A_272 : i32
        %get3A_274 = arith.index_cast %scan3A_273 : i32 to index
        %get3A_275 = arith.constant 0 : index
        %get3A_276 = tpu.vector_load %arg12[%get3A_274, %get3A_275] {strides = array<i32>} : memref<128x32xf32, #tpu.memory_space<vmem>>, vector<1x16xf32>,
        %get3A_277 = vector.shape_cast %get3A_276 : vector<1x16xf32> to vector<16xf32>
        %get3A_278 = arith.index_cast %scan3A_273 : i32 to index
        %get3A_279 = arith.constant 16 : index
        %get3A_280 = tpu.vector_load %arg12[%get3A_278, %get3A_279] {strides = array<i32>} : memref<128x32xf32, #tpu.memory_space<vmem>>, vector<1x16xf32>,
        %get3A_281 = vector.shape_cast %get3A_280 : vector<1x16xf32> to vector<16xf32>
        %broadcast_in_dim3A_282 = arith.constant 0 : i32
        %broadcast_in_dim3A_283 = vector.broadcast %broadcast_in_dim3A_282 : i32 to vector<16xi32>
        %broadcast_in_dim3A_284 = vector.shape_cast %broadcast_in_dim3A_283 : vector<16xi32> to vector<16x1xi32>
        %gather3A_285 = vector.shape_cast %broadcast_in_dim3A_284 : vector<16x1xi32> to vector<16xi32>
        %gather3A_286 = tpu.dynamic_gather %get3A_277[%gather3A_285] in [0] : vector<16xf32>, vector<16xi32> -> vector<16xf32>
        %get3A_287 = arith.index_cast %scan3A_273 : i32 to index
        %get3A_288 = arith.constant 0 : index
        %get3A_289 = tpu.vector_load %arg14[%get3A_287, %get3A_288] {strides = array<i32>} : memref<128x272xf32, #tpu.memory_space<vmem>>, vector<1x16xf32>,
        %get3A_290 = vector.shape_cast %get3A_289 : vector<1x16xf32> to vector<16xf32>
        %mul3A_291 = arith.mulf %gather3A_286, %get3A_290 : vector<16xf32>
        %broadcast_in_dim3A_292 = arith.constant 1 : i32
        %broadcast_in_dim3A_293 = vector.broadcast %broadcast_in_dim3A_292 : i32 to vector<16xi32>
        %broadcast_in_dim3A_294 = vector.shape_cast %broadcast_in_dim3A_293 : vector<16xi32> to vector<16x1xi32>
        %gather3A_295 = vector.shape_cast %broadcast_in_dim3A_294 : vector<16x1xi32> to vector<16xi32>
        %gather3A_296 = tpu.dynamic_gather %get3A_277[%gather3A_295] in [0] : vector<16xf32>, vector<16xi32> -> vector<16xf32>
        %get3A_297 = arith.index_cast %scan3A_273 : i32 to index
        %get3A_298 = arith.constant 16 : index
        %get3A_299 = tpu.vector_load %arg14[%get3A_297, %get3A_298] {strides = array<i32>} : memref<128x272xf32, #tpu.memory_space<vmem>>, vector<1x16xf32>,
        %get3A_300 = vector.shape_cast %get3A_299 : vector<1x16xf32> to vector<16xf32>
        %mul3A_301 = arith.mulf %gather3A_296, %get3A_300 : vector<16xf32>
        %broadcast_in_dim3A_302 = arith.constant 2 : i32
        %broadcast_in_dim3A_303 = vector.broadcast %broadcast_in_dim3A_302 : i32 to vector<16xi32>
        %broadcast_in_dim3A_304 = vector.shape_cast %broadcast_in_dim3A_303 : vector<16xi32> to vector<16x1xi32>
        %gather3A_305 = vector.shape_cast %broadcast_in_dim3A_304 : vector<16x1xi32> to vector<16xi32>
        %gather3A_306 = tpu.dynamic_gather %get3A_277[%gather3A_305] in [0] : vector<16xf32>, vector<16xi32> -> vector<16xf32>
        %get3A_307 = arith.index_cast %scan3A_273 : i32 to index
        %get3A_308 = arith.constant 32 : index
        %get3A_309 = tpu.vector_load %arg14[%get3A_307, %get3A_308] {strides = array<i32>} : memref<128x272xf32, #tpu.memory_space<vmem>>, vector<1x16xf32>,
        %get3A_310 = vector.shape_cast %get3A_309 : vector<1x16xf32> to vector<16xf32>
        %mul3A_311 = arith.mulf %gather3A_306, %get3A_310 : vector<16xf32>
        %broadcast_in_dim3A_312 = arith.constant 3 : i32
        %broadcast_in_dim3A_313 = vector.broadcast %broadcast_in_dim3A_312 : i32 to vector<16xi32>
        %broadcast_in_dim3A_314 = vector.shape_cast %broadcast_in_dim3A_313 : vector<16xi32> to vector<16x1xi32>
        %gather3A_315 = vector.shape_cast %broadcast_in_dim3A_314 : vector<16x1xi32> to vector<16xi32>
        %gather3A_316 = tpu.dynamic_gather %get3A_277[%gather3A_315] in [0] : vector<16xf32>, vector<16xi32> -> vector<16xf32>
        %get3A_317 = arith.index_cast %scan3A_273 : i32 to index
        %get3A_318 = arith.constant 48 : index
        %get3A_319 = tpu.vector_load %arg14[%get3A_317, %get3A_318] {strides = array<i32>} : memref<128x272xf32, #tpu.memory_space<vmem>>, vector<1x16xf32>,
        %get3A_320 = vector.shape_cast %get3A_319 : vector<1x16xf32> to vector<16xf32>
        %mul3A_321 = arith.mulf %gather3A_316, %get3A_320 : vector<16xf32>
        %broadcast_in_dim3A_322 = arith.constant 4 : i32
        %broadcast_in_dim3A_323 = vector.broadcast %broadcast_in_dim3A_322 : i32 to vector<16xi32>
        %broadcast_in_dim3A_324 = vector.shape_cast %broadcast_in_dim3A_323 : vector<16xi32> to vector<16x1xi32>
        %gather3A_325 = vector.shape_cast %broadcast_in_dim3A_324 : vector<16x1xi32> to vector<16xi32>
        %gather3A_326 = tpu.dynamic_gather %get3A_277[%gather3A_325] in [0] : vector<16xf32>, vector<16xi32> -> vector<16xf32>
        %get3A_327 = arith.index_cast %scan3A_273 : i32 to index
        %get3A_328 = arith.constant 64 : index
        %get3A_329 = tpu.vector_load %arg14[%get3A_327, %get3A_328] {strides = array<i32>} : memref<128x272xf32, #tpu.memory_space<vmem>>, vector<1x16xf32>,
        %get3A_330 = vector.shape_cast %get3A_329 : vector<1x16xf32> to vector<16xf32>
        %mul3A_331 = arith.mulf %gather3A_326, %get3A_330 : vector<16xf32>
        %broadcast_in_dim3A_332 = arith.constant 5 : i32
        %broadcast_in_dim3A_333 = vector.broadcast %broadcast_in_dim3A_332 : i32 to vector<16xi32>
        %broadcast_in_dim3A_334 = vector.shape_cast %broadcast_in_dim3A_333 : vector<16xi32> to vector<16x1xi32>
        %gather3A_335 = vector.shape_cast %broadcast_in_dim3A_334 : vector<16x1xi32> to vector<16xi32>
        %gather3A_336 = tpu.dynamic_gather %get3A_277[%gather3A_335] in [0] : vector<16xf32>, vector<16xi32> -> vector<16xf32>
        %get3A_337 = arith.index_cast %scan3A_273 : i32 to index
        %get3A_338 = arith.constant 80 : index
        %get3A_339 = tpu.vector_load %arg14[%get3A_337, %get3A_338] {strides = array<i32>} : memref<128x272xf32, #tpu.memory_space<vmem>>, vector<1x16xf32>,
        %get3A_340 = vector.shape_cast %get3A_339 : vector<1x16xf32> to vector<16xf32>
        %mul3A_341 = arith.mulf %gather3A_336, %get3A_340 : vector<16xf32>
        %broadcast_in_dim3A_342 = arith.constant 6 : i32
        %broadcast_in_dim3A_343 = vector.broadcast %broadcast_in_dim3A_342 : i32 to vector<16xi32>
        %broadcast_in_dim3A_344 = vector.shape_cast %broadcast_in_dim3A_343 : vector<16xi32> to vector<16x1xi32>
        %gather3A_345 = vector.shape_cast %broadcast_in_dim3A_344 : vector<16x1xi32> to vector<16xi32>
        %gather3A_346 = tpu.dynamic_gather %get3A_277[%gather3A_345] in [0] : vector<16xf32>, vector<16xi32> -> vector<16xf32>
        %get3A_347 = arith.index_cast %scan3A_273 : i32 to index
        %get3A_348 = arith.constant 96 : index
        %get3A_349 = tpu.vector_load %arg14[%get3A_347, %get3A_348] {strides = array<i32>} : memref<128x272xf32, #tpu.memory_space<vmem>>, vector<1x16xf32>,
        %get3A_350 = vector.shape_cast %get3A_349 : vector<1x16xf32> to vector<16xf32>
        %mul3A_351 = arith.mulf %gather3A_346, %get3A_350 : vector<16xf32>
        %broadcast_in_dim3A_352 = arith.constant 7 : i32
        %broadcast_in_dim3A_353 = vector.broadcast %broadcast_in_dim3A_352 : i32 to vector<16xi32>
        %broadcast_in_dim3A_354 = vector.shape_cast %broadcast_in_dim3A_353 : vector<16xi32> to vector<16x1xi32>
        %gather3A_355 = vector.shape_cast %broadcast_in_dim3A_354 : vector<16x1xi32> to vector<16xi32>
        %gather3A_356 = tpu.dynamic_gather %get3A_277[%gather3A_355] in [0] : vector<16xf32>, vector<16xi32> -> vector<16xf32>
        %get3A_357 = arith.index_cast %scan3A_273 : i32 to index
        %get3A_358 = arith.constant 112 : index
        %get3A_359 = tpu.vector_load %arg14[%get3A_357, %get3A_358] {strides = array<i32>} : memref<128x272xf32, #tpu.memory_space<vmem>>, vector<1x16xf32>,
        %get3A_360 = vector.shape_cast %get3A_359 : vector<1x16xf32> to vector<16xf32>
        %mul3A_361 = arith.mulf %gather3A_356, %get3A_360 : vector<16xf32>
        %broadcast_in_dim3A_362 = arith.constant 8 : i32
        %broadcast_in_dim3A_363 = vector.broadcast %broadcast_in_dim3A_362 : i32 to vector<16xi32>
        %broadcast_in_dim3A_364 = vector.shape_cast %broadcast_in_dim3A_363 : vector<16xi32> to vector<16x1xi32>
        %gather3A_365 = vector.shape_cast %broadcast_in_dim3A_364 : vector<16x1xi32> to vector<16xi32>
        %gather3A_366 = tpu.dynamic_gather %get3A_277[%gather3A_365] in [0] : vector<16xf32>, vector<16xi32> -> vector<16xf32>
        %get3A_367 = arith.index_cast %scan3A_273 : i32 to index
        %get3A_368 = arith.constant 128 : index
        %get3A_369 = tpu.vector_load %arg14[%get3A_367, %get3A_368] {strides = array<i32>} : memref<128x272xf32, #tpu.memory_space<vmem>>, vector<1x16xf32>,
        %get3A_370 = vector.shape_cast %get3A_369 : vector<1x16xf32> to vector<16xf32>
        %mul3A_371 = arith.mulf %gather3A_366, %get3A_370 : vector<16xf32>
        %broadcast_in_dim3A_372 = arith.constant 9 : i32
        %broadcast_in_dim3A_373 = vector.broadcast %broadcast_in_dim3A_372 : i32 to vector<16xi32>
        %broadcast_in_dim3A_374 = vector.shape_cast %broadcast_in_dim3A_373 : vector<16xi32> to vector<16x1xi32>
        %gather3A_375 = vector.shape_cast %broadcast_in_dim3A_374 : vector<16x1xi32> to vector<16xi32>
        %gather3A_376 = tpu.dynamic_gather %get3A_277[%gather3A_375] in [0] : vector<16xf32>, vector<16xi32> -> vector<16xf32>
        %get3A_377 = arith.index_cast %scan3A_273 : i32 to index
        %get3A_378 = arith.constant 144 : index
        %get3A_379 = tpu.vector_load %arg14[%get3A_377, %get3A_378] {strides = array<i32>} : memref<128x272xf32, #tpu.memory_space<vmem>>, vector<1x16xf32>,
        %get3A_380 = vector.shape_cast %get3A_379 : vector<1x16xf32> to vector<16xf32>
        %mul3A_381 = arith.mulf %gather3A_376, %get3A_380 : vector<16xf32>
        %broadcast_in_dim3A_382 = arith.constant 10 : i32
        %broadcast_in_dim3A_383 = vector.broadcast %broadcast_in_dim3A_382 : i32 to vector<16xi32>
        %broadcast_in_dim3A_384 = vector.shape_cast %broadcast_in_dim3A_383 : vector<16xi32> to vector<16x1xi32>
        %gather3A_385 = vector.shape_cast %broadcast_in_dim3A_384 : vector<16x1xi32> to vector<16xi32>
        %gather3A_386 = tpu.dynamic_gather %get3A_277[%gather3A_385] in [0] : vector<16xf32>, vector<16xi32> -> vector<16xf32>
        %get3A_387 = arith.index_cast %scan3A_273 : i32 to index
        %get3A_388 = arith.constant 160 : index
        %get3A_389 = tpu.vector_load %arg14[%get3A_387, %get3A_388] {strides = array<i32>} : memref<128x272xf32, #tpu.memory_space<vmem>>, vector<1x16xf32>,
        %get3A_390 = vector.shape_cast %get3A_389 : vector<1x16xf32> to vector<16xf32>
        %mul3A_391 = arith.mulf %gather3A_386, %get3A_390 : vector<16xf32>
        %broadcast_in_dim3A_392 = arith.constant 11 : i32
        %broadcast_in_dim3A_393 = vector.broadcast %broadcast_in_dim3A_392 : i32 to vector<16xi32>
        %broadcast_in_dim3A_394 = vector.shape_cast %broadcast_in_dim3A_393 : vector<16xi32> to vector<16x1xi32>
        %gather3A_395 = vector.shape_cast %broadcast_in_dim3A_394 : vector<16x1xi32> to vector<16xi32>
        %gather3A_396 = tpu.dynamic_gather %get3A_277[%gather3A_395] in [0] : vector<16xf32>, vector<16xi32> -> vector<16xf32>
        %get3A_397 = arith.index_cast %scan3A_273 : i32 to index
        %get3A_398 = arith.constant 176 : index
        %get3A_399 = tpu.vector_load %arg14[%get3A_397, %get3A_398] {strides = array<i32>} : memref<128x272xf32, #tpu.memory_space<vmem>>, vector<1x16xf32>,
        %get3A_400 = vector.shape_cast %get3A_399 : vector<1x16xf32> to vector<16xf32>
        %mul3A_401 = arith.mulf %gather3A_396, %get3A_400 : vector<16xf32>
        %broadcast_in_dim3A_402 = arith.constant 12 : i32
        %broadcast_in_dim3A_403 = vector.broadcast %broadcast_in_dim3A_402 : i32 to vector<16xi32>
        %broadcast_in_dim3A_404 = vector.shape_cast %broadcast_in_dim3A_403 : vector<16xi32> to vector<16x1xi32>
        %gather3A_405 = vector.shape_cast %broadcast_in_dim3A_404 : vector<16x1xi32> to vector<16xi32>
        %gather3A_406 = tpu.dynamic_gather %get3A_277[%gather3A_405] in [0] : vector<16xf32>, vector<16xi32> -> vector<16xf32>
        %get3A_407 = arith.index_cast %scan3A_273 : i32 to index
        %get3A_408 = arith.constant 192 : index
        %get3A_409 = tpu.vector_load %arg14[%get3A_407, %get3A_408] {strides = array<i32>} : memref<128x272xf32, #tpu.memory_space<vmem>>, vector<1x16xf32>,
        %get3A_410 = vector.shape_cast %get3A_409 : vector<1x16xf32> to vector<16xf32>
        %mul3A_411 = arith.mulf %gather3A_406, %get3A_410 : vector<16xf32>
        %broadcast_in_dim3A_412 = arith.constant 13 : i32
        %broadcast_in_dim3A_413 = vector.broadcast %broadcast_in_dim3A_412 : i32 to vector<16xi32>
        %broadcast_in_dim3A_414 = vector.shape_cast %broadcast_in_dim3A_413 : vector<16xi32> to vector<16x1xi32>
        %gather3A_415 = vector.shape_cast %broadcast_in_dim3A_414 : vector<16x1xi32> to vector<16xi32>
        %gather3A_416 = tpu.dynamic_gather %get3A_277[%gather3A_415] in [0] : vector<16xf32>, vector<16xi32> -> vector<16xf32>
        %get3A_417 = arith.index_cast %scan3A_273 : i32 to index
        %get3A_418 = arith.constant 208 : index
        %get3A_419 = tpu.vector_load %arg14[%get3A_417, %get3A_418] {strides = array<i32>} : memref<128x272xf32, #tpu.memory_space<vmem>>, vector<1x16xf32>,
        %get3A_420 = vector.shape_cast %get3A_419 : vector<1x16xf32> to vector<16xf32>
        %mul3A_421 = arith.mulf %gather3A_416, %get3A_420 : vector<16xf32>
        %broadcast_in_dim3A_422 = arith.constant 14 : i32
        %broadcast_in_dim3A_423 = vector.broadcast %broadcast_in_dim3A_422 : i32 to vector<16xi32>
        %broadcast_in_dim3A_424 = vector.shape_cast %broadcast_in_dim3A_423 : vector<16xi32> to vector<16x1xi32>
        %gather3A_425 = vector.shape_cast %broadcast_in_dim3A_424 : vector<16x1xi32> to vector<16xi32>
        %gather3A_426 = tpu.dynamic_gather %get3A_277[%gather3A_425] in [0] : vector<16xf32>, vector<16xi32> -> vector<16xf32>
        %get3A_427 = arith.index_cast %scan3A_273 : i32 to index
        %get3A_428 = arith.constant 224 : index
        %get3A_429 = tpu.vector_load %arg14[%get3A_427, %get3A_428] {strides = array<i32>} : memref<128x272xf32, #tpu.memory_space<vmem>>, vector<1x16xf32>,
        %get3A_430 = vector.shape_cast %get3A_429 : vector<1x16xf32> to vector<16xf32>
        %mul3A_431 = arith.mulf %gather3A_426, %get3A_430 : vector<16xf32>
        %broadcast_in_dim3A_432 = arith.constant 15 : i32
        %broadcast_in_dim3A_433 = vector.broadcast %broadcast_in_dim3A_432 : i32 to vector<16xi32>
        %broadcast_in_dim3A_434 = vector.shape_cast %broadcast_in_dim3A_433 : vector<16xi32> to vector<16x1xi32>
        %gather3A_435 = vector.shape_cast %broadcast_in_dim3A_434 : vector<16x1xi32> to vector<16xi32>
        %gather3A_436 = tpu.dynamic_gather %get3A_277[%gather3A_435] in [0] : vector<16xf32>, vector<16xi32> -> vector<16xf32>
        %get3A_437 = arith.index_cast %scan3A_273 : i32 to index
        %get3A_438 = arith.constant 240 : index
        %get3A_439 = tpu.vector_load %arg14[%get3A_437, %get3A_438] {strides = array<i32>} : memref<128x272xf32, #tpu.memory_space<vmem>>, vector<1x16xf32>,
        %get3A_440 = vector.shape_cast %get3A_439 : vector<1x16xf32> to vector<16xf32>
        %mul3A_441 = arith.mulf %gather3A_436, %get3A_440 : vector<16xf32>
        %broadcast_in_dim3A_442 = arith.constant 0 : i32
        %broadcast_in_dim3A_443 = vector.broadcast %broadcast_in_dim3A_442 : i32 to vector<16xi32>
        %broadcast_in_dim3A_444 = vector.shape_cast %broadcast_in_dim3A_443 : vector<16xi32> to vector<16x1xi32>
        %gather3A_445 = vector.shape_cast %broadcast_in_dim3A_444 : vector<16x1xi32> to vector<16xi32>
        %gather3A_446 = tpu.dynamic_gather %get3A_281[%gather3A_445] in [0] : vector<16xf32>, vector<16xi32> -> vector<16xf32>
        %get3A_447 = arith.index_cast %scan3A_273 : i32 to index
        %get3A_448 = arith.constant 256 : index
        %get3A_449 = tpu.vector_load %arg14[%get3A_447, %get3A_448] {strides = array<i32>} : memref<128x272xf32, #tpu.memory_space<vmem>>, vector<1x16xf32>,
        %get3A_450 = vector.shape_cast %get3A_449 : vector<1x16xf32> to vector<16xf32>
        %mul3A_451 = arith.mulf %gather3A_446, %get3A_450 : vector<16xf32>
        %add3A_452 = arith.addf %mul3A_291, %mul3A_301 : vector<16xf32>
        %add3A_453 = arith.addf %mul3A_311, %mul3A_321 : vector<16xf32>
        %add3A_454 = arith.addf %mul3A_331, %mul3A_341 : vector<16xf32>
        %add3A_455 = arith.addf %mul3A_351, %mul3A_361 : vector<16xf32>
        %add3A_456 = arith.addf %mul3A_371, %mul3A_381 : vector<16xf32>
        %add3A_457 = arith.addf %mul3A_391, %mul3A_401 : vector<16xf32>
        %add3A_458 = arith.addf %mul3A_411, %mul3A_421 : vector<16xf32>
        %add3A_459 = arith.addf %mul3A_431, %mul3A_441 : vector<16xf32>
        %add3A_460 = arith.addf %add3A_452, %add3A_453 : vector<16xf32>
        %add3A_461 = arith.addf %add3A_454, %add3A_455 : vector<16xf32>
        %add3A_462 = arith.addf %add3A_456, %add3A_457 : vector<16xf32>
        %add3A_463 = arith.addf %add3A_458, %add3A_459 : vector<16xf32>
        %add3A_464 = arith.addf %add3A_460, %add3A_461 : vector<16xf32>
        %add3A_465 = arith.addf %add3A_462, %add3A_463 : vector<16xf32>
        %add3A_466 = arith.addf %add3A_464, %add3A_465 : vector<16xf32>
        %add3A_467 = arith.addf %add3A_466, %mul3A_451 : vector<16xf32>
        %swap3A_468 = arith.index_cast %scan3A_273 : i32 to index
        %swap3A_469 = arith.constant 0 : index
        %swap3A_470 = tpu.vector_load %arg16[%swap3A_468, %swap3A_469] {strides = array<i32>} : memref<128x16xf32, #tpu.memory_space<vmem>>, vector<1x16xf32>,
        %swap3A_471 = vector.shape_cast %swap3A_470 : vector<1x16xf32> to vector<16xf32>
        %swap3A_472 = vector.shape_cast %add3A_467 : vector<16xf32> to vector<1x16xf32>
        tpu.vector_store %arg16[%swap3A_468, %swap3A_469], %swap3A_472 {strides = array<i32>} : memref<128x16xf32, #tpu.memory_space<vmem>>, vector<1x16xf32>,
      }
      %scan3A_61 = arith.constant 128 : i32
      "tpu.region"() ({
        %run_scoped3A_76 = tpu.sem_alloc : memref<!tpu.dma_semaphore, #tpu.memory_space<semaphore_mem>>
        %dma_start3A_77 = arith.constant 0 : i32
        %dma_start3A_78 = arith.constant 0 : i32
        %dma_start3A_79 = tpu.memref_slice %arg17[%dma_start3A_77, %dma_start3A_78] : memref<10240x16xf32, #tpu.memory_space<vmem_shared>> -> memref<10240x16xf32, #tpu.memory_space<vmem_shared>>
        tpu.enqueue_indirect_dma source(%arg16 : memref<128x16xf32, #tpu.memory_space<vmem>>) target(%dma_start3A_79 : memref<10240x16xf32, #tpu.memory_space<vmem_shared>>) offsets(%arg10 : memref<128xi32, #tpu.memory_space<vmem>>) semaphore(%run_scoped3A_76 : memref<!tpu.dma_semaphore, #tpu.memory_space<semaphore_mem>>) {add = true}
        %dma_wait3A_80 = arith.constant 0 : i32
        %dma_wait3A_81 = arith.constant 0 : i32
        %dma_wait3A_82 = tpu.memref_slice %arg17[%dma_wait3A_80, %dma_wait3A_81] : memref<10240x16xf32, #tpu.memory_space<vmem_shared>> -> memref<10240x16xf32, #tpu.memory_space<vmem_shared>>
        tpu.wait_indirect_dma semaphore(%run_scoped3A_76 : memref<!tpu.dma_semaphore, #tpu.memory_space<semaphore_mem>>) src(%arg16 : memref<128x16xf32, #tpu.memory_space<vmem>>) dst(%dma_wait3A_82 : memref<10240x16xf32, #tpu.memory_space<vmem_shared>>)
        tpu.yield
      }) : () -> ()
      %add3A_62 = arith.constant 2 : i32
      %add3A_63 = arith.addi %mul3A_35, %add3A_62 : i32
      %lt3A_64 = arith.constant 40 : i32
      %lt3A_65 = arith.cmpi slt, %add3A_63, %lt3A_64 : i32
      %convert_element_type3A_66 = arith.extui %lt3A_65 : i1 to i32
      %cond3A_67 = arith.constant 0 : i32
      %cond3A_68 = arith.cmpi ne, %convert_element_type3A_66, %cond3A_67 : i32
      scf.if %cond3A_68 {
        %add3A_76 = arith.constant 2 : i32
        %add3A_77 = arith.addi %mul3A_35, %add3A_76 : i32
        "tpu.region"() ({
          %run_scoped3A_95 = tpu.sem_alloc : memref<!tpu.dma_semaphore, #tpu.memory_space<semaphore_mem>>
          %dma_start3A_96 = arith.constant 0 : i32
          %dma_start3A_97 = tpu.memref_slice %arg4[%add3A, %add3A_77, %dma_start3A_96] : memref<32x40x128xi32, #tpu.memory_space<hbm>> -> memref<1x1x128xi32, #tpu.memory_space<hbm>>
          %dma_start3A_98 = tpu.memref_squeeze %dma_start3A_97 : memref<1x1x128xi32, #tpu.memory_space<hbm>> -> memref<128xi32, #tpu.memory_space<hbm>>
          %dma_start3A_99 = arith.constant 0 : i32
          %dma_start3A_100 = tpu.memref_slice %arg4[%add3A, %add3A_77, %dma_start3A_99] : memref<32x40x128xi32, #tpu.memory_space<hbm>> -> memref<1x1x128xi32, #tpu.memory_space<hbm>>
          %dma_start3A_101 = tpu.memref_squeeze %dma_start3A_100 : memref<1x1x128xi32, #tpu.memory_space<hbm>> -> memref<128xi32, #tpu.memory_space<hbm>>
          tpu.enqueue_dma source(%dma_start3A_101 : memref<128xi32, #tpu.memory_space<hbm>>) target(%arg8 : memref<128xi32, #tpu.memory_space<vmem>>) target_semaphore(%run_scoped3A_95 : memref<!tpu.dma_semaphore, #tpu.memory_space<semaphore_mem>>)
          %dma_wait3A_102 = arith.constant 0 : i32
          %dma_wait3A_103 = tpu.memref_slice %arg4[%add3A, %add3A_77, %dma_wait3A_102] : memref<32x40x128xi32, #tpu.memory_space<hbm>> -> memref<1x1x128xi32, #tpu.memory_space<hbm>>
          %dma_wait3A_104 = tpu.memref_squeeze %dma_wait3A_103 : memref<1x1x128xi32, #tpu.memory_space<hbm>> -> memref<128xi32, #tpu.memory_space<hbm>>
          %dma_wait3A_105 = arith.constant 0 : i32
          %dma_wait3A_106 = tpu.memref_slice %arg4[%add3A, %add3A_77, %dma_wait3A_105] : memref<32x40x128xi32, #tpu.memory_space<hbm>> -> memref<1x1x128xi32, #tpu.memory_space<hbm>>
          %dma_wait3A_107 = tpu.memref_squeeze %dma_wait3A_106 : memref<1x1x128xi32, #tpu.memory_space<hbm>> -> memref<128xi32, #tpu.memory_space<hbm>>
          tpu.wait_dma2 semaphore(%run_scoped3A_95 : memref<!tpu.dma_semaphore, #tpu.memory_space<semaphore_mem>>) src(%dma_wait3A_107 : memref<128xi32, #tpu.memory_space<hbm>>) dst(%arg8 : memref<128xi32, #tpu.memory_space<vmem>>)
          tpu.yield
        }) : () -> ()
        %dma_start3A_78 = arith.constant 0 : i32
        %dma_start3A_79 = arith.constant 0 : i32
        %dma_start3A_80 = tpu.memref_slice %arg2[%dma_start3A_78, %dma_start3A_79] : memref<10000x272xf32, #tpu.memory_space<hbm>> -> memref<10000x272xf32, #tpu.memory_space<hbm>>
        tpu.enqueue_indirect_dma source(%dma_start3A_80 : memref<10000x272xf32, #tpu.memory_space<hbm>>) target(%arg14 : memref<128x272xf32, #tpu.memory_space<vmem>>) offsets(%arg8 : memref<128xi32, #tpu.memory_space<vmem>>) semaphore(%arg18 : memref<!tpu.dma_semaphore, #tpu.memory_space<semaphore_mem>>)
        %dma_start3A_81 = arith.constant 0 : i32
        %dma_start3A_82 = tpu.memref_slice %arg5[%add3A, %add3A_77, %dma_start3A_81] : memref<32x40x128xi32, #tpu.memory_space<hbm>> -> memref<1x1x128xi32, #tpu.memory_space<hbm>>
        %dma_start3A_83 = tpu.memref_squeeze %dma_start3A_82 : memref<1x1x128xi32, #tpu.memory_space<hbm>> -> memref<128xi32, #tpu.memory_space<hbm>>
        %dma_start3A_84 = arith.constant 0 : i32
        %dma_start3A_85 = tpu.memref_slice %arg5[%add3A, %add3A_77, %dma_start3A_84] : memref<32x40x128xi32, #tpu.memory_space<hbm>> -> memref<1x1x128xi32, #tpu.memory_space<hbm>>
        %dma_start3A_86 = tpu.memref_squeeze %dma_start3A_85 : memref<1x1x128xi32, #tpu.memory_space<hbm>> -> memref<128xi32, #tpu.memory_space<hbm>>
        tpu.enqueue_dma source(%dma_start3A_86 : memref<128xi32, #tpu.memory_space<hbm>>) target(%arg10 : memref<128xi32, #tpu.memory_space<vmem>>) target_semaphore(%arg18 : memref<!tpu.dma_semaphore, #tpu.memory_space<semaphore_mem>>)
        %dma_start3A_87 = arith.constant 0 : i32
        %dma_start3A_88 = arith.constant 0 : i32
        %dma_start3A_89 = tpu.memref_slice %arg3[%add3A, %add3A_77, %dma_start3A_87, %dma_start3A_88] : memref<32x40x128x32xf32, #tpu.memory_space<hbm>> -> memref<1x1x128x32xf32, #tpu.memory_space<hbm>>
        %dma_start3A_90 = tpu.memref_squeeze %dma_start3A_89 : memref<1x1x128x32xf32, #tpu.memory_space<hbm>> -> memref<128x32xf32, #tpu.memory_space<hbm>>
        %dma_start3A_91 = arith.constant 0 : i32
        %dma_start3A_92 = arith.constant 0 : i32
        %dma_start3A_93 = tpu.memref_slice %arg3[%add3A, %add3A_77, %dma_start3A_91, %dma_start3A_92] : memref<32x40x128x32xf32, #tpu.memory_space<hbm>> -> memref<1x1x128x32xf32, #tpu.memory_space<hbm>>
        %dma_start3A_94 = tpu.memref_squeeze %dma_start3A_93 : memref<1x1x128x32xf32, #tpu.memory_space<hbm>> -> memref<128x32xf32, #tpu.memory_space<hbm>>
        tpu.enqueue_dma source(%dma_start3A_94 : memref<128x32xf32, #tpu.memory_space<hbm>>) target(%arg12 : memref<128x32xf32, #tpu.memory_space<vmem>>) target_semaphore(%arg18 : memref<!tpu.dma_semaphore, #tpu.memory_space<semaphore_mem>>)
      } else {
      }
      %add3A_69 = arith.constant 1 : i32
      %add3A_70 = arith.addi %mul3A_35, %add3A_69 : i32
      %lt3A_71 = arith.constant 40 : i32
      %lt3A_72 = arith.cmpi slt, %add3A_70, %lt3A_71 : i32
      %convert_element_type3A_73 = arith.extui %lt3A_72 : i1 to i32
      %cond3A_74 = arith.constant 0 : i32
      %cond3A_75 = arith.cmpi ne, %convert_element_type3A_73, %cond3A_74 : i32
      scf.if %cond3A_75 {
        %add3A_76 = arith.constant 1 : i32
        %add3A_77 = arith.addi %mul3A_35, %add3A_76 : i32
        %dma_wait3A_78 = arith.constant 0 : i32
        %dma_wait3A_79 = arith.constant 0 : i32
        %dma_wait3A_80 = tpu.memref_slice %arg2[%dma_wait3A_78, %dma_wait3A_79] : memref<10000x272xf32, #tpu.memory_space<hbm>> -> memref<10000x272xf32, #tpu.memory_space<hbm>>
        tpu.wait_indirect_dma semaphore(%arg19 : memref<!tpu.dma_semaphore, #tpu.memory_space<semaphore_mem>>) src(%dma_wait3A_80 : memref<10000x272xf32, #tpu.memory_space<hbm>>) dst(%arg15 : memref<128x272xf32, #tpu.memory_space<vmem>>)
        %dma_wait3A_81 = arith.constant 0 : i32
        %dma_wait3A_82 = tpu.memref_slice %arg5[%add3A, %add3A_77, %dma_wait3A_81] : memref<32x40x128xi32, #tpu.memory_space<hbm>> -> memref<1x1x128xi32, #tpu.memory_space<hbm>>
        %dma_wait3A_83 = tpu.memref_squeeze %dma_wait3A_82 : memref<1x1x128xi32, #tpu.memory_space<hbm>> -> memref<128xi32, #tpu.memory_space<hbm>>
        %dma_wait3A_84 = arith.constant 0 : i32
        %dma_wait3A_85 = tpu.memref_slice %arg5[%add3A, %add3A_77, %dma_wait3A_84] : memref<32x40x128xi32, #tpu.memory_space<hbm>> -> memref<1x1x128xi32, #tpu.memory_space<hbm>>
        %dma_wait3A_86 = tpu.memref_squeeze %dma_wait3A_85 : memref<1x1x128xi32, #tpu.memory_space<hbm>> -> memref<128xi32, #tpu.memory_space<hbm>>
        tpu.wait_dma2 semaphore(%arg19 : memref<!tpu.dma_semaphore, #tpu.memory_space<semaphore_mem>>) src(%dma_wait3A_86 : memref<128xi32, #tpu.memory_space<hbm>>) dst(%arg11 : memref<128xi32, #tpu.memory_space<vmem>>)
        %dma_wait3A_87 = arith.constant 0 : i32
        %dma_wait3A_88 = arith.constant 0 : i32
        %dma_wait3A_89 = tpu.memref_slice %arg3[%add3A, %add3A_77, %dma_wait3A_87, %dma_wait3A_88] : memref<32x40x128x32xf32, #tpu.memory_space<hbm>> -> memref<1x1x128x32xf32, #tpu.memory_space<hbm>>
        %dma_wait3A_90 = tpu.memref_squeeze %dma_wait3A_89 : memref<1x1x128x32xf32, #tpu.memory_space<hbm>> -> memref<128x32xf32, #tpu.memory_space<hbm>>
        %dma_wait3A_91 = arith.constant 0 : i32
        %dma_wait3A_92 = arith.constant 0 : i32
        %dma_wait3A_93 = tpu.memref_slice %arg3[%add3A, %add3A_77, %dma_wait3A_91, %dma_wait3A_92] : memref<32x40x128x32xf32, #tpu.memory_space<hbm>> -> memref<1x1x128x32xf32, #tpu.memory_space<hbm>>
        %dma_wait3A_94 = tpu.memref_squeeze %dma_wait3A_93 : memref<1x1x128x32xf32, #tpu.memory_space<hbm>> -> memref<128x32xf32, #tpu.memory_space<hbm>>
        tpu.wait_dma2 semaphore(%arg19 : memref<!tpu.dma_semaphore, #tpu.memory_space<semaphore_mem>>) src(%dma_wait3A_94 : memref<128x32xf32, #tpu.memory_space<hbm>>) dst(%arg13 : memref<128x32xf32, #tpu.memory_space<vmem>>)
        %scan3A_95 = arith.constant 0 : i32
        %scan3A_96 = arith.constant 0 : i32
        %scan3A_97 = arith.constant 128 : i32
        %scan3A_98 = arith.addi %scan3A_96, %scan3A_97 : i32
        %scan3A_99 = arith.constant 2 : i32
        scf.for %scan3A_101 = %scan3A_96 to %scan3A_98 step %scan3A_99  : i32 {
          %get3A = arith.index_cast %scan3A_101 : i32 to index
          %get3A_102 = arith.constant 0 : index
          %get3A_103 = tpu.vector_load %arg13[%get3A, %get3A_102] {strides = array<i32>} : memref<128x32xf32, #tpu.memory_space<vmem>>, vector<1x16xf32>,
          %get3A_104 = vector.shape_cast %get3A_103 : vector<1x16xf32> to vector<16xf32>
          %get3A_105 = arith.index_cast %scan3A_101 : i32 to index
          %get3A_106 = arith.constant 16 : index
          %get3A_107 = tpu.vector_load %arg13[%get3A_105, %get3A_106] {strides = array<i32>} : memref<128x32xf32, #tpu.memory_space<vmem>>, vector<1x16xf32>,
          %get3A_108 = vector.shape_cast %get3A_107 : vector<1x16xf32> to vector<16xf32>
          %broadcast_in_dim3A = arith.constant 0 : i32
          %broadcast_in_dim3A_109 = vector.broadcast %broadcast_in_dim3A : i32 to vector<16xi32>
          %broadcast_in_dim3A_110 = vector.shape_cast %broadcast_in_dim3A_109 : vector<16xi32> to vector<16x1xi32>
          %gather3A = vector.shape_cast %broadcast_in_dim3A_110 : vector<16x1xi32> to vector<16xi32>
          %gather3A_111 = tpu.dynamic_gather %get3A_104[%gather3A] in [0] : vector<16xf32>, vector<16xi32> -> vector<16xf32>
          %get3A_112 = arith.index_cast %scan3A_101 : i32 to index
          %get3A_113 = arith.constant 0 : index
          %get3A_114 = tpu.vector_load %arg15[%get3A_112, %get3A_113] {strides = array<i32>} : memref<128x272xf32, #tpu.memory_space<vmem>>, vector<1x16xf32>,
          %get3A_115 = vector.shape_cast %get3A_114 : vector<1x16xf32> to vector<16xf32>
          %mul3A_116 = arith.mulf %gather3A_111, %get3A_115 : vector<16xf32>
          %broadcast_in_dim3A_117 = arith.constant 1 : i32
          %broadcast_in_dim3A_118 = vector.broadcast %broadcast_in_dim3A_117 : i32 to vector<16xi32>
          %broadcast_in_dim3A_119 = vector.shape_cast %broadcast_in_dim3A_118 : vector<16xi32> to vector<16x1xi32>
          %gather3A_120 = vector.shape_cast %broadcast_in_dim3A_119 : vector<16x1xi32> to vector<16xi32>
          %gather3A_121 = tpu.dynamic_gather %get3A_104[%gather3A_120] in [0] : vector<16xf32>, vector<16xi32> -> vector<16xf32>
          %get3A_122 = arith.index_cast %scan3A_101 : i32 to index
          %get3A_123 = arith.constant 16 : index
          %get3A_124 = tpu.vector_load %arg15[%get3A_122, %get3A_123] {strides = array<i32>} : memref<128x272xf32, #tpu.memory_space<vmem>>, vector<1x16xf32>,
          %get3A_125 = vector.shape_cast %get3A_124 : vector<1x16xf32> to vector<16xf32>
          %mul3A_126 = arith.mulf %gather3A_121, %get3A_125 : vector<16xf32>
          %broadcast_in_dim3A_127 = arith.constant 2 : i32
          %broadcast_in_dim3A_128 = vector.broadcast %broadcast_in_dim3A_127 : i32 to vector<16xi32>
          %broadcast_in_dim3A_129 = vector.shape_cast %broadcast_in_dim3A_128 : vector<16xi32> to vector<16x1xi32>
          %gather3A_130 = vector.shape_cast %broadcast_in_dim3A_129 : vector<16x1xi32> to vector<16xi32>
          %gather3A_131 = tpu.dynamic_gather %get3A_104[%gather3A_130] in [0] : vector<16xf32>, vector<16xi32> -> vector<16xf32>
          %get3A_132 = arith.index_cast %scan3A_101 : i32 to index
          %get3A_133 = arith.constant 32 : index
          %get3A_134 = tpu.vector_load %arg15[%get3A_132, %get3A_133] {strides = array<i32>} : memref<128x272xf32, #tpu.memory_space<vmem>>, vector<1x16xf32>,
          %get3A_135 = vector.shape_cast %get3A_134 : vector<1x16xf32> to vector<16xf32>
          %mul3A_136 = arith.mulf %gather3A_131, %get3A_135 : vector<16xf32>
          %broadcast_in_dim3A_137 = arith.constant 3 : i32
          %broadcast_in_dim3A_138 = vector.broadcast %broadcast_in_dim3A_137 : i32 to vector<16xi32>
          %broadcast_in_dim3A_139 = vector.shape_cast %broadcast_in_dim3A_138 : vector<16xi32> to vector<16x1xi32>
          %gather3A_140 = vector.shape_cast %broadcast_in_dim3A_139 : vector<16x1xi32> to vector<16xi32>
          %gather3A_141 = tpu.dynamic_gather %get3A_104[%gather3A_140] in [0] : vector<16xf32>, vector<16xi32> -> vector<16xf32>
          %get3A_142 = arith.index_cast %scan3A_101 : i32 to index
          %get3A_143 = arith.constant 48 : index
          %get3A_144 = tpu.vector_load %arg15[%get3A_142, %get3A_143] {strides = array<i32>} : memref<128x272xf32, #tpu.memory_space<vmem>>, vector<1x16xf32>,
          %get3A_145 = vector.shape_cast %get3A_144 : vector<1x16xf32> to vector<16xf32>
          %mul3A_146 = arith.mulf %gather3A_141, %get3A_145 : vector<16xf32>
          %broadcast_in_dim3A_147 = arith.constant 4 : i32
          %broadcast_in_dim3A_148 = vector.broadcast %broadcast_in_dim3A_147 : i32 to vector<16xi32>
          %broadcast_in_dim3A_149 = vector.shape_cast %broadcast_in_dim3A_148 : vector<16xi32> to vector<16x1xi32>
          %gather3A_150 = vector.shape_cast %broadcast_in_dim3A_149 : vector<16x1xi32> to vector<16xi32>
          %gather3A_151 = tpu.dynamic_gather %get3A_104[%gather3A_150] in [0] : vector<16xf32>, vector<16xi32> -> vector<16xf32>
          %get3A_152 = arith.index_cast %scan3A_101 : i32 to index
          %get3A_153 = arith.constant 64 : index
          %get3A_154 = tpu.vector_load %arg15[%get3A_152, %get3A_153] {strides = array<i32>} : memref<128x272xf32, #tpu.memory_space<vmem>>, vector<1x16xf32>,
          %get3A_155 = vector.shape_cast %get3A_154 : vector<1x16xf32> to vector<16xf32>
          %mul3A_156 = arith.mulf %gather3A_151, %get3A_155 : vector<16xf32>
          %broadcast_in_dim3A_157 = arith.constant 5 : i32
          %broadcast_in_dim3A_158 = vector.broadcast %broadcast_in_dim3A_157 : i32 to vector<16xi32>
          %broadcast_in_dim3A_159 = vector.shape_cast %broadcast_in_dim3A_158 : vector<16xi32> to vector<16x1xi32>
          %gather3A_160 = vector.shape_cast %broadcast_in_dim3A_159 : vector<16x1xi32> to vector<16xi32>
          %gather3A_161 = tpu.dynamic_gather %get3A_104[%gather3A_160] in [0] : vector<16xf32>, vector<16xi32> -> vector<16xf32>
          %get3A_162 = arith.index_cast %scan3A_101 : i32 to index
          %get3A_163 = arith.constant 80 : index
          %get3A_164 = tpu.vector_load %arg15[%get3A_162, %get3A_163] {strides = array<i32>} : memref<128x272xf32, #tpu.memory_space<vmem>>, vector<1x16xf32>,
          %get3A_165 = vector.shape_cast %get3A_164 : vector<1x16xf32> to vector<16xf32>
          %mul3A_166 = arith.mulf %gather3A_161, %get3A_165 : vector<16xf32>
          %broadcast_in_dim3A_167 = arith.constant 6 : i32
          %broadcast_in_dim3A_168 = vector.broadcast %broadcast_in_dim3A_167 : i32 to vector<16xi32>
          %broadcast_in_dim3A_169 = vector.shape_cast %broadcast_in_dim3A_168 : vector<16xi32> to vector<16x1xi32>
          %gather3A_170 = vector.shape_cast %broadcast_in_dim3A_169 : vector<16x1xi32> to vector<16xi32>
          %gather3A_171 = tpu.dynamic_gather %get3A_104[%gather3A_170] in [0] : vector<16xf32>, vector<16xi32> -> vector<16xf32>
          %get3A_172 = arith.index_cast %scan3A_101 : i32 to index
          %get3A_173 = arith.constant 96 : index
          %get3A_174 = tpu.vector_load %arg15[%get3A_172, %get3A_173] {strides = array<i32>} : memref<128x272xf32, #tpu.memory_space<vmem>>, vector<1x16xf32>,
          %get3A_175 = vector.shape_cast %get3A_174 : vector<1x16xf32> to vector<16xf32>
          %mul3A_176 = arith.mulf %gather3A_171, %get3A_175 : vector<16xf32>
          %broadcast_in_dim3A_177 = arith.constant 7 : i32
          %broadcast_in_dim3A_178 = vector.broadcast %broadcast_in_dim3A_177 : i32 to vector<16xi32>
          %broadcast_in_dim3A_179 = vector.shape_cast %broadcast_in_dim3A_178 : vector<16xi32> to vector<16x1xi32>
          %gather3A_180 = vector.shape_cast %broadcast_in_dim3A_179 : vector<16x1xi32> to vector<16xi32>
          %gather3A_181 = tpu.dynamic_gather %get3A_104[%gather3A_180] in [0] : vector<16xf32>, vector<16xi32> -> vector<16xf32>
          %get3A_182 = arith.index_cast %scan3A_101 : i32 to index
          %get3A_183 = arith.constant 112 : index
          %get3A_184 = tpu.vector_load %arg15[%get3A_182, %get3A_183] {strides = array<i32>} : memref<128x272xf32, #tpu.memory_space<vmem>>, vector<1x16xf32>,
          %get3A_185 = vector.shape_cast %get3A_184 : vector<1x16xf32> to vector<16xf32>
          %mul3A_186 = arith.mulf %gather3A_181, %get3A_185 : vector<16xf32>
          %broadcast_in_dim3A_187 = arith.constant 8 : i32
          %broadcast_in_dim3A_188 = vector.broadcast %broadcast_in_dim3A_187 : i32 to vector<16xi32>
          %broadcast_in_dim3A_189 = vector.shape_cast %broadcast_in_dim3A_188 : vector<16xi32> to vector<16x1xi32>
          %gather3A_190 = vector.shape_cast %broadcast_in_dim3A_189 : vector<16x1xi32> to vector<16xi32>
          %gather3A_191 = tpu.dynamic_gather %get3A_104[%gather3A_190] in [0] : vector<16xf32>, vector<16xi32> -> vector<16xf32>
          %get3A_192 = arith.index_cast %scan3A_101 : i32 to index
          %get3A_193 = arith.constant 128 : index
          %get3A_194 = tpu.vector_load %arg15[%get3A_192, %get3A_193] {strides = array<i32>} : memref<128x272xf32, #tpu.memory_space<vmem>>, vector<1x16xf32>,
          %get3A_195 = vector.shape_cast %get3A_194 : vector<1x16xf32> to vector<16xf32>
          %mul3A_196 = arith.mulf %gather3A_191, %get3A_195 : vector<16xf32>
          %broadcast_in_dim3A_197 = arith.constant 9 : i32
          %broadcast_in_dim3A_198 = vector.broadcast %broadcast_in_dim3A_197 : i32 to vector<16xi32>
          %broadcast_in_dim3A_199 = vector.shape_cast %broadcast_in_dim3A_198 : vector<16xi32> to vector<16x1xi32>
          %gather3A_200 = vector.shape_cast %broadcast_in_dim3A_199 : vector<16x1xi32> to vector<16xi32>
          %gather3A_201 = tpu.dynamic_gather %get3A_104[%gather3A_200] in [0] : vector<16xf32>, vector<16xi32> -> vector<16xf32>
          %get3A_202 = arith.index_cast %scan3A_101 : i32 to index
          %get3A_203 = arith.constant 144 : index
          %get3A_204 = tpu.vector_load %arg15[%get3A_202, %get3A_203] {strides = array<i32>} : memref<128x272xf32, #tpu.memory_space<vmem>>, vector<1x16xf32>,
          %get3A_205 = vector.shape_cast %get3A_204 : vector<1x16xf32> to vector<16xf32>
          %mul3A_206 = arith.mulf %gather3A_201, %get3A_205 : vector<16xf32>
          %broadcast_in_dim3A_207 = arith.constant 10 : i32
          %broadcast_in_dim3A_208 = vector.broadcast %broadcast_in_dim3A_207 : i32 to vector<16xi32>
          %broadcast_in_dim3A_209 = vector.shape_cast %broadcast_in_dim3A_208 : vector<16xi32> to vector<16x1xi32>
          %gather3A_210 = vector.shape_cast %broadcast_in_dim3A_209 : vector<16x1xi32> to vector<16xi32>
          %gather3A_211 = tpu.dynamic_gather %get3A_104[%gather3A_210] in [0] : vector<16xf32>, vector<16xi32> -> vector<16xf32>
          %get3A_212 = arith.index_cast %scan3A_101 : i32 to index
          %get3A_213 = arith.constant 160 : index
          %get3A_214 = tpu.vector_load %arg15[%get3A_212, %get3A_213] {strides = array<i32>} : memref<128x272xf32, #tpu.memory_space<vmem>>, vector<1x16xf32>,
          %get3A_215 = vector.shape_cast %get3A_214 : vector<1x16xf32> to vector<16xf32>
          %mul3A_216 = arith.mulf %gather3A_211, %get3A_215 : vector<16xf32>
          %broadcast_in_dim3A_217 = arith.constant 11 : i32
          %broadcast_in_dim3A_218 = vector.broadcast %broadcast_in_dim3A_217 : i32 to vector<16xi32>
          %broadcast_in_dim3A_219 = vector.shape_cast %broadcast_in_dim3A_218 : vector<16xi32> to vector<16x1xi32>
          %gather3A_220 = vector.shape_cast %broadcast_in_dim3A_219 : vector<16x1xi32> to vector<16xi32>
          %gather3A_221 = tpu.dynamic_gather %get3A_104[%gather3A_220] in [0] : vector<16xf32>, vector<16xi32> -> vector<16xf32>
          %get3A_222 = arith.index_cast %scan3A_101 : i32 to index
          %get3A_223 = arith.constant 176 : index
          %get3A_224 = tpu.vector_load %arg15[%get3A_222, %get3A_223] {strides = array<i32>} : memref<128x272xf32, #tpu.memory_space<vmem>>, vector<1x16xf32>,
          %get3A_225 = vector.shape_cast %get3A_224 : vector<1x16xf32> to vector<16xf32>
          %mul3A_226 = arith.mulf %gather3A_221, %get3A_225 : vector<16xf32>
          %broadcast_in_dim3A_227 = arith.constant 12 : i32
          %broadcast_in_dim3A_228 = vector.broadcast %broadcast_in_dim3A_227 : i32 to vector<16xi32>
          %broadcast_in_dim3A_229 = vector.shape_cast %broadcast_in_dim3A_228 : vector<16xi32> to vector<16x1xi32>
          %gather3A_230 = vector.shape_cast %broadcast_in_dim3A_229 : vector<16x1xi32> to vector<16xi32>
          %gather3A_231 = tpu.dynamic_gather %get3A_104[%gather3A_230] in [0] : vector<16xf32>, vector<16xi32> -> vector<16xf32>
          %get3A_232 = arith.index_cast %scan3A_101 : i32 to index
          %get3A_233 = arith.constant 192 : index
          %get3A_234 = tpu.vector_load %arg15[%get3A_232, %get3A_233] {strides = array<i32>} : memref<128x272xf32, #tpu.memory_space<vmem>>, vector<1x16xf32>,
          %get3A_235 = vector.shape_cast %get3A_234 : vector<1x16xf32> to vector<16xf32>
          %mul3A_236 = arith.mulf %gather3A_231, %get3A_235 : vector<16xf32>
          %broadcast_in_dim3A_237 = arith.constant 13 : i32
          %broadcast_in_dim3A_238 = vector.broadcast %broadcast_in_dim3A_237 : i32 to vector<16xi32>
          %broadcast_in_dim3A_239 = vector.shape_cast %broadcast_in_dim3A_238 : vector<16xi32> to vector<16x1xi32>
          %gather3A_240 = vector.shape_cast %broadcast_in_dim3A_239 : vector<16x1xi32> to vector<16xi32>
          %gather3A_241 = tpu.dynamic_gather %get3A_104[%gather3A_240] in [0] : vector<16xf32>, vector<16xi32> -> vector<16xf32>
          %get3A_242 = arith.index_cast %scan3A_101 : i32 to index
          %get3A_243 = arith.constant 208 : index
          %get3A_244 = tpu.vector_load %arg15[%get3A_242, %get3A_243] {strides = array<i32>} : memref<128x272xf32, #tpu.memory_space<vmem>>, vector<1x16xf32>,
          %get3A_245 = vector.shape_cast %get3A_244 : vector<1x16xf32> to vector<16xf32>
          %mul3A_246 = arith.mulf %gather3A_241, %get3A_245 : vector<16xf32>
          %broadcast_in_dim3A_247 = arith.constant 14 : i32
          %broadcast_in_dim3A_248 = vector.broadcast %broadcast_in_dim3A_247 : i32 to vector<16xi32>
          %broadcast_in_dim3A_249 = vector.shape_cast %broadcast_in_dim3A_248 : vector<16xi32> to vector<16x1xi32>
          %gather3A_250 = vector.shape_cast %broadcast_in_dim3A_249 : vector<16x1xi32> to vector<16xi32>
          %gather3A_251 = tpu.dynamic_gather %get3A_104[%gather3A_250] in [0] : vector<16xf32>, vector<16xi32> -> vector<16xf32>
          %get3A_252 = arith.index_cast %scan3A_101 : i32 to index
          %get3A_253 = arith.constant 224 : index
          %get3A_254 = tpu.vector_load %arg15[%get3A_252, %get3A_253] {strides = array<i32>} : memref<128x272xf32, #tpu.memory_space<vmem>>, vector<1x16xf32>,
          %get3A_255 = vector.shape_cast %get3A_254 : vector<1x16xf32> to vector<16xf32>
          %mul3A_256 = arith.mulf %gather3A_251, %get3A_255 : vector<16xf32>
          %broadcast_in_dim3A_257 = arith.constant 15 : i32
          %broadcast_in_dim3A_258 = vector.broadcast %broadcast_in_dim3A_257 : i32 to vector<16xi32>
          %broadcast_in_dim3A_259 = vector.shape_cast %broadcast_in_dim3A_258 : vector<16xi32> to vector<16x1xi32>
          %gather3A_260 = vector.shape_cast %broadcast_in_dim3A_259 : vector<16x1xi32> to vector<16xi32>
          %gather3A_261 = tpu.dynamic_gather %get3A_104[%gather3A_260] in [0] : vector<16xf32>, vector<16xi32> -> vector<16xf32>
          %get3A_262 = arith.index_cast %scan3A_101 : i32 to index
          %get3A_263 = arith.constant 240 : index
          %get3A_264 = tpu.vector_load %arg15[%get3A_262, %get3A_263] {strides = array<i32>} : memref<128x272xf32, #tpu.memory_space<vmem>>, vector<1x16xf32>,
          %get3A_265 = vector.shape_cast %get3A_264 : vector<1x16xf32> to vector<16xf32>
          %mul3A_266 = arith.mulf %gather3A_261, %get3A_265 : vector<16xf32>
          %broadcast_in_dim3A_267 = arith.constant 0 : i32
          %broadcast_in_dim3A_268 = vector.broadcast %broadcast_in_dim3A_267 : i32 to vector<16xi32>
          %broadcast_in_dim3A_269 = vector.shape_cast %broadcast_in_dim3A_268 : vector<16xi32> to vector<16x1xi32>
          %gather3A_270 = vector.shape_cast %broadcast_in_dim3A_269 : vector<16x1xi32> to vector<16xi32>
          %gather3A_271 = tpu.dynamic_gather %get3A_108[%gather3A_270] in [0] : vector<16xf32>, vector<16xi32> -> vector<16xf32>
          %get3A_272 = arith.index_cast %scan3A_101 : i32 to index
          %get3A_273 = arith.constant 256 : index
          %get3A_274 = tpu.vector_load %arg15[%get3A_272, %get3A_273] {strides = array<i32>} : memref<128x272xf32, #tpu.memory_space<vmem>>, vector<1x16xf32>,
          %get3A_275 = vector.shape_cast %get3A_274 : vector<1x16xf32> to vector<16xf32>
          %mul3A_276 = arith.mulf %gather3A_271, %get3A_275 : vector<16xf32>
          %add3A_277 = arith.addf %mul3A_116, %mul3A_126 : vector<16xf32>
          %add3A_278 = arith.addf %mul3A_136, %mul3A_146 : vector<16xf32>
          %add3A_279 = arith.addf %mul3A_156, %mul3A_166 : vector<16xf32>
          %add3A_280 = arith.addf %mul3A_176, %mul3A_186 : vector<16xf32>
          %add3A_281 = arith.addf %mul3A_196, %mul3A_206 : vector<16xf32>
          %add3A_282 = arith.addf %mul3A_216, %mul3A_226 : vector<16xf32>
          %add3A_283 = arith.addf %mul3A_236, %mul3A_246 : vector<16xf32>
          %add3A_284 = arith.addf %mul3A_256, %mul3A_266 : vector<16xf32>
          %add3A_285 = arith.addf %add3A_277, %add3A_278 : vector<16xf32>
          %add3A_286 = arith.addf %add3A_279, %add3A_280 : vector<16xf32>
          %add3A_287 = arith.addf %add3A_281, %add3A_282 : vector<16xf32>
          %add3A_288 = arith.addf %add3A_283, %add3A_284 : vector<16xf32>
          %add3A_289 = arith.addf %add3A_285, %add3A_286 : vector<16xf32>
          %add3A_290 = arith.addf %add3A_287, %add3A_288 : vector<16xf32>
          %add3A_291 = arith.addf %add3A_289, %add3A_290 : vector<16xf32>
          %add3A_292 = arith.addf %add3A_291, %mul3A_276 : vector<16xf32>
          %swap3A = arith.index_cast %scan3A_101 : i32 to index
          %swap3A_293 = arith.constant 0 : index
          %swap3A_294 = tpu.vector_load %arg16[%swap3A, %swap3A_293] {strides = array<i32>} : memref<128x16xf32, #tpu.memory_space<vmem>>, vector<1x16xf32>,
          %swap3A_295 = vector.shape_cast %swap3A_294 : vector<1x16xf32> to vector<16xf32>
          %swap3A_296 = vector.shape_cast %add3A_292 : vector<16xf32> to vector<1x16xf32>
          tpu.vector_store %arg16[%swap3A, %swap3A_293], %swap3A_296 {strides = array<i32>} : memref<128x16xf32, #tpu.memory_space<vmem>>, vector<1x16xf32>,
          %scan3A_297 = arith.constant 1 : i32
          %scan3A_298 = arith.addi %scan3A_101, %scan3A_297 : i32
          %get3A_299 = arith.index_cast %scan3A_298 : i32 to index
          %get3A_300 = arith.constant 0 : index
          %get3A_301 = tpu.vector_load %arg13[%get3A_299, %get3A_300] {strides = array<i32>} : memref<128x32xf32, #tpu.memory_space<vmem>>, vector<1x16xf32>,
          %get3A_302 = vector.shape_cast %get3A_301 : vector<1x16xf32> to vector<16xf32>
          %get3A_303 = arith.index_cast %scan3A_298 : i32 to index
          %get3A_304 = arith.constant 16 : index
          %get3A_305 = tpu.vector_load %arg13[%get3A_303, %get3A_304] {strides = array<i32>} : memref<128x32xf32, #tpu.memory_space<vmem>>, vector<1x16xf32>,
          %get3A_306 = vector.shape_cast %get3A_305 : vector<1x16xf32> to vector<16xf32>
          %broadcast_in_dim3A_307 = arith.constant 0 : i32
          %broadcast_in_dim3A_308 = vector.broadcast %broadcast_in_dim3A_307 : i32 to vector<16xi32>
          %broadcast_in_dim3A_309 = vector.shape_cast %broadcast_in_dim3A_308 : vector<16xi32> to vector<16x1xi32>
          %gather3A_310 = vector.shape_cast %broadcast_in_dim3A_309 : vector<16x1xi32> to vector<16xi32>
          %gather3A_311 = tpu.dynamic_gather %get3A_302[%gather3A_310] in [0] : vector<16xf32>, vector<16xi32> -> vector<16xf32>
          %get3A_312 = arith.index_cast %scan3A_298 : i32 to index
          %get3A_313 = arith.constant 0 : index
          %get3A_314 = tpu.vector_load %arg15[%get3A_312, %get3A_313] {strides = array<i32>} : memref<128x272xf32, #tpu.memory_space<vmem>>, vector<1x16xf32>,
          %get3A_315 = vector.shape_cast %get3A_314 : vector<1x16xf32> to vector<16xf32>
          %mul3A_316 = arith.mulf %gather3A_311, %get3A_315 : vector<16xf32>
          %broadcast_in_dim3A_317 = arith.constant 1 : i32
          %broadcast_in_dim3A_318 = vector.broadcast %broadcast_in_dim3A_317 : i32 to vector<16xi32>
          %broadcast_in_dim3A_319 = vector.shape_cast %broadcast_in_dim3A_318 : vector<16xi32> to vector<16x1xi32>
          %gather3A_320 = vector.shape_cast %broadcast_in_dim3A_319 : vector<16x1xi32> to vector<16xi32>
          %gather3A_321 = tpu.dynamic_gather %get3A_302[%gather3A_320] in [0] : vector<16xf32>, vector<16xi32> -> vector<16xf32>
          %get3A_322 = arith.index_cast %scan3A_298 : i32 to index
          %get3A_323 = arith.constant 16 : index
          %get3A_324 = tpu.vector_load %arg15[%get3A_322, %get3A_323] {strides = array<i32>} : memref<128x272xf32, #tpu.memory_space<vmem>>, vector<1x16xf32>,
          %get3A_325 = vector.shape_cast %get3A_324 : vector<1x16xf32> to vector<16xf32>
          %mul3A_326 = arith.mulf %gather3A_321, %get3A_325 : vector<16xf32>
          %broadcast_in_dim3A_327 = arith.constant 2 : i32
          %broadcast_in_dim3A_328 = vector.broadcast %broadcast_in_dim3A_327 : i32 to vector<16xi32>
          %broadcast_in_dim3A_329 = vector.shape_cast %broadcast_in_dim3A_328 : vector<16xi32> to vector<16x1xi32>
          %gather3A_330 = vector.shape_cast %broadcast_in_dim3A_329 : vector<16x1xi32> to vector<16xi32>
          %gather3A_331 = tpu.dynamic_gather %get3A_302[%gather3A_330] in [0] : vector<16xf32>, vector<16xi32> -> vector<16xf32>
          %get3A_332 = arith.index_cast %scan3A_298 : i32 to index
          %get3A_333 = arith.constant 32 : index
          %get3A_334 = tpu.vector_load %arg15[%get3A_332, %get3A_333] {strides = array<i32>} : memref<128x272xf32, #tpu.memory_space<vmem>>, vector<1x16xf32>,
          %get3A_335 = vector.shape_cast %get3A_334 : vector<1x16xf32> to vector<16xf32>
          %mul3A_336 = arith.mulf %gather3A_331, %get3A_335 : vector<16xf32>
          %broadcast_in_dim3A_337 = arith.constant 3 : i32
          %broadcast_in_dim3A_338 = vector.broadcast %broadcast_in_dim3A_337 : i32 to vector<16xi32>
          %broadcast_in_dim3A_339 = vector.shape_cast %broadcast_in_dim3A_338 : vector<16xi32> to vector<16x1xi32>
          %gather3A_340 = vector.shape_cast %broadcast_in_dim3A_339 : vector<16x1xi32> to vector<16xi32>
          %gather3A_341 = tpu.dynamic_gather %get3A_302[%gather3A_340] in [0] : vector<16xf32>, vector<16xi32> -> vector<16xf32>
          %get3A_342 = arith.index_cast %scan3A_298 : i32 to index
          %get3A_343 = arith.constant 48 : index
          %get3A_344 = tpu.vector_load %arg15[%get3A_342, %get3A_343] {strides = array<i32>} : memref<128x272xf32, #tpu.memory_space<vmem>>, vector<1x16xf32>,
          %get3A_345 = vector.shape_cast %get3A_344 : vector<1x16xf32> to vector<16xf32>
          %mul3A_346 = arith.mulf %gather3A_341, %get3A_345 : vector<16xf32>
          %broadcast_in_dim3A_347 = arith.constant 4 : i32
          %broadcast_in_dim3A_348 = vector.broadcast %broadcast_in_dim3A_347 : i32 to vector<16xi32>
          %broadcast_in_dim3A_349 = vector.shape_cast %broadcast_in_dim3A_348 : vector<16xi32> to vector<16x1xi32>
          %gather3A_350 = vector.shape_cast %broadcast_in_dim3A_349 : vector<16x1xi32> to vector<16xi32>
          %gather3A_351 = tpu.dynamic_gather %get3A_302[%gather3A_350] in [0] : vector<16xf32>, vector<16xi32> -> vector<16xf32>
          %get3A_352 = arith.index_cast %scan3A_298 : i32 to index
          %get3A_353 = arith.constant 64 : index
          %get3A_354 = tpu.vector_load %arg15[%get3A_352, %get3A_353] {strides = array<i32>} : memref<128x272xf32, #tpu.memory_space<vmem>>, vector<1x16xf32>,
          %get3A_355 = vector.shape_cast %get3A_354 : vector<1x16xf32> to vector<16xf32>
          %mul3A_356 = arith.mulf %gather3A_351, %get3A_355 : vector<16xf32>
          %broadcast_in_dim3A_357 = arith.constant 5 : i32
          %broadcast_in_dim3A_358 = vector.broadcast %broadcast_in_dim3A_357 : i32 to vector<16xi32>
          %broadcast_in_dim3A_359 = vector.shape_cast %broadcast_in_dim3A_358 : vector<16xi32> to vector<16x1xi32>
          %gather3A_360 = vector.shape_cast %broadcast_in_dim3A_359 : vector<16x1xi32> to vector<16xi32>
          %gather3A_361 = tpu.dynamic_gather %get3A_302[%gather3A_360] in [0] : vector<16xf32>, vector<16xi32> -> vector<16xf32>
          %get3A_362 = arith.index_cast %scan3A_298 : i32 to index
          %get3A_363 = arith.constant 80 : index
          %get3A_364 = tpu.vector_load %arg15[%get3A_362, %get3A_363] {strides = array<i32>} : memref<128x272xf32, #tpu.memory_space<vmem>>, vector<1x16xf32>,
          %get3A_365 = vector.shape_cast %get3A_364 : vector<1x16xf32> to vector<16xf32>
          %mul3A_366 = arith.mulf %gather3A_361, %get3A_365 : vector<16xf32>
          %broadcast_in_dim3A_367 = arith.constant 6 : i32
          %broadcast_in_dim3A_368 = vector.broadcast %broadcast_in_dim3A_367 : i32 to vector<16xi32>
          %broadcast_in_dim3A_369 = vector.shape_cast %broadcast_in_dim3A_368 : vector<16xi32> to vector<16x1xi32>
          %gather3A_370 = vector.shape_cast %broadcast_in_dim3A_369 : vector<16x1xi32> to vector<16xi32>
          %gather3A_371 = tpu.dynamic_gather %get3A_302[%gather3A_370] in [0] : vector<16xf32>, vector<16xi32> -> vector<16xf32>
          %get3A_372 = arith.index_cast %scan3A_298 : i32 to index
          %get3A_373 = arith.constant 96 : index
          %get3A_374 = tpu.vector_load %arg15[%get3A_372, %get3A_373] {strides = array<i32>} : memref<128x272xf32, #tpu.memory_space<vmem>>, vector<1x16xf32>,
          %get3A_375 = vector.shape_cast %get3A_374 : vector<1x16xf32> to vector<16xf32>
          %mul3A_376 = arith.mulf %gather3A_371, %get3A_375 : vector<16xf32>
          %broadcast_in_dim3A_377 = arith.constant 7 : i32
          %broadcast_in_dim3A_378 = vector.broadcast %broadcast_in_dim3A_377 : i32 to vector<16xi32>
          %broadcast_in_dim3A_379 = vector.shape_cast %broadcast_in_dim3A_378 : vector<16xi32> to vector<16x1xi32>
          %gather3A_380 = vector.shape_cast %broadcast_in_dim3A_379 : vector<16x1xi32> to vector<16xi32>
          %gather3A_381 = tpu.dynamic_gather %get3A_302[%gather3A_380] in [0] : vector<16xf32>, vector<16xi32> -> vector<16xf32>
          %get3A_382 = arith.index_cast %scan3A_298 : i32 to index
          %get3A_383 = arith.constant 112 : index
          %get3A_384 = tpu.vector_load %arg15[%get3A_382, %get3A_383] {strides = array<i32>} : memref<128x272xf32, #tpu.memory_space<vmem>>, vector<1x16xf32>,
          %get3A_385 = vector.shape_cast %get3A_384 : vector<1x16xf32> to vector<16xf32>
          %mul3A_386 = arith.mulf %gather3A_381, %get3A_385 : vector<16xf32>
          %broadcast_in_dim3A_387 = arith.constant 8 : i32
          %broadcast_in_dim3A_388 = vector.broadcast %broadcast_in_dim3A_387 : i32 to vector<16xi32>
          %broadcast_in_dim3A_389 = vector.shape_cast %broadcast_in_dim3A_388 : vector<16xi32> to vector<16x1xi32>
          %gather3A_390 = vector.shape_cast %broadcast_in_dim3A_389 : vector<16x1xi32> to vector<16xi32>
          %gather3A_391 = tpu.dynamic_gather %get3A_302[%gather3A_390] in [0] : vector<16xf32>, vector<16xi32> -> vector<16xf32>
          %get3A_392 = arith.index_cast %scan3A_298 : i32 to index
          %get3A_393 = arith.constant 128 : index
          %get3A_394 = tpu.vector_load %arg15[%get3A_392, %get3A_393] {strides = array<i32>} : memref<128x272xf32, #tpu.memory_space<vmem>>, vector<1x16xf32>,
          %get3A_395 = vector.shape_cast %get3A_394 : vector<1x16xf32> to vector<16xf32>
          %mul3A_396 = arith.mulf %gather3A_391, %get3A_395 : vector<16xf32>
          %broadcast_in_dim3A_397 = arith.constant 9 : i32
          %broadcast_in_dim3A_398 = vector.broadcast %broadcast_in_dim3A_397 : i32 to vector<16xi32>
          %broadcast_in_dim3A_399 = vector.shape_cast %broadcast_in_dim3A_398 : vector<16xi32> to vector<16x1xi32>
          %gather3A_400 = vector.shape_cast %broadcast_in_dim3A_399 : vector<16x1xi32> to vector<16xi32>
          %gather3A_401 = tpu.dynamic_gather %get3A_302[%gather3A_400] in [0] : vector<16xf32>, vector<16xi32> -> vector<16xf32>
          %get3A_402 = arith.index_cast %scan3A_298 : i32 to index
          %get3A_403 = arith.constant 144 : index
          %get3A_404 = tpu.vector_load %arg15[%get3A_402, %get3A_403] {strides = array<i32>} : memref<128x272xf32, #tpu.memory_space<vmem>>, vector<1x16xf32>,
          %get3A_405 = vector.shape_cast %get3A_404 : vector<1x16xf32> to vector<16xf32>
          %mul3A_406 = arith.mulf %gather3A_401, %get3A_405 : vector<16xf32>
          %broadcast_in_dim3A_407 = arith.constant 10 : i32
          %broadcast_in_dim3A_408 = vector.broadcast %broadcast_in_dim3A_407 : i32 to vector<16xi32>
          %broadcast_in_dim3A_409 = vector.shape_cast %broadcast_in_dim3A_408 : vector<16xi32> to vector<16x1xi32>
          %gather3A_410 = vector.shape_cast %broadcast_in_dim3A_409 : vector<16x1xi32> to vector<16xi32>
          %gather3A_411 = tpu.dynamic_gather %get3A_302[%gather3A_410] in [0] : vector<16xf32>, vector<16xi32> -> vector<16xf32>
          %get3A_412 = arith.index_cast %scan3A_298 : i32 to index
          %get3A_413 = arith.constant 160 : index
          %get3A_414 = tpu.vector_load %arg15[%get3A_412, %get3A_413] {strides = array<i32>} : memref<128x272xf32, #tpu.memory_space<vmem>>, vector<1x16xf32>,
          %get3A_415 = vector.shape_cast %get3A_414 : vector<1x16xf32> to vector<16xf32>
          %mul3A_416 = arith.mulf %gather3A_411, %get3A_415 : vector<16xf32>
          %broadcast_in_dim3A_417 = arith.constant 11 : i32
          %broadcast_in_dim3A_418 = vector.broadcast %broadcast_in_dim3A_417 : i32 to vector<16xi32>
          %broadcast_in_dim3A_419 = vector.shape_cast %broadcast_in_dim3A_418 : vector<16xi32> to vector<16x1xi32>
          %gather3A_420 = vector.shape_cast %broadcast_in_dim3A_419 : vector<16x1xi32> to vector<16xi32>
          %gather3A_421 = tpu.dynamic_gather %get3A_302[%gather3A_420] in [0] : vector<16xf32>, vector<16xi32> -> vector<16xf32>
          %get3A_422 = arith.index_cast %scan3A_298 : i32 to index
          %get3A_423 = arith.constant 176 : index
          %get3A_424 = tpu.vector_load %arg15[%get3A_422, %get3A_423] {strides = array<i32>} : memref<128x272xf32, #tpu.memory_space<vmem>>, vector<1x16xf32>,
          %get3A_425 = vector.shape_cast %get3A_424 : vector<1x16xf32> to vector<16xf32>
          %mul3A_426 = arith.mulf %gather3A_421, %get3A_425 : vector<16xf32>
          %broadcast_in_dim3A_427 = arith.constant 12 : i32
          %broadcast_in_dim3A_428 = vector.broadcast %broadcast_in_dim3A_427 : i32 to vector<16xi32>
          %broadcast_in_dim3A_429 = vector.shape_cast %broadcast_in_dim3A_428 : vector<16xi32> to vector<16x1xi32>
          %gather3A_430 = vector.shape_cast %broadcast_in_dim3A_429 : vector<16x1xi32> to vector<16xi32>
          %gather3A_431 = tpu.dynamic_gather %get3A_302[%gather3A_430] in [0] : vector<16xf32>, vector<16xi32> -> vector<16xf32>
          %get3A_432 = arith.index_cast %scan3A_298 : i32 to index
          %get3A_433 = arith.constant 192 : index
          %get3A_434 = tpu.vector_load %arg15[%get3A_432, %get3A_433] {strides = array<i32>} : memref<128x272xf32, #tpu.memory_space<vmem>>, vector<1x16xf32>,
          %get3A_435 = vector.shape_cast %get3A_434 : vector<1x16xf32> to vector<16xf32>
          %mul3A_436 = arith.mulf %gather3A_431, %get3A_435 : vector<16xf32>
          %broadcast_in_dim3A_437 = arith.constant 13 : i32
          %broadcast_in_dim3A_438 = vector.broadcast %broadcast_in_dim3A_437 : i32 to vector<16xi32>
          %broadcast_in_dim3A_439 = vector.shape_cast %broadcast_in_dim3A_438 : vector<16xi32> to vector<16x1xi32>
          %gather3A_440 = vector.shape_cast %broadcast_in_dim3A_439 : vector<16x1xi32> to vector<16xi32>
          %gather3A_441 = tpu.dynamic_gather %get3A_302[%gather3A_440] in [0] : vector<16xf32>, vector<16xi32> -> vector<16xf32>
          %get3A_442 = arith.index_cast %scan3A_298 : i32 to index
          %get3A_443 = arith.constant 208 : index
          %get3A_444 = tpu.vector_load %arg15[%get3A_442, %get3A_443] {strides = array<i32>} : memref<128x272xf32, #tpu.memory_space<vmem>>, vector<1x16xf32>,
          %get3A_445 = vector.shape_cast %get3A_444 : vector<1x16xf32> to vector<16xf32>
          %mul3A_446 = arith.mulf %gather3A_441, %get3A_445 : vector<16xf32>
          %broadcast_in_dim3A_447 = arith.constant 14 : i32
          %broadcast_in_dim3A_448 = vector.broadcast %broadcast_in_dim3A_447 : i32 to vector<16xi32>
          %broadcast_in_dim3A_449 = vector.shape_cast %broadcast_in_dim3A_448 : vector<16xi32> to vector<16x1xi32>
          %gather3A_450 = vector.shape_cast %broadcast_in_dim3A_449 : vector<16x1xi32> to vector<16xi32>
          %gather3A_451 = tpu.dynamic_gather %get3A_302[%gather3A_450] in [0] : vector<16xf32>, vector<16xi32> -> vector<16xf32>
          %get3A_452 = arith.index_cast %scan3A_298 : i32 to index
          %get3A_453 = arith.constant 224 : index
          %get3A_454 = tpu.vector_load %arg15[%get3A_452, %get3A_453] {strides = array<i32>} : memref<128x272xf32, #tpu.memory_space<vmem>>, vector<1x16xf32>,
          %get3A_455 = vector.shape_cast %get3A_454 : vector<1x16xf32> to vector<16xf32>
          %mul3A_456 = arith.mulf %gather3A_451, %get3A_455 : vector<16xf32>
          %broadcast_in_dim3A_457 = arith.constant 15 : i32
          %broadcast_in_dim3A_458 = vector.broadcast %broadcast_in_dim3A_457 : i32 to vector<16xi32>
          %broadcast_in_dim3A_459 = vector.shape_cast %broadcast_in_dim3A_458 : vector<16xi32> to vector<16x1xi32>
          %gather3A_460 = vector.shape_cast %broadcast_in_dim3A_459 : vector<16x1xi32> to vector<16xi32>
          %gather3A_461 = tpu.dynamic_gather %get3A_302[%gather3A_460] in [0] : vector<16xf32>, vector<16xi32> -> vector<16xf32>
          %get3A_462 = arith.index_cast %scan3A_298 : i32 to index
          %get3A_463 = arith.constant 240 : index
          %get3A_464 = tpu.vector_load %arg15[%get3A_462, %get3A_463] {strides = array<i32>} : memref<128x272xf32, #tpu.memory_space<vmem>>, vector<1x16xf32>,
          %get3A_465 = vector.shape_cast %get3A_464 : vector<1x16xf32> to vector<16xf32>
          %mul3A_466 = arith.mulf %gather3A_461, %get3A_465 : vector<16xf32>
          %broadcast_in_dim3A_467 = arith.constant 0 : i32
          %broadcast_in_dim3A_468 = vector.broadcast %broadcast_in_dim3A_467 : i32 to vector<16xi32>
          %broadcast_in_dim3A_469 = vector.shape_cast %broadcast_in_dim3A_468 : vector<16xi32> to vector<16x1xi32>
          %gather3A_470 = vector.shape_cast %broadcast_in_dim3A_469 : vector<16x1xi32> to vector<16xi32>
          %gather3A_471 = tpu.dynamic_gather %get3A_306[%gather3A_470] in [0] : vector<16xf32>, vector<16xi32> -> vector<16xf32>
          %get3A_472 = arith.index_cast %scan3A_298 : i32 to index
          %get3A_473 = arith.constant 256 : index
          %get3A_474 = tpu.vector_load %arg15[%get3A_472, %get3A_473] {strides = array<i32>} : memref<128x272xf32, #tpu.memory_space<vmem>>, vector<1x16xf32>,
          %get3A_475 = vector.shape_cast %get3A_474 : vector<1x16xf32> to vector<16xf32>
          %mul3A_476 = arith.mulf %gather3A_471, %get3A_475 : vector<16xf32>
          %add3A_477 = arith.addf %mul3A_316, %mul3A_326 : vector<16xf32>
          %add3A_478 = arith.addf %mul3A_336, %mul3A_346 : vector<16xf32>
          %add3A_479 = arith.addf %mul3A_356, %mul3A_366 : vector<16xf32>
          %add3A_480 = arith.addf %mul3A_376, %mul3A_386 : vector<16xf32>
          %add3A_481 = arith.addf %mul3A_396, %mul3A_406 : vector<16xf32>
          %add3A_482 = arith.addf %mul3A_416, %mul3A_426 : vector<16xf32>
          %add3A_483 = arith.addf %mul3A_436, %mul3A_446 : vector<16xf32>
          %add3A_484 = arith.addf %mul3A_456, %mul3A_466 : vector<16xf32>
          %add3A_485 = arith.addf %add3A_477, %add3A_478 : vector<16xf32>
          %add3A_486 = arith.addf %add3A_479, %add3A_480 : vector<16xf32>
          %add3A_487 = arith.addf %add3A_481, %add3A_482 : vector<16xf32>
          %add3A_488 = arith.addf %add3A_483, %add3A_484 : vector<16xf32>
          %add3A_489 = arith.addf %add3A_485, %add3A_486 : vector<16xf32>
          %add3A_490 = arith.addf %add3A_487, %add3A_488 : vector<16xf32>
          %add3A_491 = arith.addf %add3A_489, %add3A_490 : vector<16xf32>
          %add3A_492 = arith.addf %add3A_491, %mul3A_476 : vector<16xf32>
          %swap3A_493 = arith.index_cast %scan3A_298 : i32 to index
          %swap3A_494 = arith.constant 0 : index
          %swap3A_495 = tpu.vector_load %arg16[%swap3A_493, %swap3A_494] {strides = array<i32>} : memref<128x16xf32, #tpu.memory_space<vmem>>, vector<1x16xf32>,
          %swap3A_496 = vector.shape_cast %swap3A_495 : vector<1x16xf32> to vector<16xf32>
          %swap3A_497 = vector.shape_cast %add3A_492 : vector<16xf32> to vector<1x16xf32>
          tpu.vector_store %arg16[%swap3A_493, %swap3A_494], %swap3A_497 {strides = array<i32>} : memref<128x16xf32, #tpu.memory_space<vmem>>, vector<1x16xf32>,
        }
        %scan3A_100 = arith.constant 128 : i32
        "tpu.region"() ({
          %run_scoped3A_101 = tpu.sem_alloc : memref<!tpu.dma_semaphore, #tpu.memory_space<semaphore_mem>>
          %dma_start3A_102 = arith.constant 0 : i32
          %dma_start3A_103 = arith.constant 0 : i32
          %dma_start3A_104 = tpu.memref_slice %arg17[%dma_start3A_102, %dma_start3A_103] : memref<10240x16xf32, #tpu.memory_space<vmem_shared>> -> memref<10240x16xf32, #tpu.memory_space<vmem_shared>>
          tpu.enqueue_indirect_dma source(%arg16 : memref<128x16xf32, #tpu.memory_space<vmem>>) target(%dma_start3A_104 : memref<10240x16xf32, #tpu.memory_space<vmem_shared>>) offsets(%arg11 : memref<128xi32, #tpu.memory_space<vmem>>) semaphore(%run_scoped3A_101 : memref<!tpu.dma_semaphore, #tpu.memory_space<semaphore_mem>>) {add = true}
          %dma_wait3A_105 = arith.constant 0 : i32
          %dma_wait3A_106 = arith.constant 0 : i32
          %dma_wait3A_107 = tpu.memref_slice %arg17[%dma_wait3A_105, %dma_wait3A_106] : memref<10240x16xf32, #tpu.memory_space<vmem_shared>> -> memref<10240x16xf32, #tpu.memory_space<vmem_shared>>
          tpu.wait_indirect_dma semaphore(%run_scoped3A_101 : memref<!tpu.dma_semaphore, #tpu.memory_space<semaphore_mem>>) src(%arg16 : memref<128x16xf32, #tpu.memory_space<vmem>>) dst(%dma_wait3A_107 : memref<10240x16xf32, #tpu.memory_space<vmem_shared>>)
          tpu.yield
        }) : () -> ()
      } else {
      }
    }
    %scan3A_27 = arith.constant 20 : i32
    %barrier3A_28 = arith.constant 0 : index
    tpu.barrier barrier_id(%barrier3A_28)
    %mul3A_29 = arith.constant 640 : i32
    %mul3A_30 = arith.muli %arg1, %mul3A_29 : i32
    %mul3A_31 = arith.constant 640 : i32
    %mul3A_32 = arith.muli %arg1, %mul3A_31 : i32
    "tpu.region"() ({
      %run_scoped3A_33 = tpu.sem_alloc : memref<!tpu.dma_semaphore, #tpu.memory_space<semaphore_mem>>
      %dma_start3A_34 = arith.constant 0 : i32
      %dma_start3A_35 = tpu.memref_slice %arg7[%arg0, %mul3A_32, %dma_start3A_34] : memref<2x10240x16xf32, #tpu.memory_space<hbm>> -> memref<1x640x16xf32, #tpu.memory_space<hbm>>
      %dma_start3A_36 = tpu.memref_squeeze %dma_start3A_35 : memref<1x640x16xf32, #tpu.memory_space<hbm>> -> memref<640x16xf32, #tpu.memory_space<hbm>>
      %dma_start3A_37 = arith.constant 0 : i32
      %dma_start3A_38 = tpu.memref_slice %arg17[%mul3A_30, %dma_start3A_37] : memref<10240x16xf32, #tpu.memory_space<vmem_shared>> -> memref<640x16xf32, #tpu.memory_space<vmem_shared>>
      tpu.enqueue_dma source(%dma_start3A_38 : memref<640x16xf32, #tpu.memory_space<vmem_shared>>) target(%dma_start3A_36 : memref<640x16xf32, #tpu.memory_space<hbm>>) target_semaphore(%run_scoped3A_33 : memref<!tpu.dma_semaphore, #tpu.memory_space<semaphore_mem>>)
      %dma_wait3A = arith.constant 0 : i32
      %dma_wait3A_39 = tpu.memref_slice %arg7[%arg0, %mul3A_32, %dma_wait3A] : memref<2x10240x16xf32, #tpu.memory_space<hbm>> -> memref<1x640x16xf32, #tpu.memory_space<hbm>>
      %dma_wait3A_40 = tpu.memref_squeeze %dma_wait3A_39 : memref<1x640x16xf32, #tpu.memory_space<hbm>> -> memref<640x16xf32, #tpu.memory_space<hbm>>
      %dma_wait3A_41 = arith.constant 0 : i32
      %dma_wait3A_42 = tpu.memref_slice %arg17[%mul3A_30, %dma_wait3A_41] : memref<10240x16xf32, #tpu.memory_space<vmem_shared>> -> memref<640x16xf32, #tpu.memory_space<vmem_shared>>
      tpu.wait_dma2 semaphore(%run_scoped3A_33 : memref<!tpu.dma_semaphore, #tpu.memory_space<semaphore_mem>>) src(%dma_wait3A_42 : memref<640x16xf32, #tpu.memory_space<vmem_shared>>) dst(%dma_wait3A_40 : memref<640x16xf32, #tpu.memory_space<hbm>>)
      tpu.yield
    }) : () -> ()
    return
  }
}

#map = affine_map<(d0, d1) -> (0, 0)>
#map1 = affine_map<(d0, d1) -> (0, 0, 0, 0)>
#map2 = affine_map<(d0, d1) -> (0, 0, 0)>
module attributes {stable_mosaic.version = 14 : i64} {
  func.func @_edge_body(%arg0: i32, %arg1: i32, %arg2: memref<10000x272xf32, #tpu.memory_space<hbm>>, %arg3: memref<32x40x128x32xf32, #tpu.memory_space<hbm>>, %arg4: memref<32x40x128xi32, #tpu.memory_space<hbm>>, %arg5: memref<32x40x128xi32, #tpu.memory_space<hbm>>, %arg6: memref<10240x16xf32, #tpu.memory_space<hbm>>, %arg7: memref<2x10240x16xf32, #tpu.memory_space<hbm>>, %arg8: memref<128xi32, #tpu.memory_space<vmem>>, %arg9: memref<128xi32, #tpu.memory_space<vmem>>, %arg10: memref<128xi32, #tpu.memory_space<vmem>>, %arg11: memref<128xi32, #tpu.memory_space<vmem>>, %arg12: memref<128x32xf32, #tpu.memory_space<vmem>>, %arg13: memref<128x32xf32, #tpu.memory_space<vmem>>, %arg14: memref<128x272xf32, #tpu.memory_space<vmem>>, %arg15: memref<128x272xf32, #tpu.memory_space<vmem>>, %arg16: memref<128x16xf32, #tpu.memory_space<vmem>>, %arg17: memref<10240x16xf32, #tpu.memory_space<vmem_shared>>, %arg18: memref<!tpu.dma_semaphore, #tpu.memory_space<semaphore_mem>>, %arg19: memref<!tpu.dma_semaphore, #tpu.memory_space<semaphore_mem>>) attributes {dimension_semantics = [#tpu.dimension_semantics<core_parallel>, #tpu.dimension_semantics<subcore_parallel>], iteration_bounds = array<i64: 2, 16>, scalar_prefetch = 0 : i64, scratch_operands = 12 : i64, tpu.core_type = #tpu.core_type<sc_vector_subcore>, window_params = [{transform_indices = #map}, {transform_indices = #map1}, {transform_indices = #map2}, {transform_indices = #map2}, {transform_indices = #map}, {transform_indices = #map2}]} {
    %mul3A = arith.constant 2 : i32
    %mul3A_0 = arith.muli %arg1, %mul3A : i32
    %add3A = arith.addi %mul3A_0, %arg0 : i32
    %mul3A_1 = arith.constant 640 : i32
    %mul3A_2 = arith.muli %arg1, %mul3A_1 : i32
    %mul3A_3 = arith.constant 640 : i32
    %mul3A_4 = arith.muli %arg1, %mul3A_3 : i32
    "tpu.region"() ({
      %run_scoped3A_33 = tpu.sem_alloc : memref<!tpu.dma_semaphore, #tpu.memory_space<semaphore_mem>>
      %dma_start3A_34 = arith.constant 0 : i32
      %dma_start3A_35 = tpu.memref_slice %arg17[%mul3A_4, %dma_start3A_34] : memref<10240x16xf32, #tpu.memory_space<vmem_shared>> -> memref<640x16xf32, #tpu.memory_space<vmem_shared>>
      %dma_start3A_36 = arith.constant 0 : i32
      %dma_start3A_37 = tpu.memref_slice %arg6[%mul3A_2, %dma_start3A_36] : memref<10240x16xf32, #tpu.memory_space<hbm>> -> memref<640x16xf32, #tpu.memory_space<hbm>>
      tpu.enqueue_dma source(%dma_start3A_37 : memref<640x16xf32, #tpu.memory_space<hbm>>) target(%dma_start3A_35 : memref<640x16xf32, #tpu.memory_space<vmem_shared>>) target_semaphore(%run_scoped3A_33 : memref<!tpu.dma_semaphore, #tpu.memory_space<semaphore_mem>>)
      %dma_wait3A = arith.constant 0 : i32
      %dma_wait3A_38 = tpu.memref_slice %arg17[%mul3A_4, %dma_wait3A] : memref<10240x16xf32, #tpu.memory_space<vmem_shared>> -> memref<640x16xf32, #tpu.memory_space<vmem_shared>>
      %dma_wait3A_39 = arith.constant 0 : i32
      %dma_wait3A_40 = tpu.memref_slice %arg6[%mul3A_2, %dma_wait3A_39] : memref<10240x16xf32, #tpu.memory_space<hbm>> -> memref<640x16xf32, #tpu.memory_space<hbm>>
      tpu.wait_dma2 semaphore(%run_scoped3A_33 : memref<!tpu.dma_semaphore, #tpu.memory_space<semaphore_mem>>) src(%dma_wait3A_40 : memref<640x16xf32, #tpu.memory_space<hbm>>) dst(%dma_wait3A_38 : memref<640x16xf32, #tpu.memory_space<vmem_shared>>)
      tpu.yield
    }) : () -> ()
    %barrier3A = arith.constant 0 : index
    tpu.barrier barrier_id(%barrier3A)
    %run_scoped3A = arith.constant 0 : i32
    "tpu.region"() ({
      %run_scoped3A_33 = tpu.sem_alloc : memref<!tpu.dma_semaphore, #tpu.memory_space<semaphore_mem>>
      %dma_start3A_34 = arith.constant 0 : i32
      %dma_start3A_35 = tpu.memref_slice %arg4[%add3A, %run_scoped3A, %dma_start3A_34] : memref<32x40x128xi32, #tpu.memory_space<hbm>> -> memref<1x1x128xi32, #tpu.memory_space<hbm>>
      %dma_start3A_36 = tpu.memref_squeeze %dma_start3A_35 : memref<1x1x128xi32, #tpu.memory_space<hbm>> -> memref<128xi32, #tpu.memory_space<hbm>>
      %dma_start3A_37 = arith.constant 0 : i32
      %dma_start3A_38 = tpu.memref_slice %arg4[%add3A, %run_scoped3A, %dma_start3A_37] : memref<32x40x128xi32, #tpu.memory_space<hbm>> -> memref<1x1x128xi32, #tpu.memory_space<hbm>>
      %dma_start3A_39 = tpu.memref_squeeze %dma_start3A_38 : memref<1x1x128xi32, #tpu.memory_space<hbm>> -> memref<128xi32, #tpu.memory_space<hbm>>
      tpu.enqueue_dma source(%dma_start3A_39 : memref<128xi32, #tpu.memory_space<hbm>>) target(%arg8 : memref<128xi32, #tpu.memory_space<vmem>>) target_semaphore(%run_scoped3A_33 : memref<!tpu.dma_semaphore, #tpu.memory_space<semaphore_mem>>)
      %dma_wait3A = arith.constant 0 : i32
      %dma_wait3A_40 = tpu.memref_slice %arg4[%add3A, %run_scoped3A, %dma_wait3A] : memref<32x40x128xi32, #tpu.memory_space<hbm>> -> memref<1x1x128xi32, #tpu.memory_space<hbm>>
      %dma_wait3A_41 = tpu.memref_squeeze %dma_wait3A_40 : memref<1x1x128xi32, #tpu.memory_space<hbm>> -> memref<128xi32, #tpu.memory_space<hbm>>
      %dma_wait3A_42 = arith.constant 0 : i32
      %dma_wait3A_43 = tpu.memref_slice %arg4[%add3A, %run_scoped3A, %dma_wait3A_42] : memref<32x40x128xi32, #tpu.memory_space<hbm>> -> memref<1x1x128xi32, #tpu.memory_space<hbm>>
      %dma_wait3A_44 = tpu.memref_squeeze %dma_wait3A_43 : memref<1x1x128xi32, #tpu.memory_space<hbm>> -> memref<128xi32, #tpu.memory_space<hbm>>
      tpu.wait_dma2 semaphore(%run_scoped3A_33 : memref<!tpu.dma_semaphore, #tpu.memory_space<semaphore_mem>>) src(%dma_wait3A_44 : memref<128xi32, #tpu.memory_space<hbm>>) dst(%arg8 : memref<128xi32, #tpu.memory_space<vmem>>)
      tpu.yield
    }) : () -> ()
    %dma_start3A = arith.constant 0 : i32
    %dma_start3A_5 = arith.constant 0 : i32
    %dma_start3A_6 = tpu.memref_slice %arg2[%dma_start3A, %dma_start3A_5] : memref<10000x272xf32, #tpu.memory_space<hbm>> -> memref<10000x272xf32, #tpu.memory_space<hbm>>
    tpu.enqueue_indirect_dma source(%dma_start3A_6 : memref<10000x272xf32, #tpu.memory_space<hbm>>) target(%arg14 : memref<128x272xf32, #tpu.memory_space<vmem>>) offsets(%arg8 : memref<128xi32, #tpu.memory_space<vmem>>) semaphore(%arg18 : memref<!tpu.dma_semaphore, #tpu.memory_space<semaphore_mem>>)
    %dma_start3A_7 = arith.constant 0 : i32
    %dma_start3A_8 = arith.constant 0 : i32
    %dma_start3A_9 = tpu.memref_slice %arg5[%add3A, %dma_start3A_7, %dma_start3A_8] : memref<32x40x128xi32, #tpu.memory_space<hbm>> -> memref<1x1x128xi32, #tpu.memory_space<hbm>>
    %dma_start3A_10 = tpu.memref_squeeze %dma_start3A_9 : memref<1x1x128xi32, #tpu.memory_space<hbm>> -> memref<128xi32, #tpu.memory_space<hbm>>
    %dma_start3A_11 = arith.constant 0 : i32
    %dma_start3A_12 = tpu.memref_slice %arg5[%add3A, %dma_start3A_7, %dma_start3A_11] : memref<32x40x128xi32, #tpu.memory_space<hbm>> -> memref<1x1x128xi32, #tpu.memory_space<hbm>>
    %dma_start3A_13 = tpu.memref_squeeze %dma_start3A_12 : memref<1x1x128xi32, #tpu.memory_space<hbm>> -> memref<128xi32, #tpu.memory_space<hbm>>
    tpu.enqueue_dma source(%dma_start3A_13 : memref<128xi32, #tpu.memory_space<hbm>>) target(%arg10 : memref<128xi32, #tpu.memory_space<vmem>>) target_semaphore(%arg18 : memref<!tpu.dma_semaphore, #tpu.memory_space<semaphore_mem>>)
    %dma_start3A_14 = arith.constant 0 : i32
    %dma_start3A_15 = arith.constant 0 : i32
    %dma_start3A_16 = arith.constant 0 : i32
    %dma_start3A_17 = tpu.memref_slice %arg3[%add3A, %dma_start3A_14, %dma_start3A_15, %dma_start3A_16] : memref<32x40x128x32xf32, #tpu.memory_space<hbm>> -> memref<1x1x128x32xf32, #tpu.memory_space<hbm>>
    %dma_start3A_18 = tpu.memref_squeeze %dma_start3A_17 : memref<1x1x128x32xf32, #tpu.memory_space<hbm>> -> memref<128x32xf32, #tpu.memory_space<hbm>>
    %dma_start3A_19 = arith.constant 0 : i32
    %dma_start3A_20 = arith.constant 0 : i32
    %dma_start3A_21 = tpu.memref_slice %arg3[%add3A, %dma_start3A_14, %dma_start3A_19, %dma_start3A_20] : memref<32x40x128x32xf32, #tpu.memory_space<hbm>> -> memref<1x1x128x32xf32, #tpu.memory_space<hbm>>
    %dma_start3A_22 = tpu.memref_squeeze %dma_start3A_21 : memref<1x1x128x32xf32, #tpu.memory_space<hbm>> -> memref<128x32xf32, #tpu.memory_space<hbm>>
    tpu.enqueue_dma source(%dma_start3A_22 : memref<128x32xf32, #tpu.memory_space<hbm>>) target(%arg12 : memref<128x32xf32, #tpu.memory_space<vmem>>) target_semaphore(%arg18 : memref<!tpu.dma_semaphore, #tpu.memory_space<semaphore_mem>>)
    %scan3A = arith.constant 0 : i32
    %scan3A_23 = arith.constant 0 : i32
    %scan3A_24 = arith.constant 20 : i32
    %scan3A_25 = arith.addi %scan3A_23, %scan3A_24 : i32
    %scan3A_26 = arith.constant 1 : i32
    scf.for %scan3A_33 = %scan3A_23 to %scan3A_25 step %scan3A_26  : i32 {
      %mul3A_34 = arith.constant 2 : i32
      %mul3A_35 = arith.muli %mul3A_34, %scan3A_33 : i32
      %add3A_36 = arith.constant 1 : i32
      %add3A_37 = arith.addi %mul3A_35, %add3A_36 : i32
      %lt3A = arith.constant 40 : i32
      %lt3A_38 = arith.cmpi slt, %add3A_37, %lt3A : i32
      %convert_element_type3A = arith.extui %lt3A_38 : i1 to i32
      %cond3A = arith.constant 0 : i32
      %cond3A_39 = arith.cmpi ne, %convert_element_type3A, %cond3A : i32
      scf.if %cond3A_39 {
        %add3A_76 = arith.constant 1 : i32
        %add3A_77 = arith.addi %mul3A_35, %add3A_76 : i32
        "tpu.region"() ({
          %run_scoped3A_95 = tpu.sem_alloc : memref<!tpu.dma_semaphore, #tpu.memory_space<semaphore_mem>>
          %dma_start3A_96 = arith.constant 0 : i32
          %dma_start3A_97 = tpu.memref_slice %arg4[%add3A, %add3A_77, %dma_start3A_96] : memref<32x40x128xi32, #tpu.memory_space<hbm>> -> memref<1x1x128xi32, #tpu.memory_space<hbm>>
          %dma_start3A_98 = tpu.memref_squeeze %dma_start3A_97 : memref<1x1x128xi32, #tpu.memory_space<hbm>> -> memref<128xi32, #tpu.memory_space<hbm>>
          %dma_start3A_99 = arith.constant 0 : i32
          %dma_start3A_100 = tpu.memref_slice %arg4[%add3A, %add3A_77, %dma_start3A_99] : memref<32x40x128xi32, #tpu.memory_space<hbm>> -> memref<1x1x128xi32, #tpu.memory_space<hbm>>
          %dma_start3A_101 = tpu.memref_squeeze %dma_start3A_100 : memref<1x1x128xi32, #tpu.memory_space<hbm>> -> memref<128xi32, #tpu.memory_space<hbm>>
          tpu.enqueue_dma source(%dma_start3A_101 : memref<128xi32, #tpu.memory_space<hbm>>) target(%arg9 : memref<128xi32, #tpu.memory_space<vmem>>) target_semaphore(%run_scoped3A_95 : memref<!tpu.dma_semaphore, #tpu.memory_space<semaphore_mem>>)
          %dma_wait3A_102 = arith.constant 0 : i32
          %dma_wait3A_103 = tpu.memref_slice %arg4[%add3A, %add3A_77, %dma_wait3A_102] : memref<32x40x128xi32, #tpu.memory_space<hbm>> -> memref<1x1x128xi32, #tpu.memory_space<hbm>>
          %dma_wait3A_104 = tpu.memref_squeeze %dma_wait3A_103 : memref<1x1x128xi32, #tpu.memory_space<hbm>> -> memref<128xi32, #tpu.memory_space<hbm>>
          %dma_wait3A_105 = arith.constant 0 : i32
          %dma_wait3A_106 = tpu.memref_slice %arg4[%add3A, %add3A_77, %dma_wait3A_105] : memref<32x40x128xi32, #tpu.memory_space<hbm>> -> memref<1x1x128xi32, #tpu.memory_space<hbm>>
          %dma_wait3A_107 = tpu.memref_squeeze %dma_wait3A_106 : memref<1x1x128xi32, #tpu.memory_space<hbm>> -> memref<128xi32, #tpu.memory_space<hbm>>
          tpu.wait_dma2 semaphore(%run_scoped3A_95 : memref<!tpu.dma_semaphore, #tpu.memory_space<semaphore_mem>>) src(%dma_wait3A_107 : memref<128xi32, #tpu.memory_space<hbm>>) dst(%arg9 : memref<128xi32, #tpu.memory_space<vmem>>)
          tpu.yield
        }) : () -> ()
        %dma_start3A_78 = arith.constant 0 : i32
        %dma_start3A_79 = arith.constant 0 : i32
        %dma_start3A_80 = tpu.memref_slice %arg2[%dma_start3A_78, %dma_start3A_79] : memref<10000x272xf32, #tpu.memory_space<hbm>> -> memref<10000x272xf32, #tpu.memory_space<hbm>>
        tpu.enqueue_indirect_dma source(%dma_start3A_80 : memref<10000x272xf32, #tpu.memory_space<hbm>>) target(%arg15 : memref<128x272xf32, #tpu.memory_space<vmem>>) offsets(%arg9 : memref<128xi32, #tpu.memory_space<vmem>>) semaphore(%arg19 : memref<!tpu.dma_semaphore, #tpu.memory_space<semaphore_mem>>)
        %dma_start3A_81 = arith.constant 0 : i32
        %dma_start3A_82 = tpu.memref_slice %arg5[%add3A, %add3A_77, %dma_start3A_81] : memref<32x40x128xi32, #tpu.memory_space<hbm>> -> memref<1x1x128xi32, #tpu.memory_space<hbm>>
        %dma_start3A_83 = tpu.memref_squeeze %dma_start3A_82 : memref<1x1x128xi32, #tpu.memory_space<hbm>> -> memref<128xi32, #tpu.memory_space<hbm>>
        %dma_start3A_84 = arith.constant 0 : i32
        %dma_start3A_85 = tpu.memref_slice %arg5[%add3A, %add3A_77, %dma_start3A_84] : memref<32x40x128xi32, #tpu.memory_space<hbm>> -> memref<1x1x128xi32, #tpu.memory_space<hbm>>
        %dma_start3A_86 = tpu.memref_squeeze %dma_start3A_85 : memref<1x1x128xi32, #tpu.memory_space<hbm>> -> memref<128xi32, #tpu.memory_space<hbm>>
        tpu.enqueue_dma source(%dma_start3A_86 : memref<128xi32, #tpu.memory_space<hbm>>) target(%arg11 : memref<128xi32, #tpu.memory_space<vmem>>) target_semaphore(%arg19 : memref<!tpu.dma_semaphore, #tpu.memory_space<semaphore_mem>>)
        %dma_start3A_87 = arith.constant 0 : i32
        %dma_start3A_88 = arith.constant 0 : i32
        %dma_start3A_89 = tpu.memref_slice %arg3[%add3A, %add3A_77, %dma_start3A_87, %dma_start3A_88] : memref<32x40x128x32xf32, #tpu.memory_space<hbm>> -> memref<1x1x128x32xf32, #tpu.memory_space<hbm>>
        %dma_start3A_90 = tpu.memref_squeeze %dma_start3A_89 : memref<1x1x128x32xf32, #tpu.memory_space<hbm>> -> memref<128x32xf32, #tpu.memory_space<hbm>>
        %dma_start3A_91 = arith.constant 0 : i32
        %dma_start3A_92 = arith.constant 0 : i32
        %dma_start3A_93 = tpu.memref_slice %arg3[%add3A, %add3A_77, %dma_start3A_91, %dma_start3A_92] : memref<32x40x128x32xf32, #tpu.memory_space<hbm>> -> memref<1x1x128x32xf32, #tpu.memory_space<hbm>>
        %dma_start3A_94 = tpu.memref_squeeze %dma_start3A_93 : memref<1x1x128x32xf32, #tpu.memory_space<hbm>> -> memref<128x32xf32, #tpu.memory_space<hbm>>
        tpu.enqueue_dma source(%dma_start3A_94 : memref<128x32xf32, #tpu.memory_space<hbm>>) target(%arg13 : memref<128x32xf32, #tpu.memory_space<vmem>>) target_semaphore(%arg19 : memref<!tpu.dma_semaphore, #tpu.memory_space<semaphore_mem>>)
      } else {
      }
      %dma_wait3A = arith.constant 0 : i32
      %dma_wait3A_40 = arith.constant 0 : i32
      %dma_wait3A_41 = tpu.memref_slice %arg2[%dma_wait3A, %dma_wait3A_40] : memref<10000x272xf32, #tpu.memory_space<hbm>> -> memref<10000x272xf32, #tpu.memory_space<hbm>>
      tpu.wait_indirect_dma semaphore(%arg18 : memref<!tpu.dma_semaphore, #tpu.memory_space<semaphore_mem>>) src(%dma_wait3A_41 : memref<10000x272xf32, #tpu.memory_space<hbm>>) dst(%arg14 : memref<128x272xf32, #tpu.memory_space<vmem>>)
      %dma_wait3A_42 = arith.constant 0 : i32
      %dma_wait3A_43 = tpu.memref_slice %arg5[%add3A, %mul3A_35, %dma_wait3A_42] : memref<32x40x128xi32, #tpu.memory_space<hbm>> -> memref<1x1x128xi32, #tpu.memory_space<hbm>>
      %dma_wait3A_44 = tpu.memref_squeeze %dma_wait3A_43 : memref<1x1x128xi32, #tpu.memory_space<hbm>> -> memref<128xi32, #tpu.memory_space<hbm>>
      %dma_wait3A_45 = arith.constant 0 : i32
      %dma_wait3A_46 = tpu.memref_slice %arg5[%add3A, %mul3A_35, %dma_wait3A_45] : memref<32x40x128xi32, #tpu.memory_space<hbm>> -> memref<1x1x128xi32, #tpu.memory_space<hbm>>
      %dma_wait3A_47 = tpu.memref_squeeze %dma_wait3A_46 : memref<1x1x128xi32, #tpu.memory_space<hbm>> -> memref<128xi32, #tpu.memory_space<hbm>>
      tpu.wait_dma2 semaphore(%arg18 : memref<!tpu.dma_semaphore, #tpu.memory_space<semaphore_mem>>) src(%dma_wait3A_47 : memref<128xi32, #tpu.memory_space<hbm>>) dst(%arg10 : memref<128xi32, #tpu.memory_space<vmem>>)
      %dma_wait3A_48 = arith.constant 0 : i32
      %dma_wait3A_49 = arith.constant 0 : i32
      %dma_wait3A_50 = tpu.memref_slice %arg3[%add3A, %mul3A_35, %dma_wait3A_48, %dma_wait3A_49] : memref<32x40x128x32xf32, #tpu.memory_space<hbm>> -> memref<1x1x128x32xf32, #tpu.memory_space<hbm>>
      %dma_wait3A_51 = tpu.memref_squeeze %dma_wait3A_50 : memref<1x1x128x32xf32, #tpu.memory_space<hbm>> -> memref<128x32xf32, #tpu.memory_space<hbm>>
      %dma_wait3A_52 = arith.constant 0 : i32
      %dma_wait3A_53 = arith.constant 0 : i32
      %dma_wait3A_54 = tpu.memref_slice %arg3[%add3A, %mul3A_35, %dma_wait3A_52, %dma_wait3A_53] : memref<32x40x128x32xf32, #tpu.memory_space<hbm>> -> memref<1x1x128x32xf32, #tpu.memory_space<hbm>>
      %dma_wait3A_55 = tpu.memref_squeeze %dma_wait3A_54 : memref<1x1x128x32xf32, #tpu.memory_space<hbm>> -> memref<128x32xf32, #tpu.memory_space<hbm>>
      tpu.wait_dma2 semaphore(%arg18 : memref<!tpu.dma_semaphore, #tpu.memory_space<semaphore_mem>>) src(%dma_wait3A_55 : memref<128x32xf32, #tpu.memory_space<hbm>>) dst(%arg12 : memref<128x32xf32, #tpu.memory_space<vmem>>)
      %scan3A_56 = arith.constant 0 : i32
      %scan3A_57 = arith.constant 0 : i32
      %scan3A_58 = arith.constant 128 : i32
      %scan3A_59 = arith.addi %scan3A_57, %scan3A_58 : i32
      %scan3A_60 = arith.constant 2 : i32
      scf.for %scan3A_76 = %scan3A_57 to %scan3A_59 step %scan3A_60  : i32 {
        %get3A = arith.index_cast %scan3A_76 : i32 to index
        %get3A_77 = arith.constant 0 : index
        %get3A_78 = tpu.vector_load %arg12[%get3A, %get3A_77] {strides = array<i32>} : memref<128x32xf32, #tpu.memory_space<vmem>>, vector<1x16xf32>,
        %get3A_79 = vector.shape_cast %get3A_78 : vector<1x16xf32> to vector<16xf32>
        %get3A_80 = arith.index_cast %scan3A_76 : i32 to index
        %get3A_81 = arith.constant 16 : index
        %get3A_82 = tpu.vector_load %arg12[%get3A_80, %get3A_81] {strides = array<i32>} : memref<128x32xf32, #tpu.memory_space<vmem>>, vector<1x16xf32>,
        %get3A_83 = vector.shape_cast %get3A_82 : vector<1x16xf32> to vector<16xf32>
        %broadcast_in_dim3A = arith.constant 0 : i32
        %broadcast_in_dim3A_84 = vector.broadcast %broadcast_in_dim3A : i32 to vector<16xi32>
        %broadcast_in_dim3A_85 = vector.shape_cast %broadcast_in_dim3A_84 : vector<16xi32> to vector<16x1xi32>
        %gather3A = vector.shape_cast %broadcast_in_dim3A_85 : vector<16x1xi32> to vector<16xi32>
        %gather3A_86 = tpu.dynamic_gather %get3A_79[%gather3A] in [0] : vector<16xf32>, vector<16xi32> -> vector<16xf32>
        %get3A_87 = arith.index_cast %scan3A_76 : i32 to index
        %get3A_88 = arith.constant 0 : index
        %get3A_89 = tpu.vector_load %arg14[%get3A_87, %get3A_88] {strides = array<i32>} : memref<128x272xf32, #tpu.memory_space<vmem>>, vector<1x16xf32>,
        %get3A_90 = vector.shape_cast %get3A_89 : vector<1x16xf32> to vector<16xf32>
        %mul3A_91 = arith.mulf %gather3A_86, %get3A_90 : vector<16xf32>
        %broadcast_in_dim3A_92 = arith.constant 1 : i32
        %broadcast_in_dim3A_93 = vector.broadcast %broadcast_in_dim3A_92 : i32 to vector<16xi32>
        %broadcast_in_dim3A_94 = vector.shape_cast %broadcast_in_dim3A_93 : vector<16xi32> to vector<16x1xi32>
        %gather3A_95 = vector.shape_cast %broadcast_in_dim3A_94 : vector<16x1xi32> to vector<16xi32>
        %gather3A_96 = tpu.dynamic_gather %get3A_79[%gather3A_95] in [0] : vector<16xf32>, vector<16xi32> -> vector<16xf32>
        %get3A_97 = arith.index_cast %scan3A_76 : i32 to index
        %get3A_98 = arith.constant 16 : index
        %get3A_99 = tpu.vector_load %arg14[%get3A_97, %get3A_98] {strides = array<i32>} : memref<128x272xf32, #tpu.memory_space<vmem>>, vector<1x16xf32>,
        %get3A_100 = vector.shape_cast %get3A_99 : vector<1x16xf32> to vector<16xf32>
        %mul3A_101 = arith.mulf %gather3A_96, %get3A_100 : vector<16xf32>
        %broadcast_in_dim3A_102 = arith.constant 2 : i32
        %broadcast_in_dim3A_103 = vector.broadcast %broadcast_in_dim3A_102 : i32 to vector<16xi32>
        %broadcast_in_dim3A_104 = vector.shape_cast %broadcast_in_dim3A_103 : vector<16xi32> to vector<16x1xi32>
        %gather3A_105 = vector.shape_cast %broadcast_in_dim3A_104 : vector<16x1xi32> to vector<16xi32>
        %gather3A_106 = tpu.dynamic_gather %get3A_79[%gather3A_105] in [0] : vector<16xf32>, vector<16xi32> -> vector<16xf32>
        %get3A_107 = arith.index_cast %scan3A_76 : i32 to index
        %get3A_108 = arith.constant 32 : index
        %get3A_109 = tpu.vector_load %arg14[%get3A_107, %get3A_108] {strides = array<i32>} : memref<128x272xf32, #tpu.memory_space<vmem>>, vector<1x16xf32>,
        %get3A_110 = vector.shape_cast %get3A_109 : vector<1x16xf32> to vector<16xf32>
        %mul3A_111 = arith.mulf %gather3A_106, %get3A_110 : vector<16xf32>
        %broadcast_in_dim3A_112 = arith.constant 3 : i32
        %broadcast_in_dim3A_113 = vector.broadcast %broadcast_in_dim3A_112 : i32 to vector<16xi32>
        %broadcast_in_dim3A_114 = vector.shape_cast %broadcast_in_dim3A_113 : vector<16xi32> to vector<16x1xi32>
        %gather3A_115 = vector.shape_cast %broadcast_in_dim3A_114 : vector<16x1xi32> to vector<16xi32>
        %gather3A_116 = tpu.dynamic_gather %get3A_79[%gather3A_115] in [0] : vector<16xf32>, vector<16xi32> -> vector<16xf32>
        %get3A_117 = arith.index_cast %scan3A_76 : i32 to index
        %get3A_118 = arith.constant 48 : index
        %get3A_119 = tpu.vector_load %arg14[%get3A_117, %get3A_118] {strides = array<i32>} : memref<128x272xf32, #tpu.memory_space<vmem>>, vector<1x16xf32>,
        %get3A_120 = vector.shape_cast %get3A_119 : vector<1x16xf32> to vector<16xf32>
        %mul3A_121 = arith.mulf %gather3A_116, %get3A_120 : vector<16xf32>
        %broadcast_in_dim3A_122 = arith.constant 4 : i32
        %broadcast_in_dim3A_123 = vector.broadcast %broadcast_in_dim3A_122 : i32 to vector<16xi32>
        %broadcast_in_dim3A_124 = vector.shape_cast %broadcast_in_dim3A_123 : vector<16xi32> to vector<16x1xi32>
        %gather3A_125 = vector.shape_cast %broadcast_in_dim3A_124 : vector<16x1xi32> to vector<16xi32>
        %gather3A_126 = tpu.dynamic_gather %get3A_79[%gather3A_125] in [0] : vector<16xf32>, vector<16xi32> -> vector<16xf32>
        %get3A_127 = arith.index_cast %scan3A_76 : i32 to index
        %get3A_128 = arith.constant 64 : index
        %get3A_129 = tpu.vector_load %arg14[%get3A_127, %get3A_128] {strides = array<i32>} : memref<128x272xf32, #tpu.memory_space<vmem>>, vector<1x16xf32>,
        %get3A_130 = vector.shape_cast %get3A_129 : vector<1x16xf32> to vector<16xf32>
        %mul3A_131 = arith.mulf %gather3A_126, %get3A_130 : vector<16xf32>
        %broadcast_in_dim3A_132 = arith.constant 5 : i32
        %broadcast_in_dim3A_133 = vector.broadcast %broadcast_in_dim3A_132 : i32 to vector<16xi32>
        %broadcast_in_dim3A_134 = vector.shape_cast %broadcast_in_dim3A_133 : vector<16xi32> to vector<16x1xi32>
        %gather3A_135 = vector.shape_cast %broadcast_in_dim3A_134 : vector<16x1xi32> to vector<16xi32>
        %gather3A_136 = tpu.dynamic_gather %get3A_79[%gather3A_135] in [0] : vector<16xf32>, vector<16xi32> -> vector<16xf32>
        %get3A_137 = arith.index_cast %scan3A_76 : i32 to index
        %get3A_138 = arith.constant 80 : index
        %get3A_139 = tpu.vector_load %arg14[%get3A_137, %get3A_138] {strides = array<i32>} : memref<128x272xf32, #tpu.memory_space<vmem>>, vector<1x16xf32>,
        %get3A_140 = vector.shape_cast %get3A_139 : vector<1x16xf32> to vector<16xf32>
        %mul3A_141 = arith.mulf %gather3A_136, %get3A_140 : vector<16xf32>
        %broadcast_in_dim3A_142 = arith.constant 6 : i32
        %broadcast_in_dim3A_143 = vector.broadcast %broadcast_in_dim3A_142 : i32 to vector<16xi32>
        %broadcast_in_dim3A_144 = vector.shape_cast %broadcast_in_dim3A_143 : vector<16xi32> to vector<16x1xi32>
        %gather3A_145 = vector.shape_cast %broadcast_in_dim3A_144 : vector<16x1xi32> to vector<16xi32>
        %gather3A_146 = tpu.dynamic_gather %get3A_79[%gather3A_145] in [0] : vector<16xf32>, vector<16xi32> -> vector<16xf32>
        %get3A_147 = arith.index_cast %scan3A_76 : i32 to index
        %get3A_148 = arith.constant 96 : index
        %get3A_149 = tpu.vector_load %arg14[%get3A_147, %get3A_148] {strides = array<i32>} : memref<128x272xf32, #tpu.memory_space<vmem>>, vector<1x16xf32>,
        %get3A_150 = vector.shape_cast %get3A_149 : vector<1x16xf32> to vector<16xf32>
        %mul3A_151 = arith.mulf %gather3A_146, %get3A_150 : vector<16xf32>
        %broadcast_in_dim3A_152 = arith.constant 7 : i32
        %broadcast_in_dim3A_153 = vector.broadcast %broadcast_in_dim3A_152 : i32 to vector<16xi32>
        %broadcast_in_dim3A_154 = vector.shape_cast %broadcast_in_dim3A_153 : vector<16xi32> to vector<16x1xi32>
        %gather3A_155 = vector.shape_cast %broadcast_in_dim3A_154 : vector<16x1xi32> to vector<16xi32>
        %gather3A_156 = tpu.dynamic_gather %get3A_79[%gather3A_155] in [0] : vector<16xf32>, vector<16xi32> -> vector<16xf32>
        %get3A_157 = arith.index_cast %scan3A_76 : i32 to index
        %get3A_158 = arith.constant 112 : index
        %get3A_159 = tpu.vector_load %arg14[%get3A_157, %get3A_158] {strides = array<i32>} : memref<128x272xf32, #tpu.memory_space<vmem>>, vector<1x16xf32>,
        %get3A_160 = vector.shape_cast %get3A_159 : vector<1x16xf32> to vector<16xf32>
        %mul3A_161 = arith.mulf %gather3A_156, %get3A_160 : vector<16xf32>
        %broadcast_in_dim3A_162 = arith.constant 8 : i32
        %broadcast_in_dim3A_163 = vector.broadcast %broadcast_in_dim3A_162 : i32 to vector<16xi32>
        %broadcast_in_dim3A_164 = vector.shape_cast %broadcast_in_dim3A_163 : vector<16xi32> to vector<16x1xi32>
        %gather3A_165 = vector.shape_cast %broadcast_in_dim3A_164 : vector<16x1xi32> to vector<16xi32>
        %gather3A_166 = tpu.dynamic_gather %get3A_79[%gather3A_165] in [0] : vector<16xf32>, vector<16xi32> -> vector<16xf32>
        %get3A_167 = arith.index_cast %scan3A_76 : i32 to index
        %get3A_168 = arith.constant 128 : index
        %get3A_169 = tpu.vector_load %arg14[%get3A_167, %get3A_168] {strides = array<i32>} : memref<128x272xf32, #tpu.memory_space<vmem>>, vector<1x16xf32>,
        %get3A_170 = vector.shape_cast %get3A_169 : vector<1x16xf32> to vector<16xf32>
        %mul3A_171 = arith.mulf %gather3A_166, %get3A_170 : vector<16xf32>
        %broadcast_in_dim3A_172 = arith.constant 9 : i32
        %broadcast_in_dim3A_173 = vector.broadcast %broadcast_in_dim3A_172 : i32 to vector<16xi32>
        %broadcast_in_dim3A_174 = vector.shape_cast %broadcast_in_dim3A_173 : vector<16xi32> to vector<16x1xi32>
        %gather3A_175 = vector.shape_cast %broadcast_in_dim3A_174 : vector<16x1xi32> to vector<16xi32>
        %gather3A_176 = tpu.dynamic_gather %get3A_79[%gather3A_175] in [0] : vector<16xf32>, vector<16xi32> -> vector<16xf32>
        %get3A_177 = arith.index_cast %scan3A_76 : i32 to index
        %get3A_178 = arith.constant 144 : index
        %get3A_179 = tpu.vector_load %arg14[%get3A_177, %get3A_178] {strides = array<i32>} : memref<128x272xf32, #tpu.memory_space<vmem>>, vector<1x16xf32>,
        %get3A_180 = vector.shape_cast %get3A_179 : vector<1x16xf32> to vector<16xf32>
        %mul3A_181 = arith.mulf %gather3A_176, %get3A_180 : vector<16xf32>
        %broadcast_in_dim3A_182 = arith.constant 10 : i32
        %broadcast_in_dim3A_183 = vector.broadcast %broadcast_in_dim3A_182 : i32 to vector<16xi32>
        %broadcast_in_dim3A_184 = vector.shape_cast %broadcast_in_dim3A_183 : vector<16xi32> to vector<16x1xi32>
        %gather3A_185 = vector.shape_cast %broadcast_in_dim3A_184 : vector<16x1xi32> to vector<16xi32>
        %gather3A_186 = tpu.dynamic_gather %get3A_79[%gather3A_185] in [0] : vector<16xf32>, vector<16xi32> -> vector<16xf32>
        %get3A_187 = arith.index_cast %scan3A_76 : i32 to index
        %get3A_188 = arith.constant 160 : index
        %get3A_189 = tpu.vector_load %arg14[%get3A_187, %get3A_188] {strides = array<i32>} : memref<128x272xf32, #tpu.memory_space<vmem>>, vector<1x16xf32>,
        %get3A_190 = vector.shape_cast %get3A_189 : vector<1x16xf32> to vector<16xf32>
        %mul3A_191 = arith.mulf %gather3A_186, %get3A_190 : vector<16xf32>
        %broadcast_in_dim3A_192 = arith.constant 11 : i32
        %broadcast_in_dim3A_193 = vector.broadcast %broadcast_in_dim3A_192 : i32 to vector<16xi32>
        %broadcast_in_dim3A_194 = vector.shape_cast %broadcast_in_dim3A_193 : vector<16xi32> to vector<16x1xi32>
        %gather3A_195 = vector.shape_cast %broadcast_in_dim3A_194 : vector<16x1xi32> to vector<16xi32>
        %gather3A_196 = tpu.dynamic_gather %get3A_79[%gather3A_195] in [0] : vector<16xf32>, vector<16xi32> -> vector<16xf32>
        %get3A_197 = arith.index_cast %scan3A_76 : i32 to index
        %get3A_198 = arith.constant 176 : index
        %get3A_199 = tpu.vector_load %arg14[%get3A_197, %get3A_198] {strides = array<i32>} : memref<128x272xf32, #tpu.memory_space<vmem>>, vector<1x16xf32>,
        %get3A_200 = vector.shape_cast %get3A_199 : vector<1x16xf32> to vector<16xf32>
        %mul3A_201 = arith.mulf %gather3A_196, %get3A_200 : vector<16xf32>
        %broadcast_in_dim3A_202 = arith.constant 12 : i32
        %broadcast_in_dim3A_203 = vector.broadcast %broadcast_in_dim3A_202 : i32 to vector<16xi32>
        %broadcast_in_dim3A_204 = vector.shape_cast %broadcast_in_dim3A_203 : vector<16xi32> to vector<16x1xi32>
        %gather3A_205 = vector.shape_cast %broadcast_in_dim3A_204 : vector<16x1xi32> to vector<16xi32>
        %gather3A_206 = tpu.dynamic_gather %get3A_79[%gather3A_205] in [0] : vector<16xf32>, vector<16xi32> -> vector<16xf32>
        %get3A_207 = arith.index_cast %scan3A_76 : i32 to index
        %get3A_208 = arith.constant 192 : index
        %get3A_209 = tpu.vector_load %arg14[%get3A_207, %get3A_208] {strides = array<i32>} : memref<128x272xf32, #tpu.memory_space<vmem>>, vector<1x16xf32>,
        %get3A_210 = vector.shape_cast %get3A_209 : vector<1x16xf32> to vector<16xf32>
        %mul3A_211 = arith.mulf %gather3A_206, %get3A_210 : vector<16xf32>
        %broadcast_in_dim3A_212 = arith.constant 13 : i32
        %broadcast_in_dim3A_213 = vector.broadcast %broadcast_in_dim3A_212 : i32 to vector<16xi32>
        %broadcast_in_dim3A_214 = vector.shape_cast %broadcast_in_dim3A_213 : vector<16xi32> to vector<16x1xi32>
        %gather3A_215 = vector.shape_cast %broadcast_in_dim3A_214 : vector<16x1xi32> to vector<16xi32>
        %gather3A_216 = tpu.dynamic_gather %get3A_79[%gather3A_215] in [0] : vector<16xf32>, vector<16xi32> -> vector<16xf32>
        %get3A_217 = arith.index_cast %scan3A_76 : i32 to index
        %get3A_218 = arith.constant 208 : index
        %get3A_219 = tpu.vector_load %arg14[%get3A_217, %get3A_218] {strides = array<i32>} : memref<128x272xf32, #tpu.memory_space<vmem>>, vector<1x16xf32>,
        %get3A_220 = vector.shape_cast %get3A_219 : vector<1x16xf32> to vector<16xf32>
        %mul3A_221 = arith.mulf %gather3A_216, %get3A_220 : vector<16xf32>
        %broadcast_in_dim3A_222 = arith.constant 14 : i32
        %broadcast_in_dim3A_223 = vector.broadcast %broadcast_in_dim3A_222 : i32 to vector<16xi32>
        %broadcast_in_dim3A_224 = vector.shape_cast %broadcast_in_dim3A_223 : vector<16xi32> to vector<16x1xi32>
        %gather3A_225 = vector.shape_cast %broadcast_in_dim3A_224 : vector<16x1xi32> to vector<16xi32>
        %gather3A_226 = tpu.dynamic_gather %get3A_79[%gather3A_225] in [0] : vector<16xf32>, vector<16xi32> -> vector<16xf32>
        %get3A_227 = arith.index_cast %scan3A_76 : i32 to index
        %get3A_228 = arith.constant 224 : index
        %get3A_229 = tpu.vector_load %arg14[%get3A_227, %get3A_228] {strides = array<i32>} : memref<128x272xf32, #tpu.memory_space<vmem>>, vector<1x16xf32>,
        %get3A_230 = vector.shape_cast %get3A_229 : vector<1x16xf32> to vector<16xf32>
        %mul3A_231 = arith.mulf %gather3A_226, %get3A_230 : vector<16xf32>
        %broadcast_in_dim3A_232 = arith.constant 15 : i32
        %broadcast_in_dim3A_233 = vector.broadcast %broadcast_in_dim3A_232 : i32 to vector<16xi32>
        %broadcast_in_dim3A_234 = vector.shape_cast %broadcast_in_dim3A_233 : vector<16xi32> to vector<16x1xi32>
        %gather3A_235 = vector.shape_cast %broadcast_in_dim3A_234 : vector<16x1xi32> to vector<16xi32>
        %gather3A_236 = tpu.dynamic_gather %get3A_79[%gather3A_235] in [0] : vector<16xf32>, vector<16xi32> -> vector<16xf32>
        %get3A_237 = arith.index_cast %scan3A_76 : i32 to index
        %get3A_238 = arith.constant 240 : index
        %get3A_239 = tpu.vector_load %arg14[%get3A_237, %get3A_238] {strides = array<i32>} : memref<128x272xf32, #tpu.memory_space<vmem>>, vector<1x16xf32>,
        %get3A_240 = vector.shape_cast %get3A_239 : vector<1x16xf32> to vector<16xf32>
        %mul3A_241 = arith.mulf %gather3A_236, %get3A_240 : vector<16xf32>
        %broadcast_in_dim3A_242 = arith.constant 0 : i32
        %broadcast_in_dim3A_243 = vector.broadcast %broadcast_in_dim3A_242 : i32 to vector<16xi32>
        %broadcast_in_dim3A_244 = vector.shape_cast %broadcast_in_dim3A_243 : vector<16xi32> to vector<16x1xi32>
        %gather3A_245 = vector.shape_cast %broadcast_in_dim3A_244 : vector<16x1xi32> to vector<16xi32>
        %gather3A_246 = tpu.dynamic_gather %get3A_83[%gather3A_245] in [0] : vector<16xf32>, vector<16xi32> -> vector<16xf32>
        %get3A_247 = arith.index_cast %scan3A_76 : i32 to index
        %get3A_248 = arith.constant 256 : index
        %get3A_249 = tpu.vector_load %arg14[%get3A_247, %get3A_248] {strides = array<i32>} : memref<128x272xf32, #tpu.memory_space<vmem>>, vector<1x16xf32>,
        %get3A_250 = vector.shape_cast %get3A_249 : vector<1x16xf32> to vector<16xf32>
        %mul3A_251 = arith.mulf %gather3A_246, %get3A_250 : vector<16xf32>
        %add3A_252 = arith.addf %mul3A_91, %mul3A_101 : vector<16xf32>
        %add3A_253 = arith.addf %mul3A_111, %mul3A_121 : vector<16xf32>
        %add3A_254 = arith.addf %mul3A_131, %mul3A_141 : vector<16xf32>
        %add3A_255 = arith.addf %mul3A_151, %mul3A_161 : vector<16xf32>
        %add3A_256 = arith.addf %mul3A_171, %mul3A_181 : vector<16xf32>
        %add3A_257 = arith.addf %mul3A_191, %mul3A_201 : vector<16xf32>
        %add3A_258 = arith.addf %mul3A_211, %mul3A_221 : vector<16xf32>
        %add3A_259 = arith.addf %mul3A_231, %mul3A_241 : vector<16xf32>
        %add3A_260 = arith.addf %add3A_252, %add3A_253 : vector<16xf32>
        %add3A_261 = arith.addf %add3A_254, %add3A_255 : vector<16xf32>
        %add3A_262 = arith.addf %add3A_256, %add3A_257 : vector<16xf32>
        %add3A_263 = arith.addf %add3A_258, %add3A_259 : vector<16xf32>
        %add3A_264 = arith.addf %add3A_260, %add3A_261 : vector<16xf32>
        %add3A_265 = arith.addf %add3A_262, %add3A_263 : vector<16xf32>
        %add3A_266 = arith.addf %add3A_264, %add3A_265 : vector<16xf32>
        %add3A_267 = arith.addf %add3A_266, %mul3A_251 : vector<16xf32>
        %swap3A = arith.index_cast %scan3A_76 : i32 to index
        %swap3A_268 = arith.constant 0 : index
        %swap3A_269 = tpu.vector_load %arg16[%swap3A, %swap3A_268] {strides = array<i32>} : memref<128x16xf32, #tpu.memory_space<vmem>>, vector<1x16xf32>,
        %swap3A_270 = vector.shape_cast %swap3A_269 : vector<1x16xf32> to vector<16xf32>
        %swap3A_271 = vector.shape_cast %add3A_267 : vector<16xf32> to vector<1x16xf32>
        tpu.vector_store %arg16[%swap3A, %swap3A_268], %swap3A_271 {strides = array<i32>} : memref<128x16xf32, #tpu.memory_space<vmem>>, vector<1x16xf32>,
        %scan3A_272 = arith.constant 1 : i32
        %scan3A_273 = arith.addi %scan3A_76, %scan3A_272 : i32
        %get3A_274 = arith.index_cast %scan3A_273 : i32 to index
        %get3A_275 = arith.constant 0 : index
        %get3A_276 = tpu.vector_load %arg12[%get3A_274, %get3A_275] {strides = array<i32>} : memref<128x32xf32, #tpu.memory_space<vmem>>, vector<1x16xf32>,
        %get3A_277 = vector.shape_cast %get3A_276 : vector<1x16xf32> to vector<16xf32>
        %get3A_278 = arith.index_cast %scan3A_273 : i32 to index
        %get3A_279 = arith.constant 16 : index
        %get3A_280 = tpu.vector_load %arg12[%get3A_278, %get3A_279] {strides = array<i32>} : memref<128x32xf32, #tpu.memory_space<vmem>>, vector<1x16xf32>,
        %get3A_281 = vector.shape_cast %get3A_280 : vector<1x16xf32> to vector<16xf32>
        %broadcast_in_dim3A_282 = arith.constant 0 : i32
        %broadcast_in_dim3A_283 = vector.broadcast %broadcast_in_dim3A_282 : i32 to vector<16xi32>
        %broadcast_in_dim3A_284 = vector.shape_cast %broadcast_in_dim3A_283 : vector<16xi32> to vector<16x1xi32>
        %gather3A_285 = vector.shape_cast %broadcast_in_dim3A_284 : vector<16x1xi32> to vector<16xi32>
        %gather3A_286 = tpu.dynamic_gather %get3A_277[%gather3A_285] in [0] : vector<16xf32>, vector<16xi32> -> vector<16xf32>
        %get3A_287 = arith.index_cast %scan3A_273 : i32 to index
        %get3A_288 = arith.constant 0 : index
        %get3A_289 = tpu.vector_load %arg14[%get3A_287, %get3A_288] {strides = array<i32>} : memref<128x272xf32, #tpu.memory_space<vmem>>, vector<1x16xf32>,
        %get3A_290 = vector.shape_cast %get3A_289 : vector<1x16xf32> to vector<16xf32>
        %mul3A_291 = arith.mulf %gather3A_286, %get3A_290 : vector<16xf32>
        %broadcast_in_dim3A_292 = arith.constant 1 : i32
        %broadcast_in_dim3A_293 = vector.broadcast %broadcast_in_dim3A_292 : i32 to vector<16xi32>
        %broadcast_in_dim3A_294 = vector.shape_cast %broadcast_in_dim3A_293 : vector<16xi32> to vector<16x1xi32>
        %gather3A_295 = vector.shape_cast %broadcast_in_dim3A_294 : vector<16x1xi32> to vector<16xi32>
        %gather3A_296 = tpu.dynamic_gather %get3A_277[%gather3A_295] in [0] : vector<16xf32>, vector<16xi32> -> vector<16xf32>
        %get3A_297 = arith.index_cast %scan3A_273 : i32 to index
        %get3A_298 = arith.constant 16 : index
        %get3A_299 = tpu.vector_load %arg14[%get3A_297, %get3A_298] {strides = array<i32>} : memref<128x272xf32, #tpu.memory_space<vmem>>, vector<1x16xf32>,
        %get3A_300 = vector.shape_cast %get3A_299 : vector<1x16xf32> to vector<16xf32>
        %mul3A_301 = arith.mulf %gather3A_296, %get3A_300 : vector<16xf32>
        %broadcast_in_dim3A_302 = arith.constant 2 : i32
        %broadcast_in_dim3A_303 = vector.broadcast %broadcast_in_dim3A_302 : i32 to vector<16xi32>
        %broadcast_in_dim3A_304 = vector.shape_cast %broadcast_in_dim3A_303 : vector<16xi32> to vector<16x1xi32>
        %gather3A_305 = vector.shape_cast %broadcast_in_dim3A_304 : vector<16x1xi32> to vector<16xi32>
        %gather3A_306 = tpu.dynamic_gather %get3A_277[%gather3A_305] in [0] : vector<16xf32>, vector<16xi32> -> vector<16xf32>
        %get3A_307 = arith.index_cast %scan3A_273 : i32 to index
        %get3A_308 = arith.constant 32 : index
        %get3A_309 = tpu.vector_load %arg14[%get3A_307, %get3A_308] {strides = array<i32>} : memref<128x272xf32, #tpu.memory_space<vmem>>, vector<1x16xf32>,
        %get3A_310 = vector.shape_cast %get3A_309 : vector<1x16xf32> to vector<16xf32>
        %mul3A_311 = arith.mulf %gather3A_306, %get3A_310 : vector<16xf32>
        %broadcast_in_dim3A_312 = arith.constant 3 : i32
        %broadcast_in_dim3A_313 = vector.broadcast %broadcast_in_dim3A_312 : i32 to vector<16xi32>
        %broadcast_in_dim3A_314 = vector.shape_cast %broadcast_in_dim3A_313 : vector<16xi32> to vector<16x1xi32>
        %gather3A_315 = vector.shape_cast %broadcast_in_dim3A_314 : vector<16x1xi32> to vector<16xi32>
        %gather3A_316 = tpu.dynamic_gather %get3A_277[%gather3A_315] in [0] : vector<16xf32>, vector<16xi32> -> vector<16xf32>
        %get3A_317 = arith.index_cast %scan3A_273 : i32 to index
        %get3A_318 = arith.constant 48 : index
        %get3A_319 = tpu.vector_load %arg14[%get3A_317, %get3A_318] {strides = array<i32>} : memref<128x272xf32, #tpu.memory_space<vmem>>, vector<1x16xf32>,
        %get3A_320 = vector.shape_cast %get3A_319 : vector<1x16xf32> to vector<16xf32>
        %mul3A_321 = arith.mulf %gather3A_316, %get3A_320 : vector<16xf32>
        %broadcast_in_dim3A_322 = arith.constant 4 : i32
        %broadcast_in_dim3A_323 = vector.broadcast %broadcast_in_dim3A_322 : i32 to vector<16xi32>
        %broadcast_in_dim3A_324 = vector.shape_cast %broadcast_in_dim3A_323 : vector<16xi32> to vector<16x1xi32>
        %gather3A_325 = vector.shape_cast %broadcast_in_dim3A_324 : vector<16x1xi32> to vector<16xi32>
        %gather3A_326 = tpu.dynamic_gather %get3A_277[%gather3A_325] in [0] : vector<16xf32>, vector<16xi32> -> vector<16xf32>
        %get3A_327 = arith.index_cast %scan3A_273 : i32 to index
        %get3A_328 = arith.constant 64 : index
        %get3A_329 = tpu.vector_load %arg14[%get3A_327, %get3A_328] {strides = array<i32>} : memref<128x272xf32, #tpu.memory_space<vmem>>, vector<1x16xf32>,
        %get3A_330 = vector.shape_cast %get3A_329 : vector<1x16xf32> to vector<16xf32>
        %mul3A_331 = arith.mulf %gather3A_326, %get3A_330 : vector<16xf32>
        %broadcast_in_dim3A_332 = arith.constant 5 : i32
        %broadcast_in_dim3A_333 = vector.broadcast %broadcast_in_dim3A_332 : i32 to vector<16xi32>
        %broadcast_in_dim3A_334 = vector.shape_cast %broadcast_in_dim3A_333 : vector<16xi32> to vector<16x1xi32>
        %gather3A_335 = vector.shape_cast %broadcast_in_dim3A_334 : vector<16x1xi32> to vector<16xi32>
        %gather3A_336 = tpu.dynamic_gather %get3A_277[%gather3A_335] in [0] : vector<16xf32>, vector<16xi32> -> vector<16xf32>
        %get3A_337 = arith.index_cast %scan3A_273 : i32 to index
        %get3A_338 = arith.constant 80 : index
        %get3A_339 = tpu.vector_load %arg14[%get3A_337, %get3A_338] {strides = array<i32>} : memref<128x272xf32, #tpu.memory_space<vmem>>, vector<1x16xf32>,
        %get3A_340 = vector.shape_cast %get3A_339 : vector<1x16xf32> to vector<16xf32>
        %mul3A_341 = arith.mulf %gather3A_336, %get3A_340 : vector<16xf32>
        %broadcast_in_dim3A_342 = arith.constant 6 : i32
        %broadcast_in_dim3A_343 = vector.broadcast %broadcast_in_dim3A_342 : i32 to vector<16xi32>
        %broadcast_in_dim3A_344 = vector.shape_cast %broadcast_in_dim3A_343 : vector<16xi32> to vector<16x1xi32>
        %gather3A_345 = vector.shape_cast %broadcast_in_dim3A_344 : vector<16x1xi32> to vector<16xi32>
        %gather3A_346 = tpu.dynamic_gather %get3A_277[%gather3A_345] in [0] : vector<16xf32>, vector<16xi32> -> vector<16xf32>
        %get3A_347 = arith.index_cast %scan3A_273 : i32 to index
        %get3A_348 = arith.constant 96 : index
        %get3A_349 = tpu.vector_load %arg14[%get3A_347, %get3A_348] {strides = array<i32>} : memref<128x272xf32, #tpu.memory_space<vmem>>, vector<1x16xf32>,
        %get3A_350 = vector.shape_cast %get3A_349 : vector<1x16xf32> to vector<16xf32>
        %mul3A_351 = arith.mulf %gather3A_346, %get3A_350 : vector<16xf32>
        %broadcast_in_dim3A_352 = arith.constant 7 : i32
        %broadcast_in_dim3A_353 = vector.broadcast %broadcast_in_dim3A_352 : i32 to vector<16xi32>
        %broadcast_in_dim3A_354 = vector.shape_cast %broadcast_in_dim3A_353 : vector<16xi32> to vector<16x1xi32>
        %gather3A_355 = vector.shape_cast %broadcast_in_dim3A_354 : vector<16x1xi32> to vector<16xi32>
        %gather3A_356 = tpu.dynamic_gather %get3A_277[%gather3A_355] in [0] : vector<16xf32>, vector<16xi32> -> vector<16xf32>
        %get3A_357 = arith.index_cast %scan3A_273 : i32 to index
        %get3A_358 = arith.constant 112 : index
        %get3A_359 = tpu.vector_load %arg14[%get3A_357, %get3A_358] {strides = array<i32>} : memref<128x272xf32, #tpu.memory_space<vmem>>, vector<1x16xf32>,
        %get3A_360 = vector.shape_cast %get3A_359 : vector<1x16xf32> to vector<16xf32>
        %mul3A_361 = arith.mulf %gather3A_356, %get3A_360 : vector<16xf32>
        %broadcast_in_dim3A_362 = arith.constant 8 : i32
        %broadcast_in_dim3A_363 = vector.broadcast %broadcast_in_dim3A_362 : i32 to vector<16xi32>
        %broadcast_in_dim3A_364 = vector.shape_cast %broadcast_in_dim3A_363 : vector<16xi32> to vector<16x1xi32>
        %gather3A_365 = vector.shape_cast %broadcast_in_dim3A_364 : vector<16x1xi32> to vector<16xi32>
        %gather3A_366 = tpu.dynamic_gather %get3A_277[%gather3A_365] in [0] : vector<16xf32>, vector<16xi32> -> vector<16xf32>
        %get3A_367 = arith.index_cast %scan3A_273 : i32 to index
        %get3A_368 = arith.constant 128 : index
        %get3A_369 = tpu.vector_load %arg14[%get3A_367, %get3A_368] {strides = array<i32>} : memref<128x272xf32, #tpu.memory_space<vmem>>, vector<1x16xf32>,
        %get3A_370 = vector.shape_cast %get3A_369 : vector<1x16xf32> to vector<16xf32>
        %mul3A_371 = arith.mulf %gather3A_366, %get3A_370 : vector<16xf32>
        %broadcast_in_dim3A_372 = arith.constant 9 : i32
        %broadcast_in_dim3A_373 = vector.broadcast %broadcast_in_dim3A_372 : i32 to vector<16xi32>
        %broadcast_in_dim3A_374 = vector.shape_cast %broadcast_in_dim3A_373 : vector<16xi32> to vector<16x1xi32>
        %gather3A_375 = vector.shape_cast %broadcast_in_dim3A_374 : vector<16x1xi32> to vector<16xi32>
        %gather3A_376 = tpu.dynamic_gather %get3A_277[%gather3A_375] in [0] : vector<16xf32>, vector<16xi32> -> vector<16xf32>
        %get3A_377 = arith.index_cast %scan3A_273 : i32 to index
        %get3A_378 = arith.constant 144 : index
        %get3A_379 = tpu.vector_load %arg14[%get3A_377, %get3A_378] {strides = array<i32>} : memref<128x272xf32, #tpu.memory_space<vmem>>, vector<1x16xf32>,
        %get3A_380 = vector.shape_cast %get3A_379 : vector<1x16xf32> to vector<16xf32>
        %mul3A_381 = arith.mulf %gather3A_376, %get3A_380 : vector<16xf32>
        %broadcast_in_dim3A_382 = arith.constant 10 : i32
        %broadcast_in_dim3A_383 = vector.broadcast %broadcast_in_dim3A_382 : i32 to vector<16xi32>
        %broadcast_in_dim3A_384 = vector.shape_cast %broadcast_in_dim3A_383 : vector<16xi32> to vector<16x1xi32>
        %gather3A_385 = vector.shape_cast %broadcast_in_dim3A_384 : vector<16x1xi32> to vector<16xi32>
        %gather3A_386 = tpu.dynamic_gather %get3A_277[%gather3A_385] in [0] : vector<16xf32>, vector<16xi32> -> vector<16xf32>
        %get3A_387 = arith.index_cast %scan3A_273 : i32 to index
        %get3A_388 = arith.constant 160 : index
        %get3A_389 = tpu.vector_load %arg14[%get3A_387, %get3A_388] {strides = array<i32>} : memref<128x272xf32, #tpu.memory_space<vmem>>, vector<1x16xf32>,
        %get3A_390 = vector.shape_cast %get3A_389 : vector<1x16xf32> to vector<16xf32>
        %mul3A_391 = arith.mulf %gather3A_386, %get3A_390 : vector<16xf32>
        %broadcast_in_dim3A_392 = arith.constant 11 : i32
        %broadcast_in_dim3A_393 = vector.broadcast %broadcast_in_dim3A_392 : i32 to vector<16xi32>
        %broadcast_in_dim3A_394 = vector.shape_cast %broadcast_in_dim3A_393 : vector<16xi32> to vector<16x1xi32>
        %gather3A_395 = vector.shape_cast %broadcast_in_dim3A_394 : vector<16x1xi32> to vector<16xi32>
        %gather3A_396 = tpu.dynamic_gather %get3A_277[%gather3A_395] in [0] : vector<16xf32>, vector<16xi32> -> vector<16xf32>
        %get3A_397 = arith.index_cast %scan3A_273 : i32 to index
        %get3A_398 = arith.constant 176 : index
        %get3A_399 = tpu.vector_load %arg14[%get3A_397, %get3A_398] {strides = array<i32>} : memref<128x272xf32, #tpu.memory_space<vmem>>, vector<1x16xf32>,
        %get3A_400 = vector.shape_cast %get3A_399 : vector<1x16xf32> to vector<16xf32>
        %mul3A_401 = arith.mulf %gather3A_396, %get3A_400 : vector<16xf32>
        %broadcast_in_dim3A_402 = arith.constant 12 : i32
        %broadcast_in_dim3A_403 = vector.broadcast %broadcast_in_dim3A_402 : i32 to vector<16xi32>
        %broadcast_in_dim3A_404 = vector.shape_cast %broadcast_in_dim3A_403 : vector<16xi32> to vector<16x1xi32>
        %gather3A_405 = vector.shape_cast %broadcast_in_dim3A_404 : vector<16x1xi32> to vector<16xi32>
        %gather3A_406 = tpu.dynamic_gather %get3A_277[%gather3A_405] in [0] : vector<16xf32>, vector<16xi32> -> vector<16xf32>
        %get3A_407 = arith.index_cast %scan3A_273 : i32 to index
        %get3A_408 = arith.constant 192 : index
        %get3A_409 = tpu.vector_load %arg14[%get3A_407, %get3A_408] {strides = array<i32>} : memref<128x272xf32, #tpu.memory_space<vmem>>, vector<1x16xf32>,
        %get3A_410 = vector.shape_cast %get3A_409 : vector<1x16xf32> to vector<16xf32>
        %mul3A_411 = arith.mulf %gather3A_406, %get3A_410 : vector<16xf32>
        %broadcast_in_dim3A_412 = arith.constant 13 : i32
        %broadcast_in_dim3A_413 = vector.broadcast %broadcast_in_dim3A_412 : i32 to vector<16xi32>
        %broadcast_in_dim3A_414 = vector.shape_cast %broadcast_in_dim3A_413 : vector<16xi32> to vector<16x1xi32>
        %gather3A_415 = vector.shape_cast %broadcast_in_dim3A_414 : vector<16x1xi32> to vector<16xi32>
        %gather3A_416 = tpu.dynamic_gather %get3A_277[%gather3A_415] in [0] : vector<16xf32>, vector<16xi32> -> vector<16xf32>
        %get3A_417 = arith.index_cast %scan3A_273 : i32 to index
        %get3A_418 = arith.constant 208 : index
        %get3A_419 = tpu.vector_load %arg14[%get3A_417, %get3A_418] {strides = array<i32>} : memref<128x272xf32, #tpu.memory_space<vmem>>, vector<1x16xf32>,
        %get3A_420 = vector.shape_cast %get3A_419 : vector<1x16xf32> to vector<16xf32>
        %mul3A_421 = arith.mulf %gather3A_416, %get3A_420 : vector<16xf32>
        %broadcast_in_dim3A_422 = arith.constant 14 : i32
        %broadcast_in_dim3A_423 = vector.broadcast %broadcast_in_dim3A_422 : i32 to vector<16xi32>
        %broadcast_in_dim3A_424 = vector.shape_cast %broadcast_in_dim3A_423 : vector<16xi32> to vector<16x1xi32>
        %gather3A_425 = vector.shape_cast %broadcast_in_dim3A_424 : vector<16x1xi32> to vector<16xi32>
        %gather3A_426 = tpu.dynamic_gather %get3A_277[%gather3A_425] in [0] : vector<16xf32>, vector<16xi32> -> vector<16xf32>
        %get3A_427 = arith.index_cast %scan3A_273 : i32 to index
        %get3A_428 = arith.constant 224 : index
        %get3A_429 = tpu.vector_load %arg14[%get3A_427, %get3A_428] {strides = array<i32>} : memref<128x272xf32, #tpu.memory_space<vmem>>, vector<1x16xf32>,
        %get3A_430 = vector.shape_cast %get3A_429 : vector<1x16xf32> to vector<16xf32>
        %mul3A_431 = arith.mulf %gather3A_426, %get3A_430 : vector<16xf32>
        %broadcast_in_dim3A_432 = arith.constant 15 : i32
        %broadcast_in_dim3A_433 = vector.broadcast %broadcast_in_dim3A_432 : i32 to vector<16xi32>
        %broadcast_in_dim3A_434 = vector.shape_cast %broadcast_in_dim3A_433 : vector<16xi32> to vector<16x1xi32>
        %gather3A_435 = vector.shape_cast %broadcast_in_dim3A_434 : vector<16x1xi32> to vector<16xi32>
        %gather3A_436 = tpu.dynamic_gather %get3A_277[%gather3A_435] in [0] : vector<16xf32>, vector<16xi32> -> vector<16xf32>
        %get3A_437 = arith.index_cast %scan3A_273 : i32 to index
        %get3A_438 = arith.constant 240 : index
        %get3A_439 = tpu.vector_load %arg14[%get3A_437, %get3A_438] {strides = array<i32>} : memref<128x272xf32, #tpu.memory_space<vmem>>, vector<1x16xf32>,
        %get3A_440 = vector.shape_cast %get3A_439 : vector<1x16xf32> to vector<16xf32>
        %mul3A_441 = arith.mulf %gather3A_436, %get3A_440 : vector<16xf32>
        %broadcast_in_dim3A_442 = arith.constant 0 : i32
        %broadcast_in_dim3A_443 = vector.broadcast %broadcast_in_dim3A_442 : i32 to vector<16xi32>
        %broadcast_in_dim3A_444 = vector.shape_cast %broadcast_in_dim3A_443 : vector<16xi32> to vector<16x1xi32>
        %gather3A_445 = vector.shape_cast %broadcast_in_dim3A_444 : vector<16x1xi32> to vector<16xi32>
        %gather3A_446 = tpu.dynamic_gather %get3A_281[%gather3A_445] in [0] : vector<16xf32>, vector<16xi32> -> vector<16xf32>
        %get3A_447 = arith.index_cast %scan3A_273 : i32 to index
        %get3A_448 = arith.constant 256 : index
        %get3A_449 = tpu.vector_load %arg14[%get3A_447, %get3A_448] {strides = array<i32>} : memref<128x272xf32, #tpu.memory_space<vmem>>, vector<1x16xf32>,
        %get3A_450 = vector.shape_cast %get3A_449 : vector<1x16xf32> to vector<16xf32>
        %mul3A_451 = arith.mulf %gather3A_446, %get3A_450 : vector<16xf32>
        %add3A_452 = arith.addf %mul3A_291, %mul3A_301 : vector<16xf32>
        %add3A_453 = arith.addf %mul3A_311, %mul3A_321 : vector<16xf32>
        %add3A_454 = arith.addf %mul3A_331, %mul3A_341 : vector<16xf32>
        %add3A_455 = arith.addf %mul3A_351, %mul3A_361 : vector<16xf32>
        %add3A_456 = arith.addf %mul3A_371, %mul3A_381 : vector<16xf32>
        %add3A_457 = arith.addf %mul3A_391, %mul3A_401 : vector<16xf32>
        %add3A_458 = arith.addf %mul3A_411, %mul3A_421 : vector<16xf32>
        %add3A_459 = arith.addf %mul3A_431, %mul3A_441 : vector<16xf32>
        %add3A_460 = arith.addf %add3A_452, %add3A_453 : vector<16xf32>
        %add3A_461 = arith.addf %add3A_454, %add3A_455 : vector<16xf32>
        %add3A_462 = arith.addf %add3A_456, %add3A_457 : vector<16xf32>
        %add3A_463 = arith.addf %add3A_458, %add3A_459 : vector<16xf32>
        %add3A_464 = arith.addf %add3A_460, %add3A_461 : vector<16xf32>
        %add3A_465 = arith.addf %add3A_462, %add3A_463 : vector<16xf32>
        %add3A_466 = arith.addf %add3A_464, %add3A_465 : vector<16xf32>
        %add3A_467 = arith.addf %add3A_466, %mul3A_451 : vector<16xf32>
        %swap3A_468 = arith.index_cast %scan3A_273 : i32 to index
        %swap3A_469 = arith.constant 0 : index
        %swap3A_470 = tpu.vector_load %arg16[%swap3A_468, %swap3A_469] {strides = array<i32>} : memref<128x16xf32, #tpu.memory_space<vmem>>, vector<1x16xf32>,
        %swap3A_471 = vector.shape_cast %swap3A_470 : vector<1x16xf32> to vector<16xf32>
        %swap3A_472 = vector.shape_cast %add3A_467 : vector<16xf32> to vector<1x16xf32>
        tpu.vector_store %arg16[%swap3A_468, %swap3A_469], %swap3A_472 {strides = array<i32>} : memref<128x16xf32, #tpu.memory_space<vmem>>, vector<1x16xf32>,
      }
      %scan3A_61 = arith.constant 128 : i32
      "tpu.region"() ({
        %run_scoped3A_76 = tpu.sem_alloc : memref<!tpu.dma_semaphore, #tpu.memory_space<semaphore_mem>>
        %dma_start3A_77 = arith.constant 0 : i32
        %dma_start3A_78 = arith.constant 0 : i32
        %dma_start3A_79 = tpu.memref_slice %arg17[%dma_start3A_77, %dma_start3A_78] : memref<10240x16xf32, #tpu.memory_space<vmem_shared>> -> memref<10240x16xf32, #tpu.memory_space<vmem_shared>>
        tpu.enqueue_indirect_dma source(%arg16 : memref<128x16xf32, #tpu.memory_space<vmem>>) target(%dma_start3A_79 : memref<10240x16xf32, #tpu.memory_space<vmem_shared>>) offsets(%arg10 : memref<128xi32, #tpu.memory_space<vmem>>) semaphore(%run_scoped3A_76 : memref<!tpu.dma_semaphore, #tpu.memory_space<semaphore_mem>>) {add = true}
        %dma_wait3A_80 = arith.constant 0 : i32
        %dma_wait3A_81 = arith.constant 0 : i32
        %dma_wait3A_82 = tpu.memref_slice %arg17[%dma_wait3A_80, %dma_wait3A_81] : memref<10240x16xf32, #tpu.memory_space<vmem_shared>> -> memref<10240x16xf32, #tpu.memory_space<vmem_shared>>
        tpu.wait_indirect_dma semaphore(%run_scoped3A_76 : memref<!tpu.dma_semaphore, #tpu.memory_space<semaphore_mem>>) src(%arg16 : memref<128x16xf32, #tpu.memory_space<vmem>>) dst(%dma_wait3A_82 : memref<10240x16xf32, #tpu.memory_space<vmem_shared>>)
        tpu.yield
      }) : () -> ()
      %add3A_62 = arith.constant 2 : i32
      %add3A_63 = arith.addi %mul3A_35, %add3A_62 : i32
      %lt3A_64 = arith.constant 40 : i32
      %lt3A_65 = arith.cmpi slt, %add3A_63, %lt3A_64 : i32
      %convert_element_type3A_66 = arith.extui %lt3A_65 : i1 to i32
      %cond3A_67 = arith.constant 0 : i32
      %cond3A_68 = arith.cmpi ne, %convert_element_type3A_66, %cond3A_67 : i32
      scf.if %cond3A_68 {
        %add3A_76 = arith.constant 2 : i32
        %add3A_77 = arith.addi %mul3A_35, %add3A_76 : i32
        "tpu.region"() ({
          %run_scoped3A_95 = tpu.sem_alloc : memref<!tpu.dma_semaphore, #tpu.memory_space<semaphore_mem>>
          %dma_start3A_96 = arith.constant 0 : i32
          %dma_start3A_97 = tpu.memref_slice %arg4[%add3A, %add3A_77, %dma_start3A_96] : memref<32x40x128xi32, #tpu.memory_space<hbm>> -> memref<1x1x128xi32, #tpu.memory_space<hbm>>
          %dma_start3A_98 = tpu.memref_squeeze %dma_start3A_97 : memref<1x1x128xi32, #tpu.memory_space<hbm>> -> memref<128xi32, #tpu.memory_space<hbm>>
          %dma_start3A_99 = arith.constant 0 : i32
          %dma_start3A_100 = tpu.memref_slice %arg4[%add3A, %add3A_77, %dma_start3A_99] : memref<32x40x128xi32, #tpu.memory_space<hbm>> -> memref<1x1x128xi32, #tpu.memory_space<hbm>>
          %dma_start3A_101 = tpu.memref_squeeze %dma_start3A_100 : memref<1x1x128xi32, #tpu.memory_space<hbm>> -> memref<128xi32, #tpu.memory_space<hbm>>
          tpu.enqueue_dma source(%dma_start3A_101 : memref<128xi32, #tpu.memory_space<hbm>>) target(%arg8 : memref<128xi32, #tpu.memory_space<vmem>>) target_semaphore(%run_scoped3A_95 : memref<!tpu.dma_semaphore, #tpu.memory_space<semaphore_mem>>)
          %dma_wait3A_102 = arith.constant 0 : i32
          %dma_wait3A_103 = tpu.memref_slice %arg4[%add3A, %add3A_77, %dma_wait3A_102] : memref<32x40x128xi32, #tpu.memory_space<hbm>> -> memref<1x1x128xi32, #tpu.memory_space<hbm>>
          %dma_wait3A_104 = tpu.memref_squeeze %dma_wait3A_103 : memref<1x1x128xi32, #tpu.memory_space<hbm>> -> memref<128xi32, #tpu.memory_space<hbm>>
          %dma_wait3A_105 = arith.constant 0 : i32
          %dma_wait3A_106 = tpu.memref_slice %arg4[%add3A, %add3A_77, %dma_wait3A_105] : memref<32x40x128xi32, #tpu.memory_space<hbm>> -> memref<1x1x128xi32, #tpu.memory_space<hbm>>
          %dma_wait3A_107 = tpu.memref_squeeze %dma_wait3A_106 : memref<1x1x128xi32, #tpu.memory_space<hbm>> -> memref<128xi32, #tpu.memory_space<hbm>>
          tpu.wait_dma2 semaphore(%run_scoped3A_95 : memref<!tpu.dma_semaphore, #tpu.memory_space<semaphore_mem>>) src(%dma_wait3A_107 : memref<128xi32, #tpu.memory_space<hbm>>) dst(%arg8 : memref<128xi32, #tpu.memory_space<vmem>>)
          tpu.yield
        }) : () -> ()
        %dma_start3A_78 = arith.constant 0 : i32
        %dma_start3A_79 = arith.constant 0 : i32
        %dma_start3A_80 = tpu.memref_slice %arg2[%dma_start3A_78, %dma_start3A_79] : memref<10000x272xf32, #tpu.memory_space<hbm>> -> memref<10000x272xf32, #tpu.memory_space<hbm>>
        tpu.enqueue_indirect_dma source(%dma_start3A_80 : memref<10000x272xf32, #tpu.memory_space<hbm>>) target(%arg14 : memref<128x272xf32, #tpu.memory_space<vmem>>) offsets(%arg8 : memref<128xi32, #tpu.memory_space<vmem>>) semaphore(%arg18 : memref<!tpu.dma_semaphore, #tpu.memory_space<semaphore_mem>>)
        %dma_start3A_81 = arith.constant 0 : i32
        %dma_start3A_82 = tpu.memref_slice %arg5[%add3A, %add3A_77, %dma_start3A_81] : memref<32x40x128xi32, #tpu.memory_space<hbm>> -> memref<1x1x128xi32, #tpu.memory_space<hbm>>
        %dma_start3A_83 = tpu.memref_squeeze %dma_start3A_82 : memref<1x1x128xi32, #tpu.memory_space<hbm>> -> memref<128xi32, #tpu.memory_space<hbm>>
        %dma_start3A_84 = arith.constant 0 : i32
        %dma_start3A_85 = tpu.memref_slice %arg5[%add3A, %add3A_77, %dma_start3A_84] : memref<32x40x128xi32, #tpu.memory_space<hbm>> -> memref<1x1x128xi32, #tpu.memory_space<hbm>>
        %dma_start3A_86 = tpu.memref_squeeze %dma_start3A_85 : memref<1x1x128xi32, #tpu.memory_space<hbm>> -> memref<128xi32, #tpu.memory_space<hbm>>
        tpu.enqueue_dma source(%dma_start3A_86 : memref<128xi32, #tpu.memory_space<hbm>>) target(%arg10 : memref<128xi32, #tpu.memory_space<vmem>>) target_semaphore(%arg18 : memref<!tpu.dma_semaphore, #tpu.memory_space<semaphore_mem>>)
        %dma_start3A_87 = arith.constant 0 : i32
        %dma_start3A_88 = arith.constant 0 : i32
        %dma_start3A_89 = tpu.memref_slice %arg3[%add3A, %add3A_77, %dma_start3A_87, %dma_start3A_88] : memref<32x40x128x32xf32, #tpu.memory_space<hbm>> -> memref<1x1x128x32xf32, #tpu.memory_space<hbm>>
        %dma_start3A_90 = tpu.memref_squeeze %dma_start3A_89 : memref<1x1x128x32xf32, #tpu.memory_space<hbm>> -> memref<128x32xf32, #tpu.memory_space<hbm>>
        %dma_start3A_91 = arith.constant 0 : i32
        %dma_start3A_92 = arith.constant 0 : i32
        %dma_start3A_93 = tpu.memref_slice %arg3[%add3A, %add3A_77, %dma_start3A_91, %dma_start3A_92] : memref<32x40x128x32xf32, #tpu.memory_space<hbm>> -> memref<1x1x128x32xf32, #tpu.memory_space<hbm>>
        %dma_start3A_94 = tpu.memref_squeeze %dma_start3A_93 : memref<1x1x128x32xf32, #tpu.memory_space<hbm>> -> memref<128x32xf32, #tpu.memory_space<hbm>>
        tpu.enqueue_dma source(%dma_start3A_94 : memref<128x32xf32, #tpu.memory_space<hbm>>) target(%arg12 : memref<128x32xf32, #tpu.memory_space<vmem>>) target_semaphore(%arg18 : memref<!tpu.dma_semaphore, #tpu.memory_space<semaphore_mem>>)
      } else {
      }
      %add3A_69 = arith.constant 1 : i32
      %add3A_70 = arith.addi %mul3A_35, %add3A_69 : i32
      %lt3A_71 = arith.constant 40 : i32
      %lt3A_72 = arith.cmpi slt, %add3A_70, %lt3A_71 : i32
      %convert_element_type3A_73 = arith.extui %lt3A_72 : i1 to i32
      %cond3A_74 = arith.constant 0 : i32
      %cond3A_75 = arith.cmpi ne, %convert_element_type3A_73, %cond3A_74 : i32
      scf.if %cond3A_75 {
        %add3A_76 = arith.constant 1 : i32
        %add3A_77 = arith.addi %mul3A_35, %add3A_76 : i32
        %dma_wait3A_78 = arith.constant 0 : i32
        %dma_wait3A_79 = arith.constant 0 : i32
        %dma_wait3A_80 = tpu.memref_slice %arg2[%dma_wait3A_78, %dma_wait3A_79] : memref<10000x272xf32, #tpu.memory_space<hbm>> -> memref<10000x272xf32, #tpu.memory_space<hbm>>
        tpu.wait_indirect_dma semaphore(%arg19 : memref<!tpu.dma_semaphore, #tpu.memory_space<semaphore_mem>>) src(%dma_wait3A_80 : memref<10000x272xf32, #tpu.memory_space<hbm>>) dst(%arg15 : memref<128x272xf32, #tpu.memory_space<vmem>>)
        %dma_wait3A_81 = arith.constant 0 : i32
        %dma_wait3A_82 = tpu.memref_slice %arg5[%add3A, %add3A_77, %dma_wait3A_81] : memref<32x40x128xi32, #tpu.memory_space<hbm>> -> memref<1x1x128xi32, #tpu.memory_space<hbm>>
        %dma_wait3A_83 = tpu.memref_squeeze %dma_wait3A_82 : memref<1x1x128xi32, #tpu.memory_space<hbm>> -> memref<128xi32, #tpu.memory_space<hbm>>
        %dma_wait3A_84 = arith.constant 0 : i32
        %dma_wait3A_85 = tpu.memref_slice %arg5[%add3A, %add3A_77, %dma_wait3A_84] : memref<32x40x128xi32, #tpu.memory_space<hbm>> -> memref<1x1x128xi32, #tpu.memory_space<hbm>>
        %dma_wait3A_86 = tpu.memref_squeeze %dma_wait3A_85 : memref<1x1x128xi32, #tpu.memory_space<hbm>> -> memref<128xi32, #tpu.memory_space<hbm>>
        tpu.wait_dma2 semaphore(%arg19 : memref<!tpu.dma_semaphore, #tpu.memory_space<semaphore_mem>>) src(%dma_wait3A_86 : memref<128xi32, #tpu.memory_space<hbm>>) dst(%arg11 : memref<128xi32, #tpu.memory_space<vmem>>)
        %dma_wait3A_87 = arith.constant 0 : i32
        %dma_wait3A_88 = arith.constant 0 : i32
        %dma_wait3A_89 = tpu.memref_slice %arg3[%add3A, %add3A_77, %dma_wait3A_87, %dma_wait3A_88] : memref<32x40x128x32xf32, #tpu.memory_space<hbm>> -> memref<1x1x128x32xf32, #tpu.memory_space<hbm>>
        %dma_wait3A_90 = tpu.memref_squeeze %dma_wait3A_89 : memref<1x1x128x32xf32, #tpu.memory_space<hbm>> -> memref<128x32xf32, #tpu.memory_space<hbm>>
        %dma_wait3A_91 = arith.constant 0 : i32
        %dma_wait3A_92 = arith.constant 0 : i32
        %dma_wait3A_93 = tpu.memref_slice %arg3[%add3A, %add3A_77, %dma_wait3A_91, %dma_wait3A_92] : memref<32x40x128x32xf32, #tpu.memory_space<hbm>> -> memref<1x1x128x32xf32, #tpu.memory_space<hbm>>
        %dma_wait3A_94 = tpu.memref_squeeze %dma_wait3A_93 : memref<1x1x128x32xf32, #tpu.memory_space<hbm>> -> memref<128x32xf32, #tpu.memory_space<hbm>>
        tpu.wait_dma2 semaphore(%arg19 : memref<!tpu.dma_semaphore, #tpu.memory_space<semaphore_mem>>) src(%dma_wait3A_94 : memref<128x32xf32, #tpu.memory_space<hbm>>) dst(%arg13 : memref<128x32xf32, #tpu.memory_space<vmem>>)
        %scan3A_95 = arith.constant 0 : i32
        %scan3A_96 = arith.constant 0 : i32
        %scan3A_97 = arith.constant 128 : i32
        %scan3A_98 = arith.addi %scan3A_96, %scan3A_97 : i32
        %scan3A_99 = arith.constant 2 : i32
        scf.for %scan3A_101 = %scan3A_96 to %scan3A_98 step %scan3A_99  : i32 {
          %get3A = arith.index_cast %scan3A_101 : i32 to index
          %get3A_102 = arith.constant 0 : index
          %get3A_103 = tpu.vector_load %arg13[%get3A, %get3A_102] {strides = array<i32>} : memref<128x32xf32, #tpu.memory_space<vmem>>, vector<1x16xf32>,
          %get3A_104 = vector.shape_cast %get3A_103 : vector<1x16xf32> to vector<16xf32>
          %get3A_105 = arith.index_cast %scan3A_101 : i32 to index
          %get3A_106 = arith.constant 16 : index
          %get3A_107 = tpu.vector_load %arg13[%get3A_105, %get3A_106] {strides = array<i32>} : memref<128x32xf32, #tpu.memory_space<vmem>>, vector<1x16xf32>,
          %get3A_108 = vector.shape_cast %get3A_107 : vector<1x16xf32> to vector<16xf32>
          %broadcast_in_dim3A = arith.constant 0 : i32
          %broadcast_in_dim3A_109 = vector.broadcast %broadcast_in_dim3A : i32 to vector<16xi32>
          %broadcast_in_dim3A_110 = vector.shape_cast %broadcast_in_dim3A_109 : vector<16xi32> to vector<16x1xi32>
          %gather3A = vector.shape_cast %broadcast_in_dim3A_110 : vector<16x1xi32> to vector<16xi32>
          %gather3A_111 = tpu.dynamic_gather %get3A_104[%gather3A] in [0] : vector<16xf32>, vector<16xi32> -> vector<16xf32>
          %get3A_112 = arith.index_cast %scan3A_101 : i32 to index
          %get3A_113 = arith.constant 0 : index
          %get3A_114 = tpu.vector_load %arg15[%get3A_112, %get3A_113] {strides = array<i32>} : memref<128x272xf32, #tpu.memory_space<vmem>>, vector<1x16xf32>,
          %get3A_115 = vector.shape_cast %get3A_114 : vector<1x16xf32> to vector<16xf32>
          %mul3A_116 = arith.mulf %gather3A_111, %get3A_115 : vector<16xf32>
          %broadcast_in_dim3A_117 = arith.constant 1 : i32
          %broadcast_in_dim3A_118 = vector.broadcast %broadcast_in_dim3A_117 : i32 to vector<16xi32>
          %broadcast_in_dim3A_119 = vector.shape_cast %broadcast_in_dim3A_118 : vector<16xi32> to vector<16x1xi32>
          %gather3A_120 = vector.shape_cast %broadcast_in_dim3A_119 : vector<16x1xi32> to vector<16xi32>
          %gather3A_121 = tpu.dynamic_gather %get3A_104[%gather3A_120] in [0] : vector<16xf32>, vector<16xi32> -> vector<16xf32>
          %get3A_122 = arith.index_cast %scan3A_101 : i32 to index
          %get3A_123 = arith.constant 16 : index
          %get3A_124 = tpu.vector_load %arg15[%get3A_122, %get3A_123] {strides = array<i32>} : memref<128x272xf32, #tpu.memory_space<vmem>>, vector<1x16xf32>,
          %get3A_125 = vector.shape_cast %get3A_124 : vector<1x16xf32> to vector<16xf32>
          %mul3A_126 = arith.mulf %gather3A_121, %get3A_125 : vector<16xf32>
          %broadcast_in_dim3A_127 = arith.constant 2 : i32
          %broadcast_in_dim3A_128 = vector.broadcast %broadcast_in_dim3A_127 : i32 to vector<16xi32>
          %broadcast_in_dim3A_129 = vector.shape_cast %broadcast_in_dim3A_128 : vector<16xi32> to vector<16x1xi32>
          %gather3A_130 = vector.shape_cast %broadcast_in_dim3A_129 : vector<16x1xi32> to vector<16xi32>
          %gather3A_131 = tpu.dynamic_gather %get3A_104[%gather3A_130] in [0] : vector<16xf32>, vector<16xi32> -> vector<16xf32>
          %get3A_132 = arith.index_cast %scan3A_101 : i32 to index
          %get3A_133 = arith.constant 32 : index
          %get3A_134 = tpu.vector_load %arg15[%get3A_132, %get3A_133] {strides = array<i32>} : memref<128x272xf32, #tpu.memory_space<vmem>>, vector<1x16xf32>,
          %get3A_135 = vector.shape_cast %get3A_134 : vector<1x16xf32> to vector<16xf32>
          %mul3A_136 = arith.mulf %gather3A_131, %get3A_135 : vector<16xf32>
          %broadcast_in_dim3A_137 = arith.constant 3 : i32
          %broadcast_in_dim3A_138 = vector.broadcast %broadcast_in_dim3A_137 : i32 to vector<16xi32>
          %broadcast_in_dim3A_139 = vector.shape_cast %broadcast_in_dim3A_138 : vector<16xi32> to vector<16x1xi32>
          %gather3A_140 = vector.shape_cast %broadcast_in_dim3A_139 : vector<16x1xi32> to vector<16xi32>
          %gather3A_141 = tpu.dynamic_gather %get3A_104[%gather3A_140] in [0] : vector<16xf32>, vector<16xi32> -> vector<16xf32>
          %get3A_142 = arith.index_cast %scan3A_101 : i32 to index
          %get3A_143 = arith.constant 48 : index
          %get3A_144 = tpu.vector_load %arg15[%get3A_142, %get3A_143] {strides = array<i32>} : memref<128x272xf32, #tpu.memory_space<vmem>>, vector<1x16xf32>,
          %get3A_145 = vector.shape_cast %get3A_144 : vector<1x16xf32> to vector<16xf32>
          %mul3A_146 = arith.mulf %gather3A_141, %get3A_145 : vector<16xf32>
          %broadcast_in_dim3A_147 = arith.constant 4 : i32
          %broadcast_in_dim3A_148 = vector.broadcast %broadcast_in_dim3A_147 : i32 to vector<16xi32>
          %broadcast_in_dim3A_149 = vector.shape_cast %broadcast_in_dim3A_148 : vector<16xi32> to vector<16x1xi32>
          %gather3A_150 = vector.shape_cast %broadcast_in_dim3A_149 : vector<16x1xi32> to vector<16xi32>
          %gather3A_151 = tpu.dynamic_gather %get3A_104[%gather3A_150] in [0] : vector<16xf32>, vector<16xi32> -> vector<16xf32>
          %get3A_152 = arith.index_cast %scan3A_101 : i32 to index
          %get3A_153 = arith.constant 64 : index
          %get3A_154 = tpu.vector_load %arg15[%get3A_152, %get3A_153] {strides = array<i32>} : memref<128x272xf32, #tpu.memory_space<vmem>>, vector<1x16xf32>,
          %get3A_155 = vector.shape_cast %get3A_154 : vector<1x16xf32> to vector<16xf32>
          %mul3A_156 = arith.mulf %gather3A_151, %get3A_155 : vector<16xf32>
          %broadcast_in_dim3A_157 = arith.constant 5 : i32
          %broadcast_in_dim3A_158 = vector.broadcast %broadcast_in_dim3A_157 : i32 to vector<16xi32>
          %broadcast_in_dim3A_159 = vector.shape_cast %broadcast_in_dim3A_158 : vector<16xi32> to vector<16x1xi32>
          %gather3A_160 = vector.shape_cast %broadcast_in_dim3A_159 : vector<16x1xi32> to vector<16xi32>
          %gather3A_161 = tpu.dynamic_gather %get3A_104[%gather3A_160] in [0] : vector<16xf32>, vector<16xi32> -> vector<16xf32>
          %get3A_162 = arith.index_cast %scan3A_101 : i32 to index
          %get3A_163 = arith.constant 80 : index
          %get3A_164 = tpu.vector_load %arg15[%get3A_162, %get3A_163] {strides = array<i32>} : memref<128x272xf32, #tpu.memory_space<vmem>>, vector<1x16xf32>,
          %get3A_165 = vector.shape_cast %get3A_164 : vector<1x16xf32> to vector<16xf32>
          %mul3A_166 = arith.mulf %gather3A_161, %get3A_165 : vector<16xf32>
          %broadcast_in_dim3A_167 = arith.constant 6 : i32
          %broadcast_in_dim3A_168 = vector.broadcast %broadcast_in_dim3A_167 : i32 to vector<16xi32>
          %broadcast_in_dim3A_169 = vector.shape_cast %broadcast_in_dim3A_168 : vector<16xi32> to vector<16x1xi32>
          %gather3A_170 = vector.shape_cast %broadcast_in_dim3A_169 : vector<16x1xi32> to vector<16xi32>
          %gather3A_171 = tpu.dynamic_gather %get3A_104[%gather3A_170] in [0] : vector<16xf32>, vector<16xi32> -> vector<16xf32>
          %get3A_172 = arith.index_cast %scan3A_101 : i32 to index
          %get3A_173 = arith.constant 96 : index
          %get3A_174 = tpu.vector_load %arg15[%get3A_172, %get3A_173] {strides = array<i32>} : memref<128x272xf32, #tpu.memory_space<vmem>>, vector<1x16xf32>,
          %get3A_175 = vector.shape_cast %get3A_174 : vector<1x16xf32> to vector<16xf32>
          %mul3A_176 = arith.mulf %gather3A_171, %get3A_175 : vector<16xf32>
          %broadcast_in_dim3A_177 = arith.constant 7 : i32
          %broadcast_in_dim3A_178 = vector.broadcast %broadcast_in_dim3A_177 : i32 to vector<16xi32>
          %broadcast_in_dim3A_179 = vector.shape_cast %broadcast_in_dim3A_178 : vector<16xi32> to vector<16x1xi32>
          %gather3A_180 = vector.shape_cast %broadcast_in_dim3A_179 : vector<16x1xi32> to vector<16xi32>
          %gather3A_181 = tpu.dynamic_gather %get3A_104[%gather3A_180] in [0] : vector<16xf32>, vector<16xi32> -> vector<16xf32>
          %get3A_182 = arith.index_cast %scan3A_101 : i32 to index
          %get3A_183 = arith.constant 112 : index
          %get3A_184 = tpu.vector_load %arg15[%get3A_182, %get3A_183] {strides = array<i32>} : memref<128x272xf32, #tpu.memory_space<vmem>>, vector<1x16xf32>,
          %get3A_185 = vector.shape_cast %get3A_184 : vector<1x16xf32> to vector<16xf32>
          %mul3A_186 = arith.mulf %gather3A_181, %get3A_185 : vector<16xf32>
          %broadcast_in_dim3A_187 = arith.constant 8 : i32
          %broadcast_in_dim3A_188 = vector.broadcast %broadcast_in_dim3A_187 : i32 to vector<16xi32>
          %broadcast_in_dim3A_189 = vector.shape_cast %broadcast_in_dim3A_188 : vector<16xi32> to vector<16x1xi32>
          %gather3A_190 = vector.shape_cast %broadcast_in_dim3A_189 : vector<16x1xi32> to vector<16xi32>
          %gather3A_191 = tpu.dynamic_gather %get3A_104[%gather3A_190] in [0] : vector<16xf32>, vector<16xi32> -> vector<16xf32>
          %get3A_192 = arith.index_cast %scan3A_101 : i32 to index
          %get3A_193 = arith.constant 128 : index
          %get3A_194 = tpu.vector_load %arg15[%get3A_192, %get3A_193] {strides = array<i32>} : memref<128x272xf32, #tpu.memory_space<vmem>>, vector<1x16xf32>,
          %get3A_195 = vector.shape_cast %get3A_194 : vector<1x16xf32> to vector<16xf32>
          %mul3A_196 = arith.mulf %gather3A_191, %get3A_195 : vector<16xf32>
          %broadcast_in_dim3A_197 = arith.constant 9 : i32
          %broadcast_in_dim3A_198 = vector.broadcast %broadcast_in_dim3A_197 : i32 to vector<16xi32>
          %broadcast_in_dim3A_199 = vector.shape_cast %broadcast_in_dim3A_198 : vector<16xi32> to vector<16x1xi32>
          %gather3A_200 = vector.shape_cast %broadcast_in_dim3A_199 : vector<16x1xi32> to vector<16xi32>
          %gather3A_201 = tpu.dynamic_gather %get3A_104[%gather3A_200] in [0] : vector<16xf32>, vector<16xi32> -> vector<16xf32>
          %get3A_202 = arith.index_cast %scan3A_101 : i32 to index
          %get3A_203 = arith.constant 144 : index
          %get3A_204 = tpu.vector_load %arg15[%get3A_202, %get3A_203] {strides = array<i32>} : memref<128x272xf32, #tpu.memory_space<vmem>>, vector<1x16xf32>,
          %get3A_205 = vector.shape_cast %get3A_204 : vector<1x16xf32> to vector<16xf32>
          %mul3A_206 = arith.mulf %gather3A_201, %get3A_205 : vector<16xf32>
          %broadcast_in_dim3A_207 = arith.constant 10 : i32
          %broadcast_in_dim3A_208 = vector.broadcast %broadcast_in_dim3A_207 : i32 to vector<16xi32>
          %broadcast_in_dim3A_209 = vector.shape_cast %broadcast_in_dim3A_208 : vector<16xi32> to vector<16x1xi32>
          %gather3A_210 = vector.shape_cast %broadcast_in_dim3A_209 : vector<16x1xi32> to vector<16xi32>
          %gather3A_211 = tpu.dynamic_gather %get3A_104[%gather3A_210] in [0] : vector<16xf32>, vector<16xi32> -> vector<16xf32>
          %get3A_212 = arith.index_cast %scan3A_101 : i32 to index
          %get3A_213 = arith.constant 160 : index
          %get3A_214 = tpu.vector_load %arg15[%get3A_212, %get3A_213] {strides = array<i32>} : memref<128x272xf32, #tpu.memory_space<vmem>>, vector<1x16xf32>,
          %get3A_215 = vector.shape_cast %get3A_214 : vector<1x16xf32> to vector<16xf32>
          %mul3A_216 = arith.mulf %gather3A_211, %get3A_215 : vector<16xf32>
          %broadcast_in_dim3A_217 = arith.constant 11 : i32
          %broadcast_in_dim3A_218 = vector.broadcast %broadcast_in_dim3A_217 : i32 to vector<16xi32>
          %broadcast_in_dim3A_219 = vector.shape_cast %broadcast_in_dim3A_218 : vector<16xi32> to vector<16x1xi32>
          %gather3A_220 = vector.shape_cast %broadcast_in_dim3A_219 : vector<16x1xi32> to vector<16xi32>
          %gather3A_221 = tpu.dynamic_gather %get3A_104[%gather3A_220] in [0] : vector<16xf32>, vector<16xi32> -> vector<16xf32>
          %get3A_222 = arith.index_cast %scan3A_101 : i32 to index
          %get3A_223 = arith.constant 176 : index
          %get3A_224 = tpu.vector_load %arg15[%get3A_222, %get3A_223] {strides = array<i32>} : memref<128x272xf32, #tpu.memory_space<vmem>>, vector<1x16xf32>,
          %get3A_225 = vector.shape_cast %get3A_224 : vector<1x16xf32> to vector<16xf32>
          %mul3A_226 = arith.mulf %gather3A_221, %get3A_225 : vector<16xf32>
          %broadcast_in_dim3A_227 = arith.constant 12 : i32
          %broadcast_in_dim3A_228 = vector.broadcast %broadcast_in_dim3A_227 : i32 to vector<16xi32>
          %broadcast_in_dim3A_229 = vector.shape_cast %broadcast_in_dim3A_228 : vector<16xi32> to vector<16x1xi32>
          %gather3A_230 = vector.shape_cast %broadcast_in_dim3A_229 : vector<16x1xi32> to vector<16xi32>
          %gather3A_231 = tpu.dynamic_gather %get3A_104[%gather3A_230] in [0] : vector<16xf32>, vector<16xi32> -> vector<16xf32>
          %get3A_232 = arith.index_cast %scan3A_101 : i32 to index
          %get3A_233 = arith.constant 192 : index
          %get3A_234 = tpu.vector_load %arg15[%get3A_232, %get3A_233] {strides = array<i32>} : memref<128x272xf32, #tpu.memory_space<vmem>>, vector<1x16xf32>,
          %get3A_235 = vector.shape_cast %get3A_234 : vector<1x16xf32> to vector<16xf32>
          %mul3A_236 = arith.mulf %gather3A_231, %get3A_235 : vector<16xf32>
          %broadcast_in_dim3A_237 = arith.constant 13 : i32
          %broadcast_in_dim3A_238 = vector.broadcast %broadcast_in_dim3A_237 : i32 to vector<16xi32>
          %broadcast_in_dim3A_239 = vector.shape_cast %broadcast_in_dim3A_238 : vector<16xi32> to vector<16x1xi32>
          %gather3A_240 = vector.shape_cast %broadcast_in_dim3A_239 : vector<16x1xi32> to vector<16xi32>
          %gather3A_241 = tpu.dynamic_gather %get3A_104[%gather3A_240] in [0] : vector<16xf32>, vector<16xi32> -> vector<16xf32>
          %get3A_242 = arith.index_cast %scan3A_101 : i32 to index
          %get3A_243 = arith.constant 208 : index
          %get3A_244 = tpu.vector_load %arg15[%get3A_242, %get3A_243] {strides = array<i32>} : memref<128x272xf32, #tpu.memory_space<vmem>>, vector<1x16xf32>,
          %get3A_245 = vector.shape_cast %get3A_244 : vector<1x16xf32> to vector<16xf32>
          %mul3A_246 = arith.mulf %gather3A_241, %get3A_245 : vector<16xf32>
          %broadcast_in_dim3A_247 = arith.constant 14 : i32
          %broadcast_in_dim3A_248 = vector.broadcast %broadcast_in_dim3A_247 : i32 to vector<16xi32>
          %broadcast_in_dim3A_249 = vector.shape_cast %broadcast_in_dim3A_248 : vector<16xi32> to vector<16x1xi32>
          %gather3A_250 = vector.shape_cast %broadcast_in_dim3A_249 : vector<16x1xi32> to vector<16xi32>
          %gather3A_251 = tpu.dynamic_gather %get3A_104[%gather3A_250] in [0] : vector<16xf32>, vector<16xi32> -> vector<16xf32>
          %get3A_252 = arith.index_cast %scan3A_101 : i32 to index
          %get3A_253 = arith.constant 224 : index
          %get3A_254 = tpu.vector_load %arg15[%get3A_252, %get3A_253] {strides = array<i32>} : memref<128x272xf32, #tpu.memory_space<vmem>>, vector<1x16xf32>,
          %get3A_255 = vector.shape_cast %get3A_254 : vector<1x16xf32> to vector<16xf32>
          %mul3A_256 = arith.mulf %gather3A_251, %get3A_255 : vector<16xf32>
          %broadcast_in_dim3A_257 = arith.constant 15 : i32
          %broadcast_in_dim3A_258 = vector.broadcast %broadcast_in_dim3A_257 : i32 to vector<16xi32>
          %broadcast_in_dim3A_259 = vector.shape_cast %broadcast_in_dim3A_258 : vector<16xi32> to vector<16x1xi32>
          %gather3A_260 = vector.shape_cast %broadcast_in_dim3A_259 : vector<16x1xi32> to vector<16xi32>
          %gather3A_261 = tpu.dynamic_gather %get3A_104[%gather3A_260] in [0] : vector<16xf32>, vector<16xi32> -> vector<16xf32>
          %get3A_262 = arith.index_cast %scan3A_101 : i32 to index
          %get3A_263 = arith.constant 240 : index
          %get3A_264 = tpu.vector_load %arg15[%get3A_262, %get3A_263] {strides = array<i32>} : memref<128x272xf32, #tpu.memory_space<vmem>>, vector<1x16xf32>,
          %get3A_265 = vector.shape_cast %get3A_264 : vector<1x16xf32> to vector<16xf32>
          %mul3A_266 = arith.mulf %gather3A_261, %get3A_265 : vector<16xf32>
          %broadcast_in_dim3A_267 = arith.constant 0 : i32
          %broadcast_in_dim3A_268 = vector.broadcast %broadcast_in_dim3A_267 : i32 to vector<16xi32>
          %broadcast_in_dim3A_269 = vector.shape_cast %broadcast_in_dim3A_268 : vector<16xi32> to vector<16x1xi32>
          %gather3A_270 = vector.shape_cast %broadcast_in_dim3A_269 : vector<16x1xi32> to vector<16xi32>
          %gather3A_271 = tpu.dynamic_gather %get3A_108[%gather3A_270] in [0] : vector<16xf32>, vector<16xi32> -> vector<16xf32>
          %get3A_272 = arith.index_cast %scan3A_101 : i32 to index
          %get3A_273 = arith.constant 256 : index
          %get3A_274 = tpu.vector_load %arg15[%get3A_272, %get3A_273] {strides = array<i32>} : memref<128x272xf32, #tpu.memory_space<vmem>>, vector<1x16xf32>,
          %get3A_275 = vector.shape_cast %get3A_274 : vector<1x16xf32> to vector<16xf32>
          %mul3A_276 = arith.mulf %gather3A_271, %get3A_275 : vector<16xf32>
          %add3A_277 = arith.addf %mul3A_116, %mul3A_126 : vector<16xf32>
          %add3A_278 = arith.addf %mul3A_136, %mul3A_146 : vector<16xf32>
          %add3A_279 = arith.addf %mul3A_156, %mul3A_166 : vector<16xf32>
          %add3A_280 = arith.addf %mul3A_176, %mul3A_186 : vector<16xf32>
          %add3A_281 = arith.addf %mul3A_196, %mul3A_206 : vector<16xf32>
          %add3A_282 = arith.addf %mul3A_216, %mul3A_226 : vector<16xf32>
          %add3A_283 = arith.addf %mul3A_236, %mul3A_246 : vector<16xf32>
          %add3A_284 = arith.addf %mul3A_256, %mul3A_266 : vector<16xf32>
          %add3A_285 = arith.addf %add3A_277, %add3A_278 : vector<16xf32>
          %add3A_286 = arith.addf %add3A_279, %add3A_280 : vector<16xf32>
          %add3A_287 = arith.addf %add3A_281, %add3A_282 : vector<16xf32>
          %add3A_288 = arith.addf %add3A_283, %add3A_284 : vector<16xf32>
          %add3A_289 = arith.addf %add3A_285, %add3A_286 : vector<16xf32>
          %add3A_290 = arith.addf %add3A_287, %add3A_288 : vector<16xf32>
          %add3A_291 = arith.addf %add3A_289, %add3A_290 : vector<16xf32>
          %add3A_292 = arith.addf %add3A_291, %mul3A_276 : vector<16xf32>
          %swap3A = arith.index_cast %scan3A_101 : i32 to index
          %swap3A_293 = arith.constant 0 : index
          %swap3A_294 = tpu.vector_load %arg16[%swap3A, %swap3A_293] {strides = array<i32>} : memref<128x16xf32, #tpu.memory_space<vmem>>, vector<1x16xf32>,
          %swap3A_295 = vector.shape_cast %swap3A_294 : vector<1x16xf32> to vector<16xf32>
          %swap3A_296 = vector.shape_cast %add3A_292 : vector<16xf32> to vector<1x16xf32>
          tpu.vector_store %arg16[%swap3A, %swap3A_293], %swap3A_296 {strides = array<i32>} : memref<128x16xf32, #tpu.memory_space<vmem>>, vector<1x16xf32>,
          %scan3A_297 = arith.constant 1 : i32
          %scan3A_298 = arith.addi %scan3A_101, %scan3A_297 : i32
          %get3A_299 = arith.index_cast %scan3A_298 : i32 to index
          %get3A_300 = arith.constant 0 : index
          %get3A_301 = tpu.vector_load %arg13[%get3A_299, %get3A_300] {strides = array<i32>} : memref<128x32xf32, #tpu.memory_space<vmem>>, vector<1x16xf32>,
          %get3A_302 = vector.shape_cast %get3A_301 : vector<1x16xf32> to vector<16xf32>
          %get3A_303 = arith.index_cast %scan3A_298 : i32 to index
          %get3A_304 = arith.constant 16 : index
          %get3A_305 = tpu.vector_load %arg13[%get3A_303, %get3A_304] {strides = array<i32>} : memref<128x32xf32, #tpu.memory_space<vmem>>, vector<1x16xf32>,
          %get3A_306 = vector.shape_cast %get3A_305 : vector<1x16xf32> to vector<16xf32>
          %broadcast_in_dim3A_307 = arith.constant 0 : i32
          %broadcast_in_dim3A_308 = vector.broadcast %broadcast_in_dim3A_307 : i32 to vector<16xi32>
          %broadcast_in_dim3A_309 = vector.shape_cast %broadcast_in_dim3A_308 : vector<16xi32> to vector<16x1xi32>
          %gather3A_310 = vector.shape_cast %broadcast_in_dim3A_309 : vector<16x1xi32> to vector<16xi32>
          %gather3A_311 = tpu.dynamic_gather %get3A_302[%gather3A_310] in [0] : vector<16xf32>, vector<16xi32> -> vector<16xf32>
          %get3A_312 = arith.index_cast %scan3A_298 : i32 to index
          %get3A_313 = arith.constant 0 : index
          %get3A_314 = tpu.vector_load %arg15[%get3A_312, %get3A_313] {strides = array<i32>} : memref<128x272xf32, #tpu.memory_space<vmem>>, vector<1x16xf32>,
          %get3A_315 = vector.shape_cast %get3A_314 : vector<1x16xf32> to vector<16xf32>
          %mul3A_316 = arith.mulf %gather3A_311, %get3A_315 : vector<16xf32>
          %broadcast_in_dim3A_317 = arith.constant 1 : i32
          %broadcast_in_dim3A_318 = vector.broadcast %broadcast_in_dim3A_317 : i32 to vector<16xi32>
          %broadcast_in_dim3A_319 = vector.shape_cast %broadcast_in_dim3A_318 : vector<16xi32> to vector<16x1xi32>
          %gather3A_320 = vector.shape_cast %broadcast_in_dim3A_319 : vector<16x1xi32> to vector<16xi32>
          %gather3A_321 = tpu.dynamic_gather %get3A_302[%gather3A_320] in [0] : vector<16xf32>, vector<16xi32> -> vector<16xf32>
          %get3A_322 = arith.index_cast %scan3A_298 : i32 to index
          %get3A_323 = arith.constant 16 : index
          %get3A_324 = tpu.vector_load %arg15[%get3A_322, %get3A_323] {strides = array<i32>} : memref<128x272xf32, #tpu.memory_space<vmem>>, vector<1x16xf32>,
          %get3A_325 = vector.shape_cast %get3A_324 : vector<1x16xf32> to vector<16xf32>
          %mul3A_326 = arith.mulf %gather3A_321, %get3A_325 : vector<16xf32>
          %broadcast_in_dim3A_327 = arith.constant 2 : i32
          %broadcast_in_dim3A_328 = vector.broadcast %broadcast_in_dim3A_327 : i32 to vector<16xi32>
          %broadcast_in_dim3A_329 = vector.shape_cast %broadcast_in_dim3A_328 : vector<16xi32> to vector<16x1xi32>
          %gather3A_330 = vector.shape_cast %broadcast_in_dim3A_329 : vector<16x1xi32> to vector<16xi32>
          %gather3A_331 = tpu.dynamic_gather %get3A_302[%gather3A_330] in [0] : vector<16xf32>, vector<16xi32> -> vector<16xf32>
          %get3A_332 = arith.index_cast %scan3A_298 : i32 to index
          %get3A_333 = arith.constant 32 : index
          %get3A_334 = tpu.vector_load %arg15[%get3A_332, %get3A_333] {strides = array<i32>} : memref<128x272xf32, #tpu.memory_space<vmem>>, vector<1x16xf32>,
          %get3A_335 = vector.shape_cast %get3A_334 : vector<1x16xf32> to vector<16xf32>
          %mul3A_336 = arith.mulf %gather3A_331, %get3A_335 : vector<16xf32>
          %broadcast_in_dim3A_337 = arith.constant 3 : i32
          %broadcast_in_dim3A_338 = vector.broadcast %broadcast_in_dim3A_337 : i32 to vector<16xi32>
          %broadcast_in_dim3A_339 = vector.shape_cast %broadcast_in_dim3A_338 : vector<16xi32> to vector<16x1xi32>
          %gather3A_340 = vector.shape_cast %broadcast_in_dim3A_339 : vector<16x1xi32> to vector<16xi32>
          %gather3A_341 = tpu.dynamic_gather %get3A_302[%gather3A_340] in [0] : vector<16xf32>, vector<16xi32> -> vector<16xf32>
          %get3A_342 = arith.index_cast %scan3A_298 : i32 to index
          %get3A_343 = arith.constant 48 : index
          %get3A_344 = tpu.vector_load %arg15[%get3A_342, %get3A_343] {strides = array<i32>} : memref<128x272xf32, #tpu.memory_space<vmem>>, vector<1x16xf32>,
          %get3A_345 = vector.shape_cast %get3A_344 : vector<1x16xf32> to vector<16xf32>
          %mul3A_346 = arith.mulf %gather3A_341, %get3A_345 : vector<16xf32>
          %broadcast_in_dim3A_347 = arith.constant 4 : i32
          %broadcast_in_dim3A_348 = vector.broadcast %broadcast_in_dim3A_347 : i32 to vector<16xi32>
          %broadcast_in_dim3A_349 = vector.shape_cast %broadcast_in_dim3A_348 : vector<16xi32> to vector<16x1xi32>
          %gather3A_350 = vector.shape_cast %broadcast_in_dim3A_349 : vector<16x1xi32> to vector<16xi32>
          %gather3A_351 = tpu.dynamic_gather %get3A_302[%gather3A_350] in [0] : vector<16xf32>, vector<16xi32> -> vector<16xf32>
          %get3A_352 = arith.index_cast %scan3A_298 : i32 to index
          %get3A_353 = arith.constant 64 : index
          %get3A_354 = tpu.vector_load %arg15[%get3A_352, %get3A_353] {strides = array<i32>} : memref<128x272xf32, #tpu.memory_space<vmem>>, vector<1x16xf32>,
          %get3A_355 = vector.shape_cast %get3A_354 : vector<1x16xf32> to vector<16xf32>
          %mul3A_356 = arith.mulf %gather3A_351, %get3A_355 : vector<16xf32>
          %broadcast_in_dim3A_357 = arith.constant 5 : i32
          %broadcast_in_dim3A_358 = vector.broadcast %broadcast_in_dim3A_357 : i32 to vector<16xi32>
          %broadcast_in_dim3A_359 = vector.shape_cast %broadcast_in_dim3A_358 : vector<16xi32> to vector<16x1xi32>
          %gather3A_360 = vector.shape_cast %broadcast_in_dim3A_359 : vector<16x1xi32> to vector<16xi32>
          %gather3A_361 = tpu.dynamic_gather %get3A_302[%gather3A_360] in [0] : vector<16xf32>, vector<16xi32> -> vector<16xf32>
          %get3A_362 = arith.index_cast %scan3A_298 : i32 to index
          %get3A_363 = arith.constant 80 : index
          %get3A_364 = tpu.vector_load %arg15[%get3A_362, %get3A_363] {strides = array<i32>} : memref<128x272xf32, #tpu.memory_space<vmem>>, vector<1x16xf32>,
          %get3A_365 = vector.shape_cast %get3A_364 : vector<1x16xf32> to vector<16xf32>
          %mul3A_366 = arith.mulf %gather3A_361, %get3A_365 : vector<16xf32>
          %broadcast_in_dim3A_367 = arith.constant 6 : i32
          %broadcast_in_dim3A_368 = vector.broadcast %broadcast_in_dim3A_367 : i32 to vector<16xi32>
          %broadcast_in_dim3A_369 = vector.shape_cast %broadcast_in_dim3A_368 : vector<16xi32> to vector<16x1xi32>
          %gather3A_370 = vector.shape_cast %broadcast_in_dim3A_369 : vector<16x1xi32> to vector<16xi32>
          %gather3A_371 = tpu.dynamic_gather %get3A_302[%gather3A_370] in [0] : vector<16xf32>, vector<16xi32> -> vector<16xf32>
          %get3A_372 = arith.index_cast %scan3A_298 : i32 to index
          %get3A_373 = arith.constant 96 : index
          %get3A_374 = tpu.vector_load %arg15[%get3A_372, %get3A_373] {strides = array<i32>} : memref<128x272xf32, #tpu.memory_space<vmem>>, vector<1x16xf32>,
          %get3A_375 = vector.shape_cast %get3A_374 : vector<1x16xf32> to vector<16xf32>
          %mul3A_376 = arith.mulf %gather3A_371, %get3A_375 : vector<16xf32>
          %broadcast_in_dim3A_377 = arith.constant 7 : i32
          %broadcast_in_dim3A_378 = vector.broadcast %broadcast_in_dim3A_377 : i32 to vector<16xi32>
          %broadcast_in_dim3A_379 = vector.shape_cast %broadcast_in_dim3A_378 : vector<16xi32> to vector<16x1xi32>
          %gather3A_380 = vector.shape_cast %broadcast_in_dim3A_379 : vector<16x1xi32> to vector<16xi32>
          %gather3A_381 = tpu.dynamic_gather %get3A_302[%gather3A_380] in [0] : vector<16xf32>, vector<16xi32> -> vector<16xf32>
          %get3A_382 = arith.index_cast %scan3A_298 : i32 to index
          %get3A_383 = arith.constant 112 : index
          %get3A_384 = tpu.vector_load %arg15[%get3A_382, %get3A_383] {strides = array<i32>} : memref<128x272xf32, #tpu.memory_space<vmem>>, vector<1x16xf32>,
          %get3A_385 = vector.shape_cast %get3A_384 : vector<1x16xf32> to vector<16xf32>
          %mul3A_386 = arith.mulf %gather3A_381, %get3A_385 : vector<16xf32>
          %broadcast_in_dim3A_387 = arith.constant 8 : i32
          %broadcast_in_dim3A_388 = vector.broadcast %broadcast_in_dim3A_387 : i32 to vector<16xi32>
          %broadcast_in_dim3A_389 = vector.shape_cast %broadcast_in_dim3A_388 : vector<16xi32> to vector<16x1xi32>
          %gather3A_390 = vector.shape_cast %broadcast_in_dim3A_389 : vector<16x1xi32> to vector<16xi32>
          %gather3A_391 = tpu.dynamic_gather %get3A_302[%gather3A_390] in [0] : vector<16xf32>, vector<16xi32> -> vector<16xf32>
          %get3A_392 = arith.index_cast %scan3A_298 : i32 to index
          %get3A_393 = arith.constant 128 : index
          %get3A_394 = tpu.vector_load %arg15[%get3A_392, %get3A_393] {strides = array<i32>} : memref<128x272xf32, #tpu.memory_space<vmem>>, vector<1x16xf32>,
          %get3A_395 = vector.shape_cast %get3A_394 : vector<1x16xf32> to vector<16xf32>
          %mul3A_396 = arith.mulf %gather3A_391, %get3A_395 : vector<16xf32>
          %broadcast_in_dim3A_397 = arith.constant 9 : i32
          %broadcast_in_dim3A_398 = vector.broadcast %broadcast_in_dim3A_397 : i32 to vector<16xi32>
          %broadcast_in_dim3A_399 = vector.shape_cast %broadcast_in_dim3A_398 : vector<16xi32> to vector<16x1xi32>
          %gather3A_400 = vector.shape_cast %broadcast_in_dim3A_399 : vector<16x1xi32> to vector<16xi32>
          %gather3A_401 = tpu.dynamic_gather %get3A_302[%gather3A_400] in [0] : vector<16xf32>, vector<16xi32> -> vector<16xf32>
          %get3A_402 = arith.index_cast %scan3A_298 : i32 to index
          %get3A_403 = arith.constant 144 : index
          %get3A_404 = tpu.vector_load %arg15[%get3A_402, %get3A_403] {strides = array<i32>} : memref<128x272xf32, #tpu.memory_space<vmem>>, vector<1x16xf32>,
          %get3A_405 = vector.shape_cast %get3A_404 : vector<1x16xf32> to vector<16xf32>
          %mul3A_406 = arith.mulf %gather3A_401, %get3A_405 : vector<16xf32>
          %broadcast_in_dim3A_407 = arith.constant 10 : i32
          %broadcast_in_dim3A_408 = vector.broadcast %broadcast_in_dim3A_407 : i32 to vector<16xi32>
          %broadcast_in_dim3A_409 = vector.shape_cast %broadcast_in_dim3A_408 : vector<16xi32> to vector<16x1xi32>
          %gather3A_410 = vector.shape_cast %broadcast_in_dim3A_409 : vector<16x1xi32> to vector<16xi32>
          %gather3A_411 = tpu.dynamic_gather %get3A_302[%gather3A_410] in [0] : vector<16xf32>, vector<16xi32> -> vector<16xf32>
          %get3A_412 = arith.index_cast %scan3A_298 : i32 to index
          %get3A_413 = arith.constant 160 : index
          %get3A_414 = tpu.vector_load %arg15[%get3A_412, %get3A_413] {strides = array<i32>} : memref<128x272xf32, #tpu.memory_space<vmem>>, vector<1x16xf32>,
          %get3A_415 = vector.shape_cast %get3A_414 : vector<1x16xf32> to vector<16xf32>
          %mul3A_416 = arith.mulf %gather3A_411, %get3A_415 : vector<16xf32>
          %broadcast_in_dim3A_417 = arith.constant 11 : i32
          %broadcast_in_dim3A_418 = vector.broadcast %broadcast_in_dim3A_417 : i32 to vector<16xi32>
          %broadcast_in_dim3A_419 = vector.shape_cast %broadcast_in_dim3A_418 : vector<16xi32> to vector<16x1xi32>
          %gather3A_420 = vector.shape_cast %broadcast_in_dim3A_419 : vector<16x1xi32> to vector<16xi32>
          %gather3A_421 = tpu.dynamic_gather %get3A_302[%gather3A_420] in [0] : vector<16xf32>, vector<16xi32> -> vector<16xf32>
          %get3A_422 = arith.index_cast %scan3A_298 : i32 to index
          %get3A_423 = arith.constant 176 : index
          %get3A_424 = tpu.vector_load %arg15[%get3A_422, %get3A_423] {strides = array<i32>} : memref<128x272xf32, #tpu.memory_space<vmem>>, vector<1x16xf32>,
          %get3A_425 = vector.shape_cast %get3A_424 : vector<1x16xf32> to vector<16xf32>
          %mul3A_426 = arith.mulf %gather3A_421, %get3A_425 : vector<16xf32>
          %broadcast_in_dim3A_427 = arith.constant 12 : i32
          %broadcast_in_dim3A_428 = vector.broadcast %broadcast_in_dim3A_427 : i32 to vector<16xi32>
          %broadcast_in_dim3A_429 = vector.shape_cast %broadcast_in_dim3A_428 : vector<16xi32> to vector<16x1xi32>
          %gather3A_430 = vector.shape_cast %broadcast_in_dim3A_429 : vector<16x1xi32> to vector<16xi32>
          %gather3A_431 = tpu.dynamic_gather %get3A_302[%gather3A_430] in [0] : vector<16xf32>, vector<16xi32> -> vector<16xf32>
          %get3A_432 = arith.index_cast %scan3A_298 : i32 to index
          %get3A_433 = arith.constant 192 : index
          %get3A_434 = tpu.vector_load %arg15[%get3A_432, %get3A_433] {strides = array<i32>} : memref<128x272xf32, #tpu.memory_space<vmem>>, vector<1x16xf32>,
          %get3A_435 = vector.shape_cast %get3A_434 : vector<1x16xf32> to vector<16xf32>
          %mul3A_436 = arith.mulf %gather3A_431, %get3A_435 : vector<16xf32>
          %broadcast_in_dim3A_437 = arith.constant 13 : i32
          %broadcast_in_dim3A_438 = vector.broadcast %broadcast_in_dim3A_437 : i32 to vector<16xi32>
          %broadcast_in_dim3A_439 = vector.shape_cast %broadcast_in_dim3A_438 : vector<16xi32> to vector<16x1xi32>
          %gather3A_440 = vector.shape_cast %broadcast_in_dim3A_439 : vector<16x1xi32> to vector<16xi32>
          %gather3A_441 = tpu.dynamic_gather %get3A_302[%gather3A_440] in [0] : vector<16xf32>, vector<16xi32> -> vector<16xf32>
          %get3A_442 = arith.index_cast %scan3A_298 : i32 to index
          %get3A_443 = arith.constant 208 : index
          %get3A_444 = tpu.vector_load %arg15[%get3A_442, %get3A_443] {strides = array<i32>} : memref<128x272xf32, #tpu.memory_space<vmem>>, vector<1x16xf32>,
          %get3A_445 = vector.shape_cast %get3A_444 : vector<1x16xf32> to vector<16xf32>
          %mul3A_446 = arith.mulf %gather3A_441, %get3A_445 : vector<16xf32>
          %broadcast_in_dim3A_447 = arith.constant 14 : i32
          %broadcast_in_dim3A_448 = vector.broadcast %broadcast_in_dim3A_447 : i32 to vector<16xi32>
          %broadcast_in_dim3A_449 = vector.shape_cast %broadcast_in_dim3A_448 : vector<16xi32> to vector<16x1xi32>
          %gather3A_450 = vector.shape_cast %broadcast_in_dim3A_449 : vector<16x1xi32> to vector<16xi32>
          %gather3A_451 = tpu.dynamic_gather %get3A_302[%gather3A_450] in [0] : vector<16xf32>, vector<16xi32> -> vector<16xf32>
          %get3A_452 = arith.index_cast %scan3A_298 : i32 to index
          %get3A_453 = arith.constant 224 : index
          %get3A_454 = tpu.vector_load %arg15[%get3A_452, %get3A_453] {strides = array<i32>} : memref<128x272xf32, #tpu.memory_space<vmem>>, vector<1x16xf32>,
          %get3A_455 = vector.shape_cast %get3A_454 : vector<1x16xf32> to vector<16xf32>
          %mul3A_456 = arith.mulf %gather3A_451, %get3A_455 : vector<16xf32>
          %broadcast_in_dim3A_457 = arith.constant 15 : i32
          %broadcast_in_dim3A_458 = vector.broadcast %broadcast_in_dim3A_457 : i32 to vector<16xi32>
          %broadcast_in_dim3A_459 = vector.shape_cast %broadcast_in_dim3A_458 : vector<16xi32> to vector<16x1xi32>
          %gather3A_460 = vector.shape_cast %broadcast_in_dim3A_459 : vector<16x1xi32> to vector<16xi32>
          %gather3A_461 = tpu.dynamic_gather %get3A_302[%gather3A_460] in [0] : vector<16xf32>, vector<16xi32> -> vector<16xf32>
          %get3A_462 = arith.index_cast %scan3A_298 : i32 to index
          %get3A_463 = arith.constant 240 : index
          %get3A_464 = tpu.vector_load %arg15[%get3A_462, %get3A_463] {strides = array<i32>} : memref<128x272xf32, #tpu.memory_space<vmem>>, vector<1x16xf32>,
          %get3A_465 = vector.shape_cast %get3A_464 : vector<1x16xf32> to vector<16xf32>
          %mul3A_466 = arith.mulf %gather3A_461, %get3A_465 : vector<16xf32>
          %broadcast_in_dim3A_467 = arith.constant 0 : i32
          %broadcast_in_dim3A_468 = vector.broadcast %broadcast_in_dim3A_467 : i32 to vector<16xi32>
          %broadcast_in_dim3A_469 = vector.shape_cast %broadcast_in_dim3A_468 : vector<16xi32> to vector<16x1xi32>
          %gather3A_470 = vector.shape_cast %broadcast_in_dim3A_469 : vector<16x1xi32> to vector<16xi32>
          %gather3A_471 = tpu.dynamic_gather %get3A_306[%gather3A_470] in [0] : vector<16xf32>, vector<16xi32> -> vector<16xf32>
          %get3A_472 = arith.index_cast %scan3A_298 : i32 to index
          %get3A_473 = arith.constant 256 : index
          %get3A_474 = tpu.vector_load %arg15[%get3A_472, %get3A_473] {strides = array<i32>} : memref<128x272xf32, #tpu.memory_space<vmem>>, vector<1x16xf32>,
          %get3A_475 = vector.shape_cast %get3A_474 : vector<1x16xf32> to vector<16xf32>
          %mul3A_476 = arith.mulf %gather3A_471, %get3A_475 : vector<16xf32>
          %add3A_477 = arith.addf %mul3A_316, %mul3A_326 : vector<16xf32>
          %add3A_478 = arith.addf %mul3A_336, %mul3A_346 : vector<16xf32>
          %add3A_479 = arith.addf %mul3A_356, %mul3A_366 : vector<16xf32>
          %add3A_480 = arith.addf %mul3A_376, %mul3A_386 : vector<16xf32>
          %add3A_481 = arith.addf %mul3A_396, %mul3A_406 : vector<16xf32>
          %add3A_482 = arith.addf %mul3A_416, %mul3A_426 : vector<16xf32>
          %add3A_483 = arith.addf %mul3A_436, %mul3A_446 : vector<16xf32>
          %add3A_484 = arith.addf %mul3A_456, %mul3A_466 : vector<16xf32>
          %add3A_485 = arith.addf %add3A_477, %add3A_478 : vector<16xf32>
          %add3A_486 = arith.addf %add3A_479, %add3A_480 : vector<16xf32>
          %add3A_487 = arith.addf %add3A_481, %add3A_482 : vector<16xf32>
          %add3A_488 = arith.addf %add3A_483, %add3A_484 : vector<16xf32>
          %add3A_489 = arith.addf %add3A_485, %add3A_486 : vector<16xf32>
          %add3A_490 = arith.addf %add3A_487, %add3A_488 : vector<16xf32>
          %add3A_491 = arith.addf %add3A_489, %add3A_490 : vector<16xf32>
          %add3A_492 = arith.addf %add3A_491, %mul3A_476 : vector<16xf32>
          %swap3A_493 = arith.index_cast %scan3A_298 : i32 to index
          %swap3A_494 = arith.constant 0 : index
          %swap3A_495 = tpu.vector_load %arg16[%swap3A_493, %swap3A_494] {strides = array<i32>} : memref<128x16xf32, #tpu.memory_space<vmem>>, vector<1x16xf32>,
          %swap3A_496 = vector.shape_cast %swap3A_495 : vector<1x16xf32> to vector<16xf32>
          %swap3A_497 = vector.shape_cast %add3A_492 : vector<16xf32> to vector<1x16xf32>
          tpu.vector_store %arg16[%swap3A_493, %swap3A_494], %swap3A_497 {strides = array<i32>} : memref<128x16xf32, #tpu.memory_space<vmem>>, vector<1x16xf32>,
        }
        %scan3A_100 = arith.constant 128 : i32
        "tpu.region"() ({
          %run_scoped3A_101 = tpu.sem_alloc : memref<!tpu.dma_semaphore, #tpu.memory_space<semaphore_mem>>
          %dma_start3A_102 = arith.constant 0 : i32
          %dma_start3A_103 = arith.constant 0 : i32
          %dma_start3A_104 = tpu.memref_slice %arg17[%dma_start3A_102, %dma_start3A_103] : memref<10240x16xf32, #tpu.memory_space<vmem_shared>> -> memref<10240x16xf32, #tpu.memory_space<vmem_shared>>
          tpu.enqueue_indirect_dma source(%arg16 : memref<128x16xf32, #tpu.memory_space<vmem>>) target(%dma_start3A_104 : memref<10240x16xf32, #tpu.memory_space<vmem_shared>>) offsets(%arg11 : memref<128xi32, #tpu.memory_space<vmem>>) semaphore(%run_scoped3A_101 : memref<!tpu.dma_semaphore, #tpu.memory_space<semaphore_mem>>) {add = true}
          %dma_wait3A_105 = arith.constant 0 : i32
          %dma_wait3A_106 = arith.constant 0 : i32
          %dma_wait3A_107 = tpu.memref_slice %arg17[%dma_wait3A_105, %dma_wait3A_106] : memref<10240x16xf32, #tpu.memory_space<vmem_shared>> -> memref<10240x16xf32, #tpu.memory_space<vmem_shared>>
          tpu.wait_indirect_dma semaphore(%run_scoped3A_101 : memref<!tpu.dma_semaphore, #tpu.memory_space<semaphore_mem>>) src(%arg16 : memref<128x16xf32, #tpu.memory_space<vmem>>) dst(%dma_wait3A_107 : memref<10240x16xf32, #tpu.memory_space<vmem_shared>>)
          tpu.yield
        }) : () -> ()
      } else {
      }
    }
    %scan3A_27 = arith.constant 20 : i32
    %barrier3A_28 = arith.constant 0 : index
    tpu.barrier barrier_id(%barrier3A_28)
    %mul3A_29 = arith.constant 640 : i32
    %mul3A_30 = arith.muli %arg1, %mul3A_29 : i32
    %mul3A_31 = arith.constant 640 : i32
    %mul3A_32 = arith.muli %arg1, %mul3A_31 : i32
    "tpu.region"() ({
      %run_scoped3A_33 = tpu.sem_alloc : memref<!tpu.dma_semaphore, #tpu.memory_space<semaphore_mem>>
      %dma_start3A_34 = arith.constant 0 : i32
      %dma_start3A_35 = tpu.memref_slice %arg7[%arg0, %mul3A_32, %dma_start3A_34] : memref<2x10240x16xf32, #tpu.memory_space<hbm>> -> memref<1x640x16xf32, #tpu.memory_space<hbm>>
      %dma_start3A_36 = tpu.memref_squeeze %dma_start3A_35 : memref<1x640x16xf32, #tpu.memory_space<hbm>> -> memref<640x16xf32, #tpu.memory_space<hbm>>
      %dma_start3A_37 = arith.constant 0 : i32
      %dma_start3A_38 = tpu.memref_slice %arg17[%mul3A_30, %dma_start3A_37] : memref<10240x16xf32, #tpu.memory_space<vmem_shared>> -> memref<640x16xf32, #tpu.memory_space<vmem_shared>>
      tpu.enqueue_dma source(%dma_start3A_38 : memref<640x16xf32, #tpu.memory_space<vmem_shared>>) target(%dma_start3A_36 : memref<640x16xf32, #tpu.memory_space<hbm>>) target_semaphore(%run_scoped3A_33 : memref<!tpu.dma_semaphore, #tpu.memory_space<semaphore_mem>>)
      %dma_wait3A = arith.constant 0 : i32
      %dma_wait3A_39 = tpu.memref_slice %arg7[%arg0, %mul3A_32, %dma_wait3A] : memref<2x10240x16xf32, #tpu.memory_space<hbm>> -> memref<1x640x16xf32, #tpu.memory_space<hbm>>
      %dma_wait3A_40 = tpu.memref_squeeze %dma_wait3A_39 : memref<1x640x16xf32, #tpu.memory_space<hbm>> -> memref<640x16xf32, #tpu.memory_space<hbm>>
      %dma_wait3A_41 = arith.constant 0 : i32
      %dma_wait3A_42 = tpu.memref_slice %arg17[%mul3A_30, %dma_wait3A_41] : memref<10240x16xf32, #tpu.memory_space<vmem_shared>> -> memref<640x16xf32, #tpu.memory_space<vmem_shared>>
      tpu.wait_dma2 semaphore(%run_scoped3A_33 : memref<!tpu.dma_semaphore, #tpu.memory_space<semaphore_mem>>) src(%dma_wait3A_42 : memref<640x16xf32, #tpu.memory_space<vmem_shared>>) dst(%dma_wait3A_40 : memref<640x16xf32, #tpu.memory_space<hbm>>)
      tpu.yield
    }) : () -> ()
    return
  }
}

module attributes {stable_mosaic.version = 14 : i64} {
  func.func @_pre_body(%arg0: i32, %arg1: memref<400x128xf32, #tpu.memory_space<vmem>>, %arg2: memref<128x272xf32, #tpu.memory_space<vmem>>, %arg3: memref<128x16xf32, #tpu.memory_space<vmem>>, %arg4: memref<1x16xf32, #tpu.memory_space<vmem>>, %arg5: memref<1x1x400xi32, #tpu.memory_space<vmem>>, %arg6: memref<400x272xf32, #tpu.memory_space<vmem>>, %arg7: memref<400x16xf32, #tpu.memory_space<vmem>>, %arg8: memref<1x64xf32, #tpu.memory_space<vmem>>) attributes {dimension_semantics = [#tpu.dimension_semantics<arbitrary>], iteration_bounds = array<i64: 25>, scalar_prefetch = 0 : i64, scratch_operands = 0 : i64, tpu.core_type = #tpu.core_type<tc>, window_params = [{transform_indices = @transform_0, window_bounds = array<i64: 400, 128>}, {pipeline_mode = #tpu.pipeline_mode<synchronous>, transform_indices = @transform_1, window_bounds = array<i64: 128, 272>}, {pipeline_mode = #tpu.pipeline_mode<synchronous>, transform_indices = @transform_2, window_bounds = array<i64: 128, 16>}, {pipeline_mode = #tpu.pipeline_mode<synchronous>, transform_indices = @transform_3, window_bounds = array<i64: 1, 16>}, {transform_indices = @transform_4, window_bounds = array<i64: 1, 1, 400>}, {transform_indices = @transform_5, window_bounds = array<i64: 400, 272>}, {transform_indices = @transform_6, window_bounds = array<i64: 400, 16>}, {pipeline_mode = #tpu.pipeline_mode<synchronous>, transform_indices = @transform_7, window_bounds = array<i64: 1, 64>}]} {
    %get3A = arith.constant 0 : index
    %get3A_0 = arith.constant 0 : index
    %get3A_1 = vector.load %arg1[%get3A, %get3A_0] : memref<400x128xf32, #tpu.memory_space<vmem>>, vector<400x128xf32>
    %get3A_2 = arith.constant 0 : index
    %get3A_3 = arith.constant 0 : index
    %get3A_4 = vector.load %arg2[%get3A_2, %get3A_3] : memref<128x272xf32, #tpu.memory_space<vmem>>, vector<128x272xf32>
    %dot_general3A = arith.constant dense<0.000000e+00> : vector<400x272xf32>
    %dot_general3A_5 = tpu.matmul %get3A_1, %get3A_4, %dot_general3A {dimension_numbers = #tpu.dot_dimension_numbers<[1], [0], [0], [1], [0, 0, 1, 1], [], []>, transpose_lhs_hint = false} : vector<400x128xf32>, vector<128x272xf32>, vector<400x272xf32> -> vector<400x272xf32>
    %swap3A = arith.constant 0 : index
    %swap3A_6 = arith.constant 0 : index
    %swap3A_7 = vector.load %arg6[%swap3A, %swap3A_6] : memref<400x272xf32, #tpu.memory_space<vmem>>, vector<400x272xf32>
    tpu.vector_store %arg6[%swap3A, %swap3A_6], %dot_general3A_5 {strides = array<i32>} : memref<400x272xf32, #tpu.memory_space<vmem>>, vector<400x272xf32>,
    %get3A_8 = arith.constant 0 : index
    %get3A_9 = arith.constant 0 : index
    %get3A_10 = vector.load %arg3[%get3A_8, %get3A_9] : memref<128x16xf32, #tpu.memory_space<vmem>>, vector<128x16xf32>
    %dot_general3A_11 = arith.constant dense<0.000000e+00> : vector<400x16xf32>
    %dot_general3A_12 = tpu.matmul %get3A_1, %get3A_10, %dot_general3A_11 {dimension_numbers = #tpu.dot_dimension_numbers<[1], [0], [0], [1], [0, 0, 1, 1], [], []>, transpose_lhs_hint = false} : vector<400x128xf32>, vector<128x16xf32>, vector<400x16xf32> -> vector<400x16xf32>
    %get3A_13 = arith.constant 0 : index
    %get3A_14 = arith.constant 0 : index
    %get3A_15 = vector.load %arg4[%get3A_13, %get3A_14] : memref<1x16xf32, #tpu.memory_space<vmem>>, vector<1x16xf32>
    %add3A = vector.broadcast %get3A_15 : vector<1x16xf32> to vector<400x16xf32>
    %add3A_16 = arith.addf %dot_general3A_12, %add3A : vector<400x16xf32>
    %swap3A_17 = arith.constant 0 : index
    %swap3A_18 = arith.constant 0 : index
    %swap3A_19 = vector.load %arg7[%swap3A_17, %swap3A_18] : memref<400x16xf32, #tpu.memory_space<vmem>>, vector<400x16xf32>
    tpu.vector_store %arg7[%swap3A_17, %swap3A_18], %add3A_16 {strides = array<i32>} : memref<400x16xf32, #tpu.memory_space<vmem>>, vector<400x16xf32>,
    %get3A_20 = arith.constant 0 : index
    %get3A_21 = arith.constant 0 : index
    %get3A_22 = arith.constant 0 : index
    %get3A_23 = vector.load %arg5[%get3A_20, %get3A_21, %get3A_22] : memref<1x1x400xi32, #tpu.memory_space<vmem>>, vector<1x1x400xi32>
    %get3A_24 = vector.shape_cast %get3A_23 : vector<1x1x400xi32> to vector<400xi32>
    %broadcast_in_dim3A = vector.shape_cast %get3A_24 : vector<400xi32> to vector<400x1xi32>
    %iota3A = tpu.iota {dimensions = array<i32: 1>} : vector<1x64xi32>
    %eq3A = vector.broadcast %broadcast_in_dim3A : vector<400x1xi32> to vector<400x64xi32>
    %eq3A_25 = vector.broadcast %iota3A : vector<1x64xi32> to vector<400x64xi32>
    %eq3A_26 = arith.cmpi eq, %eq3A, %eq3A_25 : vector<400x64xi32>
    %convert_element_type3A = arith.extui %eq3A_26 : vector<400x64xi1> to vector<400x64xi32>
    %convert_element_type3A_27 = arith.sitofp %convert_element_type3A : vector<400x64xi32> to vector<400x64xf32>
    %reduce_sum3A = arith.constant dense<0.000000e+00> : vector<64xf32>
    %reduce_sum3A_28 = vector.multi_reduction <add>, %convert_element_type3A_27, %reduce_sum3A [0] : vector<400x64xf32> to vector<64xf32>
    %broadcast_in_dim3A_29 = vector.shape_cast %reduce_sum3A_28 : vector<64xf32> to vector<1x64xf32>
    %eq3A_30 = arith.constant 0 : i32
    %eq3A_31 = arith.cmpi eq, %arg0, %eq3A_30 : i32
    %convert_element_type3A_32 = arith.extui %eq3A_31 : i1 to i32
    %cond3A = arith.constant 0 : i32
    %cond3A_33 = arith.cmpi ne, %convert_element_type3A_32, %cond3A : i32
    scf.if %cond3A_33 {
      %broadcast_in_dim3A_41 = arith.constant 0.000000e+00 : f32
      %broadcast_in_dim3A_42 = vector.broadcast %broadcast_in_dim3A_41 : f32 to vector<1x64xf32>
      %swap3A_43 = arith.constant 0 : index
      %swap3A_44 = arith.constant 0 : index
      %swap3A_45 = vector.load %arg8[%swap3A_43, %swap3A_44] : memref<1x64xf32, #tpu.memory_space<vmem>>, vector<1x64xf32>
      tpu.vector_store %arg8[%swap3A_43, %swap3A_44], %broadcast_in_dim3A_42 {strides = array<i32>} : memref<1x64xf32, #tpu.memory_space<vmem>>, vector<1x64xf32>,
    } else {
    }
    %get3A_34 = arith.constant 0 : index
    %get3A_35 = arith.constant 0 : index
    %get3A_36 = vector.load %arg8[%get3A_34, %get3A_35] : memref<1x64xf32, #tpu.memory_space<vmem>>, vector<1x64xf32>
    %add3A_37 = arith.addf %get3A_36, %broadcast_in_dim3A_29 : vector<1x64xf32>
    %swap3A_38 = arith.constant 0 : index
    %swap3A_39 = arith.constant 0 : index
    %swap3A_40 = vector.load %arg8[%swap3A_38, %swap3A_39] : memref<1x64xf32, #tpu.memory_space<vmem>>, vector<1x64xf32>
    tpu.vector_store %arg8[%swap3A_38, %swap3A_39], %add3A_37 {strides = array<i32>} : memref<1x64xf32, #tpu.memory_space<vmem>>, vector<1x64xf32>,
    return
  }
  func.func @transform_0(%arg0: i32) -> (i32, i32) {
    %c0_i32 = arith.constant 0 : i32
    %c0_i32_0 = arith.constant 0 : i32
    return %arg0, %c0_i32 : i32, i32
  }
  func.func @transform_1(%arg0: i32) -> (i32, i32) {
    %c0_i32 = arith.constant 0 : i32
    %c0_i32_0 = arith.constant 0 : i32
    %c0_i32_1 = arith.constant 0 : i32
    return %c0_i32, %c0_i32_0 : i32, i32
  }
  func.func @transform_2(%arg0: i32) -> (i32, i32) {
    %c0_i32 = arith.constant 0 : i32
    %c0_i32_0 = arith.constant 0 : i32
    %c0_i32_1 = arith.constant 0 : i32
    return %c0_i32, %c0_i32_0 : i32, i32
  }
  func.func @transform_3(%arg0: i32) -> (i32, i32) {
    %c0_i32 = arith.constant 0 : i32
    %c0_i32_0 = arith.constant 0 : i32
    %c0_i32_1 = arith.constant 0 : i32
    return %c0_i32, %c0_i32_0 : i32, i32
  }
  func.func @transform_4(%arg0: i32) -> (i32, i32, i32) {
    %c0_i32 = arith.constant 0 : i32
    %c0_i32_0 = arith.constant 0 : i32
    %c0_i32_1 = arith.constant 0 : i32
    return %arg0, %c0_i32, %c0_i32_0 : i32, i32, i32
  }
  func.func @transform_5(%arg0: i32) -> (i32, i32) {
    %c0_i32 = arith.constant 0 : i32
    %c0_i32_0 = arith.constant 0 : i32
    return %arg0, %c0_i32 : i32, i32
  }
  func.func @transform_6(%arg0: i32) -> (i32, i32) {
    %c0_i32 = arith.constant 0 : i32
    %c0_i32_0 = arith.constant 0 : i32
    return %arg0, %c0_i32 : i32, i32
  }
  func.func @transform_7(%arg0: i32) -> (i32, i32) {
    %c0_i32 = arith.constant 0 : i32
    %c0_i32_0 = arith.constant 0 : i32
    %c0_i32_1 = arith.constant 0 : i32
    return %c0_i32, %c0_i32_0 : i32, i32
  }
}

module attributes {stable_mosaic.version = 14 : i64} {
  func.func @_mid_body(%arg0: i32, %arg1: memref<1x400x16xf32, #tpu.memory_space<vmem>>, %arg2: memref<1x400x16xf32, #tpu.memory_space<vmem>>, %arg3: memref<400x16xf32, #tpu.memory_space<vmem>>, %arg4: memref<1x1x400xi32, #tpu.memory_space<vmem>>, %arg5: memref<1x64xf32, #tpu.memory_space<vmem>>, %arg6: memref<1x16xf32, #tpu.memory_space<vmem>>, %arg7: memref<1x16xf32, #tpu.memory_space<vmem>>, %arg8: memref<16x272xf32, #tpu.memory_space<vmem>>, %arg9: memref<16x16xf32, #tpu.memory_space<vmem>>, %arg10: memref<1x16xf32, #tpu.memory_space<vmem>>, %arg11: memref<400x272xf32, #tpu.memory_space<vmem>>, %arg12: memref<400x16xf32, #tpu.memory_space<vmem>>) attributes {dimension_semantics = [#tpu.dimension_semantics<arbitrary>], iteration_bounds = array<i64: 25>, scalar_prefetch = 0 : i64, scratch_operands = 0 : i64, tpu.core_type = #tpu.core_type<tc>, window_params = [{transform_indices = @transform_0, window_bounds = array<i64: 1, 400, 16>}, {transform_indices = @transform_1, window_bounds = array<i64: 1, 400, 16>}, {transform_indices = @transform_2, window_bounds = array<i64: 400, 16>}, {transform_indices = @transform_3, window_bounds = array<i64: 1, 1, 400>}, {pipeline_mode = #tpu.pipeline_mode<synchronous>, transform_indices = @transform_4, window_bounds = array<i64: 1, 64>}, {pipeline_mode = #tpu.pipeline_mode<synchronous>, transform_indices = @transform_5, window_bounds = array<i64: 1, 16>}, {pipeline_mode = #tpu.pipeline_mode<synchronous>, transform_indices = @transform_6, window_bounds = array<i64: 1, 16>}, {pipeline_mode = #tpu.pipeline_mode<synchronous>, transform_indices = @transform_7, window_bounds = array<i64: 16, 272>}, {pipeline_mode = #tpu.pipeline_mode<synchronous>, transform_indices = @transform_8, window_bounds = array<i64: 16, 16>}, {pipeline_mode = #tpu.pipeline_mode<synchronous>, transform_indices = @transform_9, window_bounds = array<i64: 1, 16>}, {transform_indices = @transform_10, window_bounds = array<i64: 400, 272>}, {transform_indices = @transform_11, window_bounds = array<i64: 400, 16>}]} {
    %get3A = arith.constant 0 : index
    %get3A_0 = arith.constant 0 : index
    %get3A_1 = arith.constant 0 : index
    %get3A_2 = vector.load %arg1[%get3A, %get3A_0, %get3A_1] : memref<1x400x16xf32, #tpu.memory_space<vmem>>, vector<1x400x16xf32>
    %get3A_3 = vector.shape_cast %get3A_2 : vector<1x400x16xf32> to vector<400x16xf32>
    %get3A_4 = arith.constant 0 : index
    %get3A_5 = arith.constant 0 : index
    %get3A_6 = arith.constant 0 : index
    %get3A_7 = vector.load %arg2[%get3A_4, %get3A_5, %get3A_6] : memref<1x400x16xf32, #tpu.memory_space<vmem>>, vector<1x400x16xf32>
    %get3A_8 = vector.shape_cast %get3A_7 : vector<1x400x16xf32> to vector<400x16xf32>
    %add3A = arith.addf %get3A_3, %get3A_8 : vector<400x16xf32>
    %get3A_9 = arith.constant 0 : index
    %get3A_10 = arith.constant 0 : index
    %get3A_11 = vector.load %arg3[%get3A_9, %get3A_10] : memref<400x16xf32, #tpu.memory_space<vmem>>, vector<400x16xf32>
    %add3A_12 = arith.addf %add3A, %get3A_11 : vector<400x16xf32>
    %get3A_13 = arith.constant 0 : index
    %get3A_14 = arith.constant 0 : index
    %get3A_15 = vector.load %arg5[%get3A_13, %get3A_14] : memref<1x64xf32, #tpu.memory_space<vmem>>, vector<1x64xf32>
    %gt3A = arith.constant 0.000000e+00 : f32
    %gt3A_16 = vector.broadcast %gt3A : f32 to vector<1x64xf32>
    %gt3A_17 = arith.cmpf ogt, %get3A_15, %gt3A_16 : vector<1x64xf32>
    %max3A = arith.constant 1.000000e+00 : f32
    %max3A_18 = vector.broadcast %max3A : f32 to vector<1x64xf32>
    %max3A_19 = arith.maximumf %get3A_15, %max3A_18 : vector<1x64xf32>
    %rsqrt3A = math.rsqrt %max3A_19 : vector<1x64xf32>
    %jit3A = arith.constant 0.000000e+00 : f32
    %broadcast_in_dim3A = vector.broadcast %jit3A : f32 to vector<1x64xf32>
    %select_n3A = arith.select %gt3A_17, %rsqrt3A, %broadcast_in_dim3A : vector<1x64xi1>, vector<1x64xf32>
    %get3A_20 = arith.constant 0 : index
    %get3A_21 = arith.constant 0 : index
    %get3A_22 = arith.constant 0 : index
    %get3A_23 = vector.load %arg4[%get3A_20, %get3A_21, %get3A_22] : memref<1x1x400xi32, #tpu.memory_space<vmem>>, vector<1x1x400xi32>
    %get3A_24 = vector.shape_cast %get3A_23 : vector<1x1x400xi32> to vector<400xi32>
    %broadcast_in_dim3A_25 = vector.shape_cast %get3A_24 : vector<400xi32> to vector<400x1xi32>
    %iota3A = tpu.iota {dimensions = array<i32: 1>} : vector<1x64xi32>
    %eq3A = vector.broadcast %broadcast_in_dim3A_25 : vector<400x1xi32> to vector<400x64xi32>
    %eq3A_26 = vector.broadcast %iota3A : vector<1x64xi32> to vector<400x64xi32>
    %eq3A_27 = arith.cmpi eq, %eq3A, %eq3A_26 : vector<400x64xi32>
    %convert_element_type3A = arith.extui %eq3A_27 : vector<400x64xi1> to vector<400x64xi32>
    %convert_element_type3A_28 = arith.sitofp %convert_element_type3A : vector<400x64xi32> to vector<400x64xf32>
    %mul3A = vector.broadcast %select_n3A : vector<1x64xf32> to vector<400x64xf32>
    %mul3A_29 = arith.mulf %convert_element_type3A_28, %mul3A : vector<400x64xf32>
    %reduce_sum3A = arith.constant dense<0.000000e+00> : vector<400xf32>
    %reduce_sum3A_30 = vector.multi_reduction <add>, %mul3A_29, %reduce_sum3A [1] : vector<400x64xf32> to vector<400xf32>
    %broadcast_in_dim3A_31 = vector.shape_cast %reduce_sum3A_30 : vector<400xf32> to vector<400x1xf32>
    %mul3A_32 = vector.broadcast %broadcast_in_dim3A_31 : vector<400x1xf32> to vector<400x16xf32>
    %mul3A_33 = arith.mulf %add3A_12, %mul3A_32 : vector<400x16xf32>
    %get3A_34 = arith.constant 0 : index
    %get3A_35 = arith.constant 0 : index
    %get3A_36 = vector.load %arg6[%get3A_34, %get3A_35] : memref<1x16xf32, #tpu.memory_space<vmem>>, vector<1x16xf32>
    %mul3A_37 = vector.broadcast %get3A_36 : vector<1x16xf32> to vector<400x16xf32>
    %mul3A_38 = arith.mulf %mul3A_33, %mul3A_37 : vector<400x16xf32>
    %get3A_39 = arith.constant 0 : index
    %get3A_40 = arith.constant 0 : index
    %get3A_41 = vector.load %arg7[%get3A_39, %get3A_40] : memref<1x16xf32, #tpu.memory_space<vmem>>, vector<1x16xf32>
    %add3A_42 = vector.broadcast %get3A_41 : vector<1x16xf32> to vector<400x16xf32>
    %add3A_43 = arith.addf %mul3A_38, %add3A_42 : vector<400x16xf32>
    %max3A_44 = arith.constant 0.000000e+00 : f32
    %max3A_45 = vector.broadcast %max3A_44 : f32 to vector<400x16xf32>
    %max3A_46 = arith.maximumf %add3A_43, %max3A_45 : vector<400x16xf32>
    %get3A_47 = arith.constant 0 : index
    %get3A_48 = arith.constant 0 : index
    %get3A_49 = vector.load %arg8[%get3A_47, %get3A_48] : memref<16x272xf32, #tpu.memory_space<vmem>>, vector<16x272xf32>
    %dot_general3A = arith.constant dense<0.000000e+00> : vector<400x272xf32>
    %dot_general3A_50 = tpu.matmul %max3A_46, %get3A_49, %dot_general3A {dimension_numbers = #tpu.dot_dimension_numbers<[1], [0], [0], [1], [0, 0, 1, 1], [], []>, transpose_lhs_hint = false} : vector<400x16xf32>, vector<16x272xf32>, vector<400x272xf32> -> vector<400x272xf32>
    %swap3A = arith.constant 0 : index
    %swap3A_51 = arith.constant 0 : index
    %swap3A_52 = vector.load %arg11[%swap3A, %swap3A_51] : memref<400x272xf32, #tpu.memory_space<vmem>>, vector<400x272xf32>
    tpu.vector_store %arg11[%swap3A, %swap3A_51], %dot_general3A_50 {strides = array<i32>} : memref<400x272xf32, #tpu.memory_space<vmem>>, vector<400x272xf32>,
    %get3A_53 = arith.constant 0 : index
    %get3A_54 = arith.constant 0 : index
    %get3A_55 = vector.load %arg9[%get3A_53, %get3A_54] : memref<16x16xf32, #tpu.memory_space<vmem>>, vector<16x16xf32>
    %dot_general3A_56 = arith.constant dense<0.000000e+00> : vector<400x16xf32>
    %dot_general3A_57 = tpu.matmul %max3A_46, %get3A_55, %dot_general3A_56 {dimension_numbers = #tpu.dot_dimension_numbers<[1], [0], [0], [1], [0, 0, 1, 1], [], []>, transpose_lhs_hint = false} : vector<400x16xf32>, vector<16x16xf32>, vector<400x16xf32> -> vector<400x16xf32>
    %get3A_58 = arith.constant 0 : index
    %get3A_59 = arith.constant 0 : index
    %get3A_60 = vector.load %arg10[%get3A_58, %get3A_59] : memref<1x16xf32, #tpu.memory_space<vmem>>, vector<1x16xf32>
    %add3A_61 = vector.broadcast %get3A_60 : vector<1x16xf32> to vector<400x16xf32>
    %add3A_62 = arith.addf %dot_general3A_57, %add3A_61 : vector<400x16xf32>
    %swap3A_63 = arith.constant 0 : index
    %swap3A_64 = arith.constant 0 : index
    %swap3A_65 = vector.load %arg12[%swap3A_63, %swap3A_64] : memref<400x16xf32, #tpu.memory_space<vmem>>, vector<400x16xf32>
    tpu.vector_store %arg12[%swap3A_63, %swap3A_64], %add3A_62 {strides = array<i32>} : memref<400x16xf32, #tpu.memory_space<vmem>>, vector<400x16xf32>,
    return
  }
  func.func @transform_0(%arg0: i32) -> (i32, i32, i32) {
    %c0_i32 = arith.constant 0 : i32
    %c0_i32_0 = arith.constant 0 : i32
    %c0_i32_1 = arith.constant 0 : i32
    return %c0_i32, %arg0, %c0_i32_0 : i32, i32, i32
  }
  func.func @transform_1(%arg0: i32) -> (i32, i32, i32) {
    %c1_i32 = arith.constant 1 : i32
    %c0_i32 = arith.constant 0 : i32
    %c0_i32_0 = arith.constant 0 : i32
    return %c1_i32, %arg0, %c0_i32 : i32, i32, i32
  }
  func.func @transform_2(%arg0: i32) -> (i32, i32) {
    %c0_i32 = arith.constant 0 : i32
    %c0_i32_0 = arith.constant 0 : i32
    return %arg0, %c0_i32 : i32, i32
  }
  func.func @transform_3(%arg0: i32) -> (i32, i32, i32) {
    %c0_i32 = arith.constant 0 : i32
    %c0_i32_0 = arith.constant 0 : i32
    %c0_i32_1 = arith.constant 0 : i32
    return %arg0, %c0_i32, %c0_i32_0 : i32, i32, i32
  }
  func.func @transform_4(%arg0: i32) -> (i32, i32) {
    %c0_i32 = arith.constant 0 : i32
    %c0_i32_0 = arith.constant 0 : i32
    %c0_i32_1 = arith.constant 0 : i32
    return %c0_i32, %c0_i32_0 : i32, i32
  }
  func.func @transform_5(%arg0: i32) -> (i32, i32) {
    %c0_i32 = arith.constant 0 : i32
    %c0_i32_0 = arith.constant 0 : i32
    %c0_i32_1 = arith.constant 0 : i32
    return %c0_i32, %c0_i32_0 : i32, i32
  }
  func.func @transform_6(%arg0: i32) -> (i32, i32) {
    %c0_i32 = arith.constant 0 : i32
    %c0_i32_0 = arith.constant 0 : i32
    %c0_i32_1 = arith.constant 0 : i32
    return %c0_i32, %c0_i32_0 : i32, i32
  }
  func.func @transform_7(%arg0: i32) -> (i32, i32) {
    %c0_i32 = arith.constant 0 : i32
    %c0_i32_0 = arith.constant 0 : i32
    %c0_i32_1 = arith.constant 0 : i32
    return %c0_i32, %c0_i32_0 : i32, i32
  }
  func.func @transform_8(%arg0: i32) -> (i32, i32) {
    %c0_i32 = arith.constant 0 : i32
    %c0_i32_0 = arith.constant 0 : i32
    %c0_i32_1 = arith.constant 0 : i32
    return %c0_i32, %c0_i32_0 : i32, i32
  }
  func.func @transform_9(%arg0: i32) -> (i32, i32) {
    %c0_i32 = arith.constant 0 : i32
    %c0_i32_0 = arith.constant 0 : i32
    %c0_i32_1 = arith.constant 0 : i32
    return %c0_i32, %c0_i32_0 : i32, i32
  }
  func.func @transform_10(%arg0: i32) -> (i32, i32) {
    %c0_i32 = arith.constant 0 : i32
    %c0_i32_0 = arith.constant 0 : i32
    return %arg0, %c0_i32 : i32, i32
  }
  func.func @transform_11(%arg0: i32) -> (i32, i32) {
    %c0_i32 = arith.constant 0 : i32
    %c0_i32_0 = arith.constant 0 : i32
    return %arg0, %c0_i32 : i32, i32
  }
}

module attributes {stable_mosaic.version = 14 : i64} {
  func.func @_final_body(%arg0: i32, %arg1: memref<1x400x16xf32, #tpu.memory_space<vmem>>, %arg2: memref<1x400x16xf32, #tpu.memory_space<vmem>>, %arg3: memref<400x16xf32, #tpu.memory_space<vmem>>, %arg4: memref<1x1x400xi32, #tpu.memory_space<vmem>>, %arg5: memref<64x1xf32, #tpu.memory_space<vmem>>, %arg6: memref<16x16xf32, #tpu.memory_space<vmem>>, %arg7: memref<1x16xf32, #tpu.memory_space<vmem>>, %arg8: memref<16x10xf32, #tpu.memory_space<vmem>>, %arg9: memref<1x10xf32, #tpu.memory_space<vmem>>, %arg10: memref<64x10xf32, #tpu.memory_space<vmem>>, %arg11: memref<64x16xf32, #tpu.memory_space<vmem>>) attributes {dimension_semantics = [#tpu.dimension_semantics<arbitrary>], iteration_bounds = array<i64: 25>, scalar_prefetch = 0 : i64, scratch_operands = 1 : i64, tpu.core_type = #tpu.core_type<tc>, window_params = [{transform_indices = @transform_0, window_bounds = array<i64: 1, 400, 16>}, {transform_indices = @transform_1, window_bounds = array<i64: 1, 400, 16>}, {transform_indices = @transform_2, window_bounds = array<i64: 400, 16>}, {transform_indices = @transform_3, window_bounds = array<i64: 1, 1, 400>}, {pipeline_mode = #tpu.pipeline_mode<synchronous>, transform_indices = @transform_4, window_bounds = array<i64: 64, 1>}, {pipeline_mode = #tpu.pipeline_mode<synchronous>, transform_indices = @transform_5, window_bounds = array<i64: 16, 16>}, {pipeline_mode = #tpu.pipeline_mode<synchronous>, transform_indices = @transform_6, window_bounds = array<i64: 1, 16>}, {pipeline_mode = #tpu.pipeline_mode<synchronous>, transform_indices = @transform_7, window_bounds = array<i64: 16, 10>}, {pipeline_mode = #tpu.pipeline_mode<synchronous>, transform_indices = @transform_8, window_bounds = array<i64: 1, 10>}, {pipeline_mode = #tpu.pipeline_mode<synchronous>, transform_indices = @transform_9, window_bounds = array<i64: 64, 10>}]} {
    %get3A = arith.constant 0 : index
    %get3A_0 = arith.constant 0 : index
    %get3A_1 = arith.constant 0 : index
    %get3A_2 = vector.load %arg1[%get3A, %get3A_0, %get3A_1] : memref<1x400x16xf32, #tpu.memory_space<vmem>>, vector<1x400x16xf32>
    %get3A_3 = vector.shape_cast %get3A_2 : vector<1x400x16xf32> to vector<400x16xf32>
    %get3A_4 = arith.constant 0 : index
    %get3A_5 = arith.constant 0 : index
    %get3A_6 = arith.constant 0 : index
    %get3A_7 = vector.load %arg2[%get3A_4, %get3A_5, %get3A_6] : memref<1x400x16xf32, #tpu.memory_space<vmem>>, vector<1x400x16xf32>
    %get3A_8 = vector.shape_cast %get3A_7 : vector<1x400x16xf32> to vector<400x16xf32>
    %add3A = arith.addf %get3A_3, %get3A_8 : vector<400x16xf32>
    %get3A_9 = arith.constant 0 : index
    %get3A_10 = arith.constant 0 : index
    %get3A_11 = vector.load %arg3[%get3A_9, %get3A_10] : memref<400x16xf32, #tpu.memory_space<vmem>>, vector<400x16xf32>
    %add3A_12 = arith.addf %add3A, %get3A_11 : vector<400x16xf32>
    %get3A_13 = arith.constant 0 : index
    %get3A_14 = arith.constant 0 : index
    %get3A_15 = arith.constant 0 : index
    %get3A_16 = vector.load %arg4[%get3A_13, %get3A_14, %get3A_15] : memref<1x1x400xi32, #tpu.memory_space<vmem>>, vector<1x1x400xi32>
    %get3A_17 = vector.shape_cast %get3A_16 : vector<1x1x400xi32> to vector<400xi32>
    %iota3A = tpu.iota {dimensions = array<i32: 0>} : vector<64x400xi32>
    %broadcast_in_dim3A = vector.shape_cast %get3A_17 : vector<400xi32> to vector<1x400xi32>
    %eq3A = vector.broadcast %broadcast_in_dim3A : vector<1x400xi32> to vector<64x400xi32>
    %eq3A_18 = arith.cmpi eq, %iota3A, %eq3A : vector<64x400xi32>
    %convert_element_type3A = arith.extui %eq3A_18 : vector<64x400xi1> to vector<64x400xi32>
    %convert_element_type3A_19 = arith.sitofp %convert_element_type3A : vector<64x400xi32> to vector<64x400xf32>
    %dot_general3A = arith.constant dense<0.000000e+00> : vector<64x16xf32>
    %dot_general3A_20 = tpu.matmul %convert_element_type3A_19, %add3A_12, %dot_general3A {dimension_numbers = #tpu.dot_dimension_numbers<[1], [0], [0], [1], [0, 0, 1, 1], [], []>, transpose_lhs_hint = false} : vector<64x400xf32>, vector<400x16xf32>, vector<64x16xf32> -> vector<64x16xf32>
    %eq3A_21 = arith.constant 0 : i32
    %eq3A_22 = arith.cmpi eq, %arg0, %eq3A_21 : i32
    %convert_element_type3A_23 = arith.extui %eq3A_22 : i1 to i32
    %cond3A = arith.constant 0 : i32
    %cond3A_24 = arith.cmpi ne, %convert_element_type3A_23, %cond3A : i32
    scf.if %cond3A_24 {
      %broadcast_in_dim3A_36 = arith.constant 0.000000e+00 : f32
      %broadcast_in_dim3A_37 = vector.broadcast %broadcast_in_dim3A_36 : f32 to vector<64x16xf32>
      %swap3A_38 = arith.constant 0 : index
      %swap3A_39 = arith.constant 0 : index
      %swap3A_40 = vector.load %arg11[%swap3A_38, %swap3A_39] : memref<64x16xf32, #tpu.memory_space<vmem>>, vector<64x16xf32>
      tpu.vector_store %arg11[%swap3A_38, %swap3A_39], %broadcast_in_dim3A_37 {strides = array<i32>} : memref<64x16xf32, #tpu.memory_space<vmem>>, vector<64x16xf32>,
    } else {
    }
    %get3A_25 = arith.constant 0 : index
    %get3A_26 = arith.constant 0 : index
    %get3A_27 = vector.load %arg11[%get3A_25, %get3A_26] : memref<64x16xf32, #tpu.memory_space<vmem>>, vector<64x16xf32>
    %add3A_28 = arith.addf %get3A_27, %dot_general3A_20 : vector<64x16xf32>
    %swap3A = arith.constant 0 : index
    %swap3A_29 = arith.constant 0 : index
    %swap3A_30 = vector.load %arg11[%swap3A, %swap3A_29] : memref<64x16xf32, #tpu.memory_space<vmem>>, vector<64x16xf32>
    tpu.vector_store %arg11[%swap3A, %swap3A_29], %add3A_28 {strides = array<i32>} : memref<64x16xf32, #tpu.memory_space<vmem>>, vector<64x16xf32>,
    %eq3A_31 = arith.constant 24 : i32
    %eq3A_32 = arith.cmpi eq, %arg0, %eq3A_31 : i32
    %convert_element_type3A_33 = arith.extui %eq3A_32 : i1 to i32
    %cond3A_34 = arith.constant 0 : i32
    %cond3A_35 = arith.cmpi ne, %convert_element_type3A_33, %cond3A_34 : i32
    scf.if %cond3A_35 {
      %get3A_36 = arith.constant 0 : index
      %get3A_37 = arith.constant 0 : index
      %get3A_38 = vector.load %arg11[%get3A_36, %get3A_37] : memref<64x16xf32, #tpu.memory_space<vmem>>, vector<64x16xf32>
      %get3A_39 = arith.constant 0 : index
      %get3A_40 = arith.constant 0 : index
      %get3A_41 = vector.load %arg5[%get3A_39, %get3A_40] : memref<64x1xf32, #tpu.memory_space<vmem>>, vector<64x1xf32>
      %max3A = arith.constant 1.000000e+00 : f32
      %max3A_42 = vector.broadcast %max3A : f32 to vector<64x1xf32>
      %max3A_43 = arith.maximumf %get3A_41, %max3A_42 : vector<64x1xf32>
      %div3A = vector.broadcast %max3A_43 : vector<64x1xf32> to vector<64x16xf32>
      %div3A_44 = arith.divf %get3A_38, %div3A : vector<64x16xf32>
      %get3A_45 = arith.constant 0 : index
      %get3A_46 = arith.constant 0 : index
      %get3A_47 = vector.load %arg6[%get3A_45, %get3A_46] : memref<16x16xf32, #tpu.memory_space<vmem>>, vector<16x16xf32>
      %dot_general3A_48 = arith.constant dense<0.000000e+00> : vector<64x16xf32>
      %dot_general3A_49 = tpu.matmul %div3A_44, %get3A_47, %dot_general3A_48 {dimension_numbers = #tpu.dot_dimension_numbers<[1], [0], [0], [1], [0, 0, 1, 1], [], []>, transpose_lhs_hint = false} : vector<64x16xf32>, vector<16x16xf32>, vector<64x16xf32> -> vector<64x16xf32>
      %get3A_50 = arith.constant 0 : index
      %get3A_51 = arith.constant 0 : index
      %get3A_52 = vector.load %arg7[%get3A_50, %get3A_51] : memref<1x16xf32, #tpu.memory_space<vmem>>, vector<1x16xf32>
      %add3A_53 = vector.broadcast %get3A_52 : vector<1x16xf32> to vector<64x16xf32>
      %add3A_54 = arith.addf %dot_general3A_49, %add3A_53 : vector<64x16xf32>
      %max3A_55 = arith.constant 0.000000e+00 : f32
      %max3A_56 = vector.broadcast %max3A_55 : f32 to vector<64x16xf32>
      %max3A_57 = arith.maximumf %add3A_54, %max3A_56 : vector<64x16xf32>
      %get3A_58 = arith.constant 0 : index
      %get3A_59 = arith.constant 0 : index
      %get3A_60 = vector.load %arg8[%get3A_58, %get3A_59] : memref<16x10xf32, #tpu.memory_space<vmem>>, vector<16x10xf32>
      %dot_general3A_61 = arith.constant dense<0.000000e+00> : vector<64x10xf32>
      %dot_general3A_62 = tpu.matmul %max3A_57, %get3A_60, %dot_general3A_61 {dimension_numbers = #tpu.dot_dimension_numbers<[1], [0], [0], [1], [0, 0, 1, 1], [], []>, transpose_lhs_hint = false} : vector<64x16xf32>, vector<16x10xf32>, vector<64x10xf32> -> vector<64x10xf32>
      %get3A_63 = arith.constant 0 : index
      %get3A_64 = arith.constant 0 : index
      %get3A_65 = vector.load %arg9[%get3A_63, %get3A_64] : memref<1x10xf32, #tpu.memory_space<vmem>>, vector<1x10xf32>
      %add3A_66 = vector.broadcast %get3A_65 : vector<1x10xf32> to vector<64x10xf32>
      %add3A_67 = arith.addf %dot_general3A_62, %add3A_66 : vector<64x10xf32>
      %swap3A_68 = arith.constant 0 : index
      %swap3A_69 = arith.constant 0 : index
      %swap3A_70 = vector.load %arg10[%swap3A_68, %swap3A_69] : memref<64x10xf32, #tpu.memory_space<vmem>>, vector<64x10xf32>
      tpu.vector_store %arg10[%swap3A_68, %swap3A_69], %add3A_67 {strides = array<i32>} : memref<64x10xf32, #tpu.memory_space<vmem>>, vector<64x10xf32>,
    } else {
    }
    return
  }
  func.func @transform_0(%arg0: i32) -> (i32, i32, i32) {
    %c0_i32 = arith.constant 0 : i32
    %c0_i32_0 = arith.constant 0 : i32
    %c0_i32_1 = arith.constant 0 : i32
    return %c0_i32, %arg0, %c0_i32_0 : i32, i32, i32
  }
  func.func @transform_1(%arg0: i32) -> (i32, i32, i32) {
    %c1_i32 = arith.constant 1 : i32
    %c0_i32 = arith.constant 0 : i32
    %c0_i32_0 = arith.constant 0 : i32
    return %c1_i32, %arg0, %c0_i32 : i32, i32, i32
  }
  func.func @transform_2(%arg0: i32) -> (i32, i32) {
    %c0_i32 = arith.constant 0 : i32
    %c0_i32_0 = arith.constant 0 : i32
    return %arg0, %c0_i32 : i32, i32
  }
  func.func @transform_3(%arg0: i32) -> (i32, i32, i32) {
    %c0_i32 = arith.constant 0 : i32
    %c0_i32_0 = arith.constant 0 : i32
    %c0_i32_1 = arith.constant 0 : i32
    return %arg0, %c0_i32, %c0_i32_0 : i32, i32, i32
  }
  func.func @transform_4(%arg0: i32) -> (i32, i32) {
    %c0_i32 = arith.constant 0 : i32
    %c0_i32_0 = arith.constant 0 : i32
    %c0_i32_1 = arith.constant 0 : i32
    return %c0_i32, %c0_i32_0 : i32, i32
  }
  func.func @transform_5(%arg0: i32) -> (i32, i32) {
    %c0_i32 = arith.constant 0 : i32
    %c0_i32_0 = arith.constant 0 : i32
    %c0_i32_1 = arith.constant 0 : i32
    return %c0_i32, %c0_i32_0 : i32, i32
  }
  func.func @transform_6(%arg0: i32) -> (i32, i32) {
    %c0_i32 = arith.constant 0 : i32
    %c0_i32_0 = arith.constant 0 : i32
    %c0_i32_1 = arith.constant 0 : i32
    return %c0_i32, %c0_i32_0 : i32, i32
  }
  func.func @transform_7(%arg0: i32) -> (i32, i32) {
    %c0_i32 = arith.constant 0 : i32
    %c0_i32_0 = arith.constant 0 : i32
    %c0_i32_1 = arith.constant 0 : i32
    return %c0_i32, %c0_i32_0 : i32, i32
  }
  func.func @transform_8(%arg0: i32) -> (i32, i32) {
    %c0_i32 = arith.constant 0 : i32
    %c0_i32_0 = arith.constant 0 : i32
    %c0_i32_1 = arith.constant 0 : i32
    return %c0_i32, %c0_i32_0 : i32, i32
  }
  func.func @transform_9(%arg0: i32) -> (i32, i32) {
    %c0_i32 = arith.constant 0 : i32
    %c0_i32_0 = arith.constant 0 : i32
    %c0_i32_1 = arith.constant 0 : i32
    return %c0_i32, %c0_i32_0 : i32, i32
  }
}

</mosaic_0001>

<sc_bundles>
// kernel: kernel.12.cloned.1.call-start
scs
__scs_entry_jumppad:
0x0: {  	(pc) =	sbr.rel $0x88, $3  }
0x1: {  	(tag) =	ssettag $0x0;
	lr =	simm.s32 $0x1  }
0x2: {  	[smem:$0x3F89] =	sst lr;
	_ =	strace $0xD0000000  }
0x3: {  	_ = 	snop  }
0x4: {  	_ = 	snop  }
0x5: {  	_ = 	snop  }
0x6: {  	_ = 	snop  }
0x7: {  	_ = 	snop  }
__scs_overlays_trampoline_lowered:
0x8: {  	[smem:$0x3F98] =	sst s0  }
0x9: {  	[smem:$0x3F99] =	sst s1  }
0xa: {  	[smem:$0x3F9A] =	sst s2  }
0xb: {  	[smem:$0x3F9B] =	sst s3  }
0xc: {  	[smem:$0x3F9C] =	sst s4  }
0xd: {  	[smem:$0x3F9D] =	sst s5  }
0xe: {  	[smem:$0x3F9E] =	sst s6  }
0xf: {  	[smem:$0x3F9F] =	sst s7  }
0x10: {  	[smem:$0x3FA0] =	sst s8  }
0x11: {  	[smem:$0x3FA1] =	sst s9;
	s0 =	simm.s32 @!p0 $0x0  }
0x12: {  	s1 =	sld [smem:$0x3F87];
	s0 =	simm.s32 @p0 $0x1  }
0x13: {  	[smem:$0x3FA2] =	sst s0;
	s0 =	simm.s32 @!p1 $0x0  }
0x14: {  	s2 =	sld [smem:$0x3F86];
	s0 =	simm.s32 @p1 $0x1  }
0x15: {  	[smem:$0x3FA3] =	sst s0;
	s0 =	simm.s32 @!p2 $0x0  }
0x16: {  	s3 =	sld [smem:$0x3FDB];
	s0 =	simm.s32 @p2 $0x1  }
0x17: {  	s4 =	simm.s32 $0x1BF5;
	[smem:$0x3FA5] =	sst s0  }
0x18: {  	s0 =	sld [smem:$0x3F88];
	_ =	swait.ge [sflag:s4], $0x0  }
0x19: {  	s7 =	sld [smem:$0x3F89]  }
0x1a: {  	s8 =	sadd.s32 $0xFFFFE003, lr  }
0x1b: {  	s9 =	sadd.s32 $0xFFFFFEF7, lr;
	s5 =	simm.s32 $0xFFFFFFFF;
	p2 =	slt.u32 s8, $0xFFFFF086  }
0x1c: {  	p1 =	slt.u32 s9, $0xF7A;
	s5 =	simm.s32 @!p2 $0x0  }
0x1d: {  	s5 =	simm.s32 @p1 $0x1;
	p0 =	seq.s32 s7, s2  }
0x1e: {  	s7 =	smul.u32 @!p0 $0xF7A, s2;
	p2 =	seq.s32 @!p0 s5, $0x0  }
0x1f: {  	s9 =	smul.u32 $0xF7A, s1;
	s8 =	simm.s32 @!p0 $0x1BF5;
	p2 =	por !p2, p0  }
0x20: {  	[sflag:s8] =	ssyncset.s32 @!p0 $0xFFFFF086;
	s6 =	sadd.s32 @!p0 s3, s7;
	s7 =	simm.s32 @!p0 $0x108  }
0x21: {  	s3 =	sadd.s32 s3, s9;
	s6 =	sadd.s32 @!p0 $0x88, s6;
	s7 =	simm.s32 @p2 $0x1082  }
0x22: {  	[simem:s7], [sflag:s8] =	dma.local @!p0 [hbm:s6], $0xF7A  }
0x23: {  	s9 =	sor.u32 $0xD0000000, s2;
	s6 =	simm.s32 $0x108;
	_ =	swait.ge @!p0 [sflag:s8], $0x0  }
0x24: {  	s3 =	sadd.s32 $0x88, s3;
	s6 =	simm.s32 @!p1 $0x1082;
	[sflag:s4] =	ssyncset.s32 $0xFFFFF086  }
0x25: {  	[simem:s6], [sflag:s4] =	dma.local [hbm:s3], $0xF7A  }
0x26: {  	[smem:$0x3F89] =	sst s1;
	(tag) =	ssettag s2;
	_ =	strace s9  }
0x27: {  	s1 =	sld [smem:$0x3F99]  }
0x28: {  	s2 =	sld [smem:$0x3F9A]  }
0x29: {  	s4 =	sld [smem:$0x3F9C]  }
0x2a: {  	p0 =	seq.s32 s5, $0x0;
	s5 =	sld [smem:$0x3F9D]  }
0x2b: {  	s6 =	sld [smem:$0x3F9E]  }
0x2c: {  	s7 =	sld [smem:$0x3F9F]  }
0x2d: {  	s3 =	simm.s32 $0x108;
	s8 =	sld [smem:$0x3FA0]  }
0x2e: {  	s3 =	simm.s32 @!p0 $0x1082;
	s9 =	sld [smem:$0x3FA1]  }
0x2f: {  	lr =	sadd.s32 s0, s3;
	s0 =	sld [smem:$0x3F98]  }
0x30: {  	s3 =	sld [smem:$0x3F9B]  }
0x31: {  	[smem:$0x3FA4] =	sst s10  }
0x32: {  	s10 =	sld [smem:$0x3FA2];
	_ =	sdelay $0x3  }
0x33: {  	p0 =	seq.s32 s10, $0x1;
	s10 =	sld [smem:$0x3FA4];
	_ =	sdelay $0x3  }
0x34: {  	[smem:$0x3FA4] =	sst s10  }
0x35: {  	s10 =	sld [smem:$0x3FA3];
	_ =	sdelay $0x3  }
0x36: {  	p1 =	seq.s32 s10, $0x1;
	s10 =	sld [smem:$0x3FA4];
	_ =	sdelay $0x3  }
0x37: {  	[smem:$0x3FA4] =	sst s10  }
0x38: {  	s10 =	sld [smem:$0x3FA5]  }
0x39: {  	_ = 	snop;
	(pc) =	sbr.ind lr, $3  }
0x3a: {  	_ = 	snop  }
0x3b: {  	_ = 	snop  }
0x3c: {  	p2 =	seq.s32 s10, $0x1;
	s10 =	sld [smem:$0x3FA4]  }
0x3d: {  	_ =	shalt  }
0x3e: {  	_ =	shalt  }
0x3f: {  	_ =	shalt  }
0x40: {  	_ =	shalt  }
0x41: {  	_ =	shalt  }
0x42: {  	_ =	shalt  }
0x43: {  	_ =	shalt  }
0x44: {  	_ =	shalt  }
0x45: {  	_ =	shalt  }
0x46: {  	_ =	shalt  }
0x47: {  	_ =	shalt  }
0x48: {  	_ =	shalt  }
0x49: {  	_ =	shalt  }
0x4a: {  	_ =	shalt  }
0x4b: {  	_ =	shalt  }
0x4c: {  	_ =	shalt  }
0x4d: {  	_ =	shalt  }
0x4e: {  	_ =	shalt  }
0x4f: {  	_ =	shalt  }
0x50: {  	_ =	shalt  }
0x51: {  	_ =	shalt  }
0x52: {  	_ =	shalt  }
0x53: {  	_ =	shalt  }
0x54: {  	_ =	shalt  }
0x55: {  	_ =	shalt  }
0x56: {  	_ =	shalt  }
0x57: {  	_ =	shalt  }
0x58: {  	_ =	shalt  }
0x59: {  	_ =	shalt  }
0x5a: {  	_ =	shalt  }
0x5b: {  	_ =	shalt  }
0x5c: {  	_ =	shalt  }
0x5d: {  	_ =	shalt  }
0x5e: {  	_ =	shalt  }
0x5f: {  	_ =	shalt  }
0x60: {  	_ =	shalt  }
0x61: {  	_ =	shalt  }
0x62: {  	_ =	shalt  }
0x63: {  	_ =	shalt  }
0x64: {  	_ =	shalt  }
0x65: {  	_ =	shalt  }
0x66: {  	_ =	shalt  }
0x67: {  	_ =	shalt  }
0x68: {  	_ =	shalt  }
0x69: {  	_ =	shalt  }
0x6a: {  	_ =	shalt  }
0x6b: {  	_ =	shalt  }
0x6c: {  	_ =	shalt  }
0x6d: {  	_ =	shalt  }
0x6e: {  	_ =	shalt  }
0x6f: {  	_ =	shalt  }
0x70: {  	_ =	shalt  }
0x71: {  	_ =	shalt  }
0x72: {  	_ =	shalt  }
0x73: {  	_ =	shalt  }
0x74: {  	_ =	shalt  }
0x75: {  	_ =	shalt  }
0x76: {  	_ =	shalt  }
0x77: {  	_ =	shalt  }
0x78: {  	_ =	shalt  }
0x79: {  	_ =	shalt  }
0x7a: {  	_ =	shalt  }
0x7b: {  	_ =	shalt  }
0x7c: {  	_ =	shalt  }
0x7d: {  	_ =	shalt  }
0x7e: {  	_ =	shalt  }
0x7f: {  	_ =	shalt  }
0x80: {  	_ =	shalt  }
0x81: {  	_ =	shalt  }
0x82: {  	_ =	shalt  }
0x83: {  	_ =	shalt  }
0x84: {  	_ =	shalt  }
0x85: {  	_ =	shalt  }
0x86: {  	_ =	shalt  }
0x87: {  	_ =	shalt  }
.Lfunc_end0:
.L_simem_size_0:
called_computation.1_lowered:
.L_overlay_start_0:
0x88: {  	s2 =	sld [smem:$0x3FD9]  }
0x89: {  	s3 =	sld [smem:$0x3FFE];
	_ =	sdelay $0x1  }
0x8a: {  	s1 =	srdreg.scid  }
0x8b: {  	s0 =	sand.u32 $0x1, s1  }
0x8c: {  	s16 =	sshll.u32 s0, $0xA;
	s2 =	sadd.s32 s3, s2  }
0x8d: {  	s2 =	sadd.s32 s2, s16  }
0x8e: {  	[smem:$0x3FB0] =	sst s2  }
0x8f: {  	_ = 	snop  }
0x90: {  	(tm) =	ssettm $0x1  }
0x91: {  	s17 =	sld [smem:$0x3FFB];
	_ =	sdelay $0x3  }
0x92: {  	_ =	strace s17  }
0x93: {  	s2 =	sld [smem:$0x3FFC];
	_ =	sdelay $0x3  }
0x94: {  	_ =	strace s2  }
0x95: {  	s2 =	sld [smem:$0x3FFD];
	_ =	sdelay $0x3  }
0x96: {  	_ =	strace s2  }
0x97: {  	_ =	strace $0x8FFFFFFF  }
0x98: {  	s18 =	sld [smem:$0x3FDB];
	_ =	sdelay $0x1  }
0x99: {  	s19 =	simm.s32 $_scs_section_size  }
0x9a: {  	s4 =	simm.s32 $_size__tile_overlayer_lowered;
	s5 =	simm.s32 $_tile_overlayer_lowered  }
0x9b: {  	s22 =	simm.s32 $0x1BFF;
	s21 =	sshll.u32 s5, $0x1;
	s2 =	sadd.s32 s19, s18  }
0x9c: {  	s6 =	simm.s32 $0x0;
	s20 =	sshll.u32 s4, $0x1;
	s4 =	sadd.s32 s21, s2  }
0x9d: {  	[timem:s6], [sflag:s22] =	dma.local [hbm:s4], s20  }
0x9e: {  	_ =	swait.ge [sflag:s22], s20  }
0x9f: {  	s3 =	ssub.s32 $0x0, s20;
	[sflag:s22] =	ssyncset.done $0x0  }
0xa0: {  	[sflag:s22] =	ssyncadd.s32 s3;
	_ =	sdelay $0x1  }
0xa1: {  	s23 =	simm.s32 $0x1B8B  }
0xa2: {  	_ =	swait.ge [sflag:s23], $0x1  }
0xa3: {  	[sflag:s23] =	ssyncset.done $0x0  }
0xa4: {  	s25 =	simm.s32 $0x1B8E;
	s24 =	sld [smem:$0x3FFE];
	[sflag:s23] =	ssyncadd.s32 $0xFFFFFFFF  }
0xa5: {  	s26 =	simm.s32 $execute0_lowered;
	[smem:$0x3FD2] =	sst s25  }
0xa6: {  	s4 =	sshll.u32 s26, $0x1;
	_ =	strace $0x80000049;
	[dreg:$0x1] =	wrdreg $0xFFFFFFFF  }
0xa7: {  	s28 =	simm.s32 $_size_execute0_lowered;
	s2 =	sadd.s32 s2, s4;
	[dreg:$0x0] =	wrdreg $0x0  }
0xa8: {  	s4 =	sshll.u32 s28, $0x1;
	[dreg:$0x2] =	wrdreg s2  }
0xa9: {  	[dreg:$0x3] =	wrdreg s4  }
0xaa: {  	[dreg:$0x4] =	wrdreg $0xC0  }
0xab: {  	_ =	task [dreg:s6], $0x5FFFF  }
0xac: {  	[dreg:$0x1] =	wrdreg $0xFFFFFFFF  }
0xad: {  	[dreg:$0x0] =	wrdreg $0x60  }
0xae: {  	[dreg:$0x2] =	wrdreg s24  }
0xaf: {  	[dreg:$0x3] =	wrdreg $0x13A000  }
0xb0: {  	[dreg:$0x4] =	wrdreg $0x9  }
0xb1: {  	_ =	task.clear_ibuf [dreg:s6], $0x5FFFF;
	_ =	strace $0x90000049  }
0xb2: {  	s29 =	simm.s32 $0x9;
	_ =	strace $0x8000004B  }
0xb3: {  	_ =	swait.ge [sflag:s29], $0x1  }
0xb4: {  	[sflag:s29] =	ssyncadd.s32 $0xFFFFFFFF  }
0xb5: {  	_ =	strace $0x9000004B  }
0xb6: {  	_ =	sfence  }
0xb7: {  	s30 =	sld [smem:$0x0];
	_ =	sdelay $0x2  }
0xb8: {  	s31 =	sshll.u32 s1, $0xD;
	s1 =	sshrl.u32 s1, $0x2  }
0xb9: {  	s3 =	sand.u32 $0x4000, s31;
	s1 =	sadd.s32 s1, s30  }
0xba: {  	s0 =	sor.u32 s3, s0;
	s1 =	sshll.u32 s1, $0x11  }
0xbb: {  	s0 =	sor.u32 s1, s0  }
0xbc: {  	s0 =	sadd.s32 $0x8F2B, s0  }
0xbd: {  	[sflag:s0] =	ssyncadd.remote.s32 $0x1  }
0xbe: {  	_ =	sfence.sel $0xFFFF  }
0xbf: {  	[dreg:$0x0] =	wrdreg $0xFFFFFFFF;
	(pc) =	sbr.abs _section_cstart, $3  }
0xc0: {  	[dreg:$0x1] =	wrdreg $0xFFFFFFFF  }
0xc1: {  	_ =	task.clear_ibuf [dreg:s6], $0x2FFFF;
	_ =	strace $0x9FFFFFFF  }
0xc2: {  	(tm) =	ssettm $0x7FFFFFFF  }
0xc3: {  	_ =	shalt  }
tec
execute0_lowered:
.L_overlay_start_1:
0x0: {  	(tag) =	ssettag $0x1  }
0x1: {  	s0 =	rddreg [dreg:$0x0]  }
0x2: {  	s2 =	rddreg [dreg:$0x1];
	s3 =	simm.s32 $0x0  }
0x3: {  	s14 =	stileid.u32;
	s1 =	srdreg.scid;
	s18 =	simm.s32 $0x3  }
0x4: {  	s19 =	simm.s32 $0x80;
	s28 =	simm.s32 $0x1;
	s29 =	simm.s32 $0x13200  }
0x5: {  	s30 =	simm.s32 $0x2;
	s31 =	simm.s32 $0x0;
	[smem:$0x7FF] =	sst s3  }
0x6: {  	s9 =	smul.u32 $0x2800, s14;
	s1 =	sand.u32 $0x1, s1;
	s4 =	sadd.s32 $0x89A00, s0  }
0x7: {  	s5 =	sadd.s32 $0xF4E00, s0;
	s6 =	sadd.s32 $0x5600, s0;
	s7 =	sadd.s32 $0xA600, s0  }
0x8: {  	s11 =	sshll.u32 s14, $0x1;
	s23 =	sshll.u32 s14, $0x6;
	_ =	strace $0x8000004A  }
0x9: {  	s8 =	smul.u32 $0x28000, s1;
	s12 =	ssub.s32 $0x2, s1;
	s1 =	sor.u32 s1, s11  }
0xa: {  	s11 =	sor.u32 $0x1C03, s23;
	s23 =	simm.s32 $0x4;
	s10 =	sshrl.u32 s9, $0x3  }
0xb: {  	s21 =	sshrl.u32 s12, $0x1;
	s13 =	sadd.s32 s9, s2;
	s10 =	sadd.s32 s10, s0  }
0xc: {  	s8 =	sadd.s32 s9, s8;
	s12 =	ssub.s32 s12, s21;
	s9 =	smul.u32 $0x28000, s1  }
0xd: {  	s17 =	sshrl.u32 s13, $0x3;
	s8 =	sshrl.u32 s8, $0x3;
	s22 =	sadd.s32 $0xF600, s10  }
0xe: {  	v0 =	vimm.s32 $0x0;
	s0 =	sadd.s32 s8, s0;
	s8 =	smul.u32 $0x1400, s1;
	s26 =	sshrl.u32 s9, $0x3  }
0xf: {  	v1 =	vimm.s32 $0x1;
	v2 =	vimm.s32 $0x2;
	v3 =	vimm.s32 $0x3;
	s21 =	simm.s32 $0x100;
	[dreg:$0x3] =	wrdreg s22;
	s1 =	sadd.s32 s5, s26  }
0x10: {  	v4 =	vimm.s32 $0x4;
	v5 =	vimm.s32 $0x5;
	v6 =	vimm.s32 $0x6;
	s0 =	sadd.s32 $0xDCC00, s0;
	s24 =	sshrl.u32 s8, $0x3;
	[dreg:$0x6] =	wrdreg s1  }
0x11: {  	v7 =	vimm.s32 $0x7;
	v8 =	vimm.s32 $0x8;
	v9 =	vimm.s32 $0x9;
	s16 =	smax.u32 s12, $0x1;
	[dreg:$0x7] =	wrdreg s0;
	s25 =	sadd.s32 s6, s24  }
0x12: {  	v10 =	vimm.s32 $0xA;
	v11 =	vimm.s32 $0xB;
	v12 =	vimm.s32 $0xC;
	s26 =	simm.s32 $0x1200;
	s10 =	sadd.s32 s7, s24;
	[dreg:$0x4] =	wrdreg s25  }
0x13: {  	v13 =	vimm.s32 $0xD;
	v14 =	vimm.s32 $0xE;
	v15 =	vimm.s32 $0xF;
	s24 =	simm.s32 $0xAA00;
	[dreg:$0x5] =	wrdreg s10;
	s25 =	simm.s32 $0x180  }
.LBB2_1:
0x14: {  	s0 =	rddreg [dreg:$0x3]  }
0x15: {  	[spmem:s17], [sflag:s11] =	dma.local [hbm:s0], $0x500  }
0x16: {  	_ =	swait.ge [sflag:s18], $0x500  }
0x17: {  	[sflag:s18] =	ssyncset.done $0x0  }
0x18: {  	[sflag:s18] =	ssyncadd.s32 $0xFFFFFB00  }
0x19: {  	[bflag:$0x0] =	sbarrier.arrive $0xFFFF  }
0x1a: {  	s14 =	rddreg [dreg:$0x4]  }
0x1b: {  	[tilespmem:s3], [sflag:$0x3] =	stream.linear.gather [hbm4b:s14+s3], $0x80, $0x38;
	[tilespmem:$0x16200] =	vst v63  }
0x1c: {  	_ =	swait.ge [sflag:s18], $0x80  }
0x1d: {  	[sflag:s18] =	ssyncset.done $0x0  }
0x1e: {  	s15 =	simm.s32 $0x2200;
	[sflag:s18] =	ssyncadd.s32 $0xFFFFFF80  }
0x1f: {  	[tilespmem:s15], [sflag:$0x1] =	stream.indirect.gather [hbm4b:s4+s19], $0x110, s3, s19, $0xb8;
	[tilespmem:$0x16200] =	vst v63  }
0x20: {  	s20 =	rddreg [dreg:$0x5]  }
0x21: {  	[tilespmem:s21], [sflag:$0x1] =	stream.linear.gather [hbm4b:s20+s3], $0x80, $0x38;
	[tilespmem:$0x16200] =	vst v63  }
0x22: {  	s1 =	simm.s32 $0x200;
	s0 =	simm.s32 $0x0;
	s22 =	rddreg [dreg:$0x6]  }
0x23: {  	[tilespmem:s1], [sflag:$0x1] =	stream.linear.gather [hbm4b:s22+s3], $0x1000, $0x38;
	[tilespmem:$0x16200] =	vst v63  }
.LBB2_2:
0x24: {  	s1 =	sshllo.u32 s0, $0x1  }
0x25: {  	s10 =	sshll.u32 s1, $0x7  }
0x26: {  	s10 =	sadd.s32 s8, s10  }
0x27: {  	s10 =	sshrl.u32 s10, $0x3  }
0x28: {  	s12 =	sadd.s32 s6, s10  }
0x29: {  	[tilespmem:s19], [sflag:$0x4] =	stream.linear.gather [hbm4b:s12+s3], $0x80, $0x38;
	[tilespmem:$0x16200] =	vst v63  }
0x2a: {  	_ =	swait.ge [sflag:s23], $0x80  }
0x2b: {  	s1 =	sshll.u32 s1, $0xC;
	[sflag:s23] =	ssyncset.done $0x0  }
0x2c: {  	s1 =	sadd.s32 s9, s1;
	[sflag:s23] =	ssyncadd.s32 $0xFFFFFF80  }
0x2d: {  	[tilespmem:s24], [sflag:$0x2] =	stream.indirect.gather [hbm4b:s4+s19], $0x110, s19, s19, $0xb8;
	[tilespmem:$0x16200] =	vst v63  }
0x2e: {  	s1 =	sshrl.u32 s1, $0x3;
	s10 =	sadd.s32 s7, s10  }
0x2f: {  	[tilespmem:s25], [sflag:$0x2] =	stream.linear.gather [hbm4b:s10+s3], $0x80, $0x38;
	[tilespmem:$0x16200] =	vst v63  }
0x30: {  	s1 =	sadd.s32 s5, s1  }
0x31: {  	[tilespmem:s26], [sflag:$0x2] =	stream.linear.gather [hbm4b:s1+s3], $0x1000, $0x38;
	[tilespmem:$0x16200] =	vst v63  }
0x32: {  	_ =	swait.ge [sflag:s28], $0x8800  }
0x33: {  	[sflag:s28] =	ssyncset.done $0x0  }
0x34: {  	[sflag:s28] =	ssyncadd.s32 $0xFFFF7800  }
0x35: {  	_ =	swait.ge [sflag:s28], $0x80  }
0x36: {  	[sflag:s28] =	ssyncset.done $0x0  }
0x37: {  	[sflag:s28] =	ssyncadd.s32 $0xFFFFFF80  }
0x38: {  	_ =	swait.ge [sflag:s28], $0x1000  }
0x39: {  	[sflag:s28] =	ssyncset.done $0x0  }
0x3a: {  	s20 =	simm.s32 $0x220;
	[sflag:s28] =	ssyncadd.s32 $0xFFFFF000  }
0x3b: {  	s1 =	simm.s32 $0x2310;
	v17 =	vld [tilespmem:s20+$0xFFFFFFE0]  }
0x3c: {  	v18 =	vld [tilespmem:s1+$0xFFFFFFB0]  }
0x3d: {  	v19 =	vld [tilespmem:s1+$0xFFFFFEF0]  }
0x3e: {  	v20 =	vld [tilespmem:s1+$0xFFFFFF10]  }
0x3f: {  	v21 =	vld [tilespmem:s1+$0xFFFFFFA0]  }
0x40: {  	v23 =	vld [tilespmem:s1+$0xFFFFFF90];
	v22 =	vperm.xlane v17, v0  }
0x41: {  	v25 =	vld [tilespmem:s1+$0xFFFFFF00];
	v24 =	vperm.xlane v17, v15;
	v26 =	vperm.xlane v17, v2  }
0x42: {  	v28 =	vld [tilespmem:s1+$0xFFFFFFC0];
	v27 =	vperm.xlane v17, v10;
	v50 =	vperm.xlane v17, v6  }
0x43: {  	v29 =	vld [tilespmem:s1+$0xFFFFFFE0];
	v30 =	vperm.xlane v17, v1;
	v32 =	vperm.xlane v17, v7  }
0x44: {  	v31 =	vld [tilespmem:s1+$0xFFFFFF50];
	v51 =	vperm.xlane v17, v13;
	v35 =	vperm.xlane v17, v8  }
0x45: {  	v33 =	vld [tilespmem:s1+$0xFFFFFF70];
	v55 =	vperm.xlane v17, v9;
	v36 =	vperm.xlane v17, v3  }
0x46: {  	v52 =	vld [tilespmem:s1+$0xFFFFFF80];
	v57 =	vperm.xlane v17, v4;
	v59 =	vperm.xlane v17, v12  }
0x47: {  	v34 =	vld [tilespmem:s1+$0xFFFFFF60];
	v19 =	vmul.f32 v19, v22;
	v22 =	vperm.xlane v17, v11  }
0x48: {  	v56 =	vld [tilespmem:s1+$0xFFFFFF20];
	v20 =	vmul.f32 v20, v26;
	v23 =	vmul.f32 v23, v27  }
0x49: {  	v16 =	vld [tilespmem:s1+$0xFFFFFFD0];
	v25 =	vmul.f32 v25, v30;
	v27 =	vmul.f32 v28, v51  }
0x4a: {  	v54 =	vld [tilespmem:s1+$0xFFFFFF30];
	v24 =	vmul.f32 v29, v24;
	v26 =	vmul.f32 v31, v50  }
0x4b: {  	v53 =	vld [tilespmem:s1+$0xFFFFFF40];
	v33 =	vmul.f32 v33, v35;
	v30 =	vmul.f32 v52, v55  }
0x4c: {  	v58 =	vmul.f32 v34, v32;
	v18 =	vmul.f32 v18, v59  }
0x4d: {  	v61 =	vmul.f32 v56, v36;
	v21 =	vmul.f32 v21, v22  }
0x4e: {  	v22 =	vperm.xlane v17, v5;
	v19 =	vadd.f32 v25, v19;
	v17 =	vperm.xlane v17, v14  }
0x4f: {  	v60 =	vmul.f32 v54, v57;
	v18 =	vadd.f32 v27, v18;
	v20 =	vadd.f32 v61, v20  }
0x50: {  	v21 =	vadd.f32 v21, v23;
	v22 =	vmul.f32 v53, v22;
	v16 =	vmul.f32 v16, v17  }
0x51: {  	v62 =	vld [tilespmem:s20+$0xFFFFFFF0];
	v23 =	vadd.f32 v30, v33;
	v17 =	vadd.f32 v58, v26  }
0x52: {  	v22 =	vadd.f32 v22, v60;
	v16 =	vadd.f32 v24, v16  }
0x53: {  	v63 =	vld [tilespmem:s1+$0xFFFFFFF0];
	v19 =	vadd.f32 v20, v19;
	v21 =	vadd.f32 v21, v23  }
0x54: {  	v17 =	vadd.f32 v17, v22;
	v16 =	vadd.f32 v16, v18;
	_ =	sdelay $0x1  }
0x55: {  	v18 =	vperm.xlane v62, v0;
	v17 =	vadd.f32 v17, v19;
	v16 =	vadd.f32 v16, v21;
	_ =	sdelay $0x1  }
0x56: {  	v18 =	vmul.f32 v63, v18;
	v16 =	vadd.f32 v16, v17;
	_ =	sdelay $0x1  }
0x57: {  	v16 =	vadd.f32 v16, v18  }
0x58: {  	s13 =	simm.s32 $0x13210  }
0x59: {  	[tilespmem:s13+$0xFFFFFFF0] =	vst v16  }
0x5a: {  	v21 =	vld [tilespmem:s20+$0x0]  }
0x5b: {  	v19 =	vld [tilespmem:s1+$0x20]  }
0x5c: {  	v18 =	vld [tilespmem:s1+$0x0]  }
0x5d: {  	v22 =	vld [tilespmem:s1+$0x60]  }
0x5e: {  	s22 =	sshll.u32 s0, $0x1;
	s14 =	simm.s32 $0x0;
	v23 =	vld [tilespmem:s1+$0x50]  }
0x5f: {  	s15 =	simm.s32 $0x2530;
	s12 =	simm.s32 $0x220;
	s10 =	simm.s32 $0x13210;
	v17 =	vld [tilespmem:s1+$0x70];
	v20 =	vperm.xlane v21, v0;
	v16 =	vperm.xlane v21, v1  }
.LBB2_3:
0x60: {  	s14 =	sadd.s32 $0x2, s14;
	v24 =	vperm.xlane v21, v2;
	v25 =	vperm.xlane v21, v3;
	v26 =	vld [tilespmem:s1+$0xE0];
	s13 =	sadd.s32 $0x20, s13;
	s20 =	sadd.s32 $0x40, s20  }
0x61: {  	v27 =	vperm.xlane v21, v4;
	v28 =	vperm.xlane v21, v5;
	p0 =	slt.u32 s14, $0x7E;
	v29 =	vld [tilespmem:s1+$0x80]  }
0x62: {  	v30 =	vperm.xlane v21, v6;
	v31 =	vperm.xlane v21, v7;
	v32 =	vld [tilespmem:s1+$0xF0]  }
0x63: {  	v23 =	vmul.f32 v23, v28;
	v28 =	vperm.xlane v21, v8;
	v33 =	vld [tilespmem:s1+$0xB0]  }
0x64: {  	v34 =	vperm.xlane v21, v15;
	v22 =	vmul.f32 v22, v30;
	v30 =	vld [tilespmem:s1+$0xC0]  }
0x65: {  	v36 =	vperm.xlane v21, v9;
	v37 =	vperm.xlane v21, v10;
	v35 =	vld [tilespmem:s1+$0x40]  }
0x66: {  	v28 =	vmul.f32 v29, v28;
	v29 =	vperm.xlane v21, v11;
	v38 =	vld [tilespmem:s1+$0xD0]  }
0x67: {  	v40 =	vperm.xlane v21, v12;
	v39 =	vld [tilespmem:s1+$0x30];
	v32 =	vmul.f32 v32, v34  }
0x68: {  	v34 =	vld [tilespmem:s1+$0xA0];
	v29 =	vmul.f32 v33, v29;
	v33 =	vperm.xlane v21, v14  }
0x69: {  	v21 =	vperm.xlane v21, v13;
	v30 =	vmul.f32 v30, v40  }
0x6a: {  	v27 =	vmul.f32 v35, v27;
	v26 =	vmul.f32 v26, v33  }
0x6b: {  	v19 =	vmul.f32 v19, v24;
	v21 =	vmul.f32 v38, v21  }
0x6c: {  	v24 =	vmul.f32 v39, v25;
	v25 =	vld [tilespmem:s1+$0x90];
	v23 =	vadd.f32 v23, v27;
	v26 =	vadd.f32 v32, v26  }
0x6d: {  	v18 =	vmul.f32 v18, v20;
	v20 =	vld [tilespmem:s1+$0x10];
	v27 =	vmul.f32 v34, v37;
	v21 =	vadd.f32 v21, v30  }
0x6e: {  	v19 =	vadd.f32 v24, v19  }
0x6f: {  	v24 =	vadd.f32 v29, v27;
	v21 =	vadd.f32 v26, v21;
	_ =	sdelay $0x1  }
0x70: {  	v25 =	vmul.f32 v25, v36  }
0x71: {  	v17 =	vmul.f32 v17, v31;
	v16 =	vmul.f32 v20, v16  }
0x72: {  	v20 =	vld [tilespmem:s12+$0x10];
	v25 =	vadd.f32 v25, v28;
	s12 =	smov.u32 s20  }
0x73: {  	v17 =	vadd.f32 v17, v22;
	v16 =	vadd.f32 v16, v18  }
0x74: {  	v18 =	vld [tilespmem:s1+$0x100];
	v22 =	vadd.f32 v24, v25;
	s1 =	smov.u32 s15  }
0x75: {  	v17 =	vadd.f32 v17, v23;
	v16 =	vadd.f32 v19, v16;
	_ =	sdelay $0x1  }
0x76: {  	v19 =	vperm.xlane v20, v0;
	v16 =	vadd.f32 v17, v16;
	v17 =	vadd.f32 v21, v22;
	_ =	sdelay $0x1  }
0x77: {  	v18 =	vmul.f32 v18, v19;
	v16 =	vadd.f32 v17, v16;
	_ =	sdelay $0x1  }
0x78: {  	v16 =	vadd.f32 v16, v18;
	_ =	sdelay $0x1  }
0x79: {  	[tilespmem:s10+$0x0] =	vst v16;
	s10 =	smov.u32 s13;
	_ =	sdelay $0x1  }
0x7a: {  	v16 =	vld [tilespmem:s15+$0xFFFFFFD0]  }
0x7b: {  	v17 =	vld [tilespmem:s20+$0xFFFFFFE0]  }
0x7c: {  	v18 =	vld [tilespmem:s15+$0xFFFFFFB0]  }
0x7d: {  	v19 =	vld [tilespmem:s15+$0xFFFFFEF0]  }
0x7e: {  	v20 =	vld [tilespmem:s15+$0xFFFFFF10]  }
0x7f: {  	v21 =	vld [tilespmem:s15+$0xFFFFFFA0]  }
0x80: {  	v22 =	vperm.xlane v17, v0;
	v23 =	vld [tilespmem:s15+$0xFFFFFF90];
	v24 =	vperm.xlane v17, v15  }
0x81: {  	v26 =	vperm.xlane v17, v2;
	v27 =	vperm.xlane v17, v10;
	v25 =	vld [tilespmem:s15+$0xFFFFFF00]  }
0x82: {  	v19 =	vmul.f32 v19, v22;
	v22 =	vperm.xlane v17, v11;
	v28 =	vld [tilespmem:s15+$0xFFFFFFC0]  }
0x83: {  	v20 =	vmul.f32 v20, v26;
	v26 =	vperm.xlane v17, v6;
	v29 =	vld [tilespmem:s15+$0xFFFFFFE0]  }
0x84: {  	v30 =	vperm.xlane v17, v1;
	v32 =	vperm.xlane v17, v7;
	v31 =	vld [tilespmem:s15+$0xFFFFFF50]  }
0x85: {  	v33 =	vld [tilespmem:s15+$0xFFFFFF70];
	v23 =	vmul.f32 v23, v27;
	v27 =	vperm.xlane v17, v13  }
0x86: {  	v21 =	vmul.f32 v21, v22;
	v25 =	vmul.f32 v25, v30;
	v30 =	vld [tilespmem:s15+$0xFFFFFF80]  }
0x87: {  	v22 =	vperm.xlane v17, v5;
	v34 =	vld [tilespmem:s15+$0xFFFFFF60];
	v27 =	vmul.f32 v28, v27  }
0x88: {  	v35 =	vperm.xlane v17, v8;
	v28 =	vld [tilespmem:s15+$0xFFFFFF40];
	v24 =	vmul.f32 v29, v24;
	v19 =	vadd.f32 v25, v19  }
0x89: {  	v29 =	vperm.xlane v17, v9;
	v25 =	vld [tilespmem:s15+$0xFFFFFF30];
	v26 =	vmul.f32 v31, v26  }
0x8a: {  	v21 =	vadd.f32 v21, v23;
	v31 =	vperm.xlane v17, v3;
	v36 =	vld [tilespmem:s15+$0xFFFFFF20];
	v33 =	vmul.f32 v33, v35  }
0x8b: {  	v23 =	vperm.xlane v17, v4;
	v29 =	vmul.f32 v30, v29  }
0x8c: {  	v30 =	vmul.f32 v34, v32;
	v32 =	vperm.xlane v17, v12  }
0x8d: {  	v17 =	vperm.xlane v17, v14;
	v22 =	vmul.f32 v28, v22;
	v28 =	vadd.f32 v29, v33  }
0x8e: {  	v23 =	vmul.f32 v25, v23;
	v18 =	vmul.f32 v18, v32  }
0x8f: {  	v16 =	vmul.f32 v16, v17;
	v17 =	vadd.f32 v30, v26;
	v25 =	vmul.f32 v36, v31  }
0x90: {  	v26 =	vld [tilespmem:s20+$0xFFFFFFF0];
	v22 =	vadd.f32 v22, v23;
	v18 =	vadd.f32 v27, v18  }
0x91: {  	v16 =	vadd.f32 v24, v16;
	v20 =	vadd.f32 v25, v20  }
0x92: {  	v21 =	vadd.f32 v21, v28;
	v23 =	vld [tilespmem:s15+$0xFFFFFFF0];
	v17 =	vadd.f32 v17, v22  }
0x93: {  	v16 =	vadd.f32 v16, v18;
	v19 =	vadd.f32 v20, v19;
	_ =	sdelay $0x1  }
0x94: {  	v16 =	vadd.f32 v16, v21;
	v18 =	vperm.xlane v26, v0;
	v17 =	vadd.f32 v17, v19;
	_ =	sdelay $0x1  }
0x95: {  	v18 =	vmul.f32 v23, v18;
	v16 =	vadd.f32 v16, v17;
	_ =	sdelay $0x1  }
0x96: {  	v16 =	vadd.f32 v16, v18;
	_ =	sdelay $0x1  }
0x97: {  	[tilespmem:s13+$0xFFFFFFF0] =	vst v16  }
0x98: {  	v21 =	vld [tilespmem:s20+$0x0]  }
.Ltmp0:
0x99: {  	v19 =	vld [tilespmem:s15+$0x20];
	(pc) =	sbr.rel @p0 .LBB2_3-.Ltmp0, $4  }
0x9a: {  	v18 =	vld [tilespmem:s15+$0x0]  }
0x9b: {  	v22 =	vld [tilespmem:s15+$0x60]  }
0x9c: {  	v23 =	vld [tilespmem:s15+$0x50]  }
0x9d: {  	s15 =	sadd.s32 $0x220, s15;
	v20 =	vperm.xlane v21, v0;
	v16 =	vperm.xlane v21, v1;
	v17 =	vld [tilespmem:s1+$0x70]  }
0x9e: {  	v24 =	vperm.xlane v21, v2;
	v25 =	vld [tilespmem:s1+$0xE0];
	v26 =	vperm.xlane v21, v3  }
0x9f: {  	v27 =	vperm.xlane v21, v5;
	v28 =	vld [tilespmem:s1+$0x80];
	v29 =	vperm.xlane v21, v4  }
0xa0: {  	v30 =	vperm.xlane v21, v6;
	v31 =	vld [tilespmem:s1+$0xF0];
	v32 =	vperm.xlane v21, v7  }
0xa1: {  	v57 =	vld [tilespmem:s1+$0xB0];
	v33 =	vperm.xlane v21, v8;
	v34 =	vperm.xlane v21, v15  }
0xa2: {  	v58 =	vld [tilespmem:s1+$0xC0];
	v36 =	vperm.xlane v21, v9;
	v37 =	vperm.xlane v21, v10  }
0xa3: {  	v35 =	vld [tilespmem:s1+$0x40];
	v38 =	vperm.xlane v21, v11;
	v40 =	vperm.xlane v21, v12  }
0xa4: {  	v39 =	vld [tilespmem:s1+$0xD0];
	v61 =	vperm.xlane v21, v14;
	v21 =	vperm.xlane v21, v13  }
0xa5: {  	v59 =	vld [tilespmem:s1+$0x30];
	v18 =	vmul.f32 v18, v20;
	v22 =	vmul.f32 v22, v30  }
0xa6: {  	v60 =	vld [tilespmem:s1+$0xA0];
	v19 =	vmul.f32 v19, v24;
	v23 =	vmul.f32 v23, v27  }
0xa7: {  	v62 =	vld [tilespmem:s1+$0x90];
	v17 =	vmul.f32 v17, v32;
	v28 =	vmul.f32 v28, v33  }
0xa8: {  	v63 =	vld [tilespmem:s1+$0x10];
	v31 =	vmul.f32 v31, v34;
	v27 =	vmul.f32 v57, v38  }
0xa9: {  	v30 =	vmul.f32 v58, v40;
	v29 =	vmul.f32 v35, v29  }
0xaa: {  	v25 =	vmul.f32 v25, v61;
	v21 =	vmul.f32 v39, v21  }
0xab: {  	v33 =	vmul.f32 v59, v26;
	v20 =	vmul.f32 v60, v37  }
0xac: {  	v34 =	vmul.f32 v62, v36;
	v17 =	vadd.f32 v17, v22;
	v23 =	vadd.f32 v23, v29  }
0xad: {  	v16 =	vmul.f32 v63, v16;
	v25 =	vadd.f32 v31, v25;
	v21 =	vadd.f32 v21, v30  }
0xae: {  	v36 =	vld [tilespmem:s12+$0x10];
	v20 =	vadd.f32 v27, v20;
	v26 =	vadd.f32 v34, v28  }
0xaf: {  	v19 =	vadd.f32 v33, v19;
	v16 =	vadd.f32 v16, v18  }
0xb0: {  	v18 =	vadd.f32 v25, v21;
	v21 =	vld [tilespmem:s1+$0x100];
	v20 =	vadd.f32 v20, v26  }
0xb1: {  	v16 =	vadd.f32 v19, v16;
	v17 =	vadd.f32 v17, v23;
	_ =	sdelay $0x1  }
0xb2: {  	v19 =	vperm.xlane v36, v0;
	v16 =	vadd.f32 v17, v16;
	v17 =	vadd.f32 v18, v20;
	_ =	sdelay $0x1  }
0xb3: {  	v16 =	vadd.f32 v17, v16;
	v18 =	vmul.f32 v21, v19;
	_ =	sdelay $0x1  }
0xb4: {  	p0 =	seq.s32 s0, $0x13;
	v16 =	vadd.f32 v16, v18  }
0xb5: {  	s1 =	sadd.s32 @!p0 $0x2, s22  }
0xb6: {  	[tilespmem:s10+$0x0] =	vst v16;
	s10 =	sshll.u32 @!p0 s1, $0x7  }
0xb7: {  	[spmem:s2] =	stream.indirect.scatter.add.f32 [tilespmem:s29], [sflag:$0x4], $0x10, s21, s19, $0xb8;
	[tilespmem:$0x16200] =	vst v63  }
0xb8: {  	s10 =	sadd.s32 @!p0 s8, s10;
	_ =	swait.ge [sflag:s23], $0x800  }
0xb9: {  	s10 =	sshrl.u32 @!p0 s10, $0x3;
	[sflag:s23] =	ssyncset.done $0x0  }
0xba: {  	s13 =	simm.s32 @!p0 $0x0;
	s12 =	sadd.s32 @!p0 s6, s10;
	[sflag:s23] =	ssyncadd.s32 $0xFFFFF800  }
0xbb: {  	[tilespmem:s13], [sflag:$0x4] =	stream.linear.gather @!p0 [hbm4b:s12+s13], $0x80, $0x38;
	[tilespmem:$0x16200] =	vst v63  }
0xbc: {  	s12 =	simm.s32 @!p0 $0x4  }
0xbd: {  	_ =	swait.ge @!p0 [sflag:s12], $0x80  }
0xbe: {  	s14 =	simm.s32 @!p0 $0x2200;
	s1 =	sshll.u32 @!p0 s1, $0xC;
	[sflag:s12] =	ssyncset.done @!p0 $0x0  }
0xbf: {  	s1 =	sadd.s32 @!p0 s9, s1;
	[sflag:s12] =	ssyncadd.s32 @!p0 $0xFFFFFF80;
	s12 =	simm.s32 @!p0 $0x80  }
0xc0: {  	[tilespmem:s14], [sflag:$0x1] =	stream.indirect.gather @!p0 [hbm4b:s4+s12], $0x110, s13, s12, $0xb8;
	[tilespmem:$0x16200] =	vst v63  }
0xc1: {  	s1 =	sshrl.u32 @!p0 s1, $0x3;
	s10 =	sadd.s32 @!p0 s7, s10;
	s12 =	simm.s32 @!p0 $0x100  }
0xc2: {  	[tilespmem:s12], [sflag:$0x1] =	stream.linear.gather @!p0 [hbm4b:s10+s13], $0x80, $0x38;
	[tilespmem:$0x16200] =	vst v63  }
0xc3: {  	s1 =	sadd.s32 @!p0 s5, s1;
	s10 =	simm.s32 @!p0 $0x200  }
0xc4: {  	[tilespmem:s10], [sflag:$0x1] =	stream.linear.gather @!p0 [hbm4b:s1+s13], $0x1000, $0x38;
	[tilespmem:$0x16200] =	vst v63  }
0xc5: {  	_ =	swait.ge [sflag:s30], $0x8800  }
0xc6: {  	[sflag:s30] =	ssyncset.done $0x0  }
0xc7: {  	[sflag:s30] =	ssyncadd.s32 $0xFFFF7800  }
0xc8: {  	_ =	swait.ge [sflag:s30], $0x80  }
0xc9: {  	[sflag:s30] =	ssyncset.done $0x0  }
0xca: {  	[sflag:s30] =	ssyncadd.s32 $0xFFFFFF80  }
0xcb: {  	_ =	swait.ge [sflag:s30], $0x1000  }
0xcc: {  	[sflag:s30] =	ssyncset.done $0x0  }
0xcd: {  	s20 =	simm.s32 $0x1220;
	[sflag:s30] =	ssyncadd.s32 $0xFFFFF000  }
0xce: {  	s1 =	simm.s32 $0xAB10;
	v17 =	vld [tilespmem:s20+$0xFFFFFFE0]  }
0xcf: {  	v18 =	vld [tilespmem:s1+$0xFFFFFFB0]  }
0xd0: {  	v19 =	vld [tilespmem:s1+$0xFFFFFEF0]  }
0xd1: {  	v20 =	vld [tilespmem:s1+$0xFFFFFF10]  }
0xd2: {  	v21 =	vld [tilespmem:s1+$0xFFFFFFA0]  }
0xd3: {  	v23 =	vld [tilespmem:s1+$0xFFFFFF90];
	v22 =	vperm.xlane v17, v0  }
0xd4: {  	v38 =	vld [tilespmem:s1+$0xFFFFFF00];
	v37 =	vperm.xlane v17, v15;
	v39 =	vperm.xlane v17, v2  }
0xd5: {  	v41 =	vld [tilespmem:s1+$0xFFFFFFC0];
	v40 =	vperm.xlane v17, v10;
	v42 =	vperm.xlane v17, v6  }
0xd6: {  	v43 =	vld [tilespmem:s1+$0xFFFFFFE0];
	v44 =	vperm.xlane v17, v1;
	v46 =	vperm.xlane v17, v7  }
0xd7: {  	v45 =	vld [tilespmem:s1+$0xFFFFFF50];
	v48 =	vperm.xlane v17, v13;
	v52 =	vperm.xlane v17, v8  }
0xd8: {  	v47 =	vld [tilespmem:s1+$0xFFFFFF70];
	v54 =	vperm.xlane v17, v9;
	v55 =	vperm.xlane v17, v3  }
0xd9: {  	v49 =	vld [tilespmem:s1+$0xFFFFFF80];
	v57 =	vperm.xlane v17, v4;
	v59 =	vperm.xlane v17, v12  }
0xda: {  	v50 =	vld [tilespmem:s1+$0xFFFFFF60];
	v19 =	vmul.f32 v19, v22;
	v22 =	vperm.xlane v17, v11  }
0xdb: {  	v56 =	vld [tilespmem:s1+$0xFFFFFF20];
	v20 =	vmul.f32 v20, v39;
	v23 =	vmul.f32 v23, v40  }
0xdc: {  	v16 =	vld [tilespmem:s1+$0xFFFFFFD0];
	v25 =	vmul.f32 v38, v44;
	v27 =	vmul.f32 v41, v48  }
0xdd: {  	v53 =	vld [tilespmem:s1+$0xFFFFFF30];
	v24 =	vmul.f32 v43, v37;
	v26 =	vmul.f32 v45, v42  }
0xde: {  	v51 =	vld [tilespmem:s1+$0xFFFFFF40];
	v33 =	vmul.f32 v47, v52;
	v30 =	vmul.f32 v49, v54  }
0xdf: {  	v58 =	vmul.f32 v50, v46;
	v18 =	vmul.f32 v18, v59  }
0xe0: {  	v61 =	vmul.f32 v56, v55;
	v21 =	vmul.f32 v21, v22  }
0xe1: {  	v22 =	vperm.xlane v17, v5;
	v19 =	vadd.f32 v25, v19;
	v17 =	vperm.xlane v17, v14  }
0xe2: {  	v60 =	vmul.f32 v53, v57;
	v18 =	vadd.f32 v27, v18;
	v20 =	vadd.f32 v61, v20  }
0xe3: {  	v21 =	vadd.f32 v21, v23;
	v22 =	vmul.f32 v51, v22;
	v16 =	vmul.f32 v16, v17  }
0xe4: {  	v62 =	vld [tilespmem:s20+$0xFFFFFFF0];
	v23 =	vadd.f32 v30, v33;
	v17 =	vadd.f32 v58, v26  }
0xe5: {  	v22 =	vadd.f32 v22, v60;
	v16 =	vadd.f32 v24, v16  }
0xe6: {  	v63 =	vld [tilespmem:s1+$0xFFFFFFF0];
	v19 =	vadd.f32 v20, v19;
	v21 =	vadd.f32 v21, v23  }
0xe7: {  	v17 =	vadd.f32 v17, v22;
	v16 =	vadd.f32 v16, v18;
	_ =	sdelay $0x1  }
0xe8: {  	v18 =	vperm.xlane v62, v0;
	v17 =	vadd.f32 v17, v19;
	v16 =	vadd.f32 v16, v21;
	_ =	sdelay $0x1  }
0xe9: {  	v18 =	vmul.f32 v63, v18;
	v16 =	vadd.f32 v16, v17;
	_ =	sdelay $0x1  }
0xea: {  	v16 =	vadd.f32 v16, v18  }
0xeb: {  	s13 =	simm.s32 $0x13210  }
0xec: {  	[tilespmem:s13+$0xFFFFFFF0] =	vst v16  }
0xed: {  	v21 =	vld [tilespmem:s20+$0x0]  }
0xee: {  	v19 =	vld [tilespmem:s1+$0x20]  }
0xef: {  	v18 =	vld [tilespmem:s1+$0x0]  }
0xf0: {  	v22 =	vld [tilespmem:s1+$0x60]  }
0xf1: {  	s15 =	simm.s32 $0xAD30;
	v23 =	vld [tilespmem:s1+$0x50]  }
0xf2: {  	s14 =	simm.s32 $0x0;
	s12 =	simm.s32 $0x1220;
	s10 =	simm.s32 $0x13210;
	v17 =	vld [tilespmem:s1+$0x70];
	v20 =	vperm.xlane v21, v0;
	v16 =	vperm.xlane v21, v1  }
.LBB2_5:
0xf3: {  	s14 =	sadd.s32 $0x2, s14;
	v24 =	vperm.xlane v21, v2;
	v25 =	vperm.xlane v21, v3;
	v26 =	vld [tilespmem:s1+$0xE0];
	s13 =	sadd.s32 $0x20, s13;
	s20 =	sadd.s32 $0x40, s20  }
0xf4: {  	v27 =	vperm.xlane v21, v4;
	v28 =	vperm.xlane v21, v5;
	p0 =	slt.u32 s14, $0x7E;
	v29 =	vld [tilespmem:s1+$0x80]  }
0xf5: {  	v30 =	vperm.xlane v21, v6;
	v31 =	vperm.xlane v21, v7;
	v32 =	vld [tilespmem:s1+$0xF0]  }
0xf6: {  	v23 =	vmul.f32 v23, v28;
	v28 =	vperm.xlane v21, v8;
	v33 =	vld [tilespmem:s1+$0xB0]  }
0xf7: {  	v34 =	vperm.xlane v21, v15;
	v22 =	vmul.f32 v22, v30;
	v30 =	vld [tilespmem:s1+$0xC0]  }
0xf8: {  	v36 =	vperm.xlane v21, v9;
	v37 =	vperm.xlane v21, v10;
	v35 =	vld [tilespmem:s1+$0x40]  }
0xf9: {  	v28 =	vmul.f32 v29, v28;
	v29 =	vperm.xlane v21, v11;
	v38 =	vld [tilespmem:s1+$0xD0]  }
0xfa: {  	v40 =	vperm.xlane v21, v12;
	v39 =	vld [tilespmem:s1+$0x30];
	v32 =	vmul.f32 v32, v34  }
0xfb: {  	v34 =	vld [tilespmem:s1+$0xA0];
	v29 =	vmul.f32 v33, v29;
	v33 =	vperm.xlane v21, v14  }
0xfc: {  	v21 =	vperm.xlane v21, v13;
	v30 =	vmul.f32 v30, v40  }
0xfd: {  	v27 =	vmul.f32 v35, v27;
	v26 =	vmul.f32 v26, v33  }
0xfe: {  	v19 =	vmul.f32 v19, v24;
	v21 =	vmul.f32 v38, v21  }
0xff: {  	v24 =	vmul.f32 v39, v25;
	v25 =	vld [tilespmem:s1+$0x90];
	v23 =	vadd.f32 v23, v27;
	v26 =	vadd.f32 v32, v26  }
0x100: {  	v18 =	vmul.f32 v18, v20;
	v20 =	vld [tilespmem:s1+$0x10];
	v27 =	vmul.f32 v34, v37;
	v21 =	vadd.f32 v21, v30  }
0x101: {  	v19 =	vadd.f32 v24, v19  }
0x102: {  	v24 =	vadd.f32 v29, v27;
	v21 =	vadd.f32 v26, v21;
	_ =	sdelay $0x1  }
0x103: {  	v25 =	vmul.f32 v25, v36  }
0x104: {  	v17 =	vmul.f32 v17, v31;
	v16 =	vmul.f32 v20, v16  }
0x105: {  	v20 =	vld [tilespmem:s12+$0x10];
	v25 =	vadd.f32 v25, v28;
	s12 =	smov.u32 s20  }
0x106: {  	v17 =	vadd.f32 v17, v22;
	v16 =	vadd.f32 v16, v18  }
0x107: {  	v18 =	vld [tilespmem:s1+$0x100];
	v22 =	vadd.f32 v24, v25;
	s1 =	smov.u32 s15  }
0x108: {  	v17 =	vadd.f32 v17, v23;
	v16 =	vadd.f32 v19, v16;
	_ =	sdelay $0x1  }
0x109: {  	v19 =	vperm.xlane v20, v0;
	v16 =	vadd.f32 v17, v16;
	v17 =	vadd.f32 v21, v22;
	_ =	sdelay $0x1  }
0x10a: {  	v18 =	vmul.f32 v18, v19;
	v16 =	vadd.f32 v17, v16;
	_ =	sdelay $0x1  }
0x10b: {  	v16 =	vadd.f32 v16, v18;
	_ =	sdelay $0x1  }
0x10c: {  	[tilespmem:s10+$0x0] =	vst v16;
	s10 =	smov.u32 s13;
	_ =	sdelay $0x1  }
0x10d: {  	v16 =	vld [tilespmem:s15+$0xFFFFFFD0]  }
0x10e: {  	v17 =	vld [tilespmem:s20+$0xFFFFFFE0]  }
0x10f: {  	v18 =	vld [tilespmem:s15+$0xFFFFFFB0]  }
0x110: {  	v19 =	vld [tilespmem:s15+$0xFFFFFEF0]  }
0x111: {  	v20 =	vld [tilespmem:s15+$0xFFFFFF10]  }
0x112: {  	v21 =	vld [tilespmem:s15+$0xFFFFFFA0]  }
0x113: {  	v22 =	vperm.xlane v17, v0;
	v23 =	vld [tilespmem:s15+$0xFFFFFF90];
	v24 =	vperm.xlane v17, v15  }
0x114: {  	v26 =	vperm.xlane v17, v2;
	v27 =	vperm.xlane v17, v10;
	v25 =	vld [tilespmem:s15+$0xFFFFFF00]  }
0x115: {  	v19 =	vmul.f32 v19, v22;
	v22 =	vperm.xlane v17, v11;
	v28 =	vld [tilespmem:s15+$0xFFFFFFC0]  }
0x116: {  	v20 =	vmul.f32 v20, v26;
	v26 =	vperm.xlane v17, v6;
	v29 =	vld [tilespmem:s15+$0xFFFFFFE0]  }
0x117: {  	v30 =	vperm.xlane v17, v1;
	v32 =	vperm.xlane v17, v7;
	v31 =	vld [tilespmem:s15+$0xFFFFFF50]  }
0x118: {  	v33 =	vld [tilespmem:s15+$0xFFFFFF70];
	v23 =	vmul.f32 v23, v27;
	v27 =	vperm.xlane v17, v13  }
0x119: {  	v21 =	vmul.f32 v21, v22;
	v25 =	vmul.f32 v25, v30;
	v30 =	vld [tilespmem:s15+$0xFFFFFF80]  }
0x11a: {  	v22 =	vperm.xlane v17, v5;
	v34 =	vld [tilespmem:s15+$0xFFFFFF60];
	v27 =	vmul.f32 v28, v27  }
0x11b: {  	v35 =	vperm.xlane v17, v8;
	v28 =	vld [tilespmem:s15+$0xFFFFFF40];
	v24 =	vmul.f32 v29, v24;
	v19 =	vadd.f32 v25, v19  }
0x11c: {  	v29 =	vperm.xlane v17, v9;
	v25 =	vld [tilespmem:s15+$0xFFFFFF30];
	v26 =	vmul.f32 v31, v26  }
0x11d: {  	v21 =	vadd.f32 v21, v23;
	v31 =	vperm.xlane v17, v3;
	v36 =	vld [tilespmem:s15+$0xFFFFFF20];
	v33 =	vmul.f32 v33, v35  }
0x11e: {  	v23 =	vperm.xlane v17, v4;
	v29 =	vmul.f32 v30, v29  }
0x11f: {  	v30 =	vmul.f32 v34, v32;
	v32 =	vperm.xlane v17, v12  }
0x120: {  	v17 =	vperm.xlane v17, v14;
	v22 =	vmul.f32 v28, v22;
	v28 =	vadd.f32 v29, v33  }
0x121: {  	v23 =	vmul.f32 v25, v23;
	v18 =	vmul.f32 v18, v32  }
0x122: {  	v16 =	vmul.f32 v16, v17;
	v17 =	vadd.f32 v30, v26;
	v25 =	vmul.f32 v36, v31  }
0x123: {  	v26 =	vld [tilespmem:s20+$0xFFFFFFF0];
	v22 =	vadd.f32 v22, v23;
	v18 =	vadd.f32 v27, v18  }
0x124: {  	v16 =	vadd.f32 v24, v16;
	v20 =	vadd.f32 v25, v20  }
0x125: {  	v21 =	vadd.f32 v21, v28;
	v23 =	vld [tilespmem:s15+$0xFFFFFFF0];
	v17 =	vadd.f32 v17, v22  }
0x126: {  	v16 =	vadd.f32 v16, v18;
	v19 =	vadd.f32 v20, v19;
	_ =	sdelay $0x1  }
0x127: {  	v16 =	vadd.f32 v16, v21;
	v18 =	vperm.xlane v26, v0;
	v17 =	vadd.f32 v17, v19;
	_ =	sdelay $0x1  }
0x128: {  	v18 =	vmul.f32 v23, v18;
	v16 =	vadd.f32 v16, v17;
	_ =	sdelay $0x1  }
0x129: {  	v16 =	vadd.f32 v16, v18;
	_ =	sdelay $0x1  }
0x12a: {  	[tilespmem:s13+$0xFFFFFFF0] =	vst v16  }
0x12b: {  	v21 =	vld [tilespmem:s20+$0x0]  }
.Ltmp1:
0x12c: {  	v19 =	vld [tilespmem:s15+$0x20];
	(pc) =	sbr.rel @p0 .LBB2_5-.Ltmp1, $4  }
0x12d: {  	v18 =	vld [tilespmem:s15+$0x0]  }
0x12e: {  	v22 =	vld [tilespmem:s15+$0x60]  }
0x12f: {  	v23 =	vld [tilespmem:s15+$0x50]  }
0x130: {  	s15 =	sadd.s32 $0x220, s15;
	v20 =	vperm.xlane v21, v0;
	v16 =	vperm.xlane v21, v1;
	v17 =	vld [tilespmem:s1+$0x70]  }
0x131: {  	v24 =	vperm.xlane v21, v2;
	v25 =	vld [tilespmem:s1+$0xE0];
	v26 =	vperm.xlane v21, v3  }
0x132: {  	v27 =	vperm.xlane v21, v5;
	v28 =	vld [tilespmem:s1+$0x80];
	v29 =	vperm.xlane v21, v4  }
0x133: {  	v30 =	vperm.xlane v21, v6;
	v31 =	vld [tilespmem:s1+$0xF0];
	v32 =	vperm.xlane v21, v7  }
0x134: {  	v48 =	vld [tilespmem:s1+$0xB0];
	v33 =	vperm.xlane v21, v8;
	v34 =	vperm.xlane v21, v15  }
0x135: {  	v49 =	vld [tilespmem:s1+$0xC0];
	v36 =	vperm.xlane v21, v9;
	v37 =	vperm.xlane v21, v10  }
0x136: {  	v35 =	vld [tilespmem:s1+$0x40];
	v38 =	vperm.xlane v21, v11;
	v40 =	vperm.xlane v21, v12  }
0x137: {  	v39 =	vld [tilespmem:s1+$0xD0];
	v52 =	vperm.xlane v21, v14;
	v54 =	vperm.xlane v21, v13  }
0x138: {  	v50 =	vld [tilespmem:s1+$0x30];
	v18 =	vmul.f32 v18, v20;
	v22 =	vmul.f32 v22, v30  }
0x139: {  	v51 =	vld [tilespmem:s1+$0xA0];
	v19 =	vmul.f32 v19, v24;
	v23 =	vmul.f32 v23, v27  }
0x13a: {  	v53 =	vld [tilespmem:s1+$0x90];
	v17 =	vmul.f32 v17, v32;
	v28 =	vmul.f32 v28, v33  }
0x13b: {  	v55 =	vld [tilespmem:s1+$0x10];
	v31 =	vmul.f32 v31, v34;
	v27 =	vmul.f32 v48, v38  }
0x13c: {  	v30 =	vmul.f32 v49, v40;
	v29 =	vmul.f32 v35, v29  }
0x13d: {  	v25 =	vmul.f32 v25, v52;
	v21 =	vmul.f32 v39, v54  }
0x13e: {  	v56 =	vmul.f32 v50, v26;
	v57 =	vmul.f32 v51, v37  }
0x13f: {  	v58 =	vmul.f32 v53, v36;
	v17 =	vadd.f32 v17, v22;
	v23 =	vadd.f32 v23, v29  }
0x140: {  	v16 =	vmul.f32 v55, v16;
	v25 =	vadd.f32 v31, v25;
	v21 =	vadd.f32 v21, v30  }
0x141: {  	v59 =	vld [tilespmem:s12+$0x10];
	v20 =	vadd.f32 v27, v57;
	v26 =	vadd.f32 v58, v28  }
0x142: {  	v19 =	vadd.f32 v56, v19;
	v16 =	vadd.f32 v16, v18  }
0x143: {  	v61 =	vld [tilespmem:s1+$0x100];
	v60 =	vadd.f32 v25, v21;
	v20 =	vadd.f32 v20, v26  }
0x144: {  	v16 =	vadd.f32 v19, v16;
	v17 =	vadd.f32 v17, v23;
	_ =	sdelay $0x1  }
0x145: {  	v62 =	vperm.xlane v59, v0;
	v16 =	vadd.f32 v17, v16;
	v17 =	vadd.f32 v60, v20;
	_ =	sdelay $0x1  }
0x146: {  	v63 =	vmul.f32 v61, v62;
	v16 =	vadd.f32 v17, v16;
	_ =	sdelay $0x1  }
0x147: {  	s0 =	sadd.s32 $0x1, s0;
	v16 =	vadd.f32 v16, v63  }
0x148: {  	p0 =	sne.s32 s0, $0x14  }
.Ltmp2:
0x149: {  	[tilespmem:s10+$0x0] =	vst v16;
	(pc) =	sbr.rel @p0 .LBB2_2-.Ltmp2, $4  }
0x14a: {  	[spmem:s2] =	stream.indirect.scatter.add.f32 [tilespmem:s29], [sflag:$0x3], $0x10, s25, s19, $0xb8;
	[tilespmem:$0x16200] =	vst v63  }
0x14b: {  	_ =	swait.ge [sflag:s18], $0x800  }
0x14c: {  	[sflag:s18] =	ssyncset.done $0x0  }
0x14d: {  	[sflag:s18] =	ssyncadd.s32 $0xFFFFF800  }
0x14e: {  	s31 =	sadd.s32 $0x1, s31  }
0x14f: {  	[bflag:$0x0] =	sbarrier.arrive $0xFFFF;
	p0 =	sne.s32 s31, s16  }
.Ltmp3:
0x150: {  	s0 =	rddreg [dreg:$0x7];
	(pc) =	sbr.rel @p0 .LBB2_1-.Ltmp3, $4  }
0x151: {  	[hbm:s0], [sflag:s11] =	dma.local [spmem:s17], $0x500  }
0x152: {  	_ =	swait.ge [sflag:s18], $0x500  }
0x153: {  	[sflag:s18] =	ssyncset.done $0x0  }
0x154: {  	[sflag:s18] =	ssyncadd.s32 $0xFFFFFB00  }
0x155: {  	_ =	sfence.sel $0x180000  }
0x156: {  	[bflag:$0x0] =	sbarrier.arrive $0xFFFF  }
0x157: {  	_ =	strace $0x9000004A  }
0x158: {  	s0 =	stileid.u32;
	[bflag:$0x2] =	sbarrier.arrive $0xFFFF  }
0x159: {  	p0 =	sne.s32 s0, $0x0;
	s0 =	rddreg [dreg:$0x2]  }
0x15a: {  	s0 =	sadd.s32 @!p0 $0x100000, s0  }
0x15b: {  	[sflag:s0] =	ssyncadd.tile.s32 @!p0 $0x1;
	_ =	shalt  }
.Lfunc_end2:
_tile_overlayer_lowered:
.L_overlay_start_2:
0x15c: {  	(tag) =	ssettag $0x2  }
0x15d: {  	s0 =	rddreg [dreg:$0x0];
	s2 =	stileid.u32  }
0x15e: {  	s1 =	rddreg [dreg:$0x1];
	p0 =	sne.s32 s2, $0x0  }
0x15f: {  	s3 =	rddreg [dreg:$0x2];
	[bflag:$0x3] =	sbarrier.arrive $0xFFFF;
	s2 =	simm.s32 @!p0 $0x1C03  }
0x160: {  	[timem:s3], [sflag:s2] =	dma.local @!p0 [hbm:s0], s1  }
0x161: {  	s0 =	simm.s32 @!p0 $0x3  }
0x162: {  	_ =	swait.ge @!p0 [sflag:s0], s1  }
0x163: {  	s1 =	ssub.s32 @!p0 $0x0, s1;
	[sflag:s0] =	ssyncset.done @!p0 $0x0  }
0x164: {  	[sflag:s0] =	ssyncadd.s32 @!p0 s1  }
0x165: {  	[bflag:$0x3] =	sbarrier.arrive $0xFFFF  }
0x166: {  	_ =	shalt  }

// kernel: kernel.15.cloned.1.call-start
scs
__scs_entry_jumppad:
0x0: {  	(pc) =	sbr.rel $0x88, $3  }
0x1: {  	(tag) =	ssettag $0x0;
	lr =	simm.s32 $0x1  }
0x2: {  	[smem:$0x3F89] =	sst lr;
	_ =	strace $0xD0000000  }
0x3: {  	_ = 	snop  }
0x4: {  	_ = 	snop  }
0x5: {  	_ = 	snop  }
0x6: {  	_ = 	snop  }
0x7: {  	_ = 	snop  }
__scs_overlays_trampoline_lowered:
0x8: {  	[smem:$0x3F98] =	sst s0  }
0x9: {  	[smem:$0x3F99] =	sst s1  }
0xa: {  	[smem:$0x3F9A] =	sst s2  }
0xb: {  	[smem:$0x3F9B] =	sst s3  }
0xc: {  	[smem:$0x3F9C] =	sst s4  }
0xd: {  	[smem:$0x3F9D] =	sst s5  }
0xe: {  	[smem:$0x3F9E] =	sst s6  }
0xf: {  	[smem:$0x3F9F] =	sst s7  }
0x10: {  	[smem:$0x3FA0] =	sst s8  }
0x11: {  	[smem:$0x3FA1] =	sst s9;
	s0 =	simm.s32 @!p0 $0x0  }
0x12: {  	s1 =	sld [smem:$0x3F87];
	s0 =	simm.s32 @p0 $0x1  }
0x13: {  	[smem:$0x3FA2] =	sst s0;
	s0 =	simm.s32 @!p1 $0x0  }
0x14: {  	s2 =	sld [smem:$0x3F86];
	s0 =	simm.s32 @p1 $0x1  }
0x15: {  	[smem:$0x3FA3] =	sst s0;
	s0 =	simm.s32 @!p2 $0x0  }
0x16: {  	s3 =	sld [smem:$0x3FDB];
	s0 =	simm.s32 @p2 $0x1  }
0x17: {  	s4 =	simm.s32 $0x1BF5;
	[smem:$0x3FA5] =	sst s0  }
0x18: {  	s0 =	sld [smem:$0x3F88];
	_ =	swait.ge [sflag:s4], $0x0  }
0x19: {  	s7 =	sld [smem:$0x3F89]  }
0x1a: {  	s8 =	sadd.s32 $0xFFFFE003, lr  }
0x1b: {  	s9 =	sadd.s32 $0xFFFFFEF7, lr;
	s5 =	simm.s32 $0xFFFFFFFF;
	p2 =	slt.u32 s8, $0xFFFFF086  }
0x1c: {  	p1 =	slt.u32 s9, $0xF7A;
	s5 =	simm.s32 @!p2 $0x0  }
0x1d: {  	s5 =	simm.s32 @p1 $0x1;
	p0 =	seq.s32 s7, s2  }
0x1e: {  	s7 =	smul.u32 @!p0 $0xF7A, s2;
	p2 =	seq.s32 @!p0 s5, $0x0  }
0x1f: {  	s9 =	smul.u32 $0xF7A, s1;
	s8 =	simm.s32 @!p0 $0x1BF5;
	p2 =	por !p2, p0  }
0x20: {  	[sflag:s8] =	ssyncset.s32 @!p0 $0xFFFFF086;
	s6 =	sadd.s32 @!p0 s3, s7;
	s7 =	simm.s32 @!p0 $0x108  }
0x21: {  	s3 =	sadd.s32 s3, s9;
	s6 =	sadd.s32 @!p0 $0x88, s6;
	s7 =	simm.s32 @p2 $0x1082  }
0x22: {  	[simem:s7], [sflag:s8] =	dma.local @!p0 [hbm:s6], $0xF7A  }
0x23: {  	s9 =	sor.u32 $0xD0000000, s2;
	s6 =	simm.s32 $0x108;
	_ =	swait.ge @!p0 [sflag:s8], $0x0  }
0x24: {  	s3 =	sadd.s32 $0x88, s3;
	s6 =	simm.s32 @!p1 $0x1082;
	[sflag:s4] =	ssyncset.s32 $0xFFFFF086  }
0x25: {  	[simem:s6], [sflag:s4] =	dma.local [hbm:s3], $0xF7A  }
0x26: {  	[smem:$0x3F89] =	sst s1;
	(tag) =	ssettag s2;
	_ =	strace s9  }
0x27: {  	s1 =	sld [smem:$0x3F99]  }
0x28: {  	s2 =	sld [smem:$0x3F9A]  }
0x29: {  	s4 =	sld [smem:$0x3F9C]  }
0x2a: {  	p0 =	seq.s32 s5, $0x0;
	s5 =	sld [smem:$0x3F9D]  }
0x2b: {  	s6 =	sld [smem:$0x3F9E]  }
0x2c: {  	s7 =	sld [smem:$0x3F9F]  }
0x2d: {  	s3 =	simm.s32 $0x108;
	s8 =	sld [smem:$0x3FA0]  }
0x2e: {  	s3 =	simm.s32 @!p0 $0x1082;
	s9 =	sld [smem:$0x3FA1]  }
0x2f: {  	lr =	sadd.s32 s0, s3;
	s0 =	sld [smem:$0x3F98]  }
0x30: {  	s3 =	sld [smem:$0x3F9B]  }
0x31: {  	[smem:$0x3FA4] =	sst s10  }
0x32: {  	s10 =	sld [smem:$0x3FA2];
	_ =	sdelay $0x3  }
0x33: {  	p0 =	seq.s32 s10, $0x1;
	s10 =	sld [smem:$0x3FA4];
	_ =	sdelay $0x3  }
0x34: {  	[smem:$0x3FA4] =	sst s10  }
0x35: {  	s10 =	sld [smem:$0x3FA3];
	_ =	sdelay $0x3  }
0x36: {  	p1 =	seq.s32 s10, $0x1;
	s10 =	sld [smem:$0x3FA4];
	_ =	sdelay $0x3  }
0x37: {  	[smem:$0x3FA4] =	sst s10  }
0x38: {  	s10 =	sld [smem:$0x3FA5]  }
0x39: {  	_ = 	snop;
	(pc) =	sbr.ind lr, $3  }
0x3a: {  	_ = 	snop  }
0x3b: {  	_ = 	snop  }
0x3c: {  	p2 =	seq.s32 s10, $0x1;
	s10 =	sld [smem:$0x3FA4]  }
0x3d: {  	_ =	shalt  }
0x3e: {  	_ =	shalt  }
0x3f: {  	_ =	shalt  }
0x40: {  	_ =	shalt  }
0x41: {  	_ =	shalt  }
0x42: {  	_ =	shalt  }
0x43: {  	_ =	shalt  }
0x44: {  	_ =	shalt  }
0x45: {  	_ =	shalt  }
0x46: {  	_ =	shalt  }
0x47: {  	_ =	shalt  }
0x48: {  	_ =	shalt  }
0x49: {  	_ =	shalt  }
0x4a: {  	_ =	shalt  }
0x4b: {  	_ =	shalt  }
0x4c: {  	_ =	shalt  }
0x4d: {  	_ =	shalt  }
0x4e: {  	_ =	shalt  }
0x4f: {  	_ =	shalt  }
0x50: {  	_ =	shalt  }
0x51: {  	_ =	shalt  }
0x52: {  	_ =	shalt  }
0x53: {  	_ =	shalt  }
0x54: {  	_ =	shalt  }
0x55: {  	_ =	shalt  }
0x56: {  	_ =	shalt  }
0x57: {  	_ =	shalt  }
0x58: {  	_ =	shalt  }
0x59: {  	_ =	shalt  }
0x5a: {  	_ =	shalt  }
0x5b: {  	_ =	shalt  }
0x5c: {  	_ =	shalt  }
0x5d: {  	_ =	shalt  }
0x5e: {  	_ =	shalt  }
0x5f: {  	_ =	shalt  }
0x60: {  	_ =	shalt  }
0x61: {  	_ =	shalt  }
0x62: {  	_ =	shalt  }
0x63: {  	_ =	shalt  }
0x64: {  	_ =	shalt  }
0x65: {  	_ =	shalt  }
0x66: {  	_ =	shalt  }
0x67: {  	_ =	shalt  }
0x68: {  	_ =	shalt  }
0x69: {  	_ =	shalt  }
0x6a: {  	_ =	shalt  }
0x6b: {  	_ =	shalt  }
0x6c: {  	_ =	shalt  }
0x6d: {  	_ =	shalt  }
0x6e: {  	_ =	shalt  }
0x6f: {  	_ =	shalt  }
0x70: {  	_ =	shalt  }
0x71: {  	_ =	shalt  }
0x72: {  	_ =	shalt  }
0x73: {  	_ =	shalt  }
0x74: {  	_ =	shalt  }
0x75: {  	_ =	shalt  }
0x76: {  	_ =	shalt  }
0x77: {  	_ =	shalt  }
0x78: {  	_ =	shalt  }
0x79: {  	_ =	shalt  }
0x7a: {  	_ =	shalt  }
0x7b: {  	_ =	shalt  }
0x7c: {  	_ =	shalt  }
0x7d: {  	_ =	shalt  }
0x7e: {  	_ =	shalt  }
0x7f: {  	_ =	shalt  }
0x80: {  	_ =	shalt  }
0x81: {  	_ =	shalt  }
0x82: {  	_ =	shalt  }
0x83: {  	_ =	shalt  }
0x84: {  	_ =	shalt  }
0x85: {  	_ =	shalt  }
0x86: {  	_ =	shalt  }
0x87: {  	_ =	shalt  }
.Lfunc_end0:
.L_simem_size_0:
called_computation.2_lowered:
.L_overlay_start_0:
0x88: {  	s2 =	sld [smem:$0x3FD9]  }
0x89: {  	s3 =	sld [smem:$0x3FFE];
	_ =	sdelay $0x1  }
0x8a: {  	s1 =	srdreg.scid  }
0x8b: {  	s0 =	sand.u32 $0x1, s1  }
0x8c: {  	s16 =	sshll.u32 s0, $0xA;
	s2 =	sadd.s32 s3, s2  }
0x8d: {  	s2 =	sadd.s32 s2, s16  }
0x8e: {  	[smem:$0x3FB0] =	sst s2  }
0x8f: {  	_ = 	snop  }
0x90: {  	(tm) =	ssettm $0x1  }
0x91: {  	s17 =	sld [smem:$0x3FFB];
	_ =	sdelay $0x3  }
0x92: {  	_ =	strace s17  }
0x93: {  	s2 =	sld [smem:$0x3FFC];
	_ =	sdelay $0x3  }
0x94: {  	_ =	strace s2  }
0x95: {  	s2 =	sld [smem:$0x3FFD];
	_ =	sdelay $0x3  }
0x96: {  	_ =	strace s2  }
0x97: {  	_ =	strace $0x8FFFFFFF  }
0x98: {  	s18 =	sld [smem:$0x3FDB];
	_ =	sdelay $0x1  }
0x99: {  	s19 =	simm.s32 $_scs_section_size  }
0x9a: {  	s4 =	simm.s32 $_size__tile_overlayer_lowered;
	s5 =	simm.s32 $_tile_overlayer_lowered  }
0x9b: {  	s22 =	simm.s32 $0x1BFF;
	s21 =	sshll.u32 s5, $0x1;
	s2 =	sadd.s32 s19, s18  }
0x9c: {  	s6 =	simm.s32 $0x0;
	s20 =	sshll.u32 s4, $0x1;
	s4 =	sadd.s32 s21, s2  }
0x9d: {  	[timem:s6], [sflag:s22] =	dma.local [hbm:s4], s20  }
0x9e: {  	_ =	swait.ge [sflag:s22], s20  }
0x9f: {  	s3 =	ssub.s32 $0x0, s20;
	[sflag:s22] =	ssyncset.done $0x0  }
0xa0: {  	[sflag:s22] =	ssyncadd.s32 s3;
	_ =	sdelay $0x1  }
0xa1: {  	s23 =	simm.s32 $0x1B8B  }
0xa2: {  	_ =	swait.ge [sflag:s23], $0x1  }
0xa3: {  	[sflag:s23] =	ssyncset.done $0x0  }
0xa4: {  	s25 =	simm.s32 $0x1B8E;
	s24 =	sld [smem:$0x3FFE];
	[sflag:s23] =	ssyncadd.s32 $0xFFFFFFFF  }
0xa5: {  	s26 =	simm.s32 $execute0_lowered;
	[smem:$0x3FD2] =	sst s25  }
0xa6: {  	s4 =	sshll.u32 s26, $0x1;
	_ =	strace $0x8000004C;
	[dreg:$0x1] =	wrdreg $0xFFFFFFFF  }
0xa7: {  	s28 =	simm.s32 $_size_execute0_lowered;
	s2 =	sadd.s32 s2, s4;
	[dreg:$0x0] =	wrdreg $0x0  }
0xa8: {  	s4 =	sshll.u32 s28, $0x1;
	[dreg:$0x2] =	wrdreg s2  }
0xa9: {  	[dreg:$0x3] =	wrdreg s4  }
0xaa: {  	[dreg:$0x4] =	wrdreg $0xC0  }
0xab: {  	_ =	task [dreg:s6], $0x5FFFF  }
0xac: {  	[dreg:$0x1] =	wrdreg $0xFFFFFFFF  }
0xad: {  	[dreg:$0x0] =	wrdreg $0x60  }
0xae: {  	[dreg:$0x2] =	wrdreg s24  }
0xaf: {  	[dreg:$0x3] =	wrdreg $0x13A000  }
0xb0: {  	[dreg:$0x4] =	wrdreg $0x9  }
0xb1: {  	_ =	task.clear_ibuf [dreg:s6], $0x5FFFF;
	_ =	strace $0x9000004C  }
0xb2: {  	s29 =	simm.s32 $0x9;
	_ =	strace $0x8000004E  }
0xb3: {  	_ =	swait.ge [sflag:s29], $0x1  }
0xb4: {  	[sflag:s29] =	ssyncadd.s32 $0xFFFFFFFF  }
0xb5: {  	_ =	strace $0x9000004E  }
0xb6: {  	_ =	sfence  }
0xb7: {  	s30 =	sld [smem:$0x0];
	_ =	sdelay $0x2  }
0xb8: {  	s31 =	sshll.u32 s1, $0xD;
	s1 =	sshrl.u32 s1, $0x2  }
0xb9: {  	s3 =	sand.u32 $0x4000, s31;
	s1 =	sadd.s32 s1, s30  }
0xba: {  	s0 =	sor.u32 s3, s0;
	s1 =	sshll.u32 s1, $0x11  }
0xbb: {  	s0 =	sor.u32 s1, s0  }
0xbc: {  	s0 =	sadd.s32 $0x8F2B, s0  }
0xbd: {  	[sflag:s0] =	ssyncadd.remote.s32 $0x1  }
0xbe: {  	_ =	sfence.sel $0xFFFF  }
0xbf: {  	[dreg:$0x0] =	wrdreg $0xFFFFFFFF;
	(pc) =	sbr.abs _section_cstart, $3  }
0xc0: {  	[dreg:$0x1] =	wrdreg $0xFFFFFFFF  }
0xc1: {  	_ =	task.clear_ibuf [dreg:s6], $0x2FFFF;
	_ =	strace $0x9FFFFFFF  }
0xc2: {  	(tm) =	ssettm $0x7FFFFFFF  }
0xc3: {  	_ =	shalt  }
tec
execute0_lowered:
.L_overlay_start_1:
0x0: {  	(tag) =	ssettag $0x1  }
0x1: {  	s0 =	rddreg [dreg:$0x0]  }
0x2: {  	s2 =	rddreg [dreg:$0x1];
	s3 =	simm.s32 $0x0  }
0x3: {  	s14 =	stileid.u32;
	s1 =	srdreg.scid;
	s18 =	simm.s32 $0x3  }
0x4: {  	s19 =	simm.s32 $0x80;
	s28 =	simm.s32 $0x1;
	s29 =	simm.s32 $0x13200  }
0x5: {  	s30 =	simm.s32 $0x2;
	s31 =	simm.s32 $0x0;
	[smem:$0x7FF] =	sst s3  }
0x6: {  	s9 =	smul.u32 $0x2800, s14;
	s1 =	sand.u32 $0x1, s1;
	s4 =	sadd.s32 $0x89A00, s0  }
0x7: {  	s5 =	sadd.s32 $0xF4E00, s0;
	s6 =	sadd.s32 $0x5600, s0;
	s7 =	sadd.s32 $0xA600, s0  }
0x8: {  	s11 =	sshll.u32 s14, $0x1;
	s23 =	sshll.u32 s14, $0x6;
	_ =	strace $0x8000004D  }
0x9: {  	s8 =	smul.u32 $0x28000, s1;
	s12 =	ssub.s32 $0x2, s1;
	s1 =	sor.u32 s1, s11  }
0xa: {  	s11 =	sor.u32 $0x1C03, s23;
	s23 =	simm.s32 $0x4;
	s10 =	sshrl.u32 s9, $0x3  }
0xb: {  	s21 =	sshrl.u32 s12, $0x1;
	s13 =	sadd.s32 s9, s2;
	s10 =	sadd.s32 s10, s0  }
0xc: {  	s8 =	sadd.s32 s9, s8;
	s12 =	ssub.s32 s12, s21;
	s9 =	smul.u32 $0x28000, s1  }
0xd: {  	s17 =	sshrl.u32 s13, $0x3;
	s8 =	sshrl.u32 s8, $0x3;
	s22 =	sadd.s32 $0xF600, s10  }
0xe: {  	v0 =	vimm.s32 $0x0;
	s0 =	sadd.s32 s8, s0;
	s8 =	smul.u32 $0x1400, s1;
	s26 =	sshrl.u32 s9, $0x3  }
0xf: {  	v1 =	vimm.s32 $0x1;
	v2 =	vimm.s32 $0x2;
	v3 =	vimm.s32 $0x3;
	s21 =	simm.s32 $0x100;
	[dreg:$0x3] =	wrdreg s22;
	s1 =	sadd.s32 s5, s26  }
0x10: {  	v4 =	vimm.s32 $0x4;
	v5 =	vimm.s32 $0x5;
	v6 =	vimm.s32 $0x6;
	s0 =	sadd.s32 $0xDCC00, s0;
	s24 =	sshrl.u32 s8, $0x3;
	[dreg:$0x6] =	wrdreg s1  }
0x11: {  	v7 =	vimm.s32 $0x7;
	v8 =	vimm.s32 $0x8;
	v9 =	vimm.s32 $0x9;
	s16 =	smax.u32 s12, $0x1;
	[dreg:$0x7] =	wrdreg s0;
	s25 =	sadd.s32 s6, s24  }
0x12: {  	v10 =	vimm.s32 $0xA;
	v11 =	vimm.s32 $0xB;
	v12 =	vimm.s32 $0xC;
	s26 =	simm.s32 $0x1200;
	s10 =	sadd.s32 s7, s24;
	[dreg:$0x4] =	wrdreg s25  }
0x13: {  	v13 =	vimm.s32 $0xD;
	v14 =	vimm.s32 $0xE;
	v15 =	vimm.s32 $0xF;
	s24 =	simm.s32 $0xAA00;
	[dreg:$0x5] =	wrdreg s10;
	s25 =	simm.s32 $0x180  }
.LBB2_1:
0x14: {  	s0 =	rddreg [dreg:$0x3]  }
0x15: {  	[spmem:s17], [sflag:s11] =	dma.local [hbm:s0], $0x500  }
0x16: {  	_ =	swait.ge [sflag:s18], $0x500  }
0x17: {  	[sflag:s18] =	ssyncset.done $0x0  }
0x18: {  	[sflag:s18] =	ssyncadd.s32 $0xFFFFFB00  }
0x19: {  	[bflag:$0x0] =	sbarrier.arrive $0xFFFF  }
0x1a: {  	s14 =	rddreg [dreg:$0x4]  }
0x1b: {  	[tilespmem:s3], [sflag:$0x3] =	stream.linear.gather [hbm4b:s14+s3], $0x80, $0x38;
	[tilespmem:$0x16200] =	vst v63  }
0x1c: {  	_ =	swait.ge [sflag:s18], $0x80  }
0x1d: {  	[sflag:s18] =	ssyncset.done $0x0  }
0x1e: {  	s15 =	simm.s32 $0x2200;
	[sflag:s18] =	ssyncadd.s32 $0xFFFFFF80  }
0x1f: {  	[tilespmem:s15], [sflag:$0x1] =	stream.indirect.gather [hbm4b:s4+s19], $0x110, s3, s19, $0xb8;
	[tilespmem:$0x16200] =	vst v63  }
0x20: {  	s20 =	rddreg [dreg:$0x5]  }
0x21: {  	[tilespmem:s21], [sflag:$0x1] =	stream.linear.gather [hbm4b:s20+s3], $0x80, $0x38;
	[tilespmem:$0x16200] =	vst v63  }
0x22: {  	s1 =	simm.s32 $0x200;
	s0 =	simm.s32 $0x0;
	s22 =	rddreg [dreg:$0x6]  }
0x23: {  	[tilespmem:s1], [sflag:$0x1] =	stream.linear.gather [hbm4b:s22+s3], $0x1000, $0x38;
	[tilespmem:$0x16200] =	vst v63  }
.LBB2_2:
0x24: {  	s1 =	sshllo.u32 s0, $0x1  }
0x25: {  	s10 =	sshll.u32 s1, $0x7  }
0x26: {  	s10 =	sadd.s32 s8, s10  }
0x27: {  	s10 =	sshrl.u32 s10, $0x3  }
0x28: {  	s12 =	sadd.s32 s6, s10  }
0x29: {  	[tilespmem:s19], [sflag:$0x4] =	stream.linear.gather [hbm4b:s12+s3], $0x80, $0x38;
	[tilespmem:$0x16200] =	vst v63  }
0x2a: {  	_ =	swait.ge [sflag:s23], $0x80  }
0x2b: {  	s1 =	sshll.u32 s1, $0xC;
	[sflag:s23] =	ssyncset.done $0x0  }
0x2c: {  	s1 =	sadd.s32 s9, s1;
	[sflag:s23] =	ssyncadd.s32 $0xFFFFFF80  }
0x2d: {  	[tilespmem:s24], [sflag:$0x2] =	stream.indirect.gather [hbm4b:s4+s19], $0x110, s19, s19, $0xb8;
	[tilespmem:$0x16200] =	vst v63  }
0x2e: {  	s1 =	sshrl.u32 s1, $0x3;
	s10 =	sadd.s32 s7, s10  }
0x2f: {  	[tilespmem:s25], [sflag:$0x2] =	stream.linear.gather [hbm4b:s10+s3], $0x80, $0x38;
	[tilespmem:$0x16200] =	vst v63  }
0x30: {  	s1 =	sadd.s32 s5, s1  }
0x31: {  	[tilespmem:s26], [sflag:$0x2] =	stream.linear.gather [hbm4b:s1+s3], $0x1000, $0x38;
	[tilespmem:$0x16200] =	vst v63  }
0x32: {  	_ =	swait.ge [sflag:s28], $0x8800  }
0x33: {  	[sflag:s28] =	ssyncset.done $0x0  }
0x34: {  	[sflag:s28] =	ssyncadd.s32 $0xFFFF7800  }
0x35: {  	_ =	swait.ge [sflag:s28], $0x80  }
0x36: {  	[sflag:s28] =	ssyncset.done $0x0  }
0x37: {  	[sflag:s28] =	ssyncadd.s32 $0xFFFFFF80  }
0x38: {  	_ =	swait.ge [sflag:s28], $0x1000  }
0x39: {  	[sflag:s28] =	ssyncset.done $0x0  }
0x3a: {  	s20 =	simm.s32 $0x220;
	[sflag:s28] =	ssyncadd.s32 $0xFFFFF000  }
0x3b: {  	s1 =	simm.s32 $0x2310;
	v17 =	vld [tilespmem:s20+$0xFFFFFFE0]  }
0x3c: {  	v18 =	vld [tilespmem:s1+$0xFFFFFFB0]  }
0x3d: {  	v19 =	vld [tilespmem:s1+$0xFFFFFEF0]  }
0x3e: {  	v20 =	vld [tilespmem:s1+$0xFFFFFF10]  }
0x3f: {  	v21 =	vld [tilespmem:s1+$0xFFFFFFA0]  }
0x40: {  	v23 =	vld [tilespmem:s1+$0xFFFFFF90];
	v22 =	vperm.xlane v17, v0  }
0x41: {  	v25 =	vld [tilespmem:s1+$0xFFFFFF00];
	v24 =	vperm.xlane v17, v15;
	v26 =	vperm.xlane v17, v2  }
0x42: {  	v28 =	vld [tilespmem:s1+$0xFFFFFFC0];
	v27 =	vperm.xlane v17, v10;
	v50 =	vperm.xlane v17, v6  }
0x43: {  	v29 =	vld [tilespmem:s1+$0xFFFFFFE0];
	v30 =	vperm.xlane v17, v1;
	v32 =	vperm.xlane v17, v7  }
0x44: {  	v31 =	vld [tilespmem:s1+$0xFFFFFF50];
	v51 =	vperm.xlane v17, v13;
	v35 =	vperm.xlane v17, v8  }
0x45: {  	v33 =	vld [tilespmem:s1+$0xFFFFFF70];
	v55 =	vperm.xlane v17, v9;
	v36 =	vperm.xlane v17, v3  }
0x46: {  	v52 =	vld [tilespmem:s1+$0xFFFFFF80];
	v57 =	vperm.xlane v17, v4;
	v59 =	vperm.xlane v17, v12  }
0x47: {  	v34 =	vld [tilespmem:s1+$0xFFFFFF60];
	v19 =	vmul.f32 v19, v22;
	v22 =	vperm.xlane v17, v11  }
0x48: {  	v56 =	vld [tilespmem:s1+$0xFFFFFF20];
	v20 =	vmul.f32 v20, v26;
	v23 =	vmul.f32 v23, v27  }
0x49: {  	v16 =	vld [tilespmem:s1+$0xFFFFFFD0];
	v25 =	vmul.f32 v25, v30;
	v27 =	vmul.f32 v28, v51  }
0x4a: {  	v54 =	vld [tilespmem:s1+$0xFFFFFF30];
	v24 =	vmul.f32 v29, v24;
	v26 =	vmul.f32 v31, v50  }
0x4b: {  	v53 =	vld [tilespmem:s1+$0xFFFFFF40];
	v33 =	vmul.f32 v33, v35;
	v30 =	vmul.f32 v52, v55  }
0x4c: {  	v58 =	vmul.f32 v34, v32;
	v18 =	vmul.f32 v18, v59  }
0x4d: {  	v61 =	vmul.f32 v56, v36;
	v21 =	vmul.f32 v21, v22  }
0x4e: {  	v22 =	vperm.xlane v17, v5;
	v19 =	vadd.f32 v25, v19;
	v17 =	vperm.xlane v17, v14  }
0x4f: {  	v60 =	vmul.f32 v54, v57;
	v18 =	vadd.f32 v27, v18;
	v20 =	vadd.f32 v61, v20  }
0x50: {  	v21 =	vadd.f32 v21, v23;
	v22 =	vmul.f32 v53, v22;
	v16 =	vmul.f32 v16, v17  }
0x51: {  	v62 =	vld [tilespmem:s20+$0xFFFFFFF0];
	v23 =	vadd.f32 v30, v33;
	v17 =	vadd.f32 v58, v26  }
0x52: {  	v22 =	vadd.f32 v22, v60;
	v16 =	vadd.f32 v24, v16  }
0x53: {  	v63 =	vld [tilespmem:s1+$0xFFFFFFF0];
	v19 =	vadd.f32 v20, v19;
	v21 =	vadd.f32 v21, v23  }
0x54: {  	v17 =	vadd.f32 v17, v22;
	v16 =	vadd.f32 v16, v18;
	_ =	sdelay $0x1  }
0x55: {  	v18 =	vperm.xlane v62, v0;
	v17 =	vadd.f32 v17, v19;
	v16 =	vadd.f32 v16, v21;
	_ =	sdelay $0x1  }
0x56: {  	v18 =	vmul.f32 v63, v18;
	v16 =	vadd.f32 v16, v17;
	_ =	sdelay $0x1  }
0x57: {  	v16 =	vadd.f32 v16, v18  }
0x58: {  	s13 =	simm.s32 $0x13210  }
0x59: {  	[tilespmem:s13+$0xFFFFFFF0] =	vst v16  }
0x5a: {  	v21 =	vld [tilespmem:s20+$0x0]  }
0x5b: {  	v19 =	vld [tilespmem:s1+$0x20]  }
0x5c: {  	v18 =	vld [tilespmem:s1+$0x0]  }
0x5d: {  	v22 =	vld [tilespmem:s1+$0x60]  }
0x5e: {  	s22 =	sshll.u32 s0, $0x1;
	s14 =	simm.s32 $0x0;
	v23 =	vld [tilespmem:s1+$0x50]  }
0x5f: {  	s15 =	simm.s32 $0x2530;
	s12 =	simm.s32 $0x220;
	s10 =	simm.s32 $0x13210;
	v17 =	vld [tilespmem:s1+$0x70];
	v20 =	vperm.xlane v21, v0;
	v16 =	vperm.xlane v21, v1  }
.LBB2_3:
0x60: {  	s14 =	sadd.s32 $0x2, s14;
	v24 =	vperm.xlane v21, v2;
	v25 =	vperm.xlane v21, v3;
	v26 =	vld [tilespmem:s1+$0xE0];
	s13 =	sadd.s32 $0x20, s13;
	s20 =	sadd.s32 $0x40, s20  }
0x61: {  	v27 =	vperm.xlane v21, v4;
	v28 =	vperm.xlane v21, v5;
	p0 =	slt.u32 s14, $0x7E;
	v29 =	vld [tilespmem:s1+$0x80]  }
0x62: {  	v30 =	vperm.xlane v21, v6;
	v31 =	vperm.xlane v21, v7;
	v32 =	vld [tilespmem:s1+$0xF0]  }
0x63: {  	v23 =	vmul.f32 v23, v28;
	v28 =	vperm.xlane v21, v8;
	v33 =	vld [tilespmem:s1+$0xB0]  }
0x64: {  	v34 =	vperm.xlane v21, v15;
	v22 =	vmul.f32 v22, v30;
	v30 =	vld [tilespmem:s1+$0xC0]  }
0x65: {  	v36 =	vperm.xlane v21, v9;
	v37 =	vperm.xlane v21, v10;
	v35 =	vld [tilespmem:s1+$0x40]  }
0x66: {  	v28 =	vmul.f32 v29, v28;
	v29 =	vperm.xlane v21, v11;
	v38 =	vld [tilespmem:s1+$0xD0]  }
0x67: {  	v40 =	vperm.xlane v21, v12;
	v39 =	vld [tilespmem:s1+$0x30];
	v32 =	vmul.f32 v32, v34  }
0x68: {  	v34 =	vld [tilespmem:s1+$0xA0];
	v29 =	vmul.f32 v33, v29;
	v33 =	vperm.xlane v21, v14  }
0x69: {  	v21 =	vperm.xlane v21, v13;
	v30 =	vmul.f32 v30, v40  }
0x6a: {  	v27 =	vmul.f32 v35, v27;
	v26 =	vmul.f32 v26, v33  }
0x6b: {  	v19 =	vmul.f32 v19, v24;
	v21 =	vmul.f32 v38, v21  }
0x6c: {  	v24 =	vmul.f32 v39, v25;
	v25 =	vld [tilespmem:s1+$0x90];
	v23 =	vadd.f32 v23, v27;
	v26 =	vadd.f32 v32, v26  }
0x6d: {  	v18 =	vmul.f32 v18, v20;
	v20 =	vld [tilespmem:s1+$0x10];
	v27 =	vmul.f32 v34, v37;
	v21 =	vadd.f32 v21, v30  }
0x6e: {  	v19 =	vadd.f32 v24, v19  }
0x6f: {  	v24 =	vadd.f32 v29, v27;
	v21 =	vadd.f32 v26, v21;
	_ =	sdelay $0x1  }
0x70: {  	v25 =	vmul.f32 v25, v36  }
0x71: {  	v17 =	vmul.f32 v17, v31;
	v16 =	vmul.f32 v20, v16  }
0x72: {  	v20 =	vld [tilespmem:s12+$0x10];
	v25 =	vadd.f32 v25, v28;
	s12 =	smov.u32 s20  }
0x73: {  	v17 =	vadd.f32 v17, v22;
	v16 =	vadd.f32 v16, v18  }
0x74: {  	v18 =	vld [tilespmem:s1+$0x100];
	v22 =	vadd.f32 v24, v25;
	s1 =	smov.u32 s15  }
0x75: {  	v17 =	vadd.f32 v17, v23;
	v16 =	vadd.f32 v19, v16;
	_ =	sdelay $0x1  }
0x76: {  	v19 =	vperm.xlane v20, v0;
	v16 =	vadd.f32 v17, v16;
	v17 =	vadd.f32 v21, v22;
	_ =	sdelay $0x1  }
0x77: {  	v18 =	vmul.f32 v18, v19;
	v16 =	vadd.f32 v17, v16;
	_ =	sdelay $0x1  }
0x78: {  	v16 =	vadd.f32 v16, v18;
	_ =	sdelay $0x1  }
0x79: {  	[tilespmem:s10+$0x0] =	vst v16;
	s10 =	smov.u32 s13;
	_ =	sdelay $0x1  }
0x7a: {  	v16 =	vld [tilespmem:s15+$0xFFFFFFD0]  }
0x7b: {  	v17 =	vld [tilespmem:s20+$0xFFFFFFE0]  }
0x7c: {  	v18 =	vld [tilespmem:s15+$0xFFFFFFB0]  }
0x7d: {  	v19 =	vld [tilespmem:s15+$0xFFFFFEF0]  }
0x7e: {  	v20 =	vld [tilespmem:s15+$0xFFFFFF10]  }
0x7f: {  	v21 =	vld [tilespmem:s15+$0xFFFFFFA0]  }
0x80: {  	v22 =	vperm.xlane v17, v0;
	v23 =	vld [tilespmem:s15+$0xFFFFFF90];
	v24 =	vperm.xlane v17, v15  }
0x81: {  	v26 =	vperm.xlane v17, v2;
	v27 =	vperm.xlane v17, v10;
	v25 =	vld [tilespmem:s15+$0xFFFFFF00]  }
0x82: {  	v19 =	vmul.f32 v19, v22;
	v22 =	vperm.xlane v17, v11;
	v28 =	vld [tilespmem:s15+$0xFFFFFFC0]  }
0x83: {  	v20 =	vmul.f32 v20, v26;
	v26 =	vperm.xlane v17, v6;
	v29 =	vld [tilespmem:s15+$0xFFFFFFE0]  }
0x84: {  	v30 =	vperm.xlane v17, v1;
	v32 =	vperm.xlane v17, v7;
	v31 =	vld [tilespmem:s15+$0xFFFFFF50]  }
0x85: {  	v33 =	vld [tilespmem:s15+$0xFFFFFF70];
	v23 =	vmul.f32 v23, v27;
	v27 =	vperm.xlane v17, v13  }
0x86: {  	v21 =	vmul.f32 v21, v22;
	v25 =	vmul.f32 v25, v30;
	v30 =	vld [tilespmem:s15+$0xFFFFFF80]  }
0x87: {  	v22 =	vperm.xlane v17, v5;
	v34 =	vld [tilespmem:s15+$0xFFFFFF60];
	v27 =	vmul.f32 v28, v27  }
0x88: {  	v35 =	vperm.xlane v17, v8;
	v28 =	vld [tilespmem:s15+$0xFFFFFF40];
	v24 =	vmul.f32 v29, v24;
	v19 =	vadd.f32 v25, v19  }
0x89: {  	v29 =	vperm.xlane v17, v9;
	v25 =	vld [tilespmem:s15+$0xFFFFFF30];
	v26 =	vmul.f32 v31, v26  }
0x8a: {  	v21 =	vadd.f32 v21, v23;
	v31 =	vperm.xlane v17, v3;
	v36 =	vld [tilespmem:s15+$0xFFFFFF20];
	v33 =	vmul.f32 v33, v35  }
0x8b: {  	v23 =	vperm.xlane v17, v4;
	v29 =	vmul.f32 v30, v29  }
0x8c: {  	v30 =	vmul.f32 v34, v32;
	v32 =	vperm.xlane v17, v12  }
0x8d: {  	v17 =	vperm.xlane v17, v14;
	v22 =	vmul.f32 v28, v22;
	v28 =	vadd.f32 v29, v33  }
0x8e: {  	v23 =	vmul.f32 v25, v23;
	v18 =	vmul.f32 v18, v32  }
0x8f: {  	v16 =	vmul.f32 v16, v17;
	v17 =	vadd.f32 v30, v26;
	v25 =	vmul.f32 v36, v31  }
0x90: {  	v26 =	vld [tilespmem:s20+$0xFFFFFFF0];
	v22 =	vadd.f32 v22, v23;
	v18 =	vadd.f32 v27, v18  }
0x91: {  	v16 =	vadd.f32 v24, v16;
	v20 =	vadd.f32 v25, v20  }
0x92: {  	v21 =	vadd.f32 v21, v28;
	v23 =	vld [tilespmem:s15+$0xFFFFFFF0];
	v17 =	vadd.f32 v17, v22  }
0x93: {  	v16 =	vadd.f32 v16, v18;
	v19 =	vadd.f32 v20, v19;
	_ =	sdelay $0x1  }
0x94: {  	v16 =	vadd.f32 v16, v21;
	v18 =	vperm.xlane v26, v0;
	v17 =	vadd.f32 v17, v19;
	_ =	sdelay $0x1  }
0x95: {  	v18 =	vmul.f32 v23, v18;
	v16 =	vadd.f32 v16, v17;
	_ =	sdelay $0x1  }
0x96: {  	v16 =	vadd.f32 v16, v18;
	_ =	sdelay $0x1  }
0x97: {  	[tilespmem:s13+$0xFFFFFFF0] =	vst v16  }
0x98: {  	v21 =	vld [tilespmem:s20+$0x0]  }
.Ltmp0:
0x99: {  	v19 =	vld [tilespmem:s15+$0x20];
	(pc) =	sbr.rel @p0 .LBB2_3-.Ltmp0, $4  }
0x9a: {  	v18 =	vld [tilespmem:s15+$0x0]  }
0x9b: {  	v22 =	vld [tilespmem:s15+$0x60]  }
0x9c: {  	v23 =	vld [tilespmem:s15+$0x50]  }
0x9d: {  	s15 =	sadd.s32 $0x220, s15;
	v20 =	vperm.xlane v21, v0;
	v16 =	vperm.xlane v21, v1;
	v17 =	vld [tilespmem:s1+$0x70]  }
0x9e: {  	v24 =	vperm.xlane v21, v2;
	v25 =	vld [tilespmem:s1+$0xE0];
	v26 =	vperm.xlane v21, v3  }
0x9f: {  	v27 =	vperm.xlane v21, v5;
	v28 =	vld [tilespmem:s1+$0x80];
	v29 =	vperm.xlane v21, v4  }
0xa0: {  	v30 =	vperm.xlane v21, v6;
	v31 =	vld [tilespmem:s1+$0xF0];
	v32 =	vperm.xlane v21, v7  }
0xa1: {  	v57 =	vld [tilespmem:s1+$0xB0];
	v33 =	vperm.xlane v21, v8;
	v34 =	vperm.xlane v21, v15  }
0xa2: {  	v58 =	vld [tilespmem:s1+$0xC0];
	v36 =	vperm.xlane v21, v9;
	v37 =	vperm.xlane v21, v10  }
0xa3: {  	v35 =	vld [tilespmem:s1+$0x40];
	v38 =	vperm.xlane v21, v11;
	v40 =	vperm.xlane v21, v12  }
0xa4: {  	v39 =	vld [tilespmem:s1+$0xD0];
	v61 =	vperm.xlane v21, v14;
	v21 =	vperm.xlane v21, v13  }
0xa5: {  	v59 =	vld [tilespmem:s1+$0x30];
	v18 =	vmul.f32 v18, v20;
	v22 =	vmul.f32 v22, v30  }
0xa6: {  	v60 =	vld [tilespmem:s1+$0xA0];
	v19 =	vmul.f32 v19, v24;
	v23 =	vmul.f32 v23, v27  }
0xa7: {  	v62 =	vld [tilespmem:s1+$0x90];
	v17 =	vmul.f32 v17, v32;
	v28 =	vmul.f32 v28, v33  }
0xa8: {  	v63 =	vld [tilespmem:s1+$0x10];
	v31 =	vmul.f32 v31, v34;
	v27 =	vmul.f32 v57, v38  }
0xa9: {  	v30 =	vmul.f32 v58, v40;
	v29 =	vmul.f32 v35, v29  }
0xaa: {  	v25 =	vmul.f32 v25, v61;
	v21 =	vmul.f32 v39, v21  }
0xab: {  	v33 =	vmul.f32 v59, v26;
	v20 =	vmul.f32 v60, v37  }
0xac: {  	v34 =	vmul.f32 v62, v36;
	v17 =	vadd.f32 v17, v22;
	v23 =	vadd.f32 v23, v29  }
0xad: {  	v16 =	vmul.f32 v63, v16;
	v25 =	vadd.f32 v31, v25;
	v21 =	vadd.f32 v21, v30  }
0xae: {  	v36 =	vld [tilespmem:s12+$0x10];
	v20 =	vadd.f32 v27, v20;
	v26 =	vadd.f32 v34, v28  }
0xaf: {  	v19 =	vadd.f32 v33, v19;
	v16 =	vadd.f32 v16, v18  }
0xb0: {  	v18 =	vadd.f32 v25, v21;
	v21 =	vld [tilespmem:s1+$0x100];
	v20 =	vadd.f32 v20, v26  }
0xb1: {  	v16 =	vadd.f32 v19, v16;
	v17 =	vadd.f32 v17, v23;
	_ =	sdelay $0x1  }
0xb2: {  	v19 =	vperm.xlane v36, v0;
	v16 =	vadd.f32 v17, v16;
	v17 =	vadd.f32 v18, v20;
	_ =	sdelay $0x1  }
0xb3: {  	v16 =	vadd.f32 v17, v16;
	v18 =	vmul.f32 v21, v19;
	_ =	sdelay $0x1  }
0xb4: {  	p0 =	seq.s32 s0, $0x13;
	v16 =	vadd.f32 v16, v18  }
0xb5: {  	s1 =	sadd.s32 @!p0 $0x2, s22  }
0xb6: {  	[tilespmem:s10+$0x0] =	vst v16;
	s10 =	sshll.u32 @!p0 s1, $0x7  }
0xb7: {  	[spmem:s2] =	stream.indirect.scatter.add.f32 [tilespmem:s29], [sflag:$0x4], $0x10, s21, s19, $0xb8;
	[tilespmem:$0x16200] =	vst v63  }
0xb8: {  	s10 =	sadd.s32 @!p0 s8, s10;
	_ =	swait.ge [sflag:s23], $0x800  }
0xb9: {  	s10 =	sshrl.u32 @!p0 s10, $0x3;
	[sflag:s23] =	ssyncset.done $0x0  }
0xba: {  	s13 =	simm.s32 @!p0 $0x0;
	s12 =	sadd.s32 @!p0 s6, s10;
	[sflag:s23] =	ssyncadd.s32 $0xFFFFF800  }
0xbb: {  	[tilespmem:s13], [sflag:$0x4] =	stream.linear.gather @!p0 [hbm4b:s12+s13], $0x80, $0x38;
	[tilespmem:$0x16200] =	vst v63  }
0xbc: {  	s12 =	simm.s32 @!p0 $0x4  }
0xbd: {  	_ =	swait.ge @!p0 [sflag:s12], $0x80  }
0xbe: {  	s14 =	simm.s32 @!p0 $0x2200;
	s1 =	sshll.u32 @!p0 s1, $0xC;
	[sflag:s12] =	ssyncset.done @!p0 $0x0  }
0xbf: {  	s1 =	sadd.s32 @!p0 s9, s1;
	[sflag:s12] =	ssyncadd.s32 @!p0 $0xFFFFFF80;
	s12 =	simm.s32 @!p0 $0x80  }
0xc0: {  	[tilespmem:s14], [sflag:$0x1] =	stream.indirect.gather @!p0 [hbm4b:s4+s12], $0x110, s13, s12, $0xb8;
	[tilespmem:$0x16200] =	vst v63  }
0xc1: {  	s1 =	sshrl.u32 @!p0 s1, $0x3;
	s10 =	sadd.s32 @!p0 s7, s10;
	s12 =	simm.s32 @!p0 $0x100  }
0xc2: {  	[tilespmem:s12], [sflag:$0x1] =	stream.linear.gather @!p0 [hbm4b:s10+s13], $0x80, $0x38;
	[tilespmem:$0x16200] =	vst v63  }
0xc3: {  	s1 =	sadd.s32 @!p0 s5, s1;
	s10 =	simm.s32 @!p0 $0x200  }
0xc4: {  	[tilespmem:s10], [sflag:$0x1] =	stream.linear.gather @!p0 [hbm4b:s1+s13], $0x1000, $0x38;
	[tilespmem:$0x16200] =	vst v63  }
0xc5: {  	_ =	swait.ge [sflag:s30], $0x8800  }
0xc6: {  	[sflag:s30] =	ssyncset.done $0x0  }
0xc7: {  	[sflag:s30] =	ssyncadd.s32 $0xFFFF7800  }
0xc8: {  	_ =	swait.ge [sflag:s30], $0x80  }
0xc9: {  	[sflag:s30] =	ssyncset.done $0x0  }
0xca: {  	[sflag:s30] =	ssyncadd.s32 $0xFFFFFF80  }
0xcb: {  	_ =	swait.ge [sflag:s30], $0x1000  }
0xcc: {  	[sflag:s30] =	ssyncset.done $0x0  }
0xcd: {  	s20 =	simm.s32 $0x1220;
	[sflag:s30] =	ssyncadd.s32 $0xFFFFF000  }
0xce: {  	s1 =	simm.s32 $0xAB10;
	v17 =	vld [tilespmem:s20+$0xFFFFFFE0]  }
0xcf: {  	v18 =	vld [tilespmem:s1+$0xFFFFFFB0]  }
0xd0: {  	v19 =	vld [tilespmem:s1+$0xFFFFFEF0]  }
0xd1: {  	v20 =	vld [tilespmem:s1+$0xFFFFFF10]  }
0xd2: {  	v21 =	vld [tilespmem:s1+$0xFFFFFFA0]  }
0xd3: {  	v23 =	vld [tilespmem:s1+$0xFFFFFF90];
	v22 =	vperm.xlane v17, v0  }
0xd4: {  	v38 =	vld [tilespmem:s1+$0xFFFFFF00];
	v37 =	vperm.xlane v17, v15;
	v39 =	vperm.xlane v17, v2  }
0xd5: {  	v41 =	vld [tilespmem:s1+$0xFFFFFFC0];
	v40 =	vperm.xlane v17, v10;
	v42 =	vperm.xlane v17, v6  }
0xd6: {  	v43 =	vld [tilespmem:s1+$0xFFFFFFE0];
	v44 =	vperm.xlane v17, v1;
	v46 =	vperm.xlane v17, v7  }
0xd7: {  	v45 =	vld [tilespmem:s1+$0xFFFFFF50];
	v48 =	vperm.xlane v17, v13;
	v52 =	vperm.xlane v17, v8  }
0xd8: {  	v47 =	vld [tilespmem:s1+$0xFFFFFF70];
	v54 =	vperm.xlane v17, v9;
	v55 =	vperm.xlane v17, v3  }
0xd9: {  	v49 =	vld [tilespmem:s1+$0xFFFFFF80];
	v57 =	vperm.xlane v17, v4;
	v59 =	vperm.xlane v17, v12  }
0xda: {  	v50 =	vld [tilespmem:s1+$0xFFFFFF60];
	v19 =	vmul.f32 v19, v22;
	v22 =	vperm.xlane v17, v11  }
0xdb: {  	v56 =	vld [tilespmem:s1+$0xFFFFFF20];
	v20 =	vmul.f32 v20, v39;
	v23 =	vmul.f32 v23, v40  }
0xdc: {  	v16 =	vld [tilespmem:s1+$0xFFFFFFD0];
	v25 =	vmul.f32 v38, v44;
	v27 =	vmul.f32 v41, v48  }
0xdd: {  	v53 =	vld [tilespmem:s1+$0xFFFFFF30];
	v24 =	vmul.f32 v43, v37;
	v26 =	vmul.f32 v45, v42  }
0xde: {  	v51 =	vld [tilespmem:s1+$0xFFFFFF40];
	v33 =	vmul.f32 v47, v52;
	v30 =	vmul.f32 v49, v54  }
0xdf: {  	v58 =	vmul.f32 v50, v46;
	v18 =	vmul.f32 v18, v59  }
0xe0: {  	v61 =	vmul.f32 v56, v55;
	v21 =	vmul.f32 v21, v22  }
0xe1: {  	v22 =	vperm.xlane v17, v5;
	v19 =	vadd.f32 v25, v19;
	v17 =	vperm.xlane v17, v14  }
0xe2: {  	v60 =	vmul.f32 v53, v57;
	v18 =	vadd.f32 v27, v18;
	v20 =	vadd.f32 v61, v20  }
0xe3: {  	v21 =	vadd.f32 v21, v23;
	v22 =	vmul.f32 v51, v22;
	v16 =	vmul.f32 v16, v17  }
0xe4: {  	v62 =	vld [tilespmem:s20+$0xFFFFFFF0];
	v23 =	vadd.f32 v30, v33;
	v17 =	vadd.f32 v58, v26  }
0xe5: {  	v22 =	vadd.f32 v22, v60;
	v16 =	vadd.f32 v24, v16  }
0xe6: {  	v63 =	vld [tilespmem:s1+$0xFFFFFFF0];
	v19 =	vadd.f32 v20, v19;
	v21 =	vadd.f32 v21, v23  }
0xe7: {  	v17 =	vadd.f32 v17, v22;
	v16 =	vadd.f32 v16, v18;
	_ =	sdelay $0x1  }
0xe8: {  	v18 =	vperm.xlane v62, v0;
	v17 =	vadd.f32 v17, v19;
	v16 =	vadd.f32 v16, v21;
	_ =	sdelay $0x1  }
0xe9: {  	v18 =	vmul.f32 v63, v18;
	v16 =	vadd.f32 v16, v17;
	_ =	sdelay $0x1  }
0xea: {  	v16 =	vadd.f32 v16, v18  }
0xeb: {  	s13 =	simm.s32 $0x13210  }
0xec: {  	[tilespmem:s13+$0xFFFFFFF0] =	vst v16  }
0xed: {  	v21 =	vld [tilespmem:s20+$0x0]  }
0xee: {  	v19 =	vld [tilespmem:s1+$0x20]  }
0xef: {  	v18 =	vld [tilespmem:s1+$0x0]  }
0xf0: {  	v22 =	vld [tilespmem:s1+$0x60]  }
0xf1: {  	s15 =	simm.s32 $0xAD30;
	v23 =	vld [tilespmem:s1+$0x50]  }
0xf2: {  	s14 =	simm.s32 $0x0;
	s12 =	simm.s32 $0x1220;
	s10 =	simm.s32 $0x13210;
	v17 =	vld [tilespmem:s1+$0x70];
	v20 =	vperm.xlane v21, v0;
	v16 =	vperm.xlane v21, v1  }
.LBB2_5:
0xf3: {  	s14 =	sadd.s32 $0x2, s14;
	v24 =	vperm.xlane v21, v2;
	v25 =	vperm.xlane v21, v3;
	v26 =	vld [tilespmem:s1+$0xE0];
	s13 =	sadd.s32 $0x20, s13;
	s20 =	sadd.s32 $0x40, s20  }
0xf4: {  	v27 =	vperm.xlane v21, v4;
	v28 =	vperm.xlane v21, v5;
	p0 =	slt.u32 s14, $0x7E;
	v29 =	vld [tilespmem:s1+$0x80]  }
0xf5: {  	v30 =	vperm.xlane v21, v6;
	v31 =	vperm.xlane v21, v7;
	v32 =	vld [tilespmem:s1+$0xF0]  }
0xf6: {  	v23 =	vmul.f32 v23, v28;
	v28 =	vperm.xlane v21, v8;
	v33 =	vld [tilespmem:s1+$0xB0]  }
0xf7: {  	v34 =	vperm.xlane v21, v15;
	v22 =	vmul.f32 v22, v30;
	v30 =	vld [tilespmem:s1+$0xC0]  }
0xf8: {  	v36 =	vperm.xlane v21, v9;
	v37 =	vperm.xlane v21, v10;
	v35 =	vld [tilespmem:s1+$0x40]  }
0xf9: {  	v28 =	vmul.f32 v29, v28;
	v29 =	vperm.xlane v21, v11;
	v38 =	vld [tilespmem:s1+$0xD0]  }
0xfa: {  	v40 =	vperm.xlane v21, v12;
	v39 =	vld [tilespmem:s1+$0x30];
	v32 =	vmul.f32 v32, v34  }
0xfb: {  	v34 =	vld [tilespmem:s1+$0xA0];
	v29 =	vmul.f32 v33, v29;
	v33 =	vperm.xlane v21, v14  }
0xfc: {  	v21 =	vperm.xlane v21, v13;
	v30 =	vmul.f32 v30, v40  }
0xfd: {  	v27 =	vmul.f32 v35, v27;
	v26 =	vmul.f32 v26, v33  }
0xfe: {  	v19 =	vmul.f32 v19, v24;
	v21 =	vmul.f32 v38, v21  }
0xff: {  	v24 =	vmul.f32 v39, v25;
	v25 =	vld [tilespmem:s1+$0x90];
	v23 =	vadd.f32 v23, v27;
	v26 =	vadd.f32 v32, v26  }
0x100: {  	v18 =	vmul.f32 v18, v20;
	v20 =	vld [tilespmem:s1+$0x10];
	v27 =	vmul.f32 v34, v37;
	v21 =	vadd.f32 v21, v30  }
0x101: {  	v19 =	vadd.f32 v24, v19  }
0x102: {  	v24 =	vadd.f32 v29, v27;
	v21 =	vadd.f32 v26, v21;
	_ =	sdelay $0x1  }
0x103: {  	v25 =	vmul.f32 v25, v36  }
0x104: {  	v17 =	vmul.f32 v17, v31;
	v16 =	vmul.f32 v20, v16  }
0x105: {  	v20 =	vld [tilespmem:s12+$0x10];
	v25 =	vadd.f32 v25, v28;
	s12 =	smov.u32 s20  }
0x106: {  	v17 =	vadd.f32 v17, v22;
	v16 =	vadd.f32 v16, v18  }
0x107: {  	v18 =	vld [tilespmem:s1+$0x100];
	v22 =	vadd.f32 v24, v25;
	s1 =	smov.u32 s15  }
0x108: {  	v17 =	vadd.f32 v17, v23;
	v16 =	vadd.f32 v19, v16;
	_ =	sdelay $0x1  }
0x109: {  	v19 =	vperm.xlane v20, v0;
	v16 =	vadd.f32 v17, v16;
	v17 =	vadd.f32 v21, v22;
	_ =	sdelay $0x1  }
0x10a: {  	v18 =	vmul.f32 v18, v19;
	v16 =	vadd.f32 v17, v16;
	_ =	sdelay $0x1  }
0x10b: {  	v16 =	vadd.f32 v16, v18;
	_ =	sdelay $0x1  }
0x10c: {  	[tilespmem:s10+$0x0] =	vst v16;
	s10 =	smov.u32 s13;
	_ =	sdelay $0x1  }
0x10d: {  	v16 =	vld [tilespmem:s15+$0xFFFFFFD0]  }
0x10e: {  	v17 =	vld [tilespmem:s20+$0xFFFFFFE0]  }
0x10f: {  	v18 =	vld [tilespmem:s15+$0xFFFFFFB0]  }
0x110: {  	v19 =	vld [tilespmem:s15+$0xFFFFFEF0]  }
0x111: {  	v20 =	vld [tilespmem:s15+$0xFFFFFF10]  }
0x112: {  	v21 =	vld [tilespmem:s15+$0xFFFFFFA0]  }
0x113: {  	v22 =	vperm.xlane v17, v0;
	v23 =	vld [tilespmem:s15+$0xFFFFFF90];
	v24 =	vperm.xlane v17, v15  }
0x114: {  	v26 =	vperm.xlane v17, v2;
	v27 =	vperm.xlane v17, v10;
	v25 =	vld [tilespmem:s15+$0xFFFFFF00]  }
0x115: {  	v19 =	vmul.f32 v19, v22;
	v22 =	vperm.xlane v17, v11;
	v28 =	vld [tilespmem:s15+$0xFFFFFFC0]  }
0x116: {  	v20 =	vmul.f32 v20, v26;
	v26 =	vperm.xlane v17, v6;
	v29 =	vld [tilespmem:s15+$0xFFFFFFE0]  }
0x117: {  	v30 =	vperm.xlane v17, v1;
	v32 =	vperm.xlane v17, v7;
	v31 =	vld [tilespmem:s15+$0xFFFFFF50]  }
0x118: {  	v33 =	vld [tilespmem:s15+$0xFFFFFF70];
	v23 =	vmul.f32 v23, v27;
	v27 =	vperm.xlane v17, v13  }
0x119: {  	v21 =	vmul.f32 v21, v22;
	v25 =	vmul.f32 v25, v30;
	v30 =	vld [tilespmem:s15+$0xFFFFFF80]  }
0x11a: {  	v22 =	vperm.xlane v17, v5;
	v34 =	vld [tilespmem:s15+$0xFFFFFF60];
	v27 =	vmul.f32 v28, v27  }
0x11b: {  	v35 =	vperm.xlane v17, v8;
	v28 =	vld [tilespmem:s15+$0xFFFFFF40];
	v24 =	vmul.f32 v29, v24;
	v19 =	vadd.f32 v25, v19  }
0x11c: {  	v29 =	vperm.xlane v17, v9;
	v25 =	vld [tilespmem:s15+$0xFFFFFF30];
	v26 =	vmul.f32 v31, v26  }
0x11d: {  	v21 =	vadd.f32 v21, v23;
	v31 =	vperm.xlane v17, v3;
	v36 =	vld [tilespmem:s15+$0xFFFFFF20];
	v33 =	vmul.f32 v33, v35  }
0x11e: {  	v23 =	vperm.xlane v17, v4;
	v29 =	vmul.f32 v30, v29  }
0x11f: {  	v30 =	vmul.f32 v34, v32;
	v32 =	vperm.xlane v17, v12  }
0x120: {  	v17 =	vperm.xlane v17, v14;
	v22 =	vmul.f32 v28, v22;
	v28 =	vadd.f32 v29, v33  }
0x121: {  	v23 =	vmul.f32 v25, v23;
	v18 =	vmul.f32 v18, v32  }
0x122: {  	v16 =	vmul.f32 v16, v17;
	v17 =	vadd.f32 v30, v26;
	v25 =	vmul.f32 v36, v31  }
0x123: {  	v26 =	vld [tilespmem:s20+$0xFFFFFFF0];
	v22 =	vadd.f32 v22, v23;
	v18 =	vadd.f32 v27, v18  }
0x124: {  	v16 =	vadd.f32 v24, v16;
	v20 =	vadd.f32 v25, v20  }
0x125: {  	v21 =	vadd.f32 v21, v28;
	v23 =	vld [tilespmem:s15+$0xFFFFFFF0];
	v17 =	vadd.f32 v17, v22  }
0x126: {  	v16 =	vadd.f32 v16, v18;
	v19 =	vadd.f32 v20, v19;
	_ =	sdelay $0x1  }
0x127: {  	v16 =	vadd.f32 v16, v21;
	v18 =	vperm.xlane v26, v0;
	v17 =	vadd.f32 v17, v19;
	_ =	sdelay $0x1  }
0x128: {  	v18 =	vmul.f32 v23, v18;
	v16 =	vadd.f32 v16, v17;
	_ =	sdelay $0x1  }
0x129: {  	v16 =	vadd.f32 v16, v18;
	_ =	sdelay $0x1  }
0x12a: {  	[tilespmem:s13+$0xFFFFFFF0] =	vst v16  }
0x12b: {  	v21 =	vld [tilespmem:s20+$0x0]  }
.Ltmp1:
0x12c: {  	v19 =	vld [tilespmem:s15+$0x20];
	(pc) =	sbr.rel @p0 .LBB2_5-.Ltmp1, $4  }
0x12d: {  	v18 =	vld [tilespmem:s15+$0x0]  }
0x12e: {  	v22 =	vld [tilespmem:s15+$0x60]  }
0x12f: {  	v23 =	vld [tilespmem:s15+$0x50]  }
0x130: {  	s15 =	sadd.s32 $0x220, s15;
	v20 =	vperm.xlane v21, v0;
	v16 =	vperm.xlane v21, v1;
	v17 =	vld [tilespmem:s1+$0x70]  }
0x131: {  	v24 =	vperm.xlane v21, v2;
	v25 =	vld [tilespmem:s1+$0xE0];
	v26 =	vperm.xlane v21, v3  }
0x132: {  	v27 =	vperm.xlane v21, v5;
	v28 =	vld [tilespmem:s1+$0x80];
	v29 =	vperm.xlane v21, v4  }
0x133: {  	v30 =	vperm.xlane v21, v6;
	v31 =	vld [tilespmem:s1+$0xF0];
	v32 =	vperm.xlane v21, v7  }
0x134: {  	v48 =	vld [tilespmem:s1+$0xB0];
	v33 =	vperm.xlane v21, v8;
	v34 =	vperm.xlane v21, v15  }
0x135: {  	v49 =	vld [tilespmem:s1+$0xC0];
	v36 =	vperm.xlane v21, v9;
	v37 =	vperm.xlane v21, v10  }
0x136: {  	v35 =	vld [tilespmem:s1+$0x40];
	v38 =	vperm.xlane v21, v11;
	v40 =	vperm.xlane v21, v12  }
0x137: {  	v39 =	vld [tilespmem:s1+$0xD0];
	v52 =	vperm.xlane v21, v14;
	v54 =	vperm.xlane v21, v13  }
0x138: {  	v50 =	vld [tilespmem:s1+$0x30];
	v18 =	vmul.f32 v18, v20;
	v22 =	vmul.f32 v22, v30  }
0x139: {  	v51 =	vld [tilespmem:s1+$0xA0];
	v19 =	vmul.f32 v19, v24;
	v23 =	vmul.f32 v23, v27  }
0x13a: {  	v53 =	vld [tilespmem:s1+$0x90];
	v17 =	vmul.f32 v17, v32;
	v28 =	vmul.f32 v28, v33  }
0x13b: {  	v55 =	vld [tilespmem:s1+$0x10];
	v31 =	vmul.f32 v31, v34;
	v27 =	vmul.f32 v48, v38  }
0x13c: {  	v30 =	vmul.f32 v49, v40;
	v29 =	vmul.f32 v35, v29  }
0x13d: {  	v25 =	vmul.f32 v25, v52;
	v21 =	vmul.f32 v39, v54  }
0x13e: {  	v56 =	vmul.f32 v50, v26;
	v57 =	vmul.f32 v51, v37  }
0x13f: {  	v58 =	vmul.f32 v53, v36;
	v17 =	vadd.f32 v17, v22;
	v23 =	vadd.f32 v23, v29  }
0x140: {  	v16 =	vmul.f32 v55, v16;
	v25 =	vadd.f32 v31, v25;
	v21 =	vadd.f32 v21, v30  }
0x141: {  	v59 =	vld [tilespmem:s12+$0x10];
	v20 =	vadd.f32 v27, v57;
	v26 =	vadd.f32 v58, v28  }
0x142: {  	v19 =	vadd.f32 v56, v19;
	v16 =	vadd.f32 v16, v18  }
0x143: {  	v61 =	vld [tilespmem:s1+$0x100];
	v60 =	vadd.f32 v25, v21;
	v20 =	vadd.f32 v20, v26  }
0x144: {  	v16 =	vadd.f32 v19, v16;
	v17 =	vadd.f32 v17, v23;
	_ =	sdelay $0x1  }
0x145: {  	v62 =	vperm.xlane v59, v0;
	v16 =	vadd.f32 v17, v16;
	v17 =	vadd.f32 v60, v20;
	_ =	sdelay $0x1  }
0x146: {  	v63 =	vmul.f32 v61, v62;
	v16 =	vadd.f32 v17, v16;
	_ =	sdelay $0x1  }
0x147: {  	s0 =	sadd.s32 $0x1, s0;
	v16 =	vadd.f32 v16, v63  }
0x148: {  	p0 =	sne.s32 s0, $0x14  }
.Ltmp2:
0x149: {  	[tilespmem:s10+$0x0] =	vst v16;
	(pc) =	sbr.rel @p0 .LBB2_2-.Ltmp2, $4  }
0x14a: {  	[spmem:s2] =	stream.indirect.scatter.add.f32 [tilespmem:s29], [sflag:$0x3], $0x10, s25, s19, $0xb8;
	[tilespmem:$0x16200] =	vst v63  }
0x14b: {  	_ =	swait.ge [sflag:s18], $0x800  }
0x14c: {  	[sflag:s18] =	ssyncset.done $0x0  }
0x14d: {  	[sflag:s18] =	ssyncadd.s32 $0xFFFFF800  }
0x14e: {  	s31 =	sadd.s32 $0x1, s31  }
0x14f: {  	[bflag:$0x0] =	sbarrier.arrive $0xFFFF;
	p0 =	sne.s32 s31, s16  }
.Ltmp3:
0x150: {  	s0 =	rddreg [dreg:$0x7];
	(pc) =	sbr.rel @p0 .LBB2_1-.Ltmp3, $4  }
0x151: {  	[hbm:s0], [sflag:s11] =	dma.local [spmem:s17], $0x500  }
0x152: {  	_ =	swait.ge [sflag:s18], $0x500  }
0x153: {  	[sflag:s18] =	ssyncset.done $0x0  }
0x154: {  	[sflag:s18] =	ssyncadd.s32 $0xFFFFFB00  }
0x155: {  	_ =	sfence.sel $0x180000  }
0x156: {  	[bflag:$0x0] =	sbarrier.arrive $0xFFFF  }
0x157: {  	_ =	strace $0x9000004D  }
0x158: {  	s0 =	stileid.u32;
	[bflag:$0x2] =	sbarrier.arrive $0xFFFF  }
0x159: {  	p0 =	sne.s32 s0, $0x0;
	s0 =	rddreg [dreg:$0x2]  }
0x15a: {  	s0 =	sadd.s32 @!p0 $0x100000, s0  }
0x15b: {  	[sflag:s0] =	ssyncadd.tile.s32 @!p0 $0x1;
	_ =	shalt  }
.Lfunc_end2:
_tile_overlayer_lowered:
.L_overlay_start_2:
0x15c: {  	(tag) =	ssettag $0x2  }
0x15d: {  	s0 =	rddreg [dreg:$0x0];
	s2 =	stileid.u32  }
0x15e: {  	s1 =	rddreg [dreg:$0x1];
	p0 =	sne.s32 s2, $0x0  }
0x15f: {  	s3 =	rddreg [dreg:$0x2];
	[bflag:$0x3] =	sbarrier.arrive $0xFFFF;
	s2 =	simm.s32 @!p0 $0x1C03  }
0x160: {  	[timem:s3], [sflag:s2] =	dma.local @!p0 [hbm:s0], s1  }
0x161: {  	s0 =	simm.s32 @!p0 $0x3  }
0x162: {  	_ =	swait.ge @!p0 [sflag:s0], s1  }
0x163: {  	s1 =	ssub.s32 @!p0 $0x0, s1;
	[sflag:s0] =	ssyncset.done @!p0 $0x0  }
0x164: {  	[sflag:s0] =	ssyncadd.s32 @!p0 s1  }
0x165: {  	[bflag:$0x3] =	sbarrier.arrive $0xFFFF  }
0x166: {  	_ =	shalt  }

// kernel: kernel.9.cloned.1.call-start
scs
__scs_entry_jumppad:
0x0: {  	(pc) =	sbr.rel $0x88, $3  }
0x1: {  	(tag) =	ssettag $0x0;
	lr =	simm.s32 $0x1  }
0x2: {  	[smem:$0x3F89] =	sst lr;
	_ =	strace $0xD0000000  }
0x3: {  	_ = 	snop  }
0x4: {  	_ = 	snop  }
0x5: {  	_ = 	snop  }
0x6: {  	_ = 	snop  }
0x7: {  	_ = 	snop  }
__scs_overlays_trampoline_lowered:
0x8: {  	[smem:$0x3F98] =	sst s0  }
0x9: {  	[smem:$0x3F99] =	sst s1  }
0xa: {  	[smem:$0x3F9A] =	sst s2  }
0xb: {  	[smem:$0x3F9B] =	sst s3  }
0xc: {  	[smem:$0x3F9C] =	sst s4  }
0xd: {  	[smem:$0x3F9D] =	sst s5  }
0xe: {  	[smem:$0x3F9E] =	sst s6  }
0xf: {  	[smem:$0x3F9F] =	sst s7  }
0x10: {  	[smem:$0x3FA0] =	sst s8  }
0x11: {  	[smem:$0x3FA1] =	sst s9;
	s0 =	simm.s32 @!p0 $0x0  }
0x12: {  	s1 =	sld [smem:$0x3F87];
	s0 =	simm.s32 @p0 $0x1  }
0x13: {  	[smem:$0x3FA2] =	sst s0;
	s0 =	simm.s32 @!p1 $0x0  }
0x14: {  	s2 =	sld [smem:$0x3F86];
	s0 =	simm.s32 @p1 $0x1  }
0x15: {  	[smem:$0x3FA3] =	sst s0;
	s0 =	simm.s32 @!p2 $0x0  }
0x16: {  	s3 =	sld [smem:$0x3FDB];
	s0 =	simm.s32 @p2 $0x1  }
0x17: {  	s4 =	simm.s32 $0x1BF5;
	[smem:$0x3FA5] =	sst s0  }
0x18: {  	s0 =	sld [smem:$0x3F88];
	_ =	swait.ge [sflag:s4], $0x0  }
0x19: {  	s7 =	sld [smem:$0x3F89]  }
0x1a: {  	s8 =	sadd.s32 $0xFFFFE003, lr  }
0x1b: {  	s9 =	sadd.s32 $0xFFFFFEF7, lr;
	s5 =	simm.s32 $0xFFFFFFFF;
	p2 =	slt.u32 s8, $0xFFFFF086  }
0x1c: {  	p1 =	slt.u32 s9, $0xF7A;
	s5 =	simm.s32 @!p2 $0x0  }
0x1d: {  	s5 =	simm.s32 @p1 $0x1;
	p0 =	seq.s32 s7, s2  }
0x1e: {  	s7 =	smul.u32 @!p0 $0xF7A, s2;
	p2 =	seq.s32 @!p0 s5, $0x0  }
0x1f: {  	s9 =	smul.u32 $0xF7A, s1;
	s8 =	simm.s32 @!p0 $0x1BF5;
	p2 =	por !p2, p0  }
0x20: {  	[sflag:s8] =	ssyncset.s32 @!p0 $0xFFFFF086;
	s6 =	sadd.s32 @!p0 s3, s7;
	s7 =	simm.s32 @!p0 $0x108  }
0x21: {  	s3 =	sadd.s32 s3, s9;
	s6 =	sadd.s32 @!p0 $0x88, s6;
	s7 =	simm.s32 @p2 $0x1082  }
0x22: {  	[simem:s7], [sflag:s8] =	dma.local @!p0 [hbm:s6], $0xF7A  }
0x23: {  	s9 =	sor.u32 $0xD0000000, s2;
	s6 =	simm.s32 $0x108;
	_ =	swait.ge @!p0 [sflag:s8], $0x0  }
0x24: {  	s3 =	sadd.s32 $0x88, s3;
	s6 =	simm.s32 @!p1 $0x1082;
	[sflag:s4] =	ssyncset.s32 $0xFFFFF086  }
0x25: {  	[simem:s6], [sflag:s4] =	dma.local [hbm:s3], $0xF7A  }
0x26: {  	[smem:$0x3F89] =	sst s1;
	(tag) =	ssettag s2;
	_ =	strace s9  }
0x27: {  	s1 =	sld [smem:$0x3F99]  }
0x28: {  	s2 =	sld [smem:$0x3F9A]  }
0x29: {  	s4 =	sld [smem:$0x3F9C]  }
0x2a: {  	p0 =	seq.s32 s5, $0x0;
	s5 =	sld [smem:$0x3F9D]  }
0x2b: {  	s6 =	sld [smem:$0x3F9E]  }
0x2c: {  	s7 =	sld [smem:$0x3F9F]  }
0x2d: {  	s3 =	simm.s32 $0x108;
	s8 =	sld [smem:$0x3FA0]  }
0x2e: {  	s3 =	simm.s32 @!p0 $0x1082;
	s9 =	sld [smem:$0x3FA1]  }
0x2f: {  	lr =	sadd.s32 s0, s3;
	s0 =	sld [smem:$0x3F98]  }
0x30: {  	s3 =	sld [smem:$0x3F9B]  }
0x31: {  	[smem:$0x3FA4] =	sst s10  }
0x32: {  	s10 =	sld [smem:$0x3FA2];
	_ =	sdelay $0x3  }
0x33: {  	p0 =	seq.s32 s10, $0x1;
	s10 =	sld [smem:$0x3FA4];
	_ =	sdelay $0x3  }
0x34: {  	[smem:$0x3FA4] =	sst s10  }
0x35: {  	s10 =	sld [smem:$0x3FA3];
	_ =	sdelay $0x3  }
0x36: {  	p1 =	seq.s32 s10, $0x1;
	s10 =	sld [smem:$0x3FA4];
	_ =	sdelay $0x3  }
0x37: {  	[smem:$0x3FA4] =	sst s10  }
0x38: {  	s10 =	sld [smem:$0x3FA5]  }
0x39: {  	_ = 	snop;
	(pc) =	sbr.ind lr, $3  }
0x3a: {  	_ = 	snop  }
0x3b: {  	_ = 	snop  }
0x3c: {  	p2 =	seq.s32 s10, $0x1;
	s10 =	sld [smem:$0x3FA4]  }
0x3d: {  	_ =	shalt  }
0x3e: {  	_ =	shalt  }
0x3f: {  	_ =	shalt  }
0x40: {  	_ =	shalt  }
0x41: {  	_ =	shalt  }
0x42: {  	_ =	shalt  }
0x43: {  	_ =	shalt  }
0x44: {  	_ =	shalt  }
0x45: {  	_ =	shalt  }
0x46: {  	_ =	shalt  }
0x47: {  	_ =	shalt  }
0x48: {  	_ =	shalt  }
0x49: {  	_ =	shalt  }
0x4a: {  	_ =	shalt  }
0x4b: {  	_ =	shalt  }
0x4c: {  	_ =	shalt  }
0x4d: {  	_ =	shalt  }
0x4e: {  	_ =	shalt  }
0x4f: {  	_ =	shalt  }
0x50: {  	_ =	shalt  }
0x51: {  	_ =	shalt  }
0x52: {  	_ =	shalt  }
0x53: {  	_ =	shalt  }
0x54: {  	_ =	shalt  }
0x55: {  	_ =	shalt  }
0x56: {  	_ =	shalt  }
0x57: {  	_ =	shalt  }
0x58: {  	_ =	shalt  }
0x59: {  	_ =	shalt  }
0x5a: {  	_ =	shalt  }
0x5b: {  	_ =	shalt  }
0x5c: {  	_ =	shalt  }
0x5d: {  	_ =	shalt  }
0x5e: {  	_ =	shalt  }
0x5f: {  	_ =	shalt  }
0x60: {  	_ =	shalt  }
0x61: {  	_ =	shalt  }
0x62: {  	_ =	shalt  }
0x63: {  	_ =	shalt  }
0x64: {  	_ =	shalt  }
0x65: {  	_ =	shalt  }
0x66: {  	_ =	shalt  }
0x67: {  	_ =	shalt  }
0x68: {  	_ =	shalt  }
0x69: {  	_ =	shalt  }
0x6a: {  	_ =	shalt  }
0x6b: {  	_ =	shalt  }
0x6c: {  	_ =	shalt  }
0x6d: {  	_ =	shalt  }
0x6e: {  	_ =	shalt  }
0x6f: {  	_ =	shalt  }
0x70: {  	_ =	shalt  }
0x71: {  	_ =	shalt  }
0x72: {  	_ =	shalt  }
0x73: {  	_ =	shalt  }
0x74: {  	_ =	shalt  }
0x75: {  	_ =	shalt  }
0x76: {  	_ =	shalt  }
0x77: {  	_ =	shalt  }
0x78: {  	_ =	shalt  }
0x79: {  	_ =	shalt  }
0x7a: {  	_ =	shalt  }
0x7b: {  	_ =	shalt  }
0x7c: {  	_ =	shalt  }
0x7d: {  	_ =	shalt  }
0x7e: {  	_ =	shalt  }
0x7f: {  	_ =	shalt  }
0x80: {  	_ =	shalt  }
0x81: {  	_ =	shalt  }
0x82: {  	_ =	shalt  }
0x83: {  	_ =	shalt  }
0x84: {  	_ =	shalt  }
0x85: {  	_ =	shalt  }
0x86: {  	_ =	shalt  }
0x87: {  	_ =	shalt  }
.Lfunc_end0:
.L_simem_size_0:
called_computation_lowered:
.L_overlay_start_0:
0x88: {  	s2 =	sld [smem:$0x3FD9]  }
0x89: {  	s3 =	sld [smem:$0x3FFE];
	_ =	sdelay $0x1  }
0x8a: {  	s1 =	srdreg.scid  }
0x8b: {  	s0 =	sand.u32 $0x1, s1  }
0x8c: {  	s16 =	sshll.u32 s0, $0xA;
	s2 =	sadd.s32 s3, s2  }
0x8d: {  	s2 =	sadd.s32 s2, s16  }
0x8e: {  	[smem:$0x3FB0] =	sst s2  }
0x8f: {  	_ = 	snop  }
0x90: {  	(tm) =	ssettm $0x1  }
0x91: {  	s17 =	sld [smem:$0x3FFB];
	_ =	sdelay $0x3  }
0x92: {  	_ =	strace s17  }
0x93: {  	s2 =	sld [smem:$0x3FFC];
	_ =	sdelay $0x3  }
0x94: {  	_ =	strace s2  }
0x95: {  	s2 =	sld [smem:$0x3FFD];
	_ =	sdelay $0x3  }
0x96: {  	_ =	strace s2  }
0x97: {  	_ =	strace $0x8FFFFFFF  }
0x98: {  	s18 =	sld [smem:$0x3FDB];
	_ =	sdelay $0x1  }
0x99: {  	s19 =	simm.s32 $_scs_section_size  }
0x9a: {  	s4 =	simm.s32 $_size__tile_overlayer_lowered;
	s5 =	simm.s32 $_tile_overlayer_lowered  }
0x9b: {  	s22 =	simm.s32 $0x1BFF;
	s21 =	sshll.u32 s5, $0x1;
	s2 =	sadd.s32 s19, s18  }
0x9c: {  	s6 =	simm.s32 $0x0;
	s20 =	sshll.u32 s4, $0x1;
	s4 =	sadd.s32 s21, s2  }
0x9d: {  	[timem:s6], [sflag:s22] =	dma.local [hbm:s4], s20  }
0x9e: {  	_ =	swait.ge [sflag:s22], s20  }
0x9f: {  	s3 =	ssub.s32 $0x0, s20;
	[sflag:s22] =	ssyncset.done $0x0  }
0xa0: {  	[sflag:s22] =	ssyncadd.s32 s3;
	_ =	sdelay $0x1  }
0xa1: {  	s23 =	simm.s32 $0x1B8B  }
0xa2: {  	_ =	swait.ge [sflag:s23], $0x1  }
0xa3: {  	[sflag:s23] =	ssyncset.done $0x0  }
0xa4: {  	s25 =	simm.s32 $0x1B8E;
	s24 =	sld [smem:$0x3FFE];
	[sflag:s23] =	ssyncadd.s32 $0xFFFFFFFF  }
0xa5: {  	s26 =	simm.s32 $execute0_lowered;
	[smem:$0x3FD2] =	sst s25  }
0xa6: {  	s4 =	sshll.u32 s26, $0x1;
	_ =	strace $0x80000046;
	[dreg:$0x1] =	wrdreg $0xFFFFFFFF  }
0xa7: {  	s28 =	simm.s32 $_size_execute0_lowered;
	s2 =	sadd.s32 s2, s4;
	[dreg:$0x0] =	wrdreg $0x0  }
0xa8: {  	s4 =	sshll.u32 s28, $0x1;
	[dreg:$0x2] =	wrdreg s2  }
0xa9: {  	[dreg:$0x3] =	wrdreg s4  }
0xaa: {  	[dreg:$0x4] =	wrdreg $0xC0  }
0xab: {  	_ =	task [dreg:s6], $0x5FFFF  }
0xac: {  	[dreg:$0x1] =	wrdreg $0xFFFFFFFF  }
0xad: {  	[dreg:$0x0] =	wrdreg $0x60  }
0xae: {  	[dreg:$0x2] =	wrdreg s24  }
0xaf: {  	[dreg:$0x3] =	wrdreg $0x13A000  }
0xb0: {  	[dreg:$0x4] =	wrdreg $0x9  }
0xb1: {  	_ =	task.clear_ibuf [dreg:s6], $0x5FFFF;
	_ =	strace $0x90000046  }
0xb2: {  	s29 =	simm.s32 $0x9;
	_ =	strace $0x80000048  }
0xb3: {  	_ =	swait.ge [sflag:s29], $0x1  }
0xb4: {  	[sflag:s29] =	ssyncadd.s32 $0xFFFFFFFF  }
0xb5: {  	_ =	strace $0x90000048  }
0xb6: {  	_ =	sfence  }
0xb7: {  	s30 =	sld [smem:$0x0];
	_ =	sdelay $0x2  }
0xb8: {  	s31 =	sshll.u32 s1, $0xD;
	s1 =	sshrl.u32 s1, $0x2  }
0xb9: {  	s3 =	sand.u32 $0x4000, s31;
	s1 =	sadd.s32 s1, s30  }
0xba: {  	s0 =	sor.u32 s3, s0;
	s1 =	sshll.u32 s1, $0x11  }
0xbb: {  	s0 =	sor.u32 s1, s0  }
0xbc: {  	s0 =	sadd.s32 $0x8F2B, s0  }
0xbd: {  	[sflag:s0] =	ssyncadd.remote.s32 $0x1  }
0xbe: {  	_ =	sfence.sel $0xFFFF  }
0xbf: {  	[dreg:$0x0] =	wrdreg $0xFFFFFFFF;
	(pc) =	sbr.abs _section_cstart, $3  }
0xc0: {  	[dreg:$0x1] =	wrdreg $0xFFFFFFFF  }
0xc1: {  	_ =	task.clear_ibuf [dreg:s6], $0x2FFFF;
	_ =	strace $0x9FFFFFFF  }
0xc2: {  	(tm) =	ssettm $0x7FFFFFFF  }
0xc3: {  	_ =	shalt  }
tec
execute0_lowered:
.L_overlay_start_1:
0x0: {  	(tag) =	ssettag $0x1  }
0x1: {  	s0 =	rddreg [dreg:$0x0]  }
0x2: {  	s2 =	rddreg [dreg:$0x1];
	s3 =	simm.s32 $0x0  }
0x3: {  	s14 =	stileid.u32;
	s1 =	srdreg.scid;
	s18 =	simm.s32 $0x3  }
0x4: {  	s19 =	simm.s32 $0x80;
	s28 =	simm.s32 $0x1;
	s29 =	simm.s32 $0x13200  }
0x5: {  	s30 =	simm.s32 $0x2;
	s31 =	simm.s32 $0x0;
	[smem:$0x7FF] =	sst s3  }
0x6: {  	s9 =	smul.u32 $0x2800, s14;
	s1 =	sand.u32 $0x1, s1;
	s4 =	sadd.s32 $0xA1C00, s0  }
0x7: {  	s5 =	sadd.s32 $0xF4E00, s0;
	s6 =	sadd.s32 $0x5600, s0;
	s7 =	sadd.s32 $0xA600, s0  }
0x8: {  	s11 =	sshll.u32 s14, $0x1;
	s23 =	sshll.u32 s14, $0x6;
	_ =	strace $0x80000047  }
0x9: {  	s8 =	smul.u32 $0x28000, s1;
	s12 =	ssub.s32 $0x2, s1;
	s1 =	sor.u32 s1, s11  }
0xa: {  	s11 =	sor.u32 $0x1C03, s23;
	s23 =	simm.s32 $0x4;
	s10 =	sshrl.u32 s9, $0x3  }
0xb: {  	s21 =	sshrl.u32 s12, $0x1;
	s13 =	sadd.s32 s9, s2;
	s10 =	sadd.s32 s10, s0  }
0xc: {  	s8 =	sadd.s32 s9, s8;
	s12 =	ssub.s32 s12, s21;
	s9 =	smul.u32 $0x28000, s1  }
0xd: {  	s17 =	sshrl.u32 s13, $0x3;
	s8 =	sshrl.u32 s8, $0x3;
	s22 =	sadd.s32 $0xF600, s10  }
0xe: {  	v0 =	vimm.s32 $0x0;
	s0 =	sadd.s32 s8, s0;
	s8 =	smul.u32 $0x1400, s1;
	s26 =	sshrl.u32 s9, $0x3  }
0xf: {  	v1 =	vimm.s32 $0x1;
	v2 =	vimm.s32 $0x2;
	v3 =	vimm.s32 $0x3;
	s21 =	simm.s32 $0x100;
	[dreg:$0x3] =	wrdreg s22;
	s1 =	sadd.s32 s5, s26  }
0x10: {  	v4 =	vimm.s32 $0x4;
	v5 =	vimm.s32 $0x5;
	v6 =	vimm.s32 $0x6;
	s0 =	sadd.s32 $0x14600, s0;
	s24 =	sshrl.u32 s8, $0x3;
	[dreg:$0x6] =	wrdreg s1  }
0x11: {  	v7 =	vimm.s32 $0x7;
	v8 =	vimm.s32 $0x8;
	v9 =	vimm.s32 $0x9;
	s16 =	smax.u32 s12, $0x1;
	[dreg:$0x7] =	wrdreg s0;
	s25 =	sadd.s32 s6, s24  }
0x12: {  	v10 =	vimm.s32 $0xA;
	v11 =	vimm.s32 $0xB;
	v12 =	vimm.s32 $0xC;
	s26 =	simm.s32 $0x1200;
	s10 =	sadd.s32 s7, s24;
	[dreg:$0x4] =	wrdreg s25  }
0x13: {  	v13 =	vimm.s32 $0xD;
	v14 =	vimm.s32 $0xE;
	v15 =	vimm.s32 $0xF;
	s24 =	simm.s32 $0xAA00;
	[dreg:$0x5] =	wrdreg s10;
	s25 =	simm.s32 $0x180  }
.LBB2_1:
0x14: {  	s0 =	rddreg [dreg:$0x3]  }
0x15: {  	[spmem:s17], [sflag:s11] =	dma.local [hbm:s0], $0x500  }
0x16: {  	_ =	swait.ge [sflag:s18], $0x500  }
0x17: {  	[sflag:s18] =	ssyncset.done $0x0  }
0x18: {  	[sflag:s18] =	ssyncadd.s32 $0xFFFFFB00  }
0x19: {  	[bflag:$0x0] =	sbarrier.arrive $0xFFFF  }
0x1a: {  	s14 =	rddreg [dreg:$0x4]  }
0x1b: {  	[tilespmem:s3], [sflag:$0x3] =	stream.linear.gather [hbm4b:s14+s3], $0x80, $0x38;
	[tilespmem:$0x16200] =	vst v63  }
0x1c: {  	_ =	swait.ge [sflag:s18], $0x80  }
0x1d: {  	[sflag:s18] =	ssyncset.done $0x0  }
0x1e: {  	s15 =	simm.s32 $0x2200;
	[sflag:s18] =	ssyncadd.s32 $0xFFFFFF80  }
0x1f: {  	[tilespmem:s15], [sflag:$0x1] =	stream.indirect.gather [hbm4b:s4+s19], $0x110, s3, s19, $0xb8;
	[tilespmem:$0x16200] =	vst v63  }
0x20: {  	s20 =	rddreg [dreg:$0x5]  }
0x21: {  	[tilespmem:s21], [sflag:$0x1] =	stream.linear.gather [hbm4b:s20+s3], $0x80, $0x38;
	[tilespmem:$0x16200] =	vst v63  }
0x22: {  	s1 =	simm.s32 $0x200;
	s0 =	simm.s32 $0x0;
	s22 =	rddreg [dreg:$0x6]  }
0x23: {  	[tilespmem:s1], [sflag:$0x1] =	stream.linear.gather [hbm4b:s22+s3], $0x1000, $0x38;
	[tilespmem:$0x16200] =	vst v63  }
.LBB2_2:
0x24: {  	s1 =	sshllo.u32 s0, $0x1  }
0x25: {  	s10 =	sshll.u32 s1, $0x7  }
0x26: {  	s10 =	sadd.s32 s8, s10  }
0x27: {  	s10 =	sshrl.u32 s10, $0x3  }
0x28: {  	s12 =	sadd.s32 s6, s10  }
0x29: {  	[tilespmem:s19], [sflag:$0x4] =	stream.linear.gather [hbm4b:s12+s3], $0x80, $0x38;
	[tilespmem:$0x16200] =	vst v63  }
0x2a: {  	_ =	swait.ge [sflag:s23], $0x80  }
0x2b: {  	s1 =	sshll.u32 s1, $0xC;
	[sflag:s23] =	ssyncset.done $0x0  }
0x2c: {  	s1 =	sadd.s32 s9, s1;
	[sflag:s23] =	ssyncadd.s32 $0xFFFFFF80  }
0x2d: {  	[tilespmem:s24], [sflag:$0x2] =	stream.indirect.gather [hbm4b:s4+s19], $0x110, s19, s19, $0xb8;
	[tilespmem:$0x16200] =	vst v63  }
0x2e: {  	s1 =	sshrl.u32 s1, $0x3;
	s10 =	sadd.s32 s7, s10  }
0x2f: {  	[tilespmem:s25], [sflag:$0x2] =	stream.linear.gather [hbm4b:s10+s3], $0x80, $0x38;
	[tilespmem:$0x16200] =	vst v63  }
0x30: {  	s1 =	sadd.s32 s5, s1  }
0x31: {  	[tilespmem:s26], [sflag:$0x2] =	stream.linear.gather [hbm4b:s1+s3], $0x1000, $0x38;
	[tilespmem:$0x16200] =	vst v63  }
0x32: {  	_ =	swait.ge [sflag:s28], $0x8800  }
0x33: {  	[sflag:s28] =	ssyncset.done $0x0  }
0x34: {  	[sflag:s28] =	ssyncadd.s32 $0xFFFF7800  }
0x35: {  	_ =	swait.ge [sflag:s28], $0x80  }
0x36: {  	[sflag:s28] =	ssyncset.done $0x0  }
0x37: {  	[sflag:s28] =	ssyncadd.s32 $0xFFFFFF80  }
0x38: {  	_ =	swait.ge [sflag:s28], $0x1000  }
0x39: {  	[sflag:s28] =	ssyncset.done $0x0  }
0x3a: {  	s20 =	simm.s32 $0x220;
	[sflag:s28] =	ssyncadd.s32 $0xFFFFF000  }
0x3b: {  	s1 =	simm.s32 $0x2310;
	v17 =	vld [tilespmem:s20+$0xFFFFFFE0]  }
0x3c: {  	v18 =	vld [tilespmem:s1+$0xFFFFFFB0]  }
0x3d: {  	v19 =	vld [tilespmem:s1+$0xFFFFFEF0]  }
0x3e: {  	v20 =	vld [tilespmem:s1+$0xFFFFFF10]  }
0x3f: {  	v21 =	vld [tilespmem:s1+$0xFFFFFFA0]  }
0x40: {  	v23 =	vld [tilespmem:s1+$0xFFFFFF90];
	v22 =	vperm.xlane v17, v0  }
0x41: {  	v25 =	vld [tilespmem:s1+$0xFFFFFF00];
	v24 =	vperm.xlane v17, v15;
	v26 =	vperm.xlane v17, v2  }
0x42: {  	v28 =	vld [tilespmem:s1+$0xFFFFFFC0];
	v27 =	vperm.xlane v17, v10;
	v50 =	vperm.xlane v17, v6  }
0x43: {  	v29 =	vld [tilespmem:s1+$0xFFFFFFE0];
	v30 =	vperm.xlane v17, v1;
	v32 =	vperm.xlane v17, v7  }
0x44: {  	v31 =	vld [tilespmem:s1+$0xFFFFFF50];
	v51 =	vperm.xlane v17, v13;
	v35 =	vperm.xlane v17, v8  }
0x45: {  	v33 =	vld [tilespmem:s1+$0xFFFFFF70];
	v55 =	vperm.xlane v17, v9;
	v36 =	vperm.xlane v17, v3  }
0x46: {  	v52 =	vld [tilespmem:s1+$0xFFFFFF80];
	v57 =	vperm.xlane v17, v4;
	v59 =	vperm.xlane v17, v12  }
0x47: {  	v34 =	vld [tilespmem:s1+$0xFFFFFF60];
	v19 =	vmul.f32 v19, v22;
	v22 =	vperm.xlane v17, v11  }
0x48: {  	v56 =	vld [tilespmem:s1+$0xFFFFFF20];
	v20 =	vmul.f32 v20, v26;
	v23 =	vmul.f32 v23, v27  }
0x49: {  	v16 =	vld [tilespmem:s1+$0xFFFFFFD0];
	v25 =	vmul.f32 v25, v30;
	v27 =	vmul.f32 v28, v51  }
0x4a: {  	v54 =	vld [tilespmem:s1+$0xFFFFFF30];
	v24 =	vmul.f32 v29, v24;
	v26 =	vmul.f32 v31, v50  }
0x4b: {  	v53 =	vld [tilespmem:s1+$0xFFFFFF40];
	v33 =	vmul.f32 v33, v35;
	v30 =	vmul.f32 v52, v55  }
0x4c: {  	v58 =	vmul.f32 v34, v32;
	v18 =	vmul.f32 v18, v59  }
0x4d: {  	v61 =	vmul.f32 v56, v36;
	v21 =	vmul.f32 v21, v22  }
0x4e: {  	v22 =	vperm.xlane v17, v5;
	v19 =	vadd.f32 v25, v19;
	v17 =	vperm.xlane v17, v14  }
0x4f: {  	v60 =	vmul.f32 v54, v57;
	v18 =	vadd.f32 v27, v18;
	v20 =	vadd.f32 v61, v20  }
0x50: {  	v21 =	vadd.f32 v21, v23;
	v22 =	vmul.f32 v53, v22;
	v16 =	vmul.f32 v16, v17  }
0x51: {  	v62 =	vld [tilespmem:s20+$0xFFFFFFF0];
	v23 =	vadd.f32 v30, v33;
	v17 =	vadd.f32 v58, v26  }
0x52: {  	v22 =	vadd.f32 v22, v60;
	v16 =	vadd.f32 v24, v16  }
0x53: {  	v63 =	vld [tilespmem:s1+$0xFFFFFFF0];
	v19 =	vadd.f32 v20, v19;
	v21 =	vadd.f32 v21, v23  }
0x54: {  	v17 =	vadd.f32 v17, v22;
	v16 =	vadd.f32 v16, v18;
	_ =	sdelay $0x1  }
0x55: {  	v18 =	vperm.xlane v62, v0;
	v17 =	vadd.f32 v17, v19;
	v16 =	vadd.f32 v16, v21;
	_ =	sdelay $0x1  }
0x56: {  	v18 =	vmul.f32 v63, v18;
	v16 =	vadd.f32 v16, v17;
	_ =	sdelay $0x1  }
0x57: {  	v16 =	vadd.f32 v16, v18  }
0x58: {  	s13 =	simm.s32 $0x13210  }
0x59: {  	[tilespmem:s13+$0xFFFFFFF0] =	vst v16  }
0x5a: {  	v21 =	vld [tilespmem:s20+$0x0]  }
0x5b: {  	v19 =	vld [tilespmem:s1+$0x20]  }
0x5c: {  	v18 =	vld [tilespmem:s1+$0x0]  }
0x5d: {  	v22 =	vld [tilespmem:s1+$0x60]  }
0x5e: {  	s22 =	sshll.u32 s0, $0x1;
	s14 =	simm.s32 $0x0;
	v23 =	vld [tilespmem:s1+$0x50]  }
0x5f: {  	s15 =	simm.s32 $0x2530;
	s12 =	simm.s32 $0x220;
	s10 =	simm.s32 $0x13210;
	v17 =	vld [tilespmem:s1+$0x70];
	v20 =	vperm.xlane v21, v0;
	v16 =	vperm.xlane v21, v1  }
.LBB2_3:
0x60: {  	s14 =	sadd.s32 $0x2, s14;
	v24 =	vperm.xlane v21, v2;
	v25 =	vperm.xlane v21, v3;
	v26 =	vld [tilespmem:s1+$0xE0];
	s13 =	sadd.s32 $0x20, s13;
	s20 =	sadd.s32 $0x40, s20  }
0x61: {  	v27 =	vperm.xlane v21, v4;
	v28 =	vperm.xlane v21, v5;
	p0 =	slt.u32 s14, $0x7E;
	v29 =	vld [tilespmem:s1+$0x80]  }
0x62: {  	v30 =	vperm.xlane v21, v6;
	v31 =	vperm.xlane v21, v7;
	v32 =	vld [tilespmem:s1+$0xF0]  }
0x63: {  	v23 =	vmul.f32 v23, v28;
	v28 =	vperm.xlane v21, v8;
	v33 =	vld [tilespmem:s1+$0xB0]  }
0x64: {  	v34 =	vperm.xlane v21, v15;
	v22 =	vmul.f32 v22, v30;
	v30 =	vld [tilespmem:s1+$0xC0]  }
0x65: {  	v36 =	vperm.xlane v21, v9;
	v37 =	vperm.xlane v21, v10;
	v35 =	vld [tilespmem:s1+$0x40]  }
0x66: {  	v28 =	vmul.f32 v29, v28;
	v29 =	vperm.xlane v21, v11;
	v38 =	vld [tilespmem:s1+$0xD0]  }
0x67: {  	v40 =	vperm.xlane v21, v12;
	v39 =	vld [tilespmem:s1+$0x30];
	v32 =	vmul.f32 v32, v34  }
0x68: {  	v34 =	vld [tilespmem:s1+$0xA0];
	v29 =	vmul.f32 v33, v29;
	v33 =	vperm.xlane v21, v14  }
0x69: {  	v21 =	vperm.xlane v21, v13;
	v30 =	vmul.f32 v30, v40  }
0x6a: {  	v27 =	vmul.f32 v35, v27;
	v26 =	vmul.f32 v26, v33  }
0x6b: {  	v19 =	vmul.f32 v19, v24;
	v21 =	vmul.f32 v38, v21  }
0x6c: {  	v24 =	vmul.f32 v39, v25;
	v25 =	vld [tilespmem:s1+$0x90];
	v23 =	vadd.f32 v23, v27;
	v26 =	vadd.f32 v32, v26  }
0x6d: {  	v18 =	vmul.f32 v18, v20;
	v20 =	vld [tilespmem:s1+$0x10];
	v27 =	vmul.f32 v34, v37;
	v21 =	vadd.f32 v21, v30  }
0x6e: {  	v19 =	vadd.f32 v24, v19  }
0x6f: {  	v24 =	vadd.f32 v29, v27;
	v21 =	vadd.f32 v26, v21;
	_ =	sdelay $0x1  }
0x70: {  	v25 =	vmul.f32 v25, v36  }
0x71: {  	v17 =	vmul.f32 v17, v31;
	v16 =	vmul.f32 v20, v16  }
0x72: {  	v20 =	vld [tilespmem:s12+$0x10];
	v25 =	vadd.f32 v25, v28;
	s12 =	smov.u32 s20  }
0x73: {  	v17 =	vadd.f32 v17, v22;
	v16 =	vadd.f32 v16, v18  }
0x74: {  	v18 =	vld [tilespmem:s1+$0x100];
	v22 =	vadd.f32 v24, v25;
	s1 =	smov.u32 s15  }
0x75: {  	v17 =	vadd.f32 v17, v23;
	v16 =	vadd.f32 v19, v16;
	_ =	sdelay $0x1  }
0x76: {  	v19 =	vperm.xlane v20, v0;
	v16 =	vadd.f32 v17, v16;
	v17 =	vadd.f32 v21, v22;
	_ =	sdelay $0x1  }
0x77: {  	v18 =	vmul.f32 v18, v19;
	v16 =	vadd.f32 v17, v16;
	_ =	sdelay $0x1  }
0x78: {  	v16 =	vadd.f32 v16, v18;
	_ =	sdelay $0x1  }
0x79: {  	[tilespmem:s10+$0x0] =	vst v16;
	s10 =	smov.u32 s13;
	_ =	sdelay $0x1  }
0x7a: {  	v16 =	vld [tilespmem:s15+$0xFFFFFFD0]  }
0x7b: {  	v17 =	vld [tilespmem:s20+$0xFFFFFFE0]  }
0x7c: {  	v18 =	vld [tilespmem:s15+$0xFFFFFFB0]  }
0x7d: {  	v19 =	vld [tilespmem:s15+$0xFFFFFEF0]  }
0x7e: {  	v20 =	vld [tilespmem:s15+$0xFFFFFF10]  }
0x7f: {  	v21 =	vld [tilespmem:s15+$0xFFFFFFA0]  }
0x80: {  	v22 =	vperm.xlane v17, v0;
	v23 =	vld [tilespmem:s15+$0xFFFFFF90];
	v24 =	vperm.xlane v17, v15  }
0x81: {  	v26 =	vperm.xlane v17, v2;
	v27 =	vperm.xlane v17, v10;
	v25 =	vld [tilespmem:s15+$0xFFFFFF00]  }
0x82: {  	v19 =	vmul.f32 v19, v22;
	v22 =	vperm.xlane v17, v11;
	v28 =	vld [tilespmem:s15+$0xFFFFFFC0]  }
0x83: {  	v20 =	vmul.f32 v20, v26;
	v26 =	vperm.xlane v17, v6;
	v29 =	vld [tilespmem:s15+$0xFFFFFFE0]  }
0x84: {  	v30 =	vperm.xlane v17, v1;
	v32 =	vperm.xlane v17, v7;
	v31 =	vld [tilespmem:s15+$0xFFFFFF50]  }
0x85: {  	v33 =	vld [tilespmem:s15+$0xFFFFFF70];
	v23 =	vmul.f32 v23, v27;
	v27 =	vperm.xlane v17, v13  }
0x86: {  	v21 =	vmul.f32 v21, v22;
	v25 =	vmul.f32 v25, v30;
	v30 =	vld [tilespmem:s15+$0xFFFFFF80]  }
0x87: {  	v22 =	vperm.xlane v17, v5;
	v34 =	vld [tilespmem:s15+$0xFFFFFF60];
	v27 =	vmul.f32 v28, v27  }
0x88: {  	v35 =	vperm.xlane v17, v8;
	v28 =	vld [tilespmem:s15+$0xFFFFFF40];
	v24 =	vmul.f32 v29, v24;
	v19 =	vadd.f32 v25, v19  }
0x89: {  	v29 =	vperm.xlane v17, v9;
	v25 =	vld [tilespmem:s15+$0xFFFFFF30];
	v26 =	vmul.f32 v31, v26  }
0x8a: {  	v21 =	vadd.f32 v21, v23;
	v31 =	vperm.xlane v17, v3;
	v36 =	vld [tilespmem:s15+$0xFFFFFF20];
	v33 =	vmul.f32 v33, v35  }
0x8b: {  	v23 =	vperm.xlane v17, v4;
	v29 =	vmul.f32 v30, v29  }
0x8c: {  	v30 =	vmul.f32 v34, v32;
	v32 =	vperm.xlane v17, v12  }
0x8d: {  	v17 =	vperm.xlane v17, v14;
	v22 =	vmul.f32 v28, v22;
	v28 =	vadd.f32 v29, v33  }
0x8e: {  	v23 =	vmul.f32 v25, v23;
	v18 =	vmul.f32 v18, v32  }
0x8f: {  	v16 =	vmul.f32 v16, v17;
	v17 =	vadd.f32 v30, v26;
	v25 =	vmul.f32 v36, v31  }
0x90: {  	v26 =	vld [tilespmem:s20+$0xFFFFFFF0];
	v22 =	vadd.f32 v22, v23;
	v18 =	vadd.f32 v27, v18  }
0x91: {  	v16 =	vadd.f32 v24, v16;
	v20 =	vadd.f32 v25, v20  }
0x92: {  	v21 =	vadd.f32 v21, v28;
	v23 =	vld [tilespmem:s15+$0xFFFFFFF0];
	v17 =	vadd.f32 v17, v22  }
0x93: {  	v16 =	vadd.f32 v16, v18;
	v19 =	vadd.f32 v20, v19;
	_ =	sdelay $0x1  }
0x94: {  	v16 =	vadd.f32 v16, v21;
	v18 =	vperm.xlane v26, v0;
	v17 =	vadd.f32 v17, v19;
	_ =	sdelay $0x1  }
0x95: {  	v18 =	vmul.f32 v23, v18;
	v16 =	vadd.f32 v16, v17;
	_ =	sdelay $0x1  }
0x96: {  	v16 =	vadd.f32 v16, v18;
	_ =	sdelay $0x1  }
0x97: {  	[tilespmem:s13+$0xFFFFFFF0] =	vst v16  }
0x98: {  	v21 =	vld [tilespmem:s20+$0x0]  }
.Ltmp0:
0x99: {  	v19 =	vld [tilespmem:s15+$0x20];
	(pc) =	sbr.rel @p0 .LBB2_3-.Ltmp0, $4  }
0x9a: {  	v18 =	vld [tilespmem:s15+$0x0]  }
0x9b: {  	v22 =	vld [tilespmem:s15+$0x60]  }
0x9c: {  	v23 =	vld [tilespmem:s15+$0x50]  }
0x9d: {  	s15 =	sadd.s32 $0x220, s15;
	v20 =	vperm.xlane v21, v0;
	v16 =	vperm.xlane v21, v1;
	v17 =	vld [tilespmem:s1+$0x70]  }
0x9e: {  	v24 =	vperm.xlane v21, v2;
	v25 =	vld [tilespmem:s1+$0xE0];
	v26 =	vperm.xlane v21, v3  }
0x9f: {  	v27 =	vperm.xlane v21, v5;
	v28 =	vld [tilespmem:s1+$0x80];
	v29 =	vperm.xlane v21, v4  }
0xa0: {  	v30 =	vperm.xlane v21, v6;
	v31 =	vld [tilespmem:s1+$0xF0];
	v32 =	vperm.xlane v21, v7  }
0xa1: {  	v57 =	vld [tilespmem:s1+$0xB0];
	v33 =	vperm.xlane v21, v8;
	v34 =	vperm.xlane v21, v15  }
0xa2: {  	v58 =	vld [tilespmem:s1+$0xC0];
	v36 =	vperm.xlane v21, v9;
	v37 =	vperm.xlane v21, v10  }
0xa3: {  	v35 =	vld [tilespmem:s1+$0x40];
	v38 =	vperm.xlane v21, v11;
	v40 =	vperm.xlane v21, v12  }
0xa4: {  	v39 =	vld [tilespmem:s1+$0xD0];
	v61 =	vperm.xlane v21, v14;
	v21 =	vperm.xlane v21, v13  }
0xa5: {  	v59 =	vld [tilespmem:s1+$0x30];
	v18 =	vmul.f32 v18, v20;
	v22 =	vmul.f32 v22, v30  }
0xa6: {  	v60 =	vld [tilespmem:s1+$0xA0];
	v19 =	vmul.f32 v19, v24;
	v23 =	vmul.f32 v23, v27  }
0xa7: {  	v62 =	vld [tilespmem:s1+$0x90];
	v17 =	vmul.f32 v17, v32;
	v28 =	vmul.f32 v28, v33  }
0xa8: {  	v63 =	vld [tilespmem:s1+$0x10];
	v31 =	vmul.f32 v31, v34;
	v27 =	vmul.f32 v57, v38  }
0xa9: {  	v30 =	vmul.f32 v58, v40;
	v29 =	vmul.f32 v35, v29  }
0xaa: {  	v25 =	vmul.f32 v25, v61;
	v21 =	vmul.f32 v39, v21  }
0xab: {  	v33 =	vmul.f32 v59, v26;
	v20 =	vmul.f32 v60, v37  }
0xac: {  	v34 =	vmul.f32 v62, v36;
	v17 =	vadd.f32 v17, v22;
	v23 =	vadd.f32 v23, v29  }
0xad: {  	v16 =	vmul.f32 v63, v16;
	v25 =	vadd.f32 v31, v25;
	v21 =	vadd.f32 v21, v30  }
0xae: {  	v36 =	vld [tilespmem:s12+$0x10];
	v20 =	vadd.f32 v27, v20;
	v26 =	vadd.f32 v34, v28  }
0xaf: {  	v19 =	vadd.f32 v33, v19;
	v16 =	vadd.f32 v16, v18  }
0xb0: {  	v18 =	vadd.f32 v25, v21;
	v21 =	vld [tilespmem:s1+$0x100];
	v20 =	vadd.f32 v20, v26  }
0xb1: {  	v16 =	vadd.f32 v19, v16;
	v17 =	vadd.f32 v17, v23;
	_ =	sdelay $0x1  }
0xb2: {  	v19 =	vperm.xlane v36, v0;
	v16 =	vadd.f32 v17, v16;
	v17 =	vadd.f32 v18, v20;
	_ =	sdelay $0x1  }
0xb3: {  	v16 =	vadd.f32 v17, v16;
	v18 =	vmul.f32 v21, v19;
	_ =	sdelay $0x1  }
0xb4: {  	p0 =	seq.s32 s0, $0x13;
	v16 =	vadd.f32 v16, v18  }
0xb5: {  	s1 =	sadd.s32 @!p0 $0x2, s22  }
0xb6: {  	[tilespmem:s10+$0x0] =	vst v16;
	s10 =	sshll.u32 @!p0 s1, $0x7  }
0xb7: {  	[spmem:s2] =	stream.indirect.scatter.add.f32 [tilespmem:s29], [sflag:$0x4], $0x10, s21, s19, $0xb8;
	[tilespmem:$0x16200] =	vst v63  }
0xb8: {  	s10 =	sadd.s32 @!p0 s8, s10;
	_ =	swait.ge [sflag:s23], $0x800  }
0xb9: {  	s10 =	sshrl.u32 @!p0 s10, $0x3;
	[sflag:s23] =	ssyncset.done $0x0  }
0xba: {  	s13 =	simm.s32 @!p0 $0x0;
	s12 =	sadd.s32 @!p0 s6, s10;
	[sflag:s23] =	ssyncadd.s32 $0xFFFFF800  }
0xbb: {  	[tilespmem:s13], [sflag:$0x4] =	stream.linear.gather @!p0 [hbm4b:s12+s13], $0x80, $0x38;
	[tilespmem:$0x16200] =	vst v63  }
0xbc: {  	s12 =	simm.s32 @!p0 $0x4  }
0xbd: {  	_ =	swait.ge @!p0 [sflag:s12], $0x80  }
0xbe: {  	s14 =	simm.s32 @!p0 $0x2200;
	s1 =	sshll.u32 @!p0 s1, $0xC;
	[sflag:s12] =	ssyncset.done @!p0 $0x0  }
0xbf: {  	s1 =	sadd.s32 @!p0 s9, s1;
	[sflag:s12] =	ssyncadd.s32 @!p0 $0xFFFFFF80;
	s12 =	simm.s32 @!p0 $0x80  }
0xc0: {  	[tilespmem:s14], [sflag:$0x1] =	stream.indirect.gather @!p0 [hbm4b:s4+s12], $0x110, s13, s12, $0xb8;
	[tilespmem:$0x16200] =	vst v63  }
0xc1: {  	s1 =	sshrl.u32 @!p0 s1, $0x3;
	s10 =	sadd.s32 @!p0 s7, s10;
	s12 =	simm.s32 @!p0 $0x100  }
0xc2: {  	[tilespmem:s12], [sflag:$0x1] =	stream.linear.gather @!p0 [hbm4b:s10+s13], $0x80, $0x38;
	[tilespmem:$0x16200] =	vst v63  }
0xc3: {  	s1 =	sadd.s32 @!p0 s5, s1;
	s10 =	simm.s32 @!p0 $0x200  }
0xc4: {  	[tilespmem:s10], [sflag:$0x1] =	stream.linear.gather @!p0 [hbm4b:s1+s13], $0x1000, $0x38;
	[tilespmem:$0x16200] =	vst v63  }
0xc5: {  	_ =	swait.ge [sflag:s30], $0x8800  }
0xc6: {  	[sflag:s30] =	ssyncset.done $0x0  }
0xc7: {  	[sflag:s30] =	ssyncadd.s32 $0xFFFF7800  }
0xc8: {  	_ =	swait.ge [sflag:s30], $0x80  }
0xc9: {  	[sflag:s30] =	ssyncset.done $0x0  }
0xca: {  	[sflag:s30] =	ssyncadd.s32 $0xFFFFFF80  }
0xcb: {  	_ =	swait.ge [sflag:s30], $0x1000  }
0xcc: {  	[sflag:s30] =	ssyncset.done $0x0  }
0xcd: {  	s20 =	simm.s32 $0x1220;
	[sflag:s30] =	ssyncadd.s32 $0xFFFFF000  }
0xce: {  	s1 =	simm.s32 $0xAB10;
	v17 =	vld [tilespmem:s20+$0xFFFFFFE0]  }
0xcf: {  	v18 =	vld [tilespmem:s1+$0xFFFFFFB0]  }
0xd0: {  	v19 =	vld [tilespmem:s1+$0xFFFFFEF0]  }
0xd1: {  	v20 =	vld [tilespmem:s1+$0xFFFFFF10]  }
0xd2: {  	v21 =	vld [tilespmem:s1+$0xFFFFFFA0]  }
0xd3: {  	v23 =	vld [tilespmem:s1+$0xFFFFFF90];
	v22 =	vperm.xlane v17, v0  }
0xd4: {  	v38 =	vld [tilespmem:s1+$0xFFFFFF00];
	v37 =	vperm.xlane v17, v15;
	v39 =	vperm.xlane v17, v2  }
0xd5: {  	v41 =	vld [tilespmem:s1+$0xFFFFFFC0];
	v40 =	vperm.xlane v17, v10;
	v42 =	vperm.xlane v17, v6  }
0xd6: {  	v43 =	vld [tilespmem:s1+$0xFFFFFFE0];
	v44 =	vperm.xlane v17, v1;
	v46 =	vperm.xlane v17, v7  }
0xd7: {  	v45 =	vld [tilespmem:s1+$0xFFFFFF50];
	v48 =	vperm.xlane v17, v13;
	v52 =	vperm.xlane v17, v8  }
0xd8: {  	v47 =	vld [tilespmem:s1+$0xFFFFFF70];
	v54 =	vperm.xlane v17, v9;
	v55 =	vperm.xlane v17, v3  }
0xd9: {  	v49 =	vld [tilespmem:s1+$0xFFFFFF80];
	v57 =	vperm.xlane v17, v4;
	v59 =	vperm.xlane v17, v12  }
0xda: {  	v50 =	vld [tilespmem:s1+$0xFFFFFF60];
	v19 =	vmul.f32 v19, v22;
	v22 =	vperm.xlane v17, v11  }
0xdb: {  	v56 =	vld [tilespmem:s1+$0xFFFFFF20];
	v20 =	vmul.f32 v20, v39;
	v23 =	vmul.f32 v23, v40  }
0xdc: {  	v16 =	vld [tilespmem:s1+$0xFFFFFFD0];
	v25 =	vmul.f32 v38, v44;
	v27 =	vmul.f32 v41, v48  }
0xdd: {  	v53 =	vld [tilespmem:s1+$0xFFFFFF30];
	v24 =	vmul.f32 v43, v37;
	v26 =	vmul.f32 v45, v42  }
0xde: {  	v51 =	vld [tilespmem:s1+$0xFFFFFF40];
	v33 =	vmul.f32 v47, v52;
	v30 =	vmul.f32 v49, v54  }
0xdf: {  	v58 =	vmul.f32 v50, v46;
	v18 =	vmul.f32 v18, v59  }
0xe0: {  	v61 =	vmul.f32 v56, v55;
	v21 =	vmul.f32 v21, v22  }
0xe1: {  	v22 =	vperm.xlane v17, v5;
	v19 =	vadd.f32 v25, v19;
	v17 =	vperm.xlane v17, v14  }
0xe2: {  	v60 =	vmul.f32 v53, v57;
	v18 =	vadd.f32 v27, v18;
	v20 =	vadd.f32 v61, v20  }
0xe3: {  	v21 =	vadd.f32 v21, v23;
	v22 =	vmul.f32 v51, v22;
	v16 =	vmul.f32 v16, v17  }
0xe4: {  	v62 =	vld [tilespmem:s20+$0xFFFFFFF0];
	v23 =	vadd.f32 v30, v33;
	v17 =	vadd.f32 v58, v26  }
0xe5: {  	v22 =	vadd.f32 v22, v60;
	v16 =	vadd.f32 v24, v16  }
0xe6: {  	v63 =	vld [tilespmem:s1+$0xFFFFFFF0];
	v19 =	vadd.f32 v20, v19;
	v21 =	vadd.f32 v21, v23  }
0xe7: {  	v17 =	vadd.f32 v17, v22;
	v16 =	vadd.f32 v16, v18;
	_ =	sdelay $0x1  }
0xe8: {  	v18 =	vperm.xlane v62, v0;
	v17 =	vadd.f32 v17, v19;
	v16 =	vadd.f32 v16, v21;
	_ =	sdelay $0x1  }
0xe9: {  	v18 =	vmul.f32 v63, v18;
	v16 =	vadd.f32 v16, v17;
	_ =	sdelay $0x1  }
0xea: {  	v16 =	vadd.f32 v16, v18  }
0xeb: {  	s13 =	simm.s32 $0x13210  }
0xec: {  	[tilespmem:s13+$0xFFFFFFF0] =	vst v16  }
0xed: {  	v21 =	vld [tilespmem:s20+$0x0]  }
0xee: {  	v19 =	vld [tilespmem:s1+$0x20]  }
0xef: {  	v18 =	vld [tilespmem:s1+$0x0]  }
0xf0: {  	v22 =	vld [tilespmem:s1+$0x60]  }
0xf1: {  	s15 =	simm.s32 $0xAD30;
	v23 =	vld [tilespmem:s1+$0x50]  }
0xf2: {  	s14 =	simm.s32 $0x0;
	s12 =	simm.s32 $0x1220;
	s10 =	simm.s32 $0x13210;
	v17 =	vld [tilespmem:s1+$0x70];
	v20 =	vperm.xlane v21, v0;
	v16 =	vperm.xlane v21, v1  }
.LBB2_5:
0xf3: {  	s14 =	sadd.s32 $0x2, s14;
	v24 =	vperm.xlane v21, v2;
	v25 =	vperm.xlane v21, v3;
	v26 =	vld [tilespmem:s1+$0xE0];
	s13 =	sadd.s32 $0x20, s13;
	s20 =	sadd.s32 $0x40, s20  }
0xf4: {  	v27 =	vperm.xlane v21, v4;
	v28 =	vperm.xlane v21, v5;
	p0 =	slt.u32 s14, $0x7E;
	v29 =	vld [tilespmem:s1+$0x80]  }
0xf5: {  	v30 =	vperm.xlane v21, v6;
	v31 =	vperm.xlane v21, v7;
	v32 =	vld [tilespmem:s1+$0xF0]  }
0xf6: {  	v23 =	vmul.f32 v23, v28;
	v28 =	vperm.xlane v21, v8;
	v33 =	vld [tilespmem:s1+$0xB0]  }
0xf7: {  	v34 =	vperm.xlane v21, v15;
	v22 =	vmul.f32 v22, v30;
	v30 =	vld [tilespmem:s1+$0xC0]  }
0xf8: {  	v36 =	vperm.xlane v21, v9;
	v37 =	vperm.xlane v21, v10;
	v35 =	vld [tilespmem:s1+$0x40]  }
0xf9: {  	v28 =	vmul.f32 v29, v28;
	v29 =	vperm.xlane v21, v11;
	v38 =	vld [tilespmem:s1+$0xD0]  }
0xfa: {  	v40 =	vperm.xlane v21, v12;
	v39 =	vld [tilespmem:s1+$0x30];
	v32 =	vmul.f32 v32, v34  }
0xfb: {  	v34 =	vld [tilespmem:s1+$0xA0];
	v29 =	vmul.f32 v33, v29;
	v33 =	vperm.xlane v21, v14  }
0xfc: {  	v21 =	vperm.xlane v21, v13;
	v30 =	vmul.f32 v30, v40  }
0xfd: {  	v27 =	vmul.f32 v35, v27;
	v26 =	vmul.f32 v26, v33  }
0xfe: {  	v19 =	vmul.f32 v19, v24;
	v21 =	vmul.f32 v38, v21  }
0xff: {  	v24 =	vmul.f32 v39, v25;
	v25 =	vld [tilespmem:s1+$0x90];
	v23 =	vadd.f32 v23, v27;
	v26 =	vadd.f32 v32, v26  }
0x100: {  	v18 =	vmul.f32 v18, v20;
	v20 =	vld [tilespmem:s1+$0x10];
	v27 =	vmul.f32 v34, v37;
	v21 =	vadd.f32 v21, v30  }
0x101: {  	v19 =	vadd.f32 v24, v19  }
0x102: {  	v24 =	vadd.f32 v29, v27;
	v21 =	vadd.f32 v26, v21;
	_ =	sdelay $0x1  }
0x103: {  	v25 =	vmul.f32 v25, v36  }
0x104: {  	v17 =	vmul.f32 v17, v31;
	v16 =	vmul.f32 v20, v16  }
0x105: {  	v20 =	vld [tilespmem:s12+$0x10];
	v25 =	vadd.f32 v25, v28;
	s12 =	smov.u32 s20  }
0x106: {  	v17 =	vadd.f32 v17, v22;
	v16 =	vadd.f32 v16, v18  }
0x107: {  	v18 =	vld [tilespmem:s1+$0x100];
	v22 =	vadd.f32 v24, v25;
	s1 =	smov.u32 s15  }
0x108: {  	v17 =	vadd.f32 v17, v23;
	v16 =	vadd.f32 v19, v16;
	_ =	sdelay $0x1  }
0x109: {  	v19 =	vperm.xlane v20, v0;
	v16 =	vadd.f32 v17, v16;
	v17 =	vadd.f32 v21, v22;
	_ =	sdelay $0x1  }
0x10a: {  	v18 =	vmul.f32 v18, v19;
	v16 =	vadd.f32 v17, v16;
	_ =	sdelay $0x1  }
0x10b: {  	v16 =	vadd.f32 v16, v18;
	_ =	sdelay $0x1  }
0x10c: {  	[tilespmem:s10+$0x0] =	vst v16;
	s10 =	smov.u32 s13;
	_ =	sdelay $0x1  }
0x10d: {  	v16 =	vld [tilespmem:s15+$0xFFFFFFD0]  }
0x10e: {  	v17 =	vld [tilespmem:s20+$0xFFFFFFE0]  }
0x10f: {  	v18 =	vld [tilespmem:s15+$0xFFFFFFB0]  }
0x110: {  	v19 =	vld [tilespmem:s15+$0xFFFFFEF0]  }
0x111: {  	v20 =	vld [tilespmem:s15+$0xFFFFFF10]  }
0x112: {  	v21 =	vld [tilespmem:s15+$0xFFFFFFA0]  }
0x113: {  	v22 =	vperm.xlane v17, v0;
	v23 =	vld [tilespmem:s15+$0xFFFFFF90];
	v24 =	vperm.xlane v17, v15  }
0x114: {  	v26 =	vperm.xlane v17, v2;
	v27 =	vperm.xlane v17, v10;
	v25 =	vld [tilespmem:s15+$0xFFFFFF00]  }
0x115: {  	v19 =	vmul.f32 v19, v22;
	v22 =	vperm.xlane v17, v11;
	v28 =	vld [tilespmem:s15+$0xFFFFFFC0]  }
0x116: {  	v20 =	vmul.f32 v20, v26;
	v26 =	vperm.xlane v17, v6;
	v29 =	vld [tilespmem:s15+$0xFFFFFFE0]  }
0x117: {  	v30 =	vperm.xlane v17, v1;
	v32 =	vperm.xlane v17, v7;
	v31 =	vld [tilespmem:s15+$0xFFFFFF50]  }
0x118: {  	v33 =	vld [tilespmem:s15+$0xFFFFFF70];
	v23 =	vmul.f32 v23, v27;
	v27 =	vperm.xlane v17, v13  }
0x119: {  	v21 =	vmul.f32 v21, v22;
	v25 =	vmul.f32 v25, v30;
	v30 =	vld [tilespmem:s15+$0xFFFFFF80]  }
0x11a: {  	v22 =	vperm.xlane v17, v5;
	v34 =	vld [tilespmem:s15+$0xFFFFFF60];
	v27 =	vmul.f32 v28, v27  }
0x11b: {  	v35 =	vperm.xlane v17, v8;
	v28 =	vld [tilespmem:s15+$0xFFFFFF40];
	v24 =	vmul.f32 v29, v24;
	v19 =	vadd.f32 v25, v19  }
0x11c: {  	v29 =	vperm.xlane v17, v9;
	v25 =	vld [tilespmem:s15+$0xFFFFFF30];
	v26 =	vmul.f32 v31, v26  }
0x11d: {  	v21 =	vadd.f32 v21, v23;
	v31 =	vperm.xlane v17, v3;
	v36 =	vld [tilespmem:s15+$0xFFFFFF20];
	v33 =	vmul.f32 v33, v35  }
0x11e: {  	v23 =	vperm.xlane v17, v4;
	v29 =	vmul.f32 v30, v29  }
0x11f: {  	v30 =	vmul.f32 v34, v32;
	v32 =	vperm.xlane v17, v12  }
0x120: {  	v17 =	vperm.xlane v17, v14;
	v22 =	vmul.f32 v28, v22;
	v28 =	vadd.f32 v29, v33  }
0x121: {  	v23 =	vmul.f32 v25, v23;
	v18 =	vmul.f32 v18, v32  }
0x122: {  	v16 =	vmul.f32 v16, v17;
	v17 =	vadd.f32 v30, v26;
	v25 =	vmul.f32 v36, v31  }
0x123: {  	v26 =	vld [tilespmem:s20+$0xFFFFFFF0];
	v22 =	vadd.f32 v22, v23;
	v18 =	vadd.f32 v27, v18  }
0x124: {  	v16 =	vadd.f32 v24, v16;
	v20 =	vadd.f32 v25, v20  }
0x125: {  	v21 =	vadd.f32 v21, v28;
	v23 =	vld [tilespmem:s15+$0xFFFFFFF0];
	v17 =	vadd.f32 v17, v22  }
0x126: {  	v16 =	vadd.f32 v16, v18;
	v19 =	vadd.f32 v20, v19;
	_ =	sdelay $0x1  }
0x127: {  	v16 =	vadd.f32 v16, v21;
	v18 =	vperm.xlane v26, v0;
	v17 =	vadd.f32 v17, v19;
	_ =	sdelay $0x1  }
0x128: {  	v18 =	vmul.f32 v23, v18;
	v16 =	vadd.f32 v16, v17;
	_ =	sdelay $0x1  }
0x129: {  	v16 =	vadd.f32 v16, v18;
	_ =	sdelay $0x1  }
0x12a: {  	[tilespmem:s13+$0xFFFFFFF0] =	vst v16  }
0x12b: {  	v21 =	vld [tilespmem:s20+$0x0]  }
.Ltmp1:
0x12c: {  	v19 =	vld [tilespmem:s15+$0x20];
	(pc) =	sbr.rel @p0 .LBB2_5-.Ltmp1, $4  }
0x12d: {  	v18 =	vld [tilespmem:s15+$0x0]  }
0x12e: {  	v22 =	vld [tilespmem:s15+$0x60]  }
0x12f: {  	v23 =	vld [tilespmem:s15+$0x50]  }
0x130: {  	s15 =	sadd.s32 $0x220, s15;
	v20 =	vperm.xlane v21, v0;
	v16 =	vperm.xlane v21, v1;
	v17 =	vld [tilespmem:s1+$0x70]  }
0x131: {  	v24 =	vperm.xlane v21, v2;
	v25 =	vld [tilespmem:s1+$0xE0];
	v26 =	vperm.xlane v21, v3  }
0x132: {  	v27 =	vperm.xlane v21, v5;
	v28 =	vld [tilespmem:s1+$0x80];
	v29 =	vperm.xlane v21, v4  }
0x133: {  	v30 =	vperm.xlane v21, v6;
	v31 =	vld [tilespmem:s1+$0xF0];
	v32 =	vperm.xlane v21, v7  }
0x134: {  	v48 =	vld [tilespmem:s1+$0xB0];
	v33 =	vperm.xlane v21, v8;
	v34 =	vperm.xlane v21, v15  }
0x135: {  	v49 =	vld [tilespmem:s1+$0xC0];
	v36 =	vperm.xlane v21, v9;
	v37 =	vperm.xlane v21, v10  }
0x136: {  	v35 =	vld [tilespmem:s1+$0x40];
	v38 =	vperm.xlane v21, v11;
	v40 =	vperm.xlane v21, v12  }
0x137: {  	v39 =	vld [tilespmem:s1+$0xD0];
	v52 =	vperm.xlane v21, v14;
	v54 =	vperm.xlane v21, v13  }
0x138: {  	v50 =	vld [tilespmem:s1+$0x30];
	v18 =	vmul.f32 v18, v20;
	v22 =	vmul.f32 v22, v30  }
0x139: {  	v51 =	vld [tilespmem:s1+$0xA0];
	v19 =	vmul.f32 v19, v24;
	v23 =	vmul.f32 v23, v27  }
0x13a: {  	v53 =	vld [tilespmem:s1+$0x90];
	v17 =	vmul.f32 v17, v32;
	v28 =	vmul.f32 v28, v33  }
0x13b: {  	v55 =	vld [tilespmem:s1+$0x10];
	v31 =	vmul.f32 v31, v34;
	v27 =	vmul.f32 v48, v38  }
0x13c: {  	v30 =	vmul.f32 v49, v40;
	v29 =	vmul.f32 v35, v29  }
0x13d: {  	v25 =	vmul.f32 v25, v52;
	v21 =	vmul.f32 v39, v54  }
0x13e: {  	v56 =	vmul.f32 v50, v26;
	v57 =	vmul.f32 v51, v37  }
0x13f: {  	v58 =	vmul.f32 v53, v36;
	v17 =	vadd.f32 v17, v22;
	v23 =	vadd.f32 v23, v29  }
0x140: {  	v16 =	vmul.f32 v55, v16;
	v25 =	vadd.f32 v31, v25;
	v21 =	vadd.f32 v21, v30  }
0x141: {  	v59 =	vld [tilespmem:s12+$0x10];
	v20 =	vadd.f32 v27, v57;
	v26 =	vadd.f32 v58, v28  }
0x142: {  	v19 =	vadd.f32 v56, v19;
	v16 =	vadd.f32 v16, v18  }
0x143: {  	v61 =	vld [tilespmem:s1+$0x100];
	v60 =	vadd.f32 v25, v21;
	v20 =	vadd.f32 v20, v26  }
0x144: {  	v16 =	vadd.f32 v19, v16;
	v17 =	vadd.f32 v17, v23;
	_ =	sdelay $0x1  }
0x145: {  	v62 =	vperm.xlane v59, v0;
	v16 =	vadd.f32 v17, v16;
	v17 =	vadd.f32 v60, v20;
	_ =	sdelay $0x1  }
0x146: {  	v63 =	vmul.f32 v61, v62;
	v16 =	vadd.f32 v17, v16;
	_ =	sdelay $0x1  }
0x147: {  	s0 =	sadd.s32 $0x1, s0;
	v16 =	vadd.f32 v16, v63  }
0x148: {  	p0 =	sne.s32 s0, $0x14  }
.Ltmp2:
0x149: {  	[tilespmem:s10+$0x0] =	vst v16;
	(pc) =	sbr.rel @p0 .LBB2_2-.Ltmp2, $4  }
0x14a: {  	[spmem:s2] =	stream.indirect.scatter.add.f32 [tilespmem:s29], [sflag:$0x3], $0x10, s25, s19, $0xb8;
	[tilespmem:$0x16200] =	vst v63  }
0x14b: {  	_ =	swait.ge [sflag:s18], $0x800  }
0x14c: {  	[sflag:s18] =	ssyncset.done $0x0  }
0x14d: {  	[sflag:s18] =	ssyncadd.s32 $0xFFFFF800  }
0x14e: {  	s31 =	sadd.s32 $0x1, s31  }
0x14f: {  	[bflag:$0x0] =	sbarrier.arrive $0xFFFF;
	p0 =	sne.s32 s31, s16  }
.Ltmp3:
0x150: {  	s0 =	rddreg [dreg:$0x7];
	(pc) =	sbr.rel @p0 .LBB2_1-.Ltmp3, $4  }
0x151: {  	[hbm:s0], [sflag:s11] =	dma.local [spmem:s17], $0x500  }
0x152: {  	_ =	swait.ge [sflag:s18], $0x500  }
0x153: {  	[sflag:s18] =	ssyncset.done $0x0  }
0x154: {  	[sflag:s18] =	ssyncadd.s32 $0xFFFFFB00  }
0x155: {  	_ =	sfence.sel $0x180000  }
0x156: {  	[bflag:$0x0] =	sbarrier.arrive $0xFFFF  }
0x157: {  	_ =	strace $0x90000047  }
0x158: {  	s0 =	stileid.u32;
	[bflag:$0x2] =	sbarrier.arrive $0xFFFF  }
0x159: {  	p0 =	sne.s32 s0, $0x0;
	s0 =	rddreg [dreg:$0x2]  }
0x15a: {  	s0 =	sadd.s32 @!p0 $0x100000, s0  }
0x15b: {  	[sflag:s0] =	ssyncadd.tile.s32 @!p0 $0x1;
	_ =	shalt  }
.Lfunc_end2:
_tile_overlayer_lowered:
.L_overlay_start_2:
0x15c: {  	(tag) =	ssettag $0x2  }
0x15d: {  	s0 =	rddreg [dreg:$0x0];
	s2 =	stileid.u32  }
0x15e: {  	s1 =	rddreg [dreg:$0x1];
	p0 =	sne.s32 s2, $0x0  }
0x15f: {  	s3 =	rddreg [dreg:$0x2];
	[bflag:$0x3] =	sbarrier.arrive $0xFFFF;
	s2 =	simm.s32 @!p0 $0x1C03  }
0x160: {  	[timem:s3], [sflag:s2] =	dma.local @!p0 [hbm:s0], s1  }
0x161: {  	s0 =	simm.s32 @!p0 $0x3  }
0x162: {  	_ =	swait.ge @!p0 [sflag:s0], s1  }
0x163: {  	s1 =	ssub.s32 @!p0 $0x0, s1;
	[sflag:s0] =	ssyncset.done @!p0 $0x0  }
0x164: {  	[sflag:s0] =	ssyncadd.s32 @!p0 s1  }
0x165: {  	[bflag:$0x3] =	sbarrier.arrive $0xFFFF  }
0x166: {  	_ =	shalt  }

</sc_bundles>
